<compile_context>
chip_gen: v7x
topology: tpu7x:2x2x1
jax: 0.10.2.dev20260603
libtpu: 0.0.44.dev20260713+nightly
codegen_flags: <defaults>
</compile_context>

<pallas_src>
import functools

import jax
import jax.numpy as jnp
from jax import lax
from jax.experimental import pallas as pl
from jax.experimental.pallas import tpu as pltpu
from jax.experimental.pallas import tpu_sc as plsc

_BATCH = 4096
_FIELDS = 26
_DIM = 64
_NC = 2
_NS = 16
_NW = _NC * _NS
_BPW = _BATCH // _NW
_LANES = 16


def _first_order_body(idx_hbm, w_hbm, out_hbm, idx_v, vals_v, acc_v, w_sp, sem):
    sid = lax.axis_index("s")
    wid = sid * _NC + lax.axis_index("c")

    @pl.when(sid == 0)
    def _stage():
        pltpu.sync_copy(w_hbm, w_sp)

    pltpu.sync_copy(idx_hbm.at[:, pl.ds(wid * _BPW, _BPW)], idx_v)
    plsc.subcore_barrier()
    copies = [
        pltpu.async_copy(w_sp.at[idx_v.at[f]], vals_v.at[f], sem)
        for f in range(_FIELDS)
    ]
    for cp in copies:
        cp.wait()
    for c in range(_BPW // _LANES):
        sl = pl.ds(c * _LANES, _LANES)
        acc = vals_v[0, sl]
        for g in range(1, _FIELDS):
            acc = acc + vals_v[g, sl]
        acc_v[sl] = acc
    pltpu.sync_copy(acc_v, out_hbm.at[pl.ds(wid * _BPW, _BPW)])


def _first_order(sparse_inputs, w):
    idx = sparse_inputs.astype(jnp.int32).T
    w_flat = w.reshape(-1)
    mesh = plsc.VectorSubcoreMesh(core_axis_name="c", subcore_axis_name="s")
    k = functools.partial(
        pl.kernel,
        mesh=mesh,
        out_type=jax.ShapeDtypeStruct((_BATCH,), jnp.float32),
        scratch_types=[
            pltpu.VMEM((_FIELDS, _BPW), jnp.int32),
            pltpu.VMEM((_FIELDS, _BPW), jnp.float32),
            pltpu.VMEM((_BPW,), jnp.float32),
            pltpu.VMEM_SHARED((w.shape[0],), jnp.float32),
            pltpu.SemaphoreType.DMA,
        ],
    )(_first_order_body)
    return k(idx, w_flat)


_FB = 1
_NBUF = 8
_NCH = _FIELDS // _FB


def _second_order_body(e_hbm, o_ref, bufs, sems):
    def start(c):
        k = c % _NBUF
        pltpu.make_async_copy(
            e_hbm.at[pl.ds(c * _FB, _FB)], bufs.at[k], sems.at[k]
        ).start()

    for c in range(_NBUF):
        start(c)
    s = None
    t2 = None
    for c in range(_NCH):
        k = c % _NBUF
        pltpu.make_async_copy(
            e_hbm.at[pl.ds(c * _FB, _FB)], bufs.at[k], sems.at[k]
        ).wait()
        x = bufs[k]
        xs = x[0]
        xq = x[0] * x[0]
        for j in range(1, _FB):
            xs = xs + x[j]
            xq = xq + x[j] * x[j]
        t2p = jnp.sum(xq, axis=0)
        s = xs if s is None else s + xs
        t2 = t2p if t2 is None else t2 + t2p
        if c + _NBUF < _NCH:
            start(c + _NBUF)
    o_ref[...] = 0.5 * (jnp.sum(s * s, axis=0) - t2)


def _second_order(embed_inputs):
    x = embed_inputs.transpose(1, 2, 0)
    return pl.pallas_call(
        _second_order_body,
        in_specs=[pl.BlockSpec(memory_space=pl.ANY)],
        out_specs=pl.BlockSpec(memory_space=pltpu.VMEM),
        out_shape=jax.ShapeDtypeStruct((_BATCH,), jnp.float32),
        scratch_shapes=[
            pltpu.VMEM((_NBUF, _FB, _DIM, _BATCH), jnp.float32),
            pltpu.SemaphoreType.DMA((_NBUF,)),
        ],
    )(x)


def kernel(sparse_inputs, embed_inputs, w):
    first = _first_order(sparse_inputs, w)
    second = _second_order(embed_inputs)
    return (first + second).reshape(_BATCH, 1)

# --- scband reference (transcript-rebuilt; emitter-appended) ---
"""Pipeline reference for scband-fm-62912680951939 (READ-ONLY COPY).

The authoritative reference and input builder live on the scoring server;
editing this copy changes nothing except your own understanding.
"""

import jax, jax.numpy as jnp
import numpy as np

FEATURE_LENGTH = 100000
BATCH = 4096
FIELDS = 26
EMBED_DIM = 64


def setup_inputs(seed: int = 0) -> dict:
    key = jax.random.key(seed)
    k1, k2, k3 = jax.random.split(key, 3)
    sparse_inputs = jax.random.randint(k1, (BATCH, FIELDS), 0, FEATURE_LENGTH, dtype=jnp.int64) if jax.config.jax_enable_x64 else jax.random.randint(k1, (BATCH, FIELDS), 0, FEATURE_LENGTH, dtype=jnp.int32)
    embed_inputs = jax.random.normal(k2, (BATCH, FIELDS, EMBED_DIM), dtype=jnp.float32)
    # learned parameter: first-order weight table w of shape (feature_length, 1)
    w = jax.random.normal(k3, (FEATURE_LENGTH, 1), dtype=jnp.float32) * 0.05
    return {"sparse_inputs": sparse_inputs, "embed_inputs": embed_inputs, "w": w}


def reference(sparse_inputs, embed_inputs, w):
    # first order: embedding lookup into w then sum over fields
    # tf.nn.embedding_lookup(w, sparse_inputs) -> (B, F, 1)
    gathered = jnp.take(w, sparse_inputs, axis=0)          # (B, F, 1)
    first_order = jnp.sum(gathered, axis=1)                 # (B, 1)
    # second order (FM pairwise interaction trick)
    square_sum = jnp.square(jnp.sum(embed_inputs, axis=1, keepdims=True))   # (B, 1, D)
    sum_square = jnp.sum(jnp.square(embed_inputs), axis=1, keepdims=True)   # (B, 1, D)
    second_order = 0.5 * jnp.sum(square_sum - sum_square, axis=2)           # (B, 1)
    return first_order + second_order

if __name__ == "__main__":
    import jax
    _d = setup_inputs()
    print(jax.jit(kernel)(*tuple(_d.values())))

</pallas_src>

<mosaic_0001>
#map = affine_map<(d0, d1) -> (0, 0)>
#map1 = affine_map<(d0, d1) -> (0)>
module attributes {stable_mosaic.version = 14 : i64} {
  func.func @_first_order_body(%arg0: i32, %arg1: i32, %arg2: memref<26x4096xi32, #tpu.memory_space<hbm>>, %arg3: memref<100000xf32, #tpu.memory_space<hbm>>, %arg4: memref<4096xf32, #tpu.memory_space<hbm>>, %arg5: memref<26x128xi32, #tpu.memory_space<vmem>>, %arg6: memref<26x128xf32, #tpu.memory_space<vmem>>, %arg7: memref<128xf32, #tpu.memory_space<vmem>>, %arg8: memref<100000xf32, #tpu.memory_space<vmem_shared>>, %arg9: memref<!tpu.dma_semaphore, #tpu.memory_space<semaphore_mem>>) attributes {dimension_semantics = [#tpu.dimension_semantics<core_parallel>, #tpu.dimension_semantics<subcore_parallel>], iteration_bounds = array<i64: 2, 16>, scalar_prefetch = 0 : i64, scratch_operands = 5 : i64, tpu.core_type = #tpu.core_type<sc_vector_subcore>, window_params = [{transform_indices = #map}, {transform_indices = #map1}, {transform_indices = #map1}]} {
    %mul3A = arith.constant 2 : i32
    %mul3A_0 = arith.muli %arg1, %mul3A : i32
    %add3A = arith.addi %mul3A_0, %arg0 : i32
    %eq3A = arith.constant 0 : i32
    %eq3A_1 = arith.cmpi eq, %arg1, %eq3A : i32
    %convert_element_type3A = arith.extui %eq3A_1 : i1 to i32
    %cond3A = arith.constant 0 : i32
    %cond3A_2 = arith.cmpi ne, %convert_element_type3A, %cond3A : i32
    scf.if %cond3A_2 {
      "tpu.region"() ({
        %run_scoped3A = tpu.sem_alloc : memref<!tpu.dma_semaphore, #tpu.memory_space<semaphore_mem>>
        tpu.enqueue_dma source(%arg3 : memref<100000xf32, #tpu.memory_space<hbm>>) target(%arg8 : memref<100000xf32, #tpu.memory_space<vmem_shared>>) target_semaphore(%run_scoped3A : memref<!tpu.dma_semaphore, #tpu.memory_space<semaphore_mem>>)
        tpu.wait_dma2 semaphore(%run_scoped3A : memref<!tpu.dma_semaphore, #tpu.memory_space<semaphore_mem>>) src(%arg3 : memref<100000xf32, #tpu.memory_space<hbm>>) dst(%arg8 : memref<100000xf32, #tpu.memory_space<vmem_shared>>)
        tpu.yield
      }) : () -> ()
    } else {
    }
    %mul3A_3 = arith.constant 128 : i32
    %mul3A_4 = arith.muli %add3A, %mul3A_3 : i32
    "tpu.region"() ({
      %run_scoped3A = tpu.sem_alloc : memref<!tpu.dma_semaphore, #tpu.memory_space<semaphore_mem>>
      %dma_start3A_1795 = arith.constant 0 : i32
      %dma_start3A_1796 = tpu.memref_slice %arg2[%dma_start3A_1795, %mul3A_4] : memref<26x4096xi32, #tpu.memory_space<hbm>> -> memref<26x128xi32, #tpu.memory_space<hbm>>
      %dma_start3A_1797 = arith.constant 0 : i32
      %dma_start3A_1798 = tpu.memref_slice %arg2[%dma_start3A_1797, %mul3A_4] : memref<26x4096xi32, #tpu.memory_space<hbm>> -> memref<26x128xi32, #tpu.memory_space<hbm>>
      tpu.enqueue_dma source(%dma_start3A_1798 : memref<26x128xi32, #tpu.memory_space<hbm>>) target(%arg5 : memref<26x128xi32, #tpu.memory_space<vmem>>) target_semaphore(%run_scoped3A : memref<!tpu.dma_semaphore, #tpu.memory_space<semaphore_mem>>)
      %dma_wait3A_1799 = arith.constant 0 : i32
      %dma_wait3A_1800 = tpu.memref_slice %arg2[%dma_wait3A_1799, %mul3A_4] : memref<26x4096xi32, #tpu.memory_space<hbm>> -> memref<26x128xi32, #tpu.memory_space<hbm>>
      %dma_wait3A_1801 = arith.constant 0 : i32
      %dma_wait3A_1802 = tpu.memref_slice %arg2[%dma_wait3A_1801, %mul3A_4] : memref<26x4096xi32, #tpu.memory_space<hbm>> -> memref<26x128xi32, #tpu.memory_space<hbm>>
      tpu.wait_dma2 semaphore(%run_scoped3A : memref<!tpu.dma_semaphore, #tpu.memory_space<semaphore_mem>>) src(%dma_wait3A_1802 : memref<26x128xi32, #tpu.memory_space<hbm>>) dst(%arg5 : memref<26x128xi32, #tpu.memory_space<vmem>>)
      tpu.yield
    }) : () -> ()
    %barrier3A = arith.constant 0 : index
    tpu.barrier barrier_id(%barrier3A)
    %dma_start3A = arith.constant 0 : i32
    %dma_start3A_5 = arith.constant 0 : i32
    %dma_start3A_6 = arith.constant 0 : i32
    %dma_start3A_7 = tpu.memref_slice %arg6[%dma_start3A_5, %dma_start3A_6] : memref<26x128xf32, #tpu.memory_space<vmem>> -> memref<1x128xf32, #tpu.memory_space<vmem>>
    %dma_start3A_8 = tpu.memref_squeeze %dma_start3A_7 : memref<1x128xf32, #tpu.memory_space<vmem>> -> memref<128xf32, #tpu.memory_space<vmem>>
    %dma_start3A_9 = arith.constant 0 : i32
    %dma_start3A_10 = tpu.memref_slice %arg5[%dma_start3A, %dma_start3A_9] : memref<26x128xi32, #tpu.memory_space<vmem>> -> memref<1x128xi32, #tpu.memory_space<vmem>>
    %dma_start3A_11 = tpu.memref_squeeze %dma_start3A_10 : memref<1x128xi32, #tpu.memory_space<vmem>> -> memref<128xi32, #tpu.memory_space<vmem>>
    %dma_start3A_12 = arith.constant 0 : i32
    %dma_start3A_13 = tpu.memref_slice %arg8[%dma_start3A_12] : memref<100000xf32, #tpu.memory_space<vmem_shared>> -> memref<100000xf32, #tpu.memory_space<vmem_shared>>
    tpu.enqueue_indirect_dma source(%dma_start3A_13 : memref<100000xf32, #tpu.memory_space<vmem_shared>>) target(%dma_start3A_8 : memref<128xf32, #tpu.memory_space<vmem>>) offsets(%dma_start3A_11 : memref<128xi32, #tpu.memory_space<vmem>>) semaphore(%arg9 : memref<!tpu.dma_semaphore, #tpu.memory_space<semaphore_mem>>)
    %dma_start3A_14 = arith.constant 1 : i32
    %dma_start3A_15 = arith.constant 1 : i32
    %dma_start3A_16 = arith.constant 0 : i32
    %dma_start3A_17 = tpu.memref_slice %arg6[%dma_start3A_15, %dma_start3A_16] : memref<26x128xf32, #tpu.memory_space<vmem>> -> memref<1x128xf32, #tpu.memory_space<vmem>>
    %dma_start3A_18 = tpu.memref_squeeze %dma_start3A_17 : memref<1x128xf32, #tpu.memory_space<vmem>> -> memref<128xf32, #tpu.memory_space<vmem>>
    %dma_start3A_19 = arith.constant 0 : i32
    %dma_start3A_20 = tpu.memref_slice %arg5[%dma_start3A_14, %dma_start3A_19] : memref<26x128xi32, #tpu.memory_space<vmem>> -> memref<1x128xi32, #tpu.memory_space<vmem>>
    %dma_start3A_21 = tpu.memref_squeeze %dma_start3A_20 : memref<1x128xi32, #tpu.memory_space<vmem>> -> memref<128xi32, #tpu.memory_space<vmem>>
    %dma_start3A_22 = arith.constant 0 : i32
    %dma_start3A_23 = tpu.memref_slice %arg8[%dma_start3A_22] : memref<100000xf32, #tpu.memory_space<vmem_shared>> -> memref<100000xf32, #tpu.memory_space<vmem_shared>>
    tpu.enqueue_indirect_dma source(%dma_start3A_23 : memref<100000xf32, #tpu.memory_space<vmem_shared>>) target(%dma_start3A_18 : memref<128xf32, #tpu.memory_space<vmem>>) offsets(%dma_start3A_21 : memref<128xi32, #tpu.memory_space<vmem>>) semaphore(%arg9 : memref<!tpu.dma_semaphore, #tpu.memory_space<semaphore_mem>>)
    %dma_start3A_24 = arith.constant 2 : i32
    %dma_start3A_25 = arith.constant 2 : i32
    %dma_start3A_26 = arith.constant 0 : i32
    %dma_start3A_27 = tpu.memref_slice %arg6[%dma_start3A_25, %dma_start3A_26] : memref<26x128xf32, #tpu.memory_space<vmem>> -> memref<1x128xf32, #tpu.memory_space<vmem>>
    %dma_start3A_28 = tpu.memref_squeeze %dma_start3A_27 : memref<1x128xf32, #tpu.memory_space<vmem>> -> memref<128xf32, #tpu.memory_space<vmem>>
    %dma_start3A_29 = arith.constant 0 : i32
    %dma_start3A_30 = tpu.memref_slice %arg5[%dma_start3A_24, %dma_start3A_29] : memref<26x128xi32, #tpu.memory_space<vmem>> -> memref<1x128xi32, #tpu.memory_space<vmem>>
    %dma_start3A_31 = tpu.memref_squeeze %dma_start3A_30 : memref<1x128xi32, #tpu.memory_space<vmem>> -> memref<128xi32, #tpu.memory_space<vmem>>
    %dma_start3A_32 = arith.constant 0 : i32
    %dma_start3A_33 = tpu.memref_slice %arg8[%dma_start3A_32] : memref<100000xf32, #tpu.memory_space<vmem_shared>> -> memref<100000xf32, #tpu.memory_space<vmem_shared>>
    tpu.enqueue_indirect_dma source(%dma_start3A_33 : memref<100000xf32, #tpu.memory_space<vmem_shared>>) target(%dma_start3A_28 : memref<128xf32, #tpu.memory_space<vmem>>) offsets(%dma_start3A_31 : memref<128xi32, #tpu.memory_space<vmem>>) semaphore(%arg9 : memref<!tpu.dma_semaphore, #tpu.memory_space<semaphore_mem>>)
    %dma_start3A_34 = arith.constant 3 : i32
    %dma_start3A_35 = arith.constant 3 : i32
    %dma_start3A_36 = arith.constant 0 : i32
    %dma_start3A_37 = tpu.memref_slice %arg6[%dma_start3A_35, %dma_start3A_36] : memref<26x128xf32, #tpu.memory_space<vmem>> -> memref<1x128xf32, #tpu.memory_space<vmem>>
    %dma_start3A_38 = tpu.memref_squeeze %dma_start3A_37 : memref<1x128xf32, #tpu.memory_space<vmem>> -> memref<128xf32, #tpu.memory_space<vmem>>
    %dma_start3A_39 = arith.constant 0 : i32
    %dma_start3A_40 = tpu.memref_slice %arg5[%dma_start3A_34, %dma_start3A_39] : memref<26x128xi32, #tpu.memory_space<vmem>> -> memref<1x128xi32, #tpu.memory_space<vmem>>
    %dma_start3A_41 = tpu.memref_squeeze %dma_start3A_40 : memref<1x128xi32, #tpu.memory_space<vmem>> -> memref<128xi32, #tpu.memory_space<vmem>>
    %dma_start3A_42 = arith.constant 0 : i32
    %dma_start3A_43 = tpu.memref_slice %arg8[%dma_start3A_42] : memref<100000xf32, #tpu.memory_space<vmem_shared>> -> memref<100000xf32, #tpu.memory_space<vmem_shared>>
    tpu.enqueue_indirect_dma source(%dma_start3A_43 : memref<100000xf32, #tpu.memory_space<vmem_shared>>) target(%dma_start3A_38 : memref<128xf32, #tpu.memory_space<vmem>>) offsets(%dma_start3A_41 : memref<128xi32, #tpu.memory_space<vmem>>) semaphore(%arg9 : memref<!tpu.dma_semaphore, #tpu.memory_space<semaphore_mem>>)
    %dma_start3A_44 = arith.constant 4 : i32
    %dma_start3A_45 = arith.constant 4 : i32
    %dma_start3A_46 = arith.constant 0 : i32
    %dma_start3A_47 = tpu.memref_slice %arg6[%dma_start3A_45, %dma_start3A_46] : memref<26x128xf32, #tpu.memory_space<vmem>> -> memref<1x128xf32, #tpu.memory_space<vmem>>
    %dma_start3A_48 = tpu.memref_squeeze %dma_start3A_47 : memref<1x128xf32, #tpu.memory_space<vmem>> -> memref<128xf32, #tpu.memory_space<vmem>>
    %dma_start3A_49 = arith.constant 0 : i32
    %dma_start3A_50 = tpu.memref_slice %arg5[%dma_start3A_44, %dma_start3A_49] : memref<26x128xi32, #tpu.memory_space<vmem>> -> memref<1x128xi32, #tpu.memory_space<vmem>>
    %dma_start3A_51 = tpu.memref_squeeze %dma_start3A_50 : memref<1x128xi32, #tpu.memory_space<vmem>> -> memref<128xi32, #tpu.memory_space<vmem>>
    %dma_start3A_52 = arith.constant 0 : i32
    %dma_start3A_53 = tpu.memref_slice %arg8[%dma_start3A_52] : memref<100000xf32, #tpu.memory_space<vmem_shared>> -> memref<100000xf32, #tpu.memory_space<vmem_shared>>
    tpu.enqueue_indirect_dma source(%dma_start3A_53 : memref<100000xf32, #tpu.memory_space<vmem_shared>>) target(%dma_start3A_48 : memref<128xf32, #tpu.memory_space<vmem>>) offsets(%dma_start3A_51 : memref<128xi32, #tpu.memory_space<vmem>>) semaphore(%arg9 : memref<!tpu.dma_semaphore, #tpu.memory_space<semaphore_mem>>)
    %dma_start3A_54 = arith.constant 5 : i32
    %dma_start3A_55 = arith.constant 5 : i32
    %dma_start3A_56 = arith.constant 0 : i32
    %dma_start3A_57 = tpu.memref_slice %arg6[%dma_start3A_55, %dma_start3A_56] : memref<26x128xf32, #tpu.memory_space<vmem>> -> memref<1x128xf32, #tpu.memory_space<vmem>>
    %dma_start3A_58 = tpu.memref_squeeze %dma_start3A_57 : memref<1x128xf32, #tpu.memory_space<vmem>> -> memref<128xf32, #tpu.memory_space<vmem>>
    %dma_start3A_59 = arith.constant 0 : i32
    %dma_start3A_60 = tpu.memref_slice %arg5[%dma_start3A_54, %dma_start3A_59] : memref<26x128xi32, #tpu.memory_space<vmem>> -> memref<1x128xi32, #tpu.memory_space<vmem>>
    %dma_start3A_61 = tpu.memref_squeeze %dma_start3A_60 : memref<1x128xi32, #tpu.memory_space<vmem>> -> memref<128xi32, #tpu.memory_space<vmem>>
    %dma_start3A_62 = arith.constant 0 : i32
    %dma_start3A_63 = tpu.memref_slice %arg8[%dma_start3A_62] : memref<100000xf32, #tpu.memory_space<vmem_shared>> -> memref<100000xf32, #tpu.memory_space<vmem_shared>>
    tpu.enqueue_indirect_dma source(%dma_start3A_63 : memref<100000xf32, #tpu.memory_space<vmem_shared>>) target(%dma_start3A_58 : memref<128xf32, #tpu.memory_space<vmem>>) offsets(%dma_start3A_61 : memref<128xi32, #tpu.memory_space<vmem>>) semaphore(%arg9 : memref<!tpu.dma_semaphore, #tpu.memory_space<semaphore_mem>>)
    %dma_start3A_64 = arith.constant 6 : i32
    %dma_start3A_65 = arith.constant 6 : i32
    %dma_start3A_66 = arith.constant 0 : i32
    %dma_start3A_67 = tpu.memref_slice %arg6[%dma_start3A_65, %dma_start3A_66] : memref<26x128xf32, #tpu.memory_space<vmem>> -> memref<1x128xf32, #tpu.memory_space<vmem>>
    %dma_start3A_68 = tpu.memref_squeeze %dma_start3A_67 : memref<1x128xf32, #tpu.memory_space<vmem>> -> memref<128xf32, #tpu.memory_space<vmem>>
    %dma_start3A_69 = arith.constant 0 : i32
    %dma_start3A_70 = tpu.memref_slice %arg5[%dma_start3A_64, %dma_start3A_69] : memref<26x128xi32, #tpu.memory_space<vmem>> -> memref<1x128xi32, #tpu.memory_space<vmem>>
    %dma_start3A_71 = tpu.memref_squeeze %dma_start3A_70 : memref<1x128xi32, #tpu.memory_space<vmem>> -> memref<128xi32, #tpu.memory_space<vmem>>
    %dma_start3A_72 = arith.constant 0 : i32
    %dma_start3A_73 = tpu.memref_slice %arg8[%dma_start3A_72] : memref<100000xf32, #tpu.memory_space<vmem_shared>> -> memref<100000xf32, #tpu.memory_space<vmem_shared>>
    tpu.enqueue_indirect_dma source(%dma_start3A_73 : memref<100000xf32, #tpu.memory_space<vmem_shared>>) target(%dma_start3A_68 : memref<128xf32, #tpu.memory_space<vmem>>) offsets(%dma_start3A_71 : memref<128xi32, #tpu.memory_space<vmem>>) semaphore(%arg9 : memref<!tpu.dma_semaphore, #tpu.memory_space<semaphore_mem>>)
    %dma_start3A_74 = arith.constant 7 : i32
    %dma_start3A_75 = arith.constant 7 : i32
    %dma_start3A_76 = arith.constant 0 : i32
    %dma_start3A_77 = tpu.memref_slice %arg6[%dma_start3A_75, %dma_start3A_76] : memref<26x128xf32, #tpu.memory_space<vmem>> -> memref<1x128xf32, #tpu.memory_space<vmem>>
    %dma_start3A_78 = tpu.memref_squeeze %dma_start3A_77 : memref<1x128xf32, #tpu.memory_space<vmem>> -> memref<128xf32, #tpu.memory_space<vmem>>
    %dma_start3A_79 = arith.constant 0 : i32
    %dma_start3A_80 = tpu.memref_slice %arg5[%dma_start3A_74, %dma_start3A_79] : memref<26x128xi32, #tpu.memory_space<vmem>> -> memref<1x128xi32, #tpu.memory_space<vmem>>
    %dma_start3A_81 = tpu.memref_squeeze %dma_start3A_80 : memref<1x128xi32, #tpu.memory_space<vmem>> -> memref<128xi32, #tpu.memory_space<vmem>>
    %dma_start3A_82 = arith.constant 0 : i32
    %dma_start3A_83 = tpu.memref_slice %arg8[%dma_start3A_82] : memref<100000xf32, #tpu.memory_space<vmem_shared>> -> memref<100000xf32, #tpu.memory_space<vmem_shared>>
    tpu.enqueue_indirect_dma source(%dma_start3A_83 : memref<100000xf32, #tpu.memory_space<vmem_shared>>) target(%dma_start3A_78 : memref<128xf32, #tpu.memory_space<vmem>>) offsets(%dma_start3A_81 : memref<128xi32, #tpu.memory_space<vmem>>) semaphore(%arg9 : memref<!tpu.dma_semaphore, #tpu.memory_space<semaphore_mem>>)
    %dma_start3A_84 = arith.constant 8 : i32
    %dma_start3A_85 = arith.constant 8 : i32
    %dma_start3A_86 = arith.constant 0 : i32
    %dma_start3A_87 = tpu.memref_slice %arg6[%dma_start3A_85, %dma_start3A_86] : memref<26x128xf32, #tpu.memory_space<vmem>> -> memref<1x128xf32, #tpu.memory_space<vmem>>
    %dma_start3A_88 = tpu.memref_squeeze %dma_start3A_87 : memref<1x128xf32, #tpu.memory_space<vmem>> -> memref<128xf32, #tpu.memory_space<vmem>>
    %dma_start3A_89 = arith.constant 0 : i32
    %dma_start3A_90 = tpu.memref_slice %arg5[%dma_start3A_84, %dma_start3A_89] : memref<26x128xi32, #tpu.memory_space<vmem>> -> memref<1x128xi32, #tpu.memory_space<vmem>>
    %dma_start3A_91 = tpu.memref_squeeze %dma_start3A_90 : memref<1x128xi32, #tpu.memory_space<vmem>> -> memref<128xi32, #tpu.memory_space<vmem>>
    %dma_start3A_92 = arith.constant 0 : i32
    %dma_start3A_93 = tpu.memref_slice %arg8[%dma_start3A_92] : memref<100000xf32, #tpu.memory_space<vmem_shared>> -> memref<100000xf32, #tpu.memory_space<vmem_shared>>
    tpu.enqueue_indirect_dma source(%dma_start3A_93 : memref<100000xf32, #tpu.memory_space<vmem_shared>>) target(%dma_start3A_88 : memref<128xf32, #tpu.memory_space<vmem>>) offsets(%dma_start3A_91 : memref<128xi32, #tpu.memory_space<vmem>>) semaphore(%arg9 : memref<!tpu.dma_semaphore, #tpu.memory_space<semaphore_mem>>)
    %dma_start3A_94 = arith.constant 9 : i32
    %dma_start3A_95 = arith.constant 9 : i32
    %dma_start3A_96 = arith.constant 0 : i32
    %dma_start3A_97 = tpu.memref_slice %arg6[%dma_start3A_95, %dma_start3A_96] : memref<26x128xf32, #tpu.memory_space<vmem>> -> memref<1x128xf32, #tpu.memory_space<vmem>>
    %dma_start3A_98 = tpu.memref_squeeze %dma_start3A_97 : memref<1x128xf32, #tpu.memory_space<vmem>> -> memref<128xf32, #tpu.memory_space<vmem>>
    %dma_start3A_99 = arith.constant 0 : i32
    %dma_start3A_100 = tpu.memref_slice %arg5[%dma_start3A_94, %dma_start3A_99] : memref<26x128xi32, #tpu.memory_space<vmem>> -> memref<1x128xi32, #tpu.memory_space<vmem>>
    %dma_start3A_101 = tpu.memref_squeeze %dma_start3A_100 : memref<1x128xi32, #tpu.memory_space<vmem>> -> memref<128xi32, #tpu.memory_space<vmem>>
    %dma_start3A_102 = arith.constant 0 : i32
    %dma_start3A_103 = tpu.memref_slice %arg8[%dma_start3A_102] : memref<100000xf32, #tpu.memory_space<vmem_shared>> -> memref<100000xf32, #tpu.memory_space<vmem_shared>>
    tpu.enqueue_indirect_dma source(%dma_start3A_103 : memref<100000xf32, #tpu.memory_space<vmem_shared>>) target(%dma_start3A_98 : memref<128xf32, #tpu.memory_space<vmem>>) offsets(%dma_start3A_101 : memref<128xi32, #tpu.memory_space<vmem>>) semaphore(%arg9 : memref<!tpu.dma_semaphore, #tpu.memory_space<semaphore_mem>>)
    %dma_start3A_104 = arith.constant 10 : i32
    %dma_start3A_105 = arith.constant 10 : i32
    %dma_start3A_106 = arith.constant 0 : i32
    %dma_start3A_107 = tpu.memref_slice %arg6[%dma_start3A_105, %dma_start3A_106] : memref<26x128xf32, #tpu.memory_space<vmem>> -> memref<1x128xf32, #tpu.memory_space<vmem>>
    %dma_start3A_108 = tpu.memref_squeeze %dma_start3A_107 : memref<1x128xf32, #tpu.memory_space<vmem>> -> memref<128xf32, #tpu.memory_space<vmem>>
    %dma_start3A_109 = arith.constant 0 : i32
    %dma_start3A_110 = tpu.memref_slice %arg5[%dma_start3A_104, %dma_start3A_109] : memref<26x128xi32, #tpu.memory_space<vmem>> -> memref<1x128xi32, #tpu.memory_space<vmem>>
    %dma_start3A_111 = tpu.memref_squeeze %dma_start3A_110 : memref<1x128xi32, #tpu.memory_space<vmem>> -> memref<128xi32, #tpu.memory_space<vmem>>
    %dma_start3A_112 = arith.constant 0 : i32
    %dma_start3A_113 = tpu.memref_slice %arg8[%dma_start3A_112] : memref<100000xf32, #tpu.memory_space<vmem_shared>> -> memref<100000xf32, #tpu.memory_space<vmem_shared>>
    tpu.enqueue_indirect_dma source(%dma_start3A_113 : memref<100000xf32, #tpu.memory_space<vmem_shared>>) target(%dma_start3A_108 : memref<128xf32, #tpu.memory_space<vmem>>) offsets(%dma_start3A_111 : memref<128xi32, #tpu.memory_space<vmem>>) semaphore(%arg9 : memref<!tpu.dma_semaphore, #tpu.memory_space<semaphore_mem>>)
    %dma_start3A_114 = arith.constant 11 : i32
    %dma_start3A_115 = arith.constant 11 : i32
    %dma_start3A_116 = arith.constant 0 : i32
    %dma_start3A_117 = tpu.memref_slice %arg6[%dma_start3A_115, %dma_start3A_116] : memref<26x128xf32, #tpu.memory_space<vmem>> -> memref<1x128xf32, #tpu.memory_space<vmem>>
    %dma_start3A_118 = tpu.memref_squeeze %dma_start3A_117 : memref<1x128xf32, #tpu.memory_space<vmem>> -> memref<128xf32, #tpu.memory_space<vmem>>
    %dma_start3A_119 = arith.constant 0 : i32
    %dma_start3A_120 = tpu.memref_slice %arg5[%dma_start3A_114, %dma_start3A_119] : memref<26x128xi32, #tpu.memory_space<vmem>> -> memref<1x128xi32, #tpu.memory_space<vmem>>
    %dma_start3A_121 = tpu.memref_squeeze %dma_start3A_120 : memref<1x128xi32, #tpu.memory_space<vmem>> -> memref<128xi32, #tpu.memory_space<vmem>>
    %dma_start3A_122 = arith.constant 0 : i32
    %dma_start3A_123 = tpu.memref_slice %arg8[%dma_start3A_122] : memref<100000xf32, #tpu.memory_space<vmem_shared>> -> memref<100000xf32, #tpu.memory_space<vmem_shared>>
    tpu.enqueue_indirect_dma source(%dma_start3A_123 : memref<100000xf32, #tpu.memory_space<vmem_shared>>) target(%dma_start3A_118 : memref<128xf32, #tpu.memory_space<vmem>>) offsets(%dma_start3A_121 : memref<128xi32, #tpu.memory_space<vmem>>) semaphore(%arg9 : memref<!tpu.dma_semaphore, #tpu.memory_space<semaphore_mem>>)
    %dma_start3A_124 = arith.constant 12 : i32
    %dma_start3A_125 = arith.constant 12 : i32
    %dma_start3A_126 = arith.constant 0 : i32
    %dma_start3A_127 = tpu.memref_slice %arg6[%dma_start3A_125, %dma_start3A_126] : memref<26x128xf32, #tpu.memory_space<vmem>> -> memref<1x128xf32, #tpu.memory_space<vmem>>
    %dma_start3A_128 = tpu.memref_squeeze %dma_start3A_127 : memref<1x128xf32, #tpu.memory_space<vmem>> -> memref<128xf32, #tpu.memory_space<vmem>>
    %dma_start3A_129 = arith.constant 0 : i32
    %dma_start3A_130 = tpu.memref_slice %arg5[%dma_start3A_124, %dma_start3A_129] : memref<26x128xi32, #tpu.memory_space<vmem>> -> memref<1x128xi32, #tpu.memory_space<vmem>>
    %dma_start3A_131 = tpu.memref_squeeze %dma_start3A_130 : memref<1x128xi32, #tpu.memory_space<vmem>> -> memref<128xi32, #tpu.memory_space<vmem>>
    %dma_start3A_132 = arith.constant 0 : i32
    %dma_start3A_133 = tpu.memref_slice %arg8[%dma_start3A_132] : memref<100000xf32, #tpu.memory_space<vmem_shared>> -> memref<100000xf32, #tpu.memory_space<vmem_shared>>
    tpu.enqueue_indirect_dma source(%dma_start3A_133 : memref<100000xf32, #tpu.memory_space<vmem_shared>>) target(%dma_start3A_128 : memref<128xf32, #tpu.memory_space<vmem>>) offsets(%dma_start3A_131 : memref<128xi32, #tpu.memory_space<vmem>>) semaphore(%arg9 : memref<!tpu.dma_semaphore, #tpu.memory_space<semaphore_mem>>)
    %dma_start3A_134 = arith.constant 13 : i32
    %dma_start3A_135 = arith.constant 13 : i32
    %dma_start3A_136 = arith.constant 0 : i32
    %dma_start3A_137 = tpu.memref_slice %arg6[%dma_start3A_135, %dma_start3A_136] : memref<26x128xf32, #tpu.memory_space<vmem>> -> memref<1x128xf32, #tpu.memory_space<vmem>>
    %dma_start3A_138 = tpu.memref_squeeze %dma_start3A_137 : memref<1x128xf32, #tpu.memory_space<vmem>> -> memref<128xf32, #tpu.memory_space<vmem>>
    %dma_start3A_139 = arith.constant 0 : i32
    %dma_start3A_140 = tpu.memref_slice %arg5[%dma_start3A_134, %dma_start3A_139] : memref<26x128xi32, #tpu.memory_space<vmem>> -> memref<1x128xi32, #tpu.memory_space<vmem>>
    %dma_start3A_141 = tpu.memref_squeeze %dma_start3A_140 : memref<1x128xi32, #tpu.memory_space<vmem>> -> memref<128xi32, #tpu.memory_space<vmem>>
    %dma_start3A_142 = arith.constant 0 : i32
    %dma_start3A_143 = tpu.memref_slice %arg8[%dma_start3A_142] : memref<100000xf32, #tpu.memory_space<vmem_shared>> -> memref<100000xf32, #tpu.memory_space<vmem_shared>>
    tpu.enqueue_indirect_dma source(%dma_start3A_143 : memref<100000xf32, #tpu.memory_space<vmem_shared>>) target(%dma_start3A_138 : memref<128xf32, #tpu.memory_space<vmem>>) offsets(%dma_start3A_141 : memref<128xi32, #tpu.memory_space<vmem>>) semaphore(%arg9 : memref<!tpu.dma_semaphore, #tpu.memory_space<semaphore_mem>>)
    %dma_start3A_144 = arith.constant 14 : i32
    %dma_start3A_145 = arith.constant 14 : i32
    %dma_start3A_146 = arith.constant 0 : i32
    %dma_start3A_147 = tpu.memref_slice %arg6[%dma_start3A_145, %dma_start3A_146] : memref<26x128xf32, #tpu.memory_space<vmem>> -> memref<1x128xf32, #tpu.memory_space<vmem>>
    %dma_start3A_148 = tpu.memref_squeeze %dma_start3A_147 : memref<1x128xf32, #tpu.memory_space<vmem>> -> memref<128xf32, #tpu.memory_space<vmem>>
    %dma_start3A_149 = arith.constant 0 : i32
    %dma_start3A_150 = tpu.memref_slice %arg5[%dma_start3A_144, %dma_start3A_149] : memref<26x128xi32, #tpu.memory_space<vmem>> -> memref<1x128xi32, #tpu.memory_space<vmem>>
    %dma_start3A_151 = tpu.memref_squeeze %dma_start3A_150 : memref<1x128xi32, #tpu.memory_space<vmem>> -> memref<128xi32, #tpu.memory_space<vmem>>
    %dma_start3A_152 = arith.constant 0 : i32
    %dma_start3A_153 = tpu.memref_slice %arg8[%dma_start3A_152] : memref<100000xf32, #tpu.memory_space<vmem_shared>> -> memref<100000xf32, #tpu.memory_space<vmem_shared>>
    tpu.enqueue_indirect_dma source(%dma_start3A_153 : memref<100000xf32, #tpu.memory_space<vmem_shared>>) target(%dma_start3A_148 : memref<128xf32, #tpu.memory_space<vmem>>) offsets(%dma_start3A_151 : memref<128xi32, #tpu.memory_space<vmem>>) semaphore(%arg9 : memref<!tpu.dma_semaphore, #tpu.memory_space<semaphore_mem>>)
    %dma_start3A_154 = arith.constant 15 : i32
    %dma_start3A_155 = arith.constant 15 : i32
    %dma_start3A_156 = arith.constant 0 : i32
    %dma_start3A_157 = tpu.memref_slice %arg6[%dma_start3A_155, %dma_start3A_156] : memref<26x128xf32, #tpu.memory_space<vmem>> -> memref<1x128xf32, #tpu.memory_space<vmem>>
    %dma_start3A_158 = tpu.memref_squeeze %dma_start3A_157 : memref<1x128xf32, #tpu.memory_space<vmem>> -> memref<128xf32, #tpu.memory_space<vmem>>
    %dma_start3A_159 = arith.constant 0 : i32
    %dma_start3A_160 = tpu.memref_slice %arg5[%dma_start3A_154, %dma_start3A_159] : memref<26x128xi32, #tpu.memory_space<vmem>> -> memref<1x128xi32, #tpu.memory_space<vmem>>
    %dma_start3A_161 = tpu.memref_squeeze %dma_start3A_160 : memref<1x128xi32, #tpu.memory_space<vmem>> -> memref<128xi32, #tpu.memory_space<vmem>>
    %dma_start3A_162 = arith.constant 0 : i32
    %dma_start3A_163 = tpu.memref_slice %arg8[%dma_start3A_162] : memref<100000xf32, #tpu.memory_space<vmem_shared>> -> memref<100000xf32, #tpu.memory_space<vmem_shared>>
    tpu.enqueue_indirect_dma source(%dma_start3A_163 : memref<100000xf32, #tpu.memory_space<vmem_shared>>) target(%dma_start3A_158 : memref<128xf32, #tpu.memory_space<vmem>>) offsets(%dma_start3A_161 : memref<128xi32, #tpu.memory_space<vmem>>) semaphore(%arg9 : memref<!tpu.dma_semaphore, #tpu.memory_space<semaphore_mem>>)
    %dma_start3A_164 = arith.constant 16 : i32
    %dma_start3A_165 = arith.constant 16 : i32
    %dma_start3A_166 = arith.constant 0 : i32
    %dma_start3A_167 = tpu.memref_slice %arg6[%dma_start3A_165, %dma_start3A_166] : memref<26x128xf32, #tpu.memory_space<vmem>> -> memref<1x128xf32, #tpu.memory_space<vmem>>
    %dma_start3A_168 = tpu.memref_squeeze %dma_start3A_167 : memref<1x128xf32, #tpu.memory_space<vmem>> -> memref<128xf32, #tpu.memory_space<vmem>>
    %dma_start3A_169 = arith.constant 0 : i32
    %dma_start3A_170 = tpu.memref_slice %arg5[%dma_start3A_164, %dma_start3A_169] : memref<26x128xi32, #tpu.memory_space<vmem>> -> memref<1x128xi32, #tpu.memory_space<vmem>>
    %dma_start3A_171 = tpu.memref_squeeze %dma_start3A_170 : memref<1x128xi32, #tpu.memory_space<vmem>> -> memref<128xi32, #tpu.memory_space<vmem>>
    %dma_start3A_172 = arith.constant 0 : i32
    %dma_start3A_173 = tpu.memref_slice %arg8[%dma_start3A_172] : memref<100000xf32, #tpu.memory_space<vmem_shared>> -> memref<100000xf32, #tpu.memory_space<vmem_shared>>
    tpu.enqueue_indirect_dma source(%dma_start3A_173 : memref<100000xf32, #tpu.memory_space<vmem_shared>>) target(%dma_start3A_168 : memref<128xf32, #tpu.memory_space<vmem>>) offsets(%dma_start3A_171 : memref<128xi32, #tpu.memory_space<vmem>>) semaphore(%arg9 : memref<!tpu.dma_semaphore, #tpu.memory_space<semaphore_mem>>)
    %dma_start3A_174 = arith.constant 17 : i32
    %dma_start3A_175 = arith.constant 17 : i32
    %dma_start3A_176 = arith.constant 0 : i32
    %dma_start3A_177 = tpu.memref_slice %arg6[%dma_start3A_175, %dma_start3A_176] : memref<26x128xf32, #tpu.memory_space<vmem>> -> memref<1x128xf32, #tpu.memory_space<vmem>>
    %dma_start3A_178 = tpu.memref_squeeze %dma_start3A_177 : memref<1x128xf32, #tpu.memory_space<vmem>> -> memref<128xf32, #tpu.memory_space<vmem>>
    %dma_start3A_179 = arith.constant 0 : i32
    %dma_start3A_180 = tpu.memref_slice %arg5[%dma_start3A_174, %dma_start3A_179] : memref<26x128xi32, #tpu.memory_space<vmem>> -> memref<1x128xi32, #tpu.memory_space<vmem>>
    %dma_start3A_181 = tpu.memref_squeeze %dma_start3A_180 : memref<1x128xi32, #tpu.memory_space<vmem>> -> memref<128xi32, #tpu.memory_space<vmem>>
    %dma_start3A_182 = arith.constant 0 : i32
    %dma_start3A_183 = tpu.memref_slice %arg8[%dma_start3A_182] : memref<100000xf32, #tpu.memory_space<vmem_shared>> -> memref<100000xf32, #tpu.memory_space<vmem_shared>>
    tpu.enqueue_indirect_dma source(%dma_start3A_183 : memref<100000xf32, #tpu.memory_space<vmem_shared>>) target(%dma_start3A_178 : memref<128xf32, #tpu.memory_space<vmem>>) offsets(%dma_start3A_181 : memref<128xi32, #tpu.memory_space<vmem>>) semaphore(%arg9 : memref<!tpu.dma_semaphore, #tpu.memory_space<semaphore_mem>>)
    %dma_start3A_184 = arith.constant 18 : i32
    %dma_start3A_185 = arith.constant 18 : i32
    %dma_start3A_186 = arith.constant 0 : i32
    %dma_start3A_187 = tpu.memref_slice %arg6[%dma_start3A_185, %dma_start3A_186] : memref<26x128xf32, #tpu.memory_space<vmem>> -> memref<1x128xf32, #tpu.memory_space<vmem>>
    %dma_start3A_188 = tpu.memref_squeeze %dma_start3A_187 : memref<1x128xf32, #tpu.memory_space<vmem>> -> memref<128xf32, #tpu.memory_space<vmem>>
    %dma_start3A_189 = arith.constant 0 : i32
    %dma_start3A_190 = tpu.memref_slice %arg5[%dma_start3A_184, %dma_start3A_189] : memref<26x128xi32, #tpu.memory_space<vmem>> -> memref<1x128xi32, #tpu.memory_space<vmem>>
    %dma_start3A_191 = tpu.memref_squeeze %dma_start3A_190 : memref<1x128xi32, #tpu.memory_space<vmem>> -> memref<128xi32, #tpu.memory_space<vmem>>
    %dma_start3A_192 = arith.constant 0 : i32
    %dma_start3A_193 = tpu.memref_slice %arg8[%dma_start3A_192] : memref<100000xf32, #tpu.memory_space<vmem_shared>> -> memref<100000xf32, #tpu.memory_space<vmem_shared>>
    tpu.enqueue_indirect_dma source(%dma_start3A_193 : memref<100000xf32, #tpu.memory_space<vmem_shared>>) target(%dma_start3A_188 : memref<128xf32, #tpu.memory_space<vmem>>) offsets(%dma_start3A_191 : memref<128xi32, #tpu.memory_space<vmem>>) semaphore(%arg9 : memref<!tpu.dma_semaphore, #tpu.memory_space<semaphore_mem>>)
    %dma_start3A_194 = arith.constant 19 : i32
    %dma_start3A_195 = arith.constant 19 : i32
    %dma_start3A_196 = arith.constant 0 : i32
    %dma_start3A_197 = tpu.memref_slice %arg6[%dma_start3A_195, %dma_start3A_196] : memref<26x128xf32, #tpu.memory_space<vmem>> -> memref<1x128xf32, #tpu.memory_space<vmem>>
    %dma_start3A_198 = tpu.memref_squeeze %dma_start3A_197 : memref<1x128xf32, #tpu.memory_space<vmem>> -> memref<128xf32, #tpu.memory_space<vmem>>
    %dma_start3A_199 = arith.constant 0 : i32
    %dma_start3A_200 = tpu.memref_slice %arg5[%dma_start3A_194, %dma_start3A_199] : memref<26x128xi32, #tpu.memory_space<vmem>> -> memref<1x128xi32, #tpu.memory_space<vmem>>
    %dma_start3A_201 = tpu.memref_squeeze %dma_start3A_200 : memref<1x128xi32, #tpu.memory_space<vmem>> -> memref<128xi32, #tpu.memory_space<vmem>>
    %dma_start3A_202 = arith.constant 0 : i32
    %dma_start3A_203 = tpu.memref_slice %arg8[%dma_start3A_202] : memref<100000xf32, #tpu.memory_space<vmem_shared>> -> memref<100000xf32, #tpu.memory_space<vmem_shared>>
    tpu.enqueue_indirect_dma source(%dma_start3A_203 : memref<100000xf32, #tpu.memory_space<vmem_shared>>) target(%dma_start3A_198 : memref<128xf32, #tpu.memory_space<vmem>>) offsets(%dma_start3A_201 : memref<128xi32, #tpu.memory_space<vmem>>) semaphore(%arg9 : memref<!tpu.dma_semaphore, #tpu.memory_space<semaphore_mem>>)
    %dma_start3A_204 = arith.constant 20 : i32
    %dma_start3A_205 = arith.constant 20 : i32
    %dma_start3A_206 = arith.constant 0 : i32
    %dma_start3A_207 = tpu.memref_slice %arg6[%dma_start3A_205, %dma_start3A_206] : memref<26x128xf32, #tpu.memory_space<vmem>> -> memref<1x128xf32, #tpu.memory_space<vmem>>
    %dma_start3A_208 = tpu.memref_squeeze %dma_start3A_207 : memref<1x128xf32, #tpu.memory_space<vmem>> -> memref<128xf32, #tpu.memory_space<vmem>>
    %dma_start3A_209 = arith.constant 0 : i32
    %dma_start3A_210 = tpu.memref_slice %arg5[%dma_start3A_204, %dma_start3A_209] : memref<26x128xi32, #tpu.memory_space<vmem>> -> memref<1x128xi32, #tpu.memory_space<vmem>>
    %dma_start3A_211 = tpu.memref_squeeze %dma_start3A_210 : memref<1x128xi32, #tpu.memory_space<vmem>> -> memref<128xi32, #tpu.memory_space<vmem>>
    %dma_start3A_212 = arith.constant 0 : i32
    %dma_start3A_213 = tpu.memref_slice %arg8[%dma_start3A_212] : memref<100000xf32, #tpu.memory_space<vmem_shared>> -> memref<100000xf32, #tpu.memory_space<vmem_shared>>
    tpu.enqueue_indirect_dma source(%dma_start3A_213 : memref<100000xf32, #tpu.memory_space<vmem_shared>>) target(%dma_start3A_208 : memref<128xf32, #tpu.memory_space<vmem>>) offsets(%dma_start3A_211 : memref<128xi32, #tpu.memory_space<vmem>>) semaphore(%arg9 : memref<!tpu.dma_semaphore, #tpu.memory_space<semaphore_mem>>)
    %dma_start3A_214 = arith.constant 21 : i32
    %dma_start3A_215 = arith.constant 21 : i32
    %dma_start3A_216 = arith.constant 0 : i32
    %dma_start3A_217 = tpu.memref_slice %arg6[%dma_start3A_215, %dma_start3A_216] : memref<26x128xf32, #tpu.memory_space<vmem>> -> memref<1x128xf32, #tpu.memory_space<vmem>>
    %dma_start3A_218 = tpu.memref_squeeze %dma_start3A_217 : memref<1x128xf32, #tpu.memory_space<vmem>> -> memref<128xf32, #tpu.memory_space<vmem>>
    %dma_start3A_219 = arith.constant 0 : i32
    %dma_start3A_220 = tpu.memref_slice %arg5[%dma_start3A_214, %dma_start3A_219] : memref<26x128xi32, #tpu.memory_space<vmem>> -> memref<1x128xi32, #tpu.memory_space<vmem>>
    %dma_start3A_221 = tpu.memref_squeeze %dma_start3A_220 : memref<1x128xi32, #tpu.memory_space<vmem>> -> memref<128xi32, #tpu.memory_space<vmem>>
    %dma_start3A_222 = arith.constant 0 : i32
    %dma_start3A_223 = tpu.memref_slice %arg8[%dma_start3A_222] : memref<100000xf32, #tpu.memory_space<vmem_shared>> -> memref<100000xf32, #tpu.memory_space<vmem_shared>>
    tpu.enqueue_indirect_dma source(%dma_start3A_223 : memref<100000xf32, #tpu.memory_space<vmem_shared>>) target(%dma_start3A_218 : memref<128xf32, #tpu.memory_space<vmem>>) offsets(%dma_start3A_221 : memref<128xi32, #tpu.memory_space<vmem>>) semaphore(%arg9 : memref<!tpu.dma_semaphore, #tpu.memory_space<semaphore_mem>>)
    %dma_start3A_224 = arith.constant 22 : i32
    %dma_start3A_225 = arith.constant 22 : i32
    %dma_start3A_226 = arith.constant 0 : i32
    %dma_start3A_227 = tpu.memref_slice %arg6[%dma_start3A_225, %dma_start3A_226] : memref<26x128xf32, #tpu.memory_space<vmem>> -> memref<1x128xf32, #tpu.memory_space<vmem>>
    %dma_start3A_228 = tpu.memref_squeeze %dma_start3A_227 : memref<1x128xf32, #tpu.memory_space<vmem>> -> memref<128xf32, #tpu.memory_space<vmem>>
    %dma_start3A_229 = arith.constant 0 : i32
    %dma_start3A_230 = tpu.memref_slice %arg5[%dma_start3A_224, %dma_start3A_229] : memref<26x128xi32, #tpu.memory_space<vmem>> -> memref<1x128xi32, #tpu.memory_space<vmem>>
    %dma_start3A_231 = tpu.memref_squeeze %dma_start3A_230 : memref<1x128xi32, #tpu.memory_space<vmem>> -> memref<128xi32, #tpu.memory_space<vmem>>
    %dma_start3A_232 = arith.constant 0 : i32
    %dma_start3A_233 = tpu.memref_slice %arg8[%dma_start3A_232] : memref<100000xf32, #tpu.memory_space<vmem_shared>> -> memref<100000xf32, #tpu.memory_space<vmem_shared>>
    tpu.enqueue_indirect_dma source(%dma_start3A_233 : memref<100000xf32, #tpu.memory_space<vmem_shared>>) target(%dma_start3A_228 : memref<128xf32, #tpu.memory_space<vmem>>) offsets(%dma_start3A_231 : memref<128xi32, #tpu.memory_space<vmem>>) semaphore(%arg9 : memref<!tpu.dma_semaphore, #tpu.memory_space<semaphore_mem>>)
    %dma_start3A_234 = arith.constant 23 : i32
    %dma_start3A_235 = arith.constant 23 : i32
    %dma_start3A_236 = arith.constant 0 : i32
    %dma_start3A_237 = tpu.memref_slice %arg6[%dma_start3A_235, %dma_start3A_236] : memref<26x128xf32, #tpu.memory_space<vmem>> -> memref<1x128xf32, #tpu.memory_space<vmem>>
    %dma_start3A_238 = tpu.memref_squeeze %dma_start3A_237 : memref<1x128xf32, #tpu.memory_space<vmem>> -> memref<128xf32, #tpu.memory_space<vmem>>
    %dma_start3A_239 = arith.constant 0 : i32
    %dma_start3A_240 = tpu.memref_slice %arg5[%dma_start3A_234, %dma_start3A_239] : memref<26x128xi32, #tpu.memory_space<vmem>> -> memref<1x128xi32, #tpu.memory_space<vmem>>
    %dma_start3A_241 = tpu.memref_squeeze %dma_start3A_240 : memref<1x128xi32, #tpu.memory_space<vmem>> -> memref<128xi32, #tpu.memory_space<vmem>>
    %dma_start3A_242 = arith.constant 0 : i32
    %dma_start3A_243 = tpu.memref_slice %arg8[%dma_start3A_242] : memref<100000xf32, #tpu.memory_space<vmem_shared>> -> memref<100000xf32, #tpu.memory_space<vmem_shared>>
    tpu.enqueue_indirect_dma source(%dma_start3A_243 : memref<100000xf32, #tpu.memory_space<vmem_shared>>) target(%dma_start3A_238 : memref<128xf32, #tpu.memory_space<vmem>>) offsets(%dma_start3A_241 : memref<128xi32, #tpu.memory_space<vmem>>) semaphore(%arg9 : memref<!tpu.dma_semaphore, #tpu.memory_space<semaphore_mem>>)
    %dma_start3A_244 = arith.constant 24 : i32
    %dma_start3A_245 = arith.constant 24 : i32
    %dma_start3A_246 = arith.constant 0 : i32
    %dma_start3A_247 = tpu.memref_slice %arg6[%dma_start3A_245, %dma_start3A_246] : memref<26x128xf32, #tpu.memory_space<vmem>> -> memref<1x128xf32, #tpu.memory_space<vmem>>
    %dma_start3A_248 = tpu.memref_squeeze %dma_start3A_247 : memref<1x128xf32, #tpu.memory_space<vmem>> -> memref<128xf32, #tpu.memory_space<vmem>>
    %dma_start3A_249 = arith.constant 0 : i32
    %dma_start3A_250 = tpu.memref_slice %arg5[%dma_start3A_244, %dma_start3A_249] : memref<26x128xi32, #tpu.memory_space<vmem>> -> memref<1x128xi32, #tpu.memory_space<vmem>>
    %dma_start3A_251 = tpu.memref_squeeze %dma_start3A_250 : memref<1x128xi32, #tpu.memory_space<vmem>> -> memref<128xi32, #tpu.memory_space<vmem>>
    %dma_start3A_252 = arith.constant 0 : i32
    %dma_start3A_253 = tpu.memref_slice %arg8[%dma_start3A_252] : memref<100000xf32, #tpu.memory_space<vmem_shared>> -> memref<100000xf32, #tpu.memory_space<vmem_shared>>
    tpu.enqueue_indirect_dma source(%dma_start3A_253 : memref<100000xf32, #tpu.memory_space<vmem_shared>>) target(%dma_start3A_248 : memref<128xf32, #tpu.memory_space<vmem>>) offsets(%dma_start3A_251 : memref<128xi32, #tpu.memory_space<vmem>>) semaphore(%arg9 : memref<!tpu.dma_semaphore, #tpu.memory_space<semaphore_mem>>)
    %dma_start3A_254 = arith.constant 25 : i32
    %dma_start3A_255 = arith.constant 25 : i32
    %dma_start3A_256 = arith.constant 0 : i32
    %dma_start3A_257 = tpu.memref_slice %arg6[%dma_start3A_255, %dma_start3A_256] : memref<26x128xf32, #tpu.memory_space<vmem>> -> memref<1x128xf32, #tpu.memory_space<vmem>>
    %dma_start3A_258 = tpu.memref_squeeze %dma_start3A_257 : memref<1x128xf32, #tpu.memory_space<vmem>> -> memref<128xf32, #tpu.memory_space<vmem>>
    %dma_start3A_259 = arith.constant 0 : i32
    %dma_start3A_260 = tpu.memref_slice %arg5[%dma_start3A_254, %dma_start3A_259] : memref<26x128xi32, #tpu.memory_space<vmem>> -> memref<1x128xi32, #tpu.memory_space<vmem>>
    %dma_start3A_261 = tpu.memref_squeeze %dma_start3A_260 : memref<1x128xi32, #tpu.memory_space<vmem>> -> memref<128xi32, #tpu.memory_space<vmem>>
    %dma_start3A_262 = arith.constant 0 : i32
    %dma_start3A_263 = tpu.memref_slice %arg8[%dma_start3A_262] : memref<100000xf32, #tpu.memory_space<vmem_shared>> -> memref<100000xf32, #tpu.memory_space<vmem_shared>>
    tpu.enqueue_indirect_dma source(%dma_start3A_263 : memref<100000xf32, #tpu.memory_space<vmem_shared>>) target(%dma_start3A_258 : memref<128xf32, #tpu.memory_space<vmem>>) offsets(%dma_start3A_261 : memref<128xi32, #tpu.memory_space<vmem>>) semaphore(%arg9 : memref<!tpu.dma_semaphore, #tpu.memory_space<semaphore_mem>>)
    %dma_wait3A = arith.constant 0 : i32
    %dma_wait3A_264 = arith.constant 0 : i32
    %dma_wait3A_265 = arith.constant 0 : i32
    %dma_wait3A_266 = tpu.memref_slice %arg6[%dma_wait3A_264, %dma_wait3A_265] : memref<26x128xf32, #tpu.memory_space<vmem>> -> memref<1x128xf32, #tpu.memory_space<vmem>>
    %dma_wait3A_267 = tpu.memref_squeeze %dma_wait3A_266 : memref<1x128xf32, #tpu.memory_space<vmem>> -> memref<128xf32, #tpu.memory_space<vmem>>
    %dma_wait3A_268 = arith.constant 0 : i32
    %dma_wait3A_269 = tpu.memref_slice %arg5[%dma_wait3A, %dma_wait3A_268] : memref<26x128xi32, #tpu.memory_space<vmem>> -> memref<1x128xi32, #tpu.memory_space<vmem>>
    %dma_wait3A_270 = tpu.memref_squeeze %dma_wait3A_269 : memref<1x128xi32, #tpu.memory_space<vmem>> -> memref<128xi32, #tpu.memory_space<vmem>>
    %dma_wait3A_271 = arith.constant 0 : i32
    %dma_wait3A_272 = tpu.memref_slice %arg8[%dma_wait3A_271] : memref<100000xf32, #tpu.memory_space<vmem_shared>> -> memref<100000xf32, #tpu.memory_space<vmem_shared>>
    tpu.wait_indirect_dma semaphore(%arg9 : memref<!tpu.dma_semaphore, #tpu.memory_space<semaphore_mem>>) src(%dma_wait3A_272 : memref<100000xf32, #tpu.memory_space<vmem_shared>>) dst(%dma_wait3A_267 : memref<128xf32, #tpu.memory_space<vmem>>)
    %dma_wait3A_273 = arith.constant 1 : i32
    %dma_wait3A_274 = arith.constant 1 : i32
    %dma_wait3A_275 = arith.constant 0 : i32
    %dma_wait3A_276 = tpu.memref_slice %arg6[%dma_wait3A_274, %dma_wait3A_275] : memref<26x128xf32, #tpu.memory_space<vmem>> -> memref<1x128xf32, #tpu.memory_space<vmem>>
    %dma_wait3A_277 = tpu.memref_squeeze %dma_wait3A_276 : memref<1x128xf32, #tpu.memory_space<vmem>> -> memref<128xf32, #tpu.memory_space<vmem>>
    %dma_wait3A_278 = arith.constant 0 : i32
    %dma_wait3A_279 = tpu.memref_slice %arg5[%dma_wait3A_273, %dma_wait3A_278] : memref<26x128xi32, #tpu.memory_space<vmem>> -> memref<1x128xi32, #tpu.memory_space<vmem>>
    %dma_wait3A_280 = tpu.memref_squeeze %dma_wait3A_279 : memref<1x128xi32, #tpu.memory_space<vmem>> -> memref<128xi32, #tpu.memory_space<vmem>>
    %dma_wait3A_281 = arith.constant 0 : i32
    %dma_wait3A_282 = tpu.memref_slice %arg8[%dma_wait3A_281] : memref<100000xf32, #tpu.memory_space<vmem_shared>> -> memref<100000xf32, #tpu.memory_space<vmem_shared>>
    tpu.wait_indirect_dma semaphore(%arg9 : memref<!tpu.dma_semaphore, #tpu.memory_space<semaphore_mem>>) src(%dma_wait3A_282 : memref<100000xf32, #tpu.memory_space<vmem_shared>>) dst(%dma_wait3A_277 : memref<128xf32, #tpu.memory_space<vmem>>)
    %dma_wait3A_283 = arith.constant 2 : i32
    %dma_wait3A_284 = arith.constant 2 : i32
    %dma_wait3A_285 = arith.constant 0 : i32
    %dma_wait3A_286 = tpu.memref_slice %arg6[%dma_wait3A_284, %dma_wait3A_285] : memref<26x128xf32, #tpu.memory_space<vmem>> -> memref<1x128xf32, #tpu.memory_space<vmem>>
    %dma_wait3A_287 = tpu.memref_squeeze %dma_wait3A_286 : memref<1x128xf32, #tpu.memory_space<vmem>> -> memref<128xf32, #tpu.memory_space<vmem>>
    %dma_wait3A_288 = arith.constant 0 : i32
    %dma_wait3A_289 = tpu.memref_slice %arg5[%dma_wait3A_283, %dma_wait3A_288] : memref<26x128xi32, #tpu.memory_space<vmem>> -> memref<1x128xi32, #tpu.memory_space<vmem>>
    %dma_wait3A_290 = tpu.memref_squeeze %dma_wait3A_289 : memref<1x128xi32, #tpu.memory_space<vmem>> -> memref<128xi32, #tpu.memory_space<vmem>>
    %dma_wait3A_291 = arith.constant 0 : i32
    %dma_wait3A_292 = tpu.memref_slice %arg8[%dma_wait3A_291] : memref<100000xf32, #tpu.memory_space<vmem_shared>> -> memref<100000xf32, #tpu.memory_space<vmem_shared>>
    tpu.wait_indirect_dma semaphore(%arg9 : memref<!tpu.dma_semaphore, #tpu.memory_space<semaphore_mem>>) src(%dma_wait3A_292 : memref<100000xf32, #tpu.memory_space<vmem_shared>>) dst(%dma_wait3A_287 : memref<128xf32, #tpu.memory_space<vmem>>)
    %dma_wait3A_293 = arith.constant 3 : i32
    %dma_wait3A_294 = arith.constant 3 : i32
    %dma_wait3A_295 = arith.constant 0 : i32
    %dma_wait3A_296 = tpu.memref_slice %arg6[%dma_wait3A_294, %dma_wait3A_295] : memref<26x128xf32, #tpu.memory_space<vmem>> -> memref<1x128xf32, #tpu.memory_space<vmem>>
    %dma_wait3A_297 = tpu.memref_squeeze %dma_wait3A_296 : memref<1x128xf32, #tpu.memory_space<vmem>> -> memref<128xf32, #tpu.memory_space<vmem>>
    %dma_wait3A_298 = arith.constant 0 : i32
    %dma_wait3A_299 = tpu.memref_slice %arg5[%dma_wait3A_293, %dma_wait3A_298] : memref<26x128xi32, #tpu.memory_space<vmem>> -> memref<1x128xi32, #tpu.memory_space<vmem>>
    %dma_wait3A_300 = tpu.memref_squeeze %dma_wait3A_299 : memref<1x128xi32, #tpu.memory_space<vmem>> -> memref<128xi32, #tpu.memory_space<vmem>>
    %dma_wait3A_301 = arith.constant 0 : i32
    %dma_wait3A_302 = tpu.memref_slice %arg8[%dma_wait3A_301] : memref<100000xf32, #tpu.memory_space<vmem_shared>> -> memref<100000xf32, #tpu.memory_space<vmem_shared>>
    tpu.wait_indirect_dma semaphore(%arg9 : memref<!tpu.dma_semaphore, #tpu.memory_space<semaphore_mem>>) src(%dma_wait3A_302 : memref<100000xf32, #tpu.memory_space<vmem_shared>>) dst(%dma_wait3A_297 : memref<128xf32, #tpu.memory_space<vmem>>)
    %dma_wait3A_303 = arith.constant 4 : i32
    %dma_wait3A_304 = arith.constant 4 : i32
    %dma_wait3A_305 = arith.constant 0 : i32
    %dma_wait3A_306 = tpu.memref_slice %arg6[%dma_wait3A_304, %dma_wait3A_305] : memref<26x128xf32, #tpu.memory_space<vmem>> -> memref<1x128xf32, #tpu.memory_space<vmem>>
    %dma_wait3A_307 = tpu.memref_squeeze %dma_wait3A_306 : memref<1x128xf32, #tpu.memory_space<vmem>> -> memref<128xf32, #tpu.memory_space<vmem>>
    %dma_wait3A_308 = arith.constant 0 : i32
    %dma_wait3A_309 = tpu.memref_slice %arg5[%dma_wait3A_303, %dma_wait3A_308] : memref<26x128xi32, #tpu.memory_space<vmem>> -> memref<1x128xi32, #tpu.memory_space<vmem>>
    %dma_wait3A_310 = tpu.memref_squeeze %dma_wait3A_309 : memref<1x128xi32, #tpu.memory_space<vmem>> -> memref<128xi32, #tpu.memory_space<vmem>>
    %dma_wait3A_311 = arith.constant 0 : i32
    %dma_wait3A_312 = tpu.memref_slice %arg8[%dma_wait3A_311] : memref<100000xf32, #tpu.memory_space<vmem_shared>> -> memref<100000xf32, #tpu.memory_space<vmem_shared>>
    tpu.wait_indirect_dma semaphore(%arg9 : memref<!tpu.dma_semaphore, #tpu.memory_space<semaphore_mem>>) src(%dma_wait3A_312 : memref<100000xf32, #tpu.memory_space<vmem_shared>>) dst(%dma_wait3A_307 : memref<128xf32, #tpu.memory_space<vmem>>)
    %dma_wait3A_313 = arith.constant 5 : i32
    %dma_wait3A_314 = arith.constant 5 : i32
    %dma_wait3A_315 = arith.constant 0 : i32
    %dma_wait3A_316 = tpu.memref_slice %arg6[%dma_wait3A_314, %dma_wait3A_315] : memref<26x128xf32, #tpu.memory_space<vmem>> -> memref<1x128xf32, #tpu.memory_space<vmem>>
    %dma_wait3A_317 = tpu.memref_squeeze %dma_wait3A_316 : memref<1x128xf32, #tpu.memory_space<vmem>> -> memref<128xf32, #tpu.memory_space<vmem>>
    %dma_wait3A_318 = arith.constant 0 : i32
    %dma_wait3A_319 = tpu.memref_slice %arg5[%dma_wait3A_313, %dma_wait3A_318] : memref<26x128xi32, #tpu.memory_space<vmem>> -> memref<1x128xi32, #tpu.memory_space<vmem>>
    %dma_wait3A_320 = tpu.memref_squeeze %dma_wait3A_319 : memref<1x128xi32, #tpu.memory_space<vmem>> -> memref<128xi32, #tpu.memory_space<vmem>>
    %dma_wait3A_321 = arith.constant 0 : i32
    %dma_wait3A_322 = tpu.memref_slice %arg8[%dma_wait3A_321] : memref<100000xf32, #tpu.memory_space<vmem_shared>> -> memref<100000xf32, #tpu.memory_space<vmem_shared>>
    tpu.wait_indirect_dma semaphore(%arg9 : memref<!tpu.dma_semaphore, #tpu.memory_space<semaphore_mem>>) src(%dma_wait3A_322 : memref<100000xf32, #tpu.memory_space<vmem_shared>>) dst(%dma_wait3A_317 : memref<128xf32, #tpu.memory_space<vmem>>)
    %dma_wait3A_323 = arith.constant 6 : i32
    %dma_wait3A_324 = arith.constant 6 : i32
    %dma_wait3A_325 = arith.constant 0 : i32
    %dma_wait3A_326 = tpu.memref_slice %arg6[%dma_wait3A_324, %dma_wait3A_325] : memref<26x128xf32, #tpu.memory_space<vmem>> -> memref<1x128xf32, #tpu.memory_space<vmem>>
    %dma_wait3A_327 = tpu.memref_squeeze %dma_wait3A_326 : memref<1x128xf32, #tpu.memory_space<vmem>> -> memref<128xf32, #tpu.memory_space<vmem>>
    %dma_wait3A_328 = arith.constant 0 : i32
    %dma_wait3A_329 = tpu.memref_slice %arg5[%dma_wait3A_323, %dma_wait3A_328] : memref<26x128xi32, #tpu.memory_space<vmem>> -> memref<1x128xi32, #tpu.memory_space<vmem>>
    %dma_wait3A_330 = tpu.memref_squeeze %dma_wait3A_329 : memref<1x128xi32, #tpu.memory_space<vmem>> -> memref<128xi32, #tpu.memory_space<vmem>>
    %dma_wait3A_331 = arith.constant 0 : i32
    %dma_wait3A_332 = tpu.memref_slice %arg8[%dma_wait3A_331] : memref<100000xf32, #tpu.memory_space<vmem_shared>> -> memref<100000xf32, #tpu.memory_space<vmem_shared>>
    tpu.wait_indirect_dma semaphore(%arg9 : memref<!tpu.dma_semaphore, #tpu.memory_space<semaphore_mem>>) src(%dma_wait3A_332 : memref<100000xf32, #tpu.memory_space<vmem_shared>>) dst(%dma_wait3A_327 : memref<128xf32, #tpu.memory_space<vmem>>)
    %dma_wait3A_333 = arith.constant 7 : i32
    %dma_wait3A_334 = arith.constant 7 : i32
    %dma_wait3A_335 = arith.constant 0 : i32
    %dma_wait3A_336 = tpu.memref_slice %arg6[%dma_wait3A_334, %dma_wait3A_335] : memref<26x128xf32, #tpu.memory_space<vmem>> -> memref<1x128xf32, #tpu.memory_space<vmem>>
    %dma_wait3A_337 = tpu.memref_squeeze %dma_wait3A_336 : memref<1x128xf32, #tpu.memory_space<vmem>> -> memref<128xf32, #tpu.memory_space<vmem>>
    %dma_wait3A_338 = arith.constant 0 : i32
    %dma_wait3A_339 = tpu.memref_slice %arg5[%dma_wait3A_333, %dma_wait3A_338] : memref<26x128xi32, #tpu.memory_space<vmem>> -> memref<1x128xi32, #tpu.memory_space<vmem>>
    %dma_wait3A_340 = tpu.memref_squeeze %dma_wait3A_339 : memref<1x128xi32, #tpu.memory_space<vmem>> -> memref<128xi32, #tpu.memory_space<vmem>>
    %dma_wait3A_341 = arith.constant 0 : i32
    %dma_wait3A_342 = tpu.memref_slice %arg8[%dma_wait3A_341] : memref<100000xf32, #tpu.memory_space<vmem_shared>> -> memref<100000xf32, #tpu.memory_space<vmem_shared>>
    tpu.wait_indirect_dma semaphore(%arg9 : memref<!tpu.dma_semaphore, #tpu.memory_space<semaphore_mem>>) src(%dma_wait3A_342 : memref<100000xf32, #tpu.memory_space<vmem_shared>>) dst(%dma_wait3A_337 : memref<128xf32, #tpu.memory_space<vmem>>)
    %dma_wait3A_343 = arith.constant 8 : i32
    %dma_wait3A_344 = arith.constant 8 : i32
    %dma_wait3A_345 = arith.constant 0 : i32
    %dma_wait3A_346 = tpu.memref_slice %arg6[%dma_wait3A_344, %dma_wait3A_345] : memref<26x128xf32, #tpu.memory_space<vmem>> -> memref<1x128xf32, #tpu.memory_space<vmem>>
    %dma_wait3A_347 = tpu.memref_squeeze %dma_wait3A_346 : memref<1x128xf32, #tpu.memory_space<vmem>> -> memref<128xf32, #tpu.memory_space<vmem>>
    %dma_wait3A_348 = arith.constant 0 : i32
    %dma_wait3A_349 = tpu.memref_slice %arg5[%dma_wait3A_343, %dma_wait3A_348] : memref<26x128xi32, #tpu.memory_space<vmem>> -> memref<1x128xi32, #tpu.memory_space<vmem>>
    %dma_wait3A_350 = tpu.memref_squeeze %dma_wait3A_349 : memref<1x128xi32, #tpu.memory_space<vmem>> -> memref<128xi32, #tpu.memory_space<vmem>>
    %dma_wait3A_351 = arith.constant 0 : i32
    %dma_wait3A_352 = tpu.memref_slice %arg8[%dma_wait3A_351] : memref<100000xf32, #tpu.memory_space<vmem_shared>> -> memref<100000xf32, #tpu.memory_space<vmem_shared>>
    tpu.wait_indirect_dma semaphore(%arg9 : memref<!tpu.dma_semaphore, #tpu.memory_space<semaphore_mem>>) src(%dma_wait3A_352 : memref<100000xf32, #tpu.memory_space<vmem_shared>>) dst(%dma_wait3A_347 : memref<128xf32, #tpu.memory_space<vmem>>)
    %dma_wait3A_353 = arith.constant 9 : i32
    %dma_wait3A_354 = arith.constant 9 : i32
    %dma_wait3A_355 = arith.constant 0 : i32
    %dma_wait3A_356 = tpu.memref_slice %arg6[%dma_wait3A_354, %dma_wait3A_355] : memref<26x128xf32, #tpu.memory_space<vmem>> -> memref<1x128xf32, #tpu.memory_space<vmem>>
    %dma_wait3A_357 = tpu.memref_squeeze %dma_wait3A_356 : memref<1x128xf32, #tpu.memory_space<vmem>> -> memref<128xf32, #tpu.memory_space<vmem>>
    %dma_wait3A_358 = arith.constant 0 : i32
    %dma_wait3A_359 = tpu.memref_slice %arg5[%dma_wait3A_353, %dma_wait3A_358] : memref<26x128xi32, #tpu.memory_space<vmem>> -> memref<1x128xi32, #tpu.memory_space<vmem>>
    %dma_wait3A_360 = tpu.memref_squeeze %dma_wait3A_359 : memref<1x128xi32, #tpu.memory_space<vmem>> -> memref<128xi32, #tpu.memory_space<vmem>>
    %dma_wait3A_361 = arith.constant 0 : i32
    %dma_wait3A_362 = tpu.memref_slice %arg8[%dma_wait3A_361] : memref<100000xf32, #tpu.memory_space<vmem_shared>> -> memref<100000xf32, #tpu.memory_space<vmem_shared>>
    tpu.wait_indirect_dma semaphore(%arg9 : memref<!tpu.dma_semaphore, #tpu.memory_space<semaphore_mem>>) src(%dma_wait3A_362 : memref<100000xf32, #tpu.memory_space<vmem_shared>>) dst(%dma_wait3A_357 : memref<128xf32, #tpu.memory_space<vmem>>)
    %dma_wait3A_363 = arith.constant 10 : i32
    %dma_wait3A_364 = arith.constant 10 : i32
    %dma_wait3A_365 = arith.constant 0 : i32
    %dma_wait3A_366 = tpu.memref_slice %arg6[%dma_wait3A_364, %dma_wait3A_365] : memref<26x128xf32, #tpu.memory_space<vmem>> -> memref<1x128xf32, #tpu.memory_space<vmem>>
    %dma_wait3A_367 = tpu.memref_squeeze %dma_wait3A_366 : memref<1x128xf32, #tpu.memory_space<vmem>> -> memref<128xf32, #tpu.memory_space<vmem>>
    %dma_wait3A_368 = arith.constant 0 : i32
    %dma_wait3A_369 = tpu.memref_slice %arg5[%dma_wait3A_363, %dma_wait3A_368] : memref<26x128xi32, #tpu.memory_space<vmem>> -> memref<1x128xi32, #tpu.memory_space<vmem>>
    %dma_wait3A_370 = tpu.memref_squeeze %dma_wait3A_369 : memref<1x128xi32, #tpu.memory_space<vmem>> -> memref<128xi32, #tpu.memory_space<vmem>>
    %dma_wait3A_371 = arith.constant 0 : i32
    %dma_wait3A_372 = tpu.memref_slice %arg8[%dma_wait3A_371] : memref<100000xf32, #tpu.memory_space<vmem_shared>> -> memref<100000xf32, #tpu.memory_space<vmem_shared>>
    tpu.wait_indirect_dma semaphore(%arg9 : memref<!tpu.dma_semaphore, #tpu.memory_space<semaphore_mem>>) src(%dma_wait3A_372 : memref<100000xf32, #tpu.memory_space<vmem_shared>>) dst(%dma_wait3A_367 : memref<128xf32, #tpu.memory_space<vmem>>)
    %dma_wait3A_373 = arith.constant 11 : i32
    %dma_wait3A_374 = arith.constant 11 : i32
    %dma_wait3A_375 = arith.constant 0 : i32
    %dma_wait3A_376 = tpu.memref_slice %arg6[%dma_wait3A_374, %dma_wait3A_375] : memref<26x128xf32, #tpu.memory_space<vmem>> -> memref<1x128xf32, #tpu.memory_space<vmem>>
    %dma_wait3A_377 = tpu.memref_squeeze %dma_wait3A_376 : memref<1x128xf32, #tpu.memory_space<vmem>> -> memref<128xf32, #tpu.memory_space<vmem>>
    %dma_wait3A_378 = arith.constant 0 : i32
    %dma_wait3A_379 = tpu.memref_slice %arg5[%dma_wait3A_373, %dma_wait3A_378] : memref<26x128xi32, #tpu.memory_space<vmem>> -> memref<1x128xi32, #tpu.memory_space<vmem>>
    %dma_wait3A_380 = tpu.memref_squeeze %dma_wait3A_379 : memref<1x128xi32, #tpu.memory_space<vmem>> -> memref<128xi32, #tpu.memory_space<vmem>>
    %dma_wait3A_381 = arith.constant 0 : i32
    %dma_wait3A_382 = tpu.memref_slice %arg8[%dma_wait3A_381] : memref<100000xf32, #tpu.memory_space<vmem_shared>> -> memref<100000xf32, #tpu.memory_space<vmem_shared>>
    tpu.wait_indirect_dma semaphore(%arg9 : memref<!tpu.dma_semaphore, #tpu.memory_space<semaphore_mem>>) src(%dma_wait3A_382 : memref<100000xf32, #tpu.memory_space<vmem_shared>>) dst(%dma_wait3A_377 : memref<128xf32, #tpu.memory_space<vmem>>)
    %dma_wait3A_383 = arith.constant 12 : i32
    %dma_wait3A_384 = arith.constant 12 : i32
    %dma_wait3A_385 = arith.constant 0 : i32
    %dma_wait3A_386 = tpu.memref_slice %arg6[%dma_wait3A_384, %dma_wait3A_385] : memref<26x128xf32, #tpu.memory_space<vmem>> -> memref<1x128xf32, #tpu.memory_space<vmem>>
    %dma_wait3A_387 = tpu.memref_squeeze %dma_wait3A_386 : memref<1x128xf32, #tpu.memory_space<vmem>> -> memref<128xf32, #tpu.memory_space<vmem>>
    %dma_wait3A_388 = arith.constant 0 : i32
    %dma_wait3A_389 = tpu.memref_slice %arg5[%dma_wait3A_383, %dma_wait3A_388] : memref<26x128xi32, #tpu.memory_space<vmem>> -> memref<1x128xi32, #tpu.memory_space<vmem>>
    %dma_wait3A_390 = tpu.memref_squeeze %dma_wait3A_389 : memref<1x128xi32, #tpu.memory_space<vmem>> -> memref<128xi32, #tpu.memory_space<vmem>>
    %dma_wait3A_391 = arith.constant 0 : i32
    %dma_wait3A_392 = tpu.memref_slice %arg8[%dma_wait3A_391] : memref<100000xf32, #tpu.memory_space<vmem_shared>> -> memref<100000xf32, #tpu.memory_space<vmem_shared>>
    tpu.wait_indirect_dma semaphore(%arg9 : memref<!tpu.dma_semaphore, #tpu.memory_space<semaphore_mem>>) src(%dma_wait3A_392 : memref<100000xf32, #tpu.memory_space<vmem_shared>>) dst(%dma_wait3A_387 : memref<128xf32, #tpu.memory_space<vmem>>)
    %dma_wait3A_393 = arith.constant 13 : i32
    %dma_wait3A_394 = arith.constant 13 : i32
    %dma_wait3A_395 = arith.constant 0 : i32
    %dma_wait3A_396 = tpu.memref_slice %arg6[%dma_wait3A_394, %dma_wait3A_395] : memref<26x128xf32, #tpu.memory_space<vmem>> -> memref<1x128xf32, #tpu.memory_space<vmem>>
    %dma_wait3A_397 = tpu.memref_squeeze %dma_wait3A_396 : memref<1x128xf32, #tpu.memory_space<vmem>> -> memref<128xf32, #tpu.memory_space<vmem>>
    %dma_wait3A_398 = arith.constant 0 : i32
    %dma_wait3A_399 = tpu.memref_slice %arg5[%dma_wait3A_393, %dma_wait3A_398] : memref<26x128xi32, #tpu.memory_space<vmem>> -> memref<1x128xi32, #tpu.memory_space<vmem>>
    %dma_wait3A_400 = tpu.memref_squeeze %dma_wait3A_399 : memref<1x128xi32, #tpu.memory_space<vmem>> -> memref<128xi32, #tpu.memory_space<vmem>>
    %dma_wait3A_401 = arith.constant 0 : i32
    %dma_wait3A_402 = tpu.memref_slice %arg8[%dma_wait3A_401] : memref<100000xf32, #tpu.memory_space<vmem_shared>> -> memref<100000xf32, #tpu.memory_space<vmem_shared>>
    tpu.wait_indirect_dma semaphore(%arg9 : memref<!tpu.dma_semaphore, #tpu.memory_space<semaphore_mem>>) src(%dma_wait3A_402 : memref<100000xf32, #tpu.memory_space<vmem_shared>>) dst(%dma_wait3A_397 : memref<128xf32, #tpu.memory_space<vmem>>)
    %dma_wait3A_403 = arith.constant 14 : i32
    %dma_wait3A_404 = arith.constant 14 : i32
    %dma_wait3A_405 = arith.constant 0 : i32
    %dma_wait3A_406 = tpu.memref_slice %arg6[%dma_wait3A_404, %dma_wait3A_405] : memref<26x128xf32, #tpu.memory_space<vmem>> -> memref<1x128xf32, #tpu.memory_space<vmem>>
    %dma_wait3A_407 = tpu.memref_squeeze %dma_wait3A_406 : memref<1x128xf32, #tpu.memory_space<vmem>> -> memref<128xf32, #tpu.memory_space<vmem>>
    %dma_wait3A_408 = arith.constant 0 : i32
    %dma_wait3A_409 = tpu.memref_slice %arg5[%dma_wait3A_403, %dma_wait3A_408] : memref<26x128xi32, #tpu.memory_space<vmem>> -> memref<1x128xi32, #tpu.memory_space<vmem>>
    %dma_wait3A_410 = tpu.memref_squeeze %dma_wait3A_409 : memref<1x128xi32, #tpu.memory_space<vmem>> -> memref<128xi32, #tpu.memory_space<vmem>>
    %dma_wait3A_411 = arith.constant 0 : i32
    %dma_wait3A_412 = tpu.memref_slice %arg8[%dma_wait3A_411] : memref<100000xf32, #tpu.memory_space<vmem_shared>> -> memref<100000xf32, #tpu.memory_space<vmem_shared>>
    tpu.wait_indirect_dma semaphore(%arg9 : memref<!tpu.dma_semaphore, #tpu.memory_space<semaphore_mem>>) src(%dma_wait3A_412 : memref<100000xf32, #tpu.memory_space<vmem_shared>>) dst(%dma_wait3A_407 : memref<128xf32, #tpu.memory_space<vmem>>)
    %dma_wait3A_413 = arith.constant 15 : i32
    %dma_wait3A_414 = arith.constant 15 : i32
    %dma_wait3A_415 = arith.constant 0 : i32
    %dma_wait3A_416 = tpu.memref_slice %arg6[%dma_wait3A_414, %dma_wait3A_415] : memref<26x128xf32, #tpu.memory_space<vmem>> -> memref<1x128xf32, #tpu.memory_space<vmem>>
    %dma_wait3A_417 = tpu.memref_squeeze %dma_wait3A_416 : memref<1x128xf32, #tpu.memory_space<vmem>> -> memref<128xf32, #tpu.memory_space<vmem>>
    %dma_wait3A_418 = arith.constant 0 : i32
    %dma_wait3A_419 = tpu.memref_slice %arg5[%dma_wait3A_413, %dma_wait3A_418] : memref<26x128xi32, #tpu.memory_space<vmem>> -> memref<1x128xi32, #tpu.memory_space<vmem>>
    %dma_wait3A_420 = tpu.memref_squeeze %dma_wait3A_419 : memref<1x128xi32, #tpu.memory_space<vmem>> -> memref<128xi32, #tpu.memory_space<vmem>>
    %dma_wait3A_421 = arith.constant 0 : i32
    %dma_wait3A_422 = tpu.memref_slice %arg8[%dma_wait3A_421] : memref<100000xf32, #tpu.memory_space<vmem_shared>> -> memref<100000xf32, #tpu.memory_space<vmem_shared>>
    tpu.wait_indirect_dma semaphore(%arg9 : memref<!tpu.dma_semaphore, #tpu.memory_space<semaphore_mem>>) src(%dma_wait3A_422 : memref<100000xf32, #tpu.memory_space<vmem_shared>>) dst(%dma_wait3A_417 : memref<128xf32, #tpu.memory_space<vmem>>)
    %dma_wait3A_423 = arith.constant 16 : i32
    %dma_wait3A_424 = arith.constant 16 : i32
    %dma_wait3A_425 = arith.constant 0 : i32
    %dma_wait3A_426 = tpu.memref_slice %arg6[%dma_wait3A_424, %dma_wait3A_425] : memref<26x128xf32, #tpu.memory_space<vmem>> -> memref<1x128xf32, #tpu.memory_space<vmem>>
    %dma_wait3A_427 = tpu.memref_squeeze %dma_wait3A_426 : memref<1x128xf32, #tpu.memory_space<vmem>> -> memref<128xf32, #tpu.memory_space<vmem>>
    %dma_wait3A_428 = arith.constant 0 : i32
    %dma_wait3A_429 = tpu.memref_slice %arg5[%dma_wait3A_423, %dma_wait3A_428] : memref<26x128xi32, #tpu.memory_space<vmem>> -> memref<1x128xi32, #tpu.memory_space<vmem>>
    %dma_wait3A_430 = tpu.memref_squeeze %dma_wait3A_429 : memref<1x128xi32, #tpu.memory_space<vmem>> -> memref<128xi32, #tpu.memory_space<vmem>>
    %dma_wait3A_431 = arith.constant 0 : i32
    %dma_wait3A_432 = tpu.memref_slice %arg8[%dma_wait3A_431] : memref<100000xf32, #tpu.memory_space<vmem_shared>> -> memref<100000xf32, #tpu.memory_space<vmem_shared>>
    tpu.wait_indirect_dma semaphore(%arg9 : memref<!tpu.dma_semaphore, #tpu.memory_space<semaphore_mem>>) src(%dma_wait3A_432 : memref<100000xf32, #tpu.memory_space<vmem_shared>>) dst(%dma_wait3A_427 : memref<128xf32, #tpu.memory_space<vmem>>)
    %dma_wait3A_433 = arith.constant 17 : i32
    %dma_wait3A_434 = arith.constant 17 : i32
    %dma_wait3A_435 = arith.constant 0 : i32
    %dma_wait3A_436 = tpu.memref_slice %arg6[%dma_wait3A_434, %dma_wait3A_435] : memref<26x128xf32, #tpu.memory_space<vmem>> -> memref<1x128xf32, #tpu.memory_space<vmem>>
    %dma_wait3A_437 = tpu.memref_squeeze %dma_wait3A_436 : memref<1x128xf32, #tpu.memory_space<vmem>> -> memref<128xf32, #tpu.memory_space<vmem>>
    %dma_wait3A_438 = arith.constant 0 : i32
    %dma_wait3A_439 = tpu.memref_slice %arg5[%dma_wait3A_433, %dma_wait3A_438] : memref<26x128xi32, #tpu.memory_space<vmem>> -> memref<1x128xi32, #tpu.memory_space<vmem>>
    %dma_wait3A_440 = tpu.memref_squeeze %dma_wait3A_439 : memref<1x128xi32, #tpu.memory_space<vmem>> -> memref<128xi32, #tpu.memory_space<vmem>>
    %dma_wait3A_441 = arith.constant 0 : i32
    %dma_wait3A_442 = tpu.memref_slice %arg8[%dma_wait3A_441] : memref<100000xf32, #tpu.memory_space<vmem_shared>> -> memref<100000xf32, #tpu.memory_space<vmem_shared>>
    tpu.wait_indirect_dma semaphore(%arg9 : memref<!tpu.dma_semaphore, #tpu.memory_space<semaphore_mem>>) src(%dma_wait3A_442 : memref<100000xf32, #tpu.memory_space<vmem_shared>>) dst(%dma_wait3A_437 : memref<128xf32, #tpu.memory_space<vmem>>)
    %dma_wait3A_443 = arith.constant 18 : i32
    %dma_wait3A_444 = arith.constant 18 : i32
    %dma_wait3A_445 = arith.constant 0 : i32
    %dma_wait3A_446 = tpu.memref_slice %arg6[%dma_wait3A_444, %dma_wait3A_445] : memref<26x128xf32, #tpu.memory_space<vmem>> -> memref<1x128xf32, #tpu.memory_space<vmem>>
    %dma_wait3A_447 = tpu.memref_squeeze %dma_wait3A_446 : memref<1x128xf32, #tpu.memory_space<vmem>> -> memref<128xf32, #tpu.memory_space<vmem>>
    %dma_wait3A_448 = arith.constant 0 : i32
    %dma_wait3A_449 = tpu.memref_slice %arg5[%dma_wait3A_443, %dma_wait3A_448] : memref<26x128xi32, #tpu.memory_space<vmem>> -> memref<1x128xi32, #tpu.memory_space<vmem>>
    %dma_wait3A_450 = tpu.memref_squeeze %dma_wait3A_449 : memref<1x128xi32, #tpu.memory_space<vmem>> -> memref<128xi32, #tpu.memory_space<vmem>>
    %dma_wait3A_451 = arith.constant 0 : i32
    %dma_wait3A_452 = tpu.memref_slice %arg8[%dma_wait3A_451] : memref<100000xf32, #tpu.memory_space<vmem_shared>> -> memref<100000xf32, #tpu.memory_space<vmem_shared>>
    tpu.wait_indirect_dma semaphore(%arg9 : memref<!tpu.dma_semaphore, #tpu.memory_space<semaphore_mem>>) src(%dma_wait3A_452 : memref<100000xf32, #tpu.memory_space<vmem_shared>>) dst(%dma_wait3A_447 : memref<128xf32, #tpu.memory_space<vmem>>)
    %dma_wait3A_453 = arith.constant 19 : i32
    %dma_wait3A_454 = arith.constant 19 : i32
    %dma_wait3A_455 = arith.constant 0 : i32
    %dma_wait3A_456 = tpu.memref_slice %arg6[%dma_wait3A_454, %dma_wait3A_455] : memref<26x128xf32, #tpu.memory_space<vmem>> -> memref<1x128xf32, #tpu.memory_space<vmem>>
    %dma_wait3A_457 = tpu.memref_squeeze %dma_wait3A_456 : memref<1x128xf32, #tpu.memory_space<vmem>> -> memref<128xf32, #tpu.memory_space<vmem>>
    %dma_wait3A_458 = arith.constant 0 : i32
    %dma_wait3A_459 = tpu.memref_slice %arg5[%dma_wait3A_453, %dma_wait3A_458] : memref<26x128xi32, #tpu.memory_space<vmem>> -> memref<1x128xi32, #tpu.memory_space<vmem>>
    %dma_wait3A_460 = tpu.memref_squeeze %dma_wait3A_459 : memref<1x128xi32, #tpu.memory_space<vmem>> -> memref<128xi32, #tpu.memory_space<vmem>>
    %dma_wait3A_461 = arith.constant 0 : i32
    %dma_wait3A_462 = tpu.memref_slice %arg8[%dma_wait3A_461] : memref<100000xf32, #tpu.memory_space<vmem_shared>> -> memref<100000xf32, #tpu.memory_space<vmem_shared>>
    tpu.wait_indirect_dma semaphore(%arg9 : memref<!tpu.dma_semaphore, #tpu.memory_space<semaphore_mem>>) src(%dma_wait3A_462 : memref<100000xf32, #tpu.memory_space<vmem_shared>>) dst(%dma_wait3A_457 : memref<128xf32, #tpu.memory_space<vmem>>)
    %dma_wait3A_463 = arith.constant 20 : i32
    %dma_wait3A_464 = arith.constant 20 : i32
    %dma_wait3A_465 = arith.constant 0 : i32
    %dma_wait3A_466 = tpu.memref_slice %arg6[%dma_wait3A_464, %dma_wait3A_465] : memref<26x128xf32, #tpu.memory_space<vmem>> -> memref<1x128xf32, #tpu.memory_space<vmem>>
    %dma_wait3A_467 = tpu.memref_squeeze %dma_wait3A_466 : memref<1x128xf32, #tpu.memory_space<vmem>> -> memref<128xf32, #tpu.memory_space<vmem>>
    %dma_wait3A_468 = arith.constant 0 : i32
    %dma_wait3A_469 = tpu.memref_slice %arg5[%dma_wait3A_463, %dma_wait3A_468] : memref<26x128xi32, #tpu.memory_space<vmem>> -> memref<1x128xi32, #tpu.memory_space<vmem>>
    %dma_wait3A_470 = tpu.memref_squeeze %dma_wait3A_469 : memref<1x128xi32, #tpu.memory_space<vmem>> -> memref<128xi32, #tpu.memory_space<vmem>>
    %dma_wait3A_471 = arith.constant 0 : i32
    %dma_wait3A_472 = tpu.memref_slice %arg8[%dma_wait3A_471] : memref<100000xf32, #tpu.memory_space<vmem_shared>> -> memref<100000xf32, #tpu.memory_space<vmem_shared>>
    tpu.wait_indirect_dma semaphore(%arg9 : memref<!tpu.dma_semaphore, #tpu.memory_space<semaphore_mem>>) src(%dma_wait3A_472 : memref<100000xf32, #tpu.memory_space<vmem_shared>>) dst(%dma_wait3A_467 : memref<128xf32, #tpu.memory_space<vmem>>)
    %dma_wait3A_473 = arith.constant 21 : i32
    %dma_wait3A_474 = arith.constant 21 : i32
    %dma_wait3A_475 = arith.constant 0 : i32
    %dma_wait3A_476 = tpu.memref_slice %arg6[%dma_wait3A_474, %dma_wait3A_475] : memref<26x128xf32, #tpu.memory_space<vmem>> -> memref<1x128xf32, #tpu.memory_space<vmem>>
    %dma_wait3A_477 = tpu.memref_squeeze %dma_wait3A_476 : memref<1x128xf32, #tpu.memory_space<vmem>> -> memref<128xf32, #tpu.memory_space<vmem>>
    %dma_wait3A_478 = arith.constant 0 : i32
    %dma_wait3A_479 = tpu.memref_slice %arg5[%dma_wait3A_473, %dma_wait3A_478] : memref<26x128xi32, #tpu.memory_space<vmem>> -> memref<1x128xi32, #tpu.memory_space<vmem>>
    %dma_wait3A_480 = tpu.memref_squeeze %dma_wait3A_479 : memref<1x128xi32, #tpu.memory_space<vmem>> -> memref<128xi32, #tpu.memory_space<vmem>>
    %dma_wait3A_481 = arith.constant 0 : i32
    %dma_wait3A_482 = tpu.memref_slice %arg8[%dma_wait3A_481] : memref<100000xf32, #tpu.memory_space<vmem_shared>> -> memref<100000xf32, #tpu.memory_space<vmem_shared>>
    tpu.wait_indirect_dma semaphore(%arg9 : memref<!tpu.dma_semaphore, #tpu.memory_space<semaphore_mem>>) src(%dma_wait3A_482 : memref<100000xf32, #tpu.memory_space<vmem_shared>>) dst(%dma_wait3A_477 : memref<128xf32, #tpu.memory_space<vmem>>)
    %dma_wait3A_483 = arith.constant 22 : i32
    %dma_wait3A_484 = arith.constant 22 : i32
    %dma_wait3A_485 = arith.constant 0 : i32
    %dma_wait3A_486 = tpu.memref_slice %arg6[%dma_wait3A_484, %dma_wait3A_485] : memref<26x128xf32, #tpu.memory_space<vmem>> -> memref<1x128xf32, #tpu.memory_space<vmem>>
    %dma_wait3A_487 = tpu.memref_squeeze %dma_wait3A_486 : memref<1x128xf32, #tpu.memory_space<vmem>> -> memref<128xf32, #tpu.memory_space<vmem>>
    %dma_wait3A_488 = arith.constant 0 : i32
    %dma_wait3A_489 = tpu.memref_slice %arg5[%dma_wait3A_483, %dma_wait3A_488] : memref<26x128xi32, #tpu.memory_space<vmem>> -> memref<1x128xi32, #tpu.memory_space<vmem>>
    %dma_wait3A_490 = tpu.memref_squeeze %dma_wait3A_489 : memref<1x128xi32, #tpu.memory_space<vmem>> -> memref<128xi32, #tpu.memory_space<vmem>>
    %dma_wait3A_491 = arith.constant 0 : i32
    %dma_wait3A_492 = tpu.memref_slice %arg8[%dma_wait3A_491] : memref<100000xf32, #tpu.memory_space<vmem_shared>> -> memref<100000xf32, #tpu.memory_space<vmem_shared>>
    tpu.wait_indirect_dma semaphore(%arg9 : memref<!tpu.dma_semaphore, #tpu.memory_space<semaphore_mem>>) src(%dma_wait3A_492 : memref<100000xf32, #tpu.memory_space<vmem_shared>>) dst(%dma_wait3A_487 : memref<128xf32, #tpu.memory_space<vmem>>)
    %dma_wait3A_493 = arith.constant 23 : i32
    %dma_wait3A_494 = arith.constant 23 : i32
    %dma_wait3A_495 = arith.constant 0 : i32
    %dma_wait3A_496 = tpu.memref_slice %arg6[%dma_wait3A_494, %dma_wait3A_495] : memref<26x128xf32, #tpu.memory_space<vmem>> -> memref<1x128xf32, #tpu.memory_space<vmem>>
    %dma_wait3A_497 = tpu.memref_squeeze %dma_wait3A_496 : memref<1x128xf32, #tpu.memory_space<vmem>> -> memref<128xf32, #tpu.memory_space<vmem>>
    %dma_wait3A_498 = arith.constant 0 : i32
    %dma_wait3A_499 = tpu.memref_slice %arg5[%dma_wait3A_493, %dma_wait3A_498] : memref<26x128xi32, #tpu.memory_space<vmem>> -> memref<1x128xi32, #tpu.memory_space<vmem>>
    %dma_wait3A_500 = tpu.memref_squeeze %dma_wait3A_499 : memref<1x128xi32, #tpu.memory_space<vmem>> -> memref<128xi32, #tpu.memory_space<vmem>>
    %dma_wait3A_501 = arith.constant 0 : i32
    %dma_wait3A_502 = tpu.memref_slice %arg8[%dma_wait3A_501] : memref<100000xf32, #tpu.memory_space<vmem_shared>> -> memref<100000xf32, #tpu.memory_space<vmem_shared>>
    tpu.wait_indirect_dma semaphore(%arg9 : memref<!tpu.dma_semaphore, #tpu.memory_space<semaphore_mem>>) src(%dma_wait3A_502 : memref<100000xf32, #tpu.memory_space<vmem_shared>>) dst(%dma_wait3A_497 : memref<128xf32, #tpu.memory_space<vmem>>)
    %dma_wait3A_503 = arith.constant 24 : i32
    %dma_wait3A_504 = arith.constant 24 : i32
    %dma_wait3A_505 = arith.constant 0 : i32
    %dma_wait3A_506 = tpu.memref_slice %arg6[%dma_wait3A_504, %dma_wait3A_505] : memref<26x128xf32, #tpu.memory_space<vmem>> -> memref<1x128xf32, #tpu.memory_space<vmem>>
    %dma_wait3A_507 = tpu.memref_squeeze %dma_wait3A_506 : memref<1x128xf32, #tpu.memory_space<vmem>> -> memref<128xf32, #tpu.memory_space<vmem>>
    %dma_wait3A_508 = arith.constant 0 : i32
    %dma_wait3A_509 = tpu.memref_slice %arg5[%dma_wait3A_503, %dma_wait3A_508] : memref<26x128xi32, #tpu.memory_space<vmem>> -> memref<1x128xi32, #tpu.memory_space<vmem>>
    %dma_wait3A_510 = tpu.memref_squeeze %dma_wait3A_509 : memref<1x128xi32, #tpu.memory_space<vmem>> -> memref<128xi32, #tpu.memory_space<vmem>>
    %dma_wait3A_511 = arith.constant 0 : i32
    %dma_wait3A_512 = tpu.memref_slice %arg8[%dma_wait3A_511] : memref<100000xf32, #tpu.memory_space<vmem_shared>> -> memref<100000xf32, #tpu.memory_space<vmem_shared>>
    tpu.wait_indirect_dma semaphore(%arg9 : memref<!tpu.dma_semaphore, #tpu.memory_space<semaphore_mem>>) src(%dma_wait3A_512 : memref<100000xf32, #tpu.memory_space<vmem_shared>>) dst(%dma_wait3A_507 : memref<128xf32, #tpu.memory_space<vmem>>)
    %dma_wait3A_513 = arith.constant 25 : i32
    %dma_wait3A_514 = arith.constant 25 : i32
    %dma_wait3A_515 = arith.constant 0 : i32
    %dma_wait3A_516 = tpu.memref_slice %arg6[%dma_wait3A_514, %dma_wait3A_515] : memref<26x128xf32, #tpu.memory_space<vmem>> -> memref<1x128xf32, #tpu.memory_space<vmem>>
    %dma_wait3A_517 = tpu.memref_squeeze %dma_wait3A_516 : memref<1x128xf32, #tpu.memory_space<vmem>> -> memref<128xf32, #tpu.memory_space<vmem>>
    %dma_wait3A_518 = arith.constant 0 : i32
    %dma_wait3A_519 = tpu.memref_slice %arg5[%dma_wait3A_513, %dma_wait3A_518] : memref<26x128xi32, #tpu.memory_space<vmem>> -> memref<1x128xi32, #tpu.memory_space<vmem>>
    %dma_wait3A_520 = tpu.memref_squeeze %dma_wait3A_519 : memref<1x128xi32, #tpu.memory_space<vmem>> -> memref<128xi32, #tpu.memory_space<vmem>>
    %dma_wait3A_521 = arith.constant 0 : i32
    %dma_wait3A_522 = tpu.memref_slice %arg8[%dma_wait3A_521] : memref<100000xf32, #tpu.memory_space<vmem_shared>> -> memref<100000xf32, #tpu.memory_space<vmem_shared>>
    tpu.wait_indirect_dma semaphore(%arg9 : memref<!tpu.dma_semaphore, #tpu.memory_space<semaphore_mem>>) src(%dma_wait3A_522 : memref<100000xf32, #tpu.memory_space<vmem_shared>>) dst(%dma_wait3A_517 : memref<128xf32, #tpu.memory_space<vmem>>)
    %get3A = arith.constant 0 : i32
    %get3A_523 = arith.index_cast %get3A : i32 to index
    %get3A_524 = arith.constant 0 : index
    %get3A_525 = tpu.vector_load %arg6[%get3A_523, %get3A_524] {strides = array<i32>} : memref<26x128xf32, #tpu.memory_space<vmem>>, vector<1x16xf32>,
    %get3A_526 = vector.shape_cast %get3A_525 : vector<1x16xf32> to vector<16xf32>
    %get3A_527 = arith.constant 1 : i32
    %get3A_528 = arith.index_cast %get3A_527 : i32 to index
    %get3A_529 = arith.constant 0 : index
    %get3A_530 = tpu.vector_load %arg6[%get3A_528, %get3A_529] {strides = array<i32>} : memref<26x128xf32, #tpu.memory_space<vmem>>, vector<1x16xf32>,
    %get3A_531 = vector.shape_cast %get3A_530 : vector<1x16xf32> to vector<16xf32>
    %add3A_532 = arith.addf %get3A_526, %get3A_531 : vector<16xf32>
    %get3A_533 = arith.constant 2 : i32
    %get3A_534 = arith.index_cast %get3A_533 : i32 to index
    %get3A_535 = arith.constant 0 : index
    %get3A_536 = tpu.vector_load %arg6[%get3A_534, %get3A_535] {strides = array<i32>} : memref<26x128xf32, #tpu.memory_space<vmem>>, vector<1x16xf32>,
    %get3A_537 = vector.shape_cast %get3A_536 : vector<1x16xf32> to vector<16xf32>
    %add3A_538 = arith.addf %add3A_532, %get3A_537 : vector<16xf32>
    %get3A_539 = arith.constant 3 : i32
    %get3A_540 = arith.index_cast %get3A_539 : i32 to index
    %get3A_541 = arith.constant 0 : index
    %get3A_542 = tpu.vector_load %arg6[%get3A_540, %get3A_541] {strides = array<i32>} : memref<26x128xf32, #tpu.memory_space<vmem>>, vector<1x16xf32>,
    %get3A_543 = vector.shape_cast %get3A_542 : vector<1x16xf32> to vector<16xf32>
    %add3A_544 = arith.addf %add3A_538, %get3A_543 : vector<16xf32>
    %get3A_545 = arith.constant 4 : i32
    %get3A_546 = arith.index_cast %get3A_545 : i32 to index
    %get3A_547 = arith.constant 0 : index
    %get3A_548 = tpu.vector_load %arg6[%get3A_546, %get3A_547] {strides = array<i32>} : memref<26x128xf32, #tpu.memory_space<vmem>>, vector<1x16xf32>,
    %get3A_549 = vector.shape_cast %get3A_548 : vector<1x16xf32> to vector<16xf32>
    %add3A_550 = arith.addf %add3A_544, %get3A_549 : vector<16xf32>
    %get3A_551 = arith.constant 5 : i32
    %get3A_552 = arith.index_cast %get3A_551 : i32 to index
    %get3A_553 = arith.constant 0 : index
    %get3A_554 = tpu.vector_load %arg6[%get3A_552, %get3A_553] {strides = array<i32>} : memref<26x128xf32, #tpu.memory_space<vmem>>, vector<1x16xf32>,
    %get3A_555 = vector.shape_cast %get3A_554 : vector<1x16xf32> to vector<16xf32>
    %add3A_556 = arith.addf %add3A_550, %get3A_555 : vector<16xf32>
    %get3A_557 = arith.constant 6 : i32
    %get3A_558 = arith.index_cast %get3A_557 : i32 to index
    %get3A_559 = arith.constant 0 : index
    %get3A_560 = tpu.vector_load %arg6[%get3A_558, %get3A_559] {strides = array<i32>} : memref<26x128xf32, #tpu.memory_space<vmem>>, vector<1x16xf32>,
    %get3A_561 = vector.shape_cast %get3A_560 : vector<1x16xf32> to vector<16xf32>
    %add3A_562 = arith.addf %add3A_556, %get3A_561 : vector<16xf32>
    %get3A_563 = arith.constant 7 : i32
    %get3A_564 = arith.index_cast %get3A_563 : i32 to index
    %get3A_565 = arith.constant 0 : index
    %get3A_566 = tpu.vector_load %arg6[%get3A_564, %get3A_565] {strides = array<i32>} : memref<26x128xf32, #tpu.memory_space<vmem>>, vector<1x16xf32>,
    %get3A_567 = vector.shape_cast %get3A_566 : vector<1x16xf32> to vector<16xf32>
    %add3A_568 = arith.addf %add3A_562, %get3A_567 : vector<16xf32>
    %get3A_569 = arith.constant 8 : i32
    %get3A_570 = arith.index_cast %get3A_569 : i32 to index
    %get3A_571 = arith.constant 0 : index
    %get3A_572 = tpu.vector_load %arg6[%get3A_570, %get3A_571] {strides = array<i32>} : memref<26x128xf32, #tpu.memory_space<vmem>>, vector<1x16xf32>,
    %get3A_573 = vector.shape_cast %get3A_572 : vector<1x16xf32> to vector<16xf32>
    %add3A_574 = arith.addf %add3A_568, %get3A_573 : vector<16xf32>
    %get3A_575 = arith.constant 9 : i32
    %get3A_576 = arith.index_cast %get3A_575 : i32 to index
    %get3A_577 = arith.constant 0 : index
    %get3A_578 = tpu.vector_load %arg6[%get3A_576, %get3A_577] {strides = array<i32>} : memref<26x128xf32, #tpu.memory_space<vmem>>, vector<1x16xf32>,
    %get3A_579 = vector.shape_cast %get3A_578 : vector<1x16xf32> to vector<16xf32>
    %add3A_580 = arith.addf %add3A_574, %get3A_579 : vector<16xf32>
    %get3A_581 = arith.constant 10 : i32
    %get3A_582 = arith.index_cast %get3A_581 : i32 to index
    %get3A_583 = arith.constant 0 : index
    %get3A_584 = tpu.vector_load %arg6[%get3A_582, %get3A_583] {strides = array<i32>} : memref<26x128xf32, #tpu.memory_space<vmem>>, vector<1x16xf32>,
    %get3A_585 = vector.shape_cast %get3A_584 : vector<1x16xf32> to vector<16xf32>
    %add3A_586 = arith.addf %add3A_580, %get3A_585 : vector<16xf32>
    %get3A_587 = arith.constant 11 : i32
    %get3A_588 = arith.index_cast %get3A_587 : i32 to index
    %get3A_589 = arith.constant 0 : index
    %get3A_590 = tpu.vector_load %arg6[%get3A_588, %get3A_589] {strides = array<i32>} : memref<26x128xf32, #tpu.memory_space<vmem>>, vector<1x16xf32>,
    %get3A_591 = vector.shape_cast %get3A_590 : vector<1x16xf32> to vector<16xf32>
    %add3A_592 = arith.addf %add3A_586, %get3A_591 : vector<16xf32>
    %get3A_593 = arith.constant 12 : i32
    %get3A_594 = arith.index_cast %get3A_593 : i32 to index
    %get3A_595 = arith.constant 0 : index
    %get3A_596 = tpu.vector_load %arg6[%get3A_594, %get3A_595] {strides = array<i32>} : memref<26x128xf32, #tpu.memory_space<vmem>>, vector<1x16xf32>,
    %get3A_597 = vector.shape_cast %get3A_596 : vector<1x16xf32> to vector<16xf32>
    %add3A_598 = arith.addf %add3A_592, %get3A_597 : vector<16xf32>
    %get3A_599 = arith.constant 13 : i32
    %get3A_600 = arith.index_cast %get3A_599 : i32 to index
    %get3A_601 = arith.constant 0 : index
    %get3A_602 = tpu.vector_load %arg6[%get3A_600, %get3A_601] {strides = array<i32>} : memref<26x128xf32, #tpu.memory_space<vmem>>, vector<1x16xf32>,
    %get3A_603 = vector.shape_cast %get3A_602 : vector<1x16xf32> to vector<16xf32>
    %add3A_604 = arith.addf %add3A_598, %get3A_603 : vector<16xf32>
    %get3A_605 = arith.constant 14 : i32
    %get3A_606 = arith.index_cast %get3A_605 : i32 to index
    %get3A_607 = arith.constant 0 : index
    %get3A_608 = tpu.vector_load %arg6[%get3A_606, %get3A_607] {strides = array<i32>} : memref<26x128xf32, #tpu.memory_space<vmem>>, vector<1x16xf32>,
    %get3A_609 = vector.shape_cast %get3A_608 : vector<1x16xf32> to vector<16xf32>
    %add3A_610 = arith.addf %add3A_604, %get3A_609 : vector<16xf32>
    %get3A_611 = arith.constant 15 : i32
    %get3A_612 = arith.index_cast %get3A_611 : i32 to index
    %get3A_613 = arith.constant 0 : index
    %get3A_614 = tpu.vector_load %arg6[%get3A_612, %get3A_613] {strides = array<i32>} : memref<26x128xf32, #tpu.memory_space<vmem>>, vector<1x16xf32>,
    %get3A_615 = vector.shape_cast %get3A_614 : vector<1x16xf32> to vector<16xf32>
    %add3A_616 = arith.addf %add3A_610, %get3A_615 : vector<16xf32>
    %get3A_617 = arith.constant 16 : i32
    %get3A_618 = arith.index_cast %get3A_617 : i32 to index
    %get3A_619 = arith.constant 0 : index
    %get3A_620 = tpu.vector_load %arg6[%get3A_618, %get3A_619] {strides = array<i32>} : memref<26x128xf32, #tpu.memory_space<vmem>>, vector<1x16xf32>,
    %get3A_621 = vector.shape_cast %get3A_620 : vector<1x16xf32> to vector<16xf32>
    %add3A_622 = arith.addf %add3A_616, %get3A_621 : vector<16xf32>
    %get3A_623 = arith.constant 17 : i32
    %get3A_624 = arith.index_cast %get3A_623 : i32 to index
    %get3A_625 = arith.constant 0 : index
    %get3A_626 = tpu.vector_load %arg6[%get3A_624, %get3A_625] {strides = array<i32>} : memref<26x128xf32, #tpu.memory_space<vmem>>, vector<1x16xf32>,
    %get3A_627 = vector.shape_cast %get3A_626 : vector<1x16xf32> to vector<16xf32>
    %add3A_628 = arith.addf %add3A_622, %get3A_627 : vector<16xf32>
    %get3A_629 = arith.constant 18 : i32
    %get3A_630 = arith.index_cast %get3A_629 : i32 to index
    %get3A_631 = arith.constant 0 : index
    %get3A_632 = tpu.vector_load %arg6[%get3A_630, %get3A_631] {strides = array<i32>} : memref<26x128xf32, #tpu.memory_space<vmem>>, vector<1x16xf32>,
    %get3A_633 = vector.shape_cast %get3A_632 : vector<1x16xf32> to vector<16xf32>
    %add3A_634 = arith.addf %add3A_628, %get3A_633 : vector<16xf32>
    %get3A_635 = arith.constant 19 : i32
    %get3A_636 = arith.index_cast %get3A_635 : i32 to index
    %get3A_637 = arith.constant 0 : index
    %get3A_638 = tpu.vector_load %arg6[%get3A_636, %get3A_637] {strides = array<i32>} : memref<26x128xf32, #tpu.memory_space<vmem>>, vector<1x16xf32>,
    %get3A_639 = vector.shape_cast %get3A_638 : vector<1x16xf32> to vector<16xf32>
    %add3A_640 = arith.addf %add3A_634, %get3A_639 : vector<16xf32>
    %get3A_641 = arith.constant 20 : i32
    %get3A_642 = arith.index_cast %get3A_641 : i32 to index
    %get3A_643 = arith.constant 0 : index
    %get3A_644 = tpu.vector_load %arg6[%get3A_642, %get3A_643] {strides = array<i32>} : memref<26x128xf32, #tpu.memory_space<vmem>>, vector<1x16xf32>,
    %get3A_645 = vector.shape_cast %get3A_644 : vector<1x16xf32> to vector<16xf32>
    %add3A_646 = arith.addf %add3A_640, %get3A_645 : vector<16xf32>
    %get3A_647 = arith.constant 21 : i32
    %get3A_648 = arith.index_cast %get3A_647 : i32 to index
    %get3A_649 = arith.constant 0 : index
    %get3A_650 = tpu.vector_load %arg6[%get3A_648, %get3A_649] {strides = array<i32>} : memref<26x128xf32, #tpu.memory_space<vmem>>, vector<1x16xf32>,
    %get3A_651 = vector.shape_cast %get3A_650 : vector<1x16xf32> to vector<16xf32>
    %add3A_652 = arith.addf %add3A_646, %get3A_651 : vector<16xf32>
    %get3A_653 = arith.constant 22 : i32
    %get3A_654 = arith.index_cast %get3A_653 : i32 to index
    %get3A_655 = arith.constant 0 : index
    %get3A_656 = tpu.vector_load %arg6[%get3A_654, %get3A_655] {strides = array<i32>} : memref<26x128xf32, #tpu.memory_space<vmem>>, vector<1x16xf32>,
    %get3A_657 = vector.shape_cast %get3A_656 : vector<1x16xf32> to vector<16xf32>
    %add3A_658 = arith.addf %add3A_652, %get3A_657 : vector<16xf32>
    %get3A_659 = arith.constant 23 : i32
    %get3A_660 = arith.index_cast %get3A_659 : i32 to index
    %get3A_661 = arith.constant 0 : index
    %get3A_662 = tpu.vector_load %arg6[%get3A_660, %get3A_661] {strides = array<i32>} : memref<26x128xf32, #tpu.memory_space<vmem>>, vector<1x16xf32>,
    %get3A_663 = vector.shape_cast %get3A_662 : vector<1x16xf32> to vector<16xf32>
    %add3A_664 = arith.addf %add3A_658, %get3A_663 : vector<16xf32>
    %get3A_665 = arith.constant 24 : i32
    %get3A_666 = arith.index_cast %get3A_665 : i32 to index
    %get3A_667 = arith.constant 0 : index
    %get3A_668 = tpu.vector_load %arg6[%get3A_666, %get3A_667] {strides = array<i32>} : memref<26x128xf32, #tpu.memory_space<vmem>>, vector<1x16xf32>,
    %get3A_669 = vector.shape_cast %get3A_668 : vector<1x16xf32> to vector<16xf32>
    %add3A_670 = arith.addf %add3A_664, %get3A_669 : vector<16xf32>
    %get3A_671 = arith.constant 25 : i32
    %get3A_672 = arith.index_cast %get3A_671 : i32 to index
    %get3A_673 = arith.constant 0 : index
    %get3A_674 = tpu.vector_load %arg6[%get3A_672, %get3A_673] {strides = array<i32>} : memref<26x128xf32, #tpu.memory_space<vmem>>, vector<1x16xf32>,
    %get3A_675 = vector.shape_cast %get3A_674 : vector<1x16xf32> to vector<16xf32>
    %add3A_676 = arith.addf %add3A_670, %get3A_675 : vector<16xf32>
    %swap3A = arith.constant 0 : index
    %swap3A_677 = tpu.vector_load %arg7[%swap3A] {strides = array<i32>} : memref<128xf32, #tpu.memory_space<vmem>>, vector<16xf32>,
    %swap3A_678 = vector.shape_cast %swap3A_677 : vector<16xf32> to vector<16xf32>
    %swap3A_679 = vector.shape_cast %add3A_676 : vector<16xf32> to vector<16xf32>
    tpu.vector_store %arg7[%swap3A], %swap3A_679 {strides = array<i32>} : memref<128xf32, #tpu.memory_space<vmem>>, vector<16xf32>,
    %get3A_680 = arith.constant 0 : i32
    %get3A_681 = arith.index_cast %get3A_680 : i32 to index
    %get3A_682 = arith.constant 16 : index
    %get3A_683 = tpu.vector_load %arg6[%get3A_681, %get3A_682] {strides = array<i32>} : memref<26x128xf32, #tpu.memory_space<vmem>>, vector<1x16xf32>,
    %get3A_684 = vector.shape_cast %get3A_683 : vector<1x16xf32> to vector<16xf32>
    %get3A_685 = arith.constant 1 : i32
    %get3A_686 = arith.index_cast %get3A_685 : i32 to index
    %get3A_687 = arith.constant 16 : index
    %get3A_688 = tpu.vector_load %arg6[%get3A_686, %get3A_687] {strides = array<i32>} : memref<26x128xf32, #tpu.memory_space<vmem>>, vector<1x16xf32>,
    %get3A_689 = vector.shape_cast %get3A_688 : vector<1x16xf32> to vector<16xf32>
    %add3A_690 = arith.addf %get3A_684, %get3A_689 : vector<16xf32>
    %get3A_691 = arith.constant 2 : i32
    %get3A_692 = arith.index_cast %get3A_691 : i32 to index
    %get3A_693 = arith.constant 16 : index
    %get3A_694 = tpu.vector_load %arg6[%get3A_692, %get3A_693] {strides = array<i32>} : memref<26x128xf32, #tpu.memory_space<vmem>>, vector<1x16xf32>,
    %get3A_695 = vector.shape_cast %get3A_694 : vector<1x16xf32> to vector<16xf32>
    %add3A_696 = arith.addf %add3A_690, %get3A_695 : vector<16xf32>
    %get3A_697 = arith.constant 3 : i32
    %get3A_698 = arith.index_cast %get3A_697 : i32 to index
    %get3A_699 = arith.constant 16 : index
    %get3A_700 = tpu.vector_load %arg6[%get3A_698, %get3A_699] {strides = array<i32>} : memref<26x128xf32, #tpu.memory_space<vmem>>, vector<1x16xf32>,
    %get3A_701 = vector.shape_cast %get3A_700 : vector<1x16xf32> to vector<16xf32>
    %add3A_702 = arith.addf %add3A_696, %get3A_701 : vector<16xf32>
    %get3A_703 = arith.constant 4 : i32
    %get3A_704 = arith.index_cast %get3A_703 : i32 to index
    %get3A_705 = arith.constant 16 : index
    %get3A_706 = tpu.vector_load %arg6[%get3A_704, %get3A_705] {strides = array<i32>} : memref<26x128xf32, #tpu.memory_space<vmem>>, vector<1x16xf32>,
    %get3A_707 = vector.shape_cast %get3A_706 : vector<1x16xf32> to vector<16xf32>
    %add3A_708 = arith.addf %add3A_702, %get3A_707 : vector<16xf32>
    %get3A_709 = arith.constant 5 : i32
    %get3A_710 = arith.index_cast %get3A_709 : i32 to index
    %get3A_711 = arith.constant 16 : index
    %get3A_712 = tpu.vector_load %arg6[%get3A_710, %get3A_711] {strides = array<i32>} : memref<26x128xf32, #tpu.memory_space<vmem>>, vector<1x16xf32>,
    %get3A_713 = vector.shape_cast %get3A_712 : vector<1x16xf32> to vector<16xf32>
    %add3A_714 = arith.addf %add3A_708, %get3A_713 : vector<16xf32>
    %get3A_715 = arith.constant 6 : i32
    %get3A_716 = arith.index_cast %get3A_715 : i32 to index
    %get3A_717 = arith.constant 16 : index
    %get3A_718 = tpu.vector_load %arg6[%get3A_716, %get3A_717] {strides = array<i32>} : memref<26x128xf32, #tpu.memory_space<vmem>>, vector<1x16xf32>,
    %get3A_719 = vector.shape_cast %get3A_718 : vector<1x16xf32> to vector<16xf32>
    %add3A_720 = arith.addf %add3A_714, %get3A_719 : vector<16xf32>
    %get3A_721 = arith.constant 7 : i32
    %get3A_722 = arith.index_cast %get3A_721 : i32 to index
    %get3A_723 = arith.constant 16 : index
    %get3A_724 = tpu.vector_load %arg6[%get3A_722, %get3A_723] {strides = array<i32>} : memref<26x128xf32, #tpu.memory_space<vmem>>, vector<1x16xf32>,
    %get3A_725 = vector.shape_cast %get3A_724 : vector<1x16xf32> to vector<16xf32>
    %add3A_726 = arith.addf %add3A_720, %get3A_725 : vector<16xf32>
    %get3A_727 = arith.constant 8 : i32
    %get3A_728 = arith.index_cast %get3A_727 : i32 to index
    %get3A_729 = arith.constant 16 : index
    %get3A_730 = tpu.vector_load %arg6[%get3A_728, %get3A_729] {strides = array<i32>} : memref<26x128xf32, #tpu.memory_space<vmem>>, vector<1x16xf32>,
    %get3A_731 = vector.shape_cast %get3A_730 : vector<1x16xf32> to vector<16xf32>
    %add3A_732 = arith.addf %add3A_726, %get3A_731 : vector<16xf32>
    %get3A_733 = arith.constant 9 : i32
    %get3A_734 = arith.index_cast %get3A_733 : i32 to index
    %get3A_735 = arith.constant 16 : index
    %get3A_736 = tpu.vector_load %arg6[%get3A_734, %get3A_735] {strides = array<i32>} : memref<26x128xf32, #tpu.memory_space<vmem>>, vector<1x16xf32>,
    %get3A_737 = vector.shape_cast %get3A_736 : vector<1x16xf32> to vector<16xf32>
    %add3A_738 = arith.addf %add3A_732, %get3A_737 : vector<16xf32>
    %get3A_739 = arith.constant 10 : i32
    %get3A_740 = arith.index_cast %get3A_739 : i32 to index
    %get3A_741 = arith.constant 16 : index
    %get3A_742 = tpu.vector_load %arg6[%get3A_740, %get3A_741] {strides = array<i32>} : memref<26x128xf32, #tpu.memory_space<vmem>>, vector<1x16xf32>,
    %get3A_743 = vector.shape_cast %get3A_742 : vector<1x16xf32> to vector<16xf32>
    %add3A_744 = arith.addf %add3A_738, %get3A_743 : vector<16xf32>
    %get3A_745 = arith.constant 11 : i32
    %get3A_746 = arith.index_cast %get3A_745 : i32 to index
    %get3A_747 = arith.constant 16 : index
    %get3A_748 = tpu.vector_load %arg6[%get3A_746, %get3A_747] {strides = array<i32>} : memref<26x128xf32, #tpu.memory_space<vmem>>, vector<1x16xf32>,
    %get3A_749 = vector.shape_cast %get3A_748 : vector<1x16xf32> to vector<16xf32>
    %add3A_750 = arith.addf %add3A_744, %get3A_749 : vector<16xf32>
    %get3A_751 = arith.constant 12 : i32
    %get3A_752 = arith.index_cast %get3A_751 : i32 to index
    %get3A_753 = arith.constant 16 : index
    %get3A_754 = tpu.vector_load %arg6[%get3A_752, %get3A_753] {strides = array<i32>} : memref<26x128xf32, #tpu.memory_space<vmem>>, vector<1x16xf32>,
    %get3A_755 = vector.shape_cast %get3A_754 : vector<1x16xf32> to vector<16xf32>
    %add3A_756 = arith.addf %add3A_750, %get3A_755 : vector<16xf32>
    %get3A_757 = arith.constant 13 : i32
    %get3A_758 = arith.index_cast %get3A_757 : i32 to index
    %get3A_759 = arith.constant 16 : index
    %get3A_760 = tpu.vector_load %arg6[%get3A_758, %get3A_759] {strides = array<i32>} : memref<26x128xf32, #tpu.memory_space<vmem>>, vector<1x16xf32>,
    %get3A_761 = vector.shape_cast %get3A_760 : vector<1x16xf32> to vector<16xf32>
    %add3A_762 = arith.addf %add3A_756, %get3A_761 : vector<16xf32>
    %get3A_763 = arith.constant 14 : i32
    %get3A_764 = arith.index_cast %get3A_763 : i32 to index
    %get3A_765 = arith.constant 16 : index
    %get3A_766 = tpu.vector_load %arg6[%get3A_764, %get3A_765] {strides = array<i32>} : memref<26x128xf32, #tpu.memory_space<vmem>>, vector<1x16xf32>,
    %get3A_767 = vector.shape_cast %get3A_766 : vector<1x16xf32> to vector<16xf32>
    %add3A_768 = arith.addf %add3A_762, %get3A_767 : vector<16xf32>
    %get3A_769 = arith.constant 15 : i32
    %get3A_770 = arith.index_cast %get3A_769 : i32 to index
    %get3A_771 = arith.constant 16 : index
    %get3A_772 = tpu.vector_load %arg6[%get3A_770, %get3A_771] {strides = array<i32>} : memref<26x128xf32, #tpu.memory_space<vmem>>, vector<1x16xf32>,
    %get3A_773 = vector.shape_cast %get3A_772 : vector<1x16xf32> to vector<16xf32>
    %add3A_774 = arith.addf %add3A_768, %get3A_773 : vector<16xf32>
    %get3A_775 = arith.constant 16 : i32
    %get3A_776 = arith.index_cast %get3A_775 : i32 to index
    %get3A_777 = arith.constant 16 : index
    %get3A_778 = tpu.vector_load %arg6[%get3A_776, %get3A_777] {strides = array<i32>} : memref<26x128xf32, #tpu.memory_space<vmem>>, vector<1x16xf32>,
    %get3A_779 = vector.shape_cast %get3A_778 : vector<1x16xf32> to vector<16xf32>
    %add3A_780 = arith.addf %add3A_774, %get3A_779 : vector<16xf32>
    %get3A_781 = arith.constant 17 : i32
    %get3A_782 = arith.index_cast %get3A_781 : i32 to index
    %get3A_783 = arith.constant 16 : index
    %get3A_784 = tpu.vector_load %arg6[%get3A_782, %get3A_783] {strides = array<i32>} : memref<26x128xf32, #tpu.memory_space<vmem>>, vector<1x16xf32>,
    %get3A_785 = vector.shape_cast %get3A_784 : vector<1x16xf32> to vector<16xf32>
    %add3A_786 = arith.addf %add3A_780, %get3A_785 : vector<16xf32>
    %get3A_787 = arith.constant 18 : i32
    %get3A_788 = arith.index_cast %get3A_787 : i32 to index
    %get3A_789 = arith.constant 16 : index
    %get3A_790 = tpu.vector_load %arg6[%get3A_788, %get3A_789] {strides = array<i32>} : memref<26x128xf32, #tpu.memory_space<vmem>>, vector<1x16xf32>,
    %get3A_791 = vector.shape_cast %get3A_790 : vector<1x16xf32> to vector<16xf32>
    %add3A_792 = arith.addf %add3A_786, %get3A_791 : vector<16xf32>
    %get3A_793 = arith.constant 19 : i32
    %get3A_794 = arith.index_cast %get3A_793 : i32 to index
    %get3A_795 = arith.constant 16 : index
    %get3A_796 = tpu.vector_load %arg6[%get3A_794, %get3A_795] {strides = array<i32>} : memref<26x128xf32, #tpu.memory_space<vmem>>, vector<1x16xf32>,
    %get3A_797 = vector.shape_cast %get3A_796 : vector<1x16xf32> to vector<16xf32>
    %add3A_798 = arith.addf %add3A_792, %get3A_797 : vector<16xf32>
    %get3A_799 = arith.constant 20 : i32
    %get3A_800 = arith.index_cast %get3A_799 : i32 to index
    %get3A_801 = arith.constant 16 : index
    %get3A_802 = tpu.vector_load %arg6[%get3A_800, %get3A_801] {strides = array<i32>} : memref<26x128xf32, #tpu.memory_space<vmem>>, vector<1x16xf32>,
    %get3A_803 = vector.shape_cast %get3A_802 : vector<1x16xf32> to vector<16xf32>
    %add3A_804 = arith.addf %add3A_798, %get3A_803 : vector<16xf32>
    %get3A_805 = arith.constant 21 : i32
    %get3A_806 = arith.index_cast %get3A_805 : i32 to index
    %get3A_807 = arith.constant 16 : index
    %get3A_808 = tpu.vector_load %arg6[%get3A_806, %get3A_807] {strides = array<i32>} : memref<26x128xf32, #tpu.memory_space<vmem>>, vector<1x16xf32>,
    %get3A_809 = vector.shape_cast %get3A_808 : vector<1x16xf32> to vector<16xf32>
    %add3A_810 = arith.addf %add3A_804, %get3A_809 : vector<16xf32>
    %get3A_811 = arith.constant 22 : i32
    %get3A_812 = arith.index_cast %get3A_811 : i32 to index
    %get3A_813 = arith.constant 16 : index
    %get3A_814 = tpu.vector_load %arg6[%get3A_812, %get3A_813] {strides = array<i32>} : memref<26x128xf32, #tpu.memory_space<vmem>>, vector<1x16xf32>,
    %get3A_815 = vector.shape_cast %get3A_814 : vector<1x16xf32> to vector<16xf32>
    %add3A_816 = arith.addf %add3A_810, %get3A_815 : vector<16xf32>
    %get3A_817 = arith.constant 23 : i32
    %get3A_818 = arith.index_cast %get3A_817 : i32 to index
    %get3A_819 = arith.constant 16 : index
    %get3A_820 = tpu.vector_load %arg6[%get3A_818, %get3A_819] {strides = array<i32>} : memref<26x128xf32, #tpu.memory_space<vmem>>, vector<1x16xf32>,
    %get3A_821 = vector.shape_cast %get3A_820 : vector<1x16xf32> to vector<16xf32>
    %add3A_822 = arith.addf %add3A_816, %get3A_821 : vector<16xf32>
    %get3A_823 = arith.constant 24 : i32
    %get3A_824 = arith.index_cast %get3A_823 : i32 to index
    %get3A_825 = arith.constant 16 : index
    %get3A_826 = tpu.vector_load %arg6[%get3A_824, %get3A_825] {strides = array<i32>} : memref<26x128xf32, #tpu.memory_space<vmem>>, vector<1x16xf32>,
    %get3A_827 = vector.shape_cast %get3A_826 : vector<1x16xf32> to vector<16xf32>
    %add3A_828 = arith.addf %add3A_822, %get3A_827 : vector<16xf32>
    %get3A_829 = arith.constant 25 : i32
    %get3A_830 = arith.index_cast %get3A_829 : i32 to index
    %get3A_831 = arith.constant 16 : index
    %get3A_832 = tpu.vector_load %arg6[%get3A_830, %get3A_831] {strides = array<i32>} : memref<26x128xf32, #tpu.memory_space<vmem>>, vector<1x16xf32>,
    %get3A_833 = vector.shape_cast %get3A_832 : vector<1x16xf32> to vector<16xf32>
    %add3A_834 = arith.addf %add3A_828, %get3A_833 : vector<16xf32>
    %swap3A_835 = arith.constant 16 : index
    %swap3A_836 = tpu.vector_load %arg7[%swap3A_835] {strides = array<i32>} : memref<128xf32, #tpu.memory_space<vmem>>, vector<16xf32>,
    %swap3A_837 = vector.shape_cast %swap3A_836 : vector<16xf32> to vector<16xf32>
    %swap3A_838 = vector.shape_cast %add3A_834 : vector<16xf32> to vector<16xf32>
    tpu.vector_store %arg7[%swap3A_835], %swap3A_838 {strides = array<i32>} : memref<128xf32, #tpu.memory_space<vmem>>, vector<16xf32>,
    %get3A_839 = arith.constant 0 : i32
    %get3A_840 = arith.index_cast %get3A_839 : i32 to index
    %get3A_841 = arith.constant 32 : index
    %get3A_842 = tpu.vector_load %arg6[%get3A_840, %get3A_841] {strides = array<i32>} : memref<26x128xf32, #tpu.memory_space<vmem>>, vector<1x16xf32>,
    %get3A_843 = vector.shape_cast %get3A_842 : vector<1x16xf32> to vector<16xf32>
    %get3A_844 = arith.constant 1 : i32
    %get3A_845 = arith.index_cast %get3A_844 : i32 to index
    %get3A_846 = arith.constant 32 : index
    %get3A_847 = tpu.vector_load %arg6[%get3A_845, %get3A_846] {strides = array<i32>} : memref<26x128xf32, #tpu.memory_space<vmem>>, vector<1x16xf32>,
    %get3A_848 = vector.shape_cast %get3A_847 : vector<1x16xf32> to vector<16xf32>
    %add3A_849 = arith.addf %get3A_843, %get3A_848 : vector<16xf32>
    %get3A_850 = arith.constant 2 : i32
    %get3A_851 = arith.index_cast %get3A_850 : i32 to index
    %get3A_852 = arith.constant 32 : index
    %get3A_853 = tpu.vector_load %arg6[%get3A_851, %get3A_852] {strides = array<i32>} : memref<26x128xf32, #tpu.memory_space<vmem>>, vector<1x16xf32>,
    %get3A_854 = vector.shape_cast %get3A_853 : vector<1x16xf32> to vector<16xf32>
    %add3A_855 = arith.addf %add3A_849, %get3A_854 : vector<16xf32>
    %get3A_856 = arith.constant 3 : i32
    %get3A_857 = arith.index_cast %get3A_856 : i32 to index
    %get3A_858 = arith.constant 32 : index
    %get3A_859 = tpu.vector_load %arg6[%get3A_857, %get3A_858] {strides = array<i32>} : memref<26x128xf32, #tpu.memory_space<vmem>>, vector<1x16xf32>,
    %get3A_860 = vector.shape_cast %get3A_859 : vector<1x16xf32> to vector<16xf32>
    %add3A_861 = arith.addf %add3A_855, %get3A_860 : vector<16xf32>
    %get3A_862 = arith.constant 4 : i32
    %get3A_863 = arith.index_cast %get3A_862 : i32 to index
    %get3A_864 = arith.constant 32 : index
    %get3A_865 = tpu.vector_load %arg6[%get3A_863, %get3A_864] {strides = array<i32>} : memref<26x128xf32, #tpu.memory_space<vmem>>, vector<1x16xf32>,
    %get3A_866 = vector.shape_cast %get3A_865 : vector<1x16xf32> to vector<16xf32>
    %add3A_867 = arith.addf %add3A_861, %get3A_866 : vector<16xf32>
    %get3A_868 = arith.constant 5 : i32
    %get3A_869 = arith.index_cast %get3A_868 : i32 to index
    %get3A_870 = arith.constant 32 : index
    %get3A_871 = tpu.vector_load %arg6[%get3A_869, %get3A_870] {strides = array<i32>} : memref<26x128xf32, #tpu.memory_space<vmem>>, vector<1x16xf32>,
    %get3A_872 = vector.shape_cast %get3A_871 : vector<1x16xf32> to vector<16xf32>
    %add3A_873 = arith.addf %add3A_867, %get3A_872 : vector<16xf32>
    %get3A_874 = arith.constant 6 : i32
    %get3A_875 = arith.index_cast %get3A_874 : i32 to index
    %get3A_876 = arith.constant 32 : index
    %get3A_877 = tpu.vector_load %arg6[%get3A_875, %get3A_876] {strides = array<i32>} : memref<26x128xf32, #tpu.memory_space<vmem>>, vector<1x16xf32>,
    %get3A_878 = vector.shape_cast %get3A_877 : vector<1x16xf32> to vector<16xf32>
    %add3A_879 = arith.addf %add3A_873, %get3A_878 : vector<16xf32>
    %get3A_880 = arith.constant 7 : i32
    %get3A_881 = arith.index_cast %get3A_880 : i32 to index
    %get3A_882 = arith.constant 32 : index
    %get3A_883 = tpu.vector_load %arg6[%get3A_881, %get3A_882] {strides = array<i32>} : memref<26x128xf32, #tpu.memory_space<vmem>>, vector<1x16xf32>,
    %get3A_884 = vector.shape_cast %get3A_883 : vector<1x16xf32> to vector<16xf32>
    %add3A_885 = arith.addf %add3A_879, %get3A_884 : vector<16xf32>
    %get3A_886 = arith.constant 8 : i32
    %get3A_887 = arith.index_cast %get3A_886 : i32 to index
    %get3A_888 = arith.constant 32 : index
    %get3A_889 = tpu.vector_load %arg6[%get3A_887, %get3A_888] {strides = array<i32>} : memref<26x128xf32, #tpu.memory_space<vmem>>, vector<1x16xf32>,
    %get3A_890 = vector.shape_cast %get3A_889 : vector<1x16xf32> to vector<16xf32>
    %add3A_891 = arith.addf %add3A_885, %get3A_890 : vector<16xf32>
    %get3A_892 = arith.constant 9 : i32
    %get3A_893 = arith.index_cast %get3A_892 : i32 to index
    %get3A_894 = arith.constant 32 : index
    %get3A_895 = tpu.vector_load %arg6[%get3A_893, %get3A_894] {strides = array<i32>} : memref<26x128xf32, #tpu.memory_space<vmem>>, vector<1x16xf32>,
    %get3A_896 = vector.shape_cast %get3A_895 : vector<1x16xf32> to vector<16xf32>
    %add3A_897 = arith.addf %add3A_891, %get3A_896 : vector<16xf32>
    %get3A_898 = arith.constant 10 : i32
    %get3A_899 = arith.index_cast %get3A_898 : i32 to index
    %get3A_900 = arith.constant 32 : index
    %get3A_901 = tpu.vector_load %arg6[%get3A_899, %get3A_900] {strides = array<i32>} : memref<26x128xf32, #tpu.memory_space<vmem>>, vector<1x16xf32>,
    %get3A_902 = vector.shape_cast %get3A_901 : vector<1x16xf32> to vector<16xf32>
    %add3A_903 = arith.addf %add3A_897, %get3A_902 : vector<16xf32>
    %get3A_904 = arith.constant 11 : i32
    %get3A_905 = arith.index_cast %get3A_904 : i32 to index
    %get3A_906 = arith.constant 32 : index
    %get3A_907 = tpu.vector_load %arg6[%get3A_905, %get3A_906] {strides = array<i32>} : memref<26x128xf32, #tpu.memory_space<vmem>>, vector<1x16xf32>,
    %get3A_908 = vector.shape_cast %get3A_907 : vector<1x16xf32> to vector<16xf32>
    %add3A_909 = arith.addf %add3A_903, %get3A_908 : vector<16xf32>
    %get3A_910 = arith.constant 12 : i32
    %get3A_911 = arith.index_cast %get3A_910 : i32 to index
    %get3A_912 = arith.constant 32 : index
    %get3A_913 = tpu.vector_load %arg6[%get3A_911, %get3A_912] {strides = array<i32>} : memref<26x128xf32, #tpu.memory_space<vmem>>, vector<1x16xf32>,
    %get3A_914 = vector.shape_cast %get3A_913 : vector<1x16xf32> to vector<16xf32>
    %add3A_915 = arith.addf %add3A_909, %get3A_914 : vector<16xf32>
    %get3A_916 = arith.constant 13 : i32
    %get3A_917 = arith.index_cast %get3A_916 : i32 to index
    %get3A_918 = arith.constant 32 : index
    %get3A_919 = tpu.vector_load %arg6[%get3A_917, %get3A_918] {strides = array<i32>} : memref<26x128xf32, #tpu.memory_space<vmem>>, vector<1x16xf32>,
    %get3A_920 = vector.shape_cast %get3A_919 : vector<1x16xf32> to vector<16xf32>
    %add3A_921 = arith.addf %add3A_915, %get3A_920 : vector<16xf32>
    %get3A_922 = arith.constant 14 : i32
    %get3A_923 = arith.index_cast %get3A_922 : i32 to index
    %get3A_924 = arith.constant 32 : index
    %get3A_925 = tpu.vector_load %arg6[%get3A_923, %get3A_924] {strides = array<i32>} : memref<26x128xf32, #tpu.memory_space<vmem>>, vector<1x16xf32>,
    %get3A_926 = vector.shape_cast %get3A_925 : vector<1x16xf32> to vector<16xf32>
    %add3A_927 = arith.addf %add3A_921, %get3A_926 : vector<16xf32>
    %get3A_928 = arith.constant 15 : i32
    %get3A_929 = arith.index_cast %get3A_928 : i32 to index
    %get3A_930 = arith.constant 32 : index
    %get3A_931 = tpu.vector_load %arg6[%get3A_929, %get3A_930] {strides = array<i32>} : memref<26x128xf32, #tpu.memory_space<vmem>>, vector<1x16xf32>,
    %get3A_932 = vector.shape_cast %get3A_931 : vector<1x16xf32> to vector<16xf32>
    %add3A_933 = arith.addf %add3A_927, %get3A_932 : vector<16xf32>
    %get3A_934 = arith.constant 16 : i32
    %get3A_935 = arith.index_cast %get3A_934 : i32 to index
    %get3A_936 = arith.constant 32 : index
    %get3A_937 = tpu.vector_load %arg6[%get3A_935, %get3A_936] {strides = array<i32>} : memref<26x128xf32, #tpu.memory_space<vmem>>, vector<1x16xf32>,
    %get3A_938 = vector.shape_cast %get3A_937 : vector<1x16xf32> to vector<16xf32>
    %add3A_939 = arith.addf %add3A_933, %get3A_938 : vector<16xf32>
    %get3A_940 = arith.constant 17 : i32
    %get3A_941 = arith.index_cast %get3A_940 : i32 to index
    %get3A_942 = arith.constant 32 : index
    %get3A_943 = tpu.vector_load %arg6[%get3A_941, %get3A_942] {strides = array<i32>} : memref<26x128xf32, #tpu.memory_space<vmem>>, vector<1x16xf32>,
    %get3A_944 = vector.shape_cast %get3A_943 : vector<1x16xf32> to vector<16xf32>
    %add3A_945 = arith.addf %add3A_939, %get3A_944 : vector<16xf32>
    %get3A_946 = arith.constant 18 : i32
    %get3A_947 = arith.index_cast %get3A_946 : i32 to index
    %get3A_948 = arith.constant 32 : index
    %get3A_949 = tpu.vector_load %arg6[%get3A_947, %get3A_948] {strides = array<i32>} : memref<26x128xf32, #tpu.memory_space<vmem>>, vector<1x16xf32>,
    %get3A_950 = vector.shape_cast %get3A_949 : vector<1x16xf32> to vector<16xf32>
    %add3A_951 = arith.addf %add3A_945, %get3A_950 : vector<16xf32>
    %get3A_952 = arith.constant 19 : i32
    %get3A_953 = arith.index_cast %get3A_952 : i32 to index
    %get3A_954 = arith.constant 32 : index
    %get3A_955 = tpu.vector_load %arg6[%get3A_953, %get3A_954] {strides = array<i32>} : memref<26x128xf32, #tpu.memory_space<vmem>>, vector<1x16xf32>,
    %get3A_956 = vector.shape_cast %get3A_955 : vector<1x16xf32> to vector<16xf32>
    %add3A_957 = arith.addf %add3A_951, %get3A_956 : vector<16xf32>
    %get3A_958 = arith.constant 20 : i32
    %get3A_959 = arith.index_cast %get3A_958 : i32 to index
    %get3A_960 = arith.constant 32 : index
    %get3A_961 = tpu.vector_load %arg6[%get3A_959, %get3A_960] {strides = array<i32>} : memref<26x128xf32, #tpu.memory_space<vmem>>, vector<1x16xf32>,
    %get3A_962 = vector.shape_cast %get3A_961 : vector<1x16xf32> to vector<16xf32>
    %add3A_963 = arith.addf %add3A_957, %get3A_962 : vector<16xf32>
    %get3A_964 = arith.constant 21 : i32
    %get3A_965 = arith.index_cast %get3A_964 : i32 to index
    %get3A_966 = arith.constant 32 : index
    %get3A_967 = tpu.vector_load %arg6[%get3A_965, %get3A_966] {strides = array<i32>} : memref<26x128xf32, #tpu.memory_space<vmem>>, vector<1x16xf32>,
    %get3A_968 = vector.shape_cast %get3A_967 : vector<1x16xf32> to vector<16xf32>
    %add3A_969 = arith.addf %add3A_963, %get3A_968 : vector<16xf32>
    %get3A_970 = arith.constant 22 : i32
    %get3A_971 = arith.index_cast %get3A_970 : i32 to index
    %get3A_972 = arith.constant 32 : index
    %get3A_973 = tpu.vector_load %arg6[%get3A_971, %get3A_972] {strides = array<i32>} : memref<26x128xf32, #tpu.memory_space<vmem>>, vector<1x16xf32>,
    %get3A_974 = vector.shape_cast %get3A_973 : vector<1x16xf32> to vector<16xf32>
    %add3A_975 = arith.addf %add3A_969, %get3A_974 : vector<16xf32>
    %get3A_976 = arith.constant 23 : i32
    %get3A_977 = arith.index_cast %get3A_976 : i32 to index
    %get3A_978 = arith.constant 32 : index
    %get3A_979 = tpu.vector_load %arg6[%get3A_977, %get3A_978] {strides = array<i32>} : memref<26x128xf32, #tpu.memory_space<vmem>>, vector<1x16xf32>,
    %get3A_980 = vector.shape_cast %get3A_979 : vector<1x16xf32> to vector<16xf32>
    %add3A_981 = arith.addf %add3A_975, %get3A_980 : vector<16xf32>
    %get3A_982 = arith.constant 24 : i32
    %get3A_983 = arith.index_cast %get3A_982 : i32 to index
    %get3A_984 = arith.constant 32 : index
    %get3A_985 = tpu.vector_load %arg6[%get3A_983, %get3A_984] {strides = array<i32>} : memref<26x128xf32, #tpu.memory_space<vmem>>, vector<1x16xf32>,
    %get3A_986 = vector.shape_cast %get3A_985 : vector<1x16xf32> to vector<16xf32>
    %add3A_987 = arith.addf %add3A_981, %get3A_986 : vector<16xf32>
    %get3A_988 = arith.constant 25 : i32
    %get3A_989 = arith.index_cast %get3A_988 : i32 to index
    %get3A_990 = arith.constant 32 : index
    %get3A_991 = tpu.vector_load %arg6[%get3A_989, %get3A_990] {strides = array<i32>} : memref<26x128xf32, #tpu.memory_space<vmem>>, vector<1x16xf32>,
    %get3A_992 = vector.shape_cast %get3A_991 : vector<1x16xf32> to vector<16xf32>
    %add3A_993 = arith.addf %add3A_987, %get3A_992 : vector<16xf32>
    %swap3A_994 = arith.constant 32 : index
    %swap3A_995 = tpu.vector_load %arg7[%swap3A_994] {strides = array<i32>} : memref<128xf32, #tpu.memory_space<vmem>>, vector<16xf32>,
    %swap3A_996 = vector.shape_cast %swap3A_995 : vector<16xf32> to vector<16xf32>
    %swap3A_997 = vector.shape_cast %add3A_993 : vector<16xf32> to vector<16xf32>
    tpu.vector_store %arg7[%swap3A_994], %swap3A_997 {strides = array<i32>} : memref<128xf32, #tpu.memory_space<vmem>>, vector<16xf32>,
    %get3A_998 = arith.constant 0 : i32
    %get3A_999 = arith.index_cast %get3A_998 : i32 to index
    %get3A_1000 = arith.constant 48 : index
    %get3A_1001 = tpu.vector_load %arg6[%get3A_999, %get3A_1000] {strides = array<i32>} : memref<26x128xf32, #tpu.memory_space<vmem>>, vector<1x16xf32>,
    %get3A_1002 = vector.shape_cast %get3A_1001 : vector<1x16xf32> to vector<16xf32>
    %get3A_1003 = arith.constant 1 : i32
    %get3A_1004 = arith.index_cast %get3A_1003 : i32 to index
    %get3A_1005 = arith.constant 48 : index
    %get3A_1006 = tpu.vector_load %arg6[%get3A_1004, %get3A_1005] {strides = array<i32>} : memref<26x128xf32, #tpu.memory_space<vmem>>, vector<1x16xf32>,
    %get3A_1007 = vector.shape_cast %get3A_1006 : vector<1x16xf32> to vector<16xf32>
    %add3A_1008 = arith.addf %get3A_1002, %get3A_1007 : vector<16xf32>
    %get3A_1009 = arith.constant 2 : i32
    %get3A_1010 = arith.index_cast %get3A_1009 : i32 to index
    %get3A_1011 = arith.constant 48 : index
    %get3A_1012 = tpu.vector_load %arg6[%get3A_1010, %get3A_1011] {strides = array<i32>} : memref<26x128xf32, #tpu.memory_space<vmem>>, vector<1x16xf32>,
    %get3A_1013 = vector.shape_cast %get3A_1012 : vector<1x16xf32> to vector<16xf32>
    %add3A_1014 = arith.addf %add3A_1008, %get3A_1013 : vector<16xf32>
    %get3A_1015 = arith.constant 3 : i32
    %get3A_1016 = arith.index_cast %get3A_1015 : i32 to index
    %get3A_1017 = arith.constant 48 : index
    %get3A_1018 = tpu.vector_load %arg6[%get3A_1016, %get3A_1017] {strides = array<i32>} : memref<26x128xf32, #tpu.memory_space<vmem>>, vector<1x16xf32>,
    %get3A_1019 = vector.shape_cast %get3A_1018 : vector<1x16xf32> to vector<16xf32>
    %add3A_1020 = arith.addf %add3A_1014, %get3A_1019 : vector<16xf32>
    %get3A_1021 = arith.constant 4 : i32
    %get3A_1022 = arith.index_cast %get3A_1021 : i32 to index
    %get3A_1023 = arith.constant 48 : index
    %get3A_1024 = tpu.vector_load %arg6[%get3A_1022, %get3A_1023] {strides = array<i32>} : memref<26x128xf32, #tpu.memory_space<vmem>>, vector<1x16xf32>,
    %get3A_1025 = vector.shape_cast %get3A_1024 : vector<1x16xf32> to vector<16xf32>
    %add3A_1026 = arith.addf %add3A_1020, %get3A_1025 : vector<16xf32>
    %get3A_1027 = arith.constant 5 : i32
    %get3A_1028 = arith.index_cast %get3A_1027 : i32 to index
    %get3A_1029 = arith.constant 48 : index
    %get3A_1030 = tpu.vector_load %arg6[%get3A_1028, %get3A_1029] {strides = array<i32>} : memref<26x128xf32, #tpu.memory_space<vmem>>, vector<1x16xf32>,
    %get3A_1031 = vector.shape_cast %get3A_1030 : vector<1x16xf32> to vector<16xf32>
    %add3A_1032 = arith.addf %add3A_1026, %get3A_1031 : vector<16xf32>
    %get3A_1033 = arith.constant 6 : i32
    %get3A_1034 = arith.index_cast %get3A_1033 : i32 to index
    %get3A_1035 = arith.constant 48 : index
    %get3A_1036 = tpu.vector_load %arg6[%get3A_1034, %get3A_1035] {strides = array<i32>} : memref<26x128xf32, #tpu.memory_space<vmem>>, vector<1x16xf32>,
    %get3A_1037 = vector.shape_cast %get3A_1036 : vector<1x16xf32> to vector<16xf32>
    %add3A_1038 = arith.addf %add3A_1032, %get3A_1037 : vector<16xf32>
    %get3A_1039 = arith.constant 7 : i32
    %get3A_1040 = arith.index_cast %get3A_1039 : i32 to index
    %get3A_1041 = arith.constant 48 : index
    %get3A_1042 = tpu.vector_load %arg6[%get3A_1040, %get3A_1041] {strides = array<i32>} : memref<26x128xf32, #tpu.memory_space<vmem>>, vector<1x16xf32>,
    %get3A_1043 = vector.shape_cast %get3A_1042 : vector<1x16xf32> to vector<16xf32>
    %add3A_1044 = arith.addf %add3A_1038, %get3A_1043 : vector<16xf32>
    %get3A_1045 = arith.constant 8 : i32
    %get3A_1046 = arith.index_cast %get3A_1045 : i32 to index
    %get3A_1047 = arith.constant 48 : index
    %get3A_1048 = tpu.vector_load %arg6[%get3A_1046, %get3A_1047] {strides = array<i32>} : memref<26x128xf32, #tpu.memory_space<vmem>>, vector<1x16xf32>,
    %get3A_1049 = vector.shape_cast %get3A_1048 : vector<1x16xf32> to vector<16xf32>
    %add3A_1050 = arith.addf %add3A_1044, %get3A_1049 : vector<16xf32>
    %get3A_1051 = arith.constant 9 : i32
    %get3A_1052 = arith.index_cast %get3A_1051 : i32 to index
    %get3A_1053 = arith.constant 48 : index
    %get3A_1054 = tpu.vector_load %arg6[%get3A_1052, %get3A_1053] {strides = array<i32>} : memref<26x128xf32, #tpu.memory_space<vmem>>, vector<1x16xf32>,
    %get3A_1055 = vector.shape_cast %get3A_1054 : vector<1x16xf32> to vector<16xf32>
    %add3A_1056 = arith.addf %add3A_1050, %get3A_1055 : vector<16xf32>
    %get3A_1057 = arith.constant 10 : i32
    %get3A_1058 = arith.index_cast %get3A_1057 : i32 to index
    %get3A_1059 = arith.constant 48 : index
    %get3A_1060 = tpu.vector_load %arg6[%get3A_1058, %get3A_1059] {strides = array<i32>} : memref<26x128xf32, #tpu.memory_space<vmem>>, vector<1x16xf32>,
    %get3A_1061 = vector.shape_cast %get3A_1060 : vector<1x16xf32> to vector<16xf32>
    %add3A_1062 = arith.addf %add3A_1056, %get3A_1061 : vector<16xf32>
    %get3A_1063 = arith.constant 11 : i32
    %get3A_1064 = arith.index_cast %get3A_1063 : i32 to index
    %get3A_1065 = arith.constant 48 : index
    %get3A_1066 = tpu.vector_load %arg6[%get3A_1064, %get3A_1065] {strides = array<i32>} : memref<26x128xf32, #tpu.memory_space<vmem>>, vector<1x16xf32>,
    %get3A_1067 = vector.shape_cast %get3A_1066 : vector<1x16xf32> to vector<16xf32>
    %add3A_1068 = arith.addf %add3A_1062, %get3A_1067 : vector<16xf32>
    %get3A_1069 = arith.constant 12 : i32
    %get3A_1070 = arith.index_cast %get3A_1069 : i32 to index
    %get3A_1071 = arith.constant 48 : index
    %get3A_1072 = tpu.vector_load %arg6[%get3A_1070, %get3A_1071] {strides = array<i32>} : memref<26x128xf32, #tpu.memory_space<vmem>>, vector<1x16xf32>,
    %get3A_1073 = vector.shape_cast %get3A_1072 : vector<1x16xf32> to vector<16xf32>
    %add3A_1074 = arith.addf %add3A_1068, %get3A_1073 : vector<16xf32>
    %get3A_1075 = arith.constant 13 : i32
    %get3A_1076 = arith.index_cast %get3A_1075 : i32 to index
    %get3A_1077 = arith.constant 48 : index
    %get3A_1078 = tpu.vector_load %arg6[%get3A_1076, %get3A_1077] {strides = array<i32>} : memref<26x128xf32, #tpu.memory_space<vmem>>, vector<1x16xf32>,
    %get3A_1079 = vector.shape_cast %get3A_1078 : vector<1x16xf32> to vector<16xf32>
    %add3A_1080 = arith.addf %add3A_1074, %get3A_1079 : vector<16xf32>
    %get3A_1081 = arith.constant 14 : i32
    %get3A_1082 = arith.index_cast %get3A_1081 : i32 to index
    %get3A_1083 = arith.constant 48 : index
    %get3A_1084 = tpu.vector_load %arg6[%get3A_1082, %get3A_1083] {strides = array<i32>} : memref<26x128xf32, #tpu.memory_space<vmem>>, vector<1x16xf32>,
    %get3A_1085 = vector.shape_cast %get3A_1084 : vector<1x16xf32> to vector<16xf32>
    %add3A_1086 = arith.addf %add3A_1080, %get3A_1085 : vector<16xf32>
    %get3A_1087 = arith.constant 15 : i32
    %get3A_1088 = arith.index_cast %get3A_1087 : i32 to index
    %get3A_1089 = arith.constant 48 : index
    %get3A_1090 = tpu.vector_load %arg6[%get3A_1088, %get3A_1089] {strides = array<i32>} : memref<26x128xf32, #tpu.memory_space<vmem>>, vector<1x16xf32>,
    %get3A_1091 = vector.shape_cast %get3A_1090 : vector<1x16xf32> to vector<16xf32>
    %add3A_1092 = arith.addf %add3A_1086, %get3A_1091 : vector<16xf32>
    %get3A_1093 = arith.constant 16 : i32
    %get3A_1094 = arith.index_cast %get3A_1093 : i32 to index
    %get3A_1095 = arith.constant 48 : index
    %get3A_1096 = tpu.vector_load %arg6[%get3A_1094, %get3A_1095] {strides = array<i32>} : memref<26x128xf32, #tpu.memory_space<vmem>>, vector<1x16xf32>,
    %get3A_1097 = vector.shape_cast %get3A_1096 : vector<1x16xf32> to vector<16xf32>
    %add3A_1098 = arith.addf %add3A_1092, %get3A_1097 : vector<16xf32>
    %get3A_1099 = arith.constant 17 : i32
    %get3A_1100 = arith.index_cast %get3A_1099 : i32 to index
    %get3A_1101 = arith.constant 48 : index
    %get3A_1102 = tpu.vector_load %arg6[%get3A_1100, %get3A_1101] {strides = array<i32>} : memref<26x128xf32, #tpu.memory_space<vmem>>, vector<1x16xf32>,
    %get3A_1103 = vector.shape_cast %get3A_1102 : vector<1x16xf32> to vector<16xf32>
    %add3A_1104 = arith.addf %add3A_1098, %get3A_1103 : vector<16xf32>
    %get3A_1105 = arith.constant 18 : i32
    %get3A_1106 = arith.index_cast %get3A_1105 : i32 to index
    %get3A_1107 = arith.constant 48 : index
    %get3A_1108 = tpu.vector_load %arg6[%get3A_1106, %get3A_1107] {strides = array<i32>} : memref<26x128xf32, #tpu.memory_space<vmem>>, vector<1x16xf32>,
    %get3A_1109 = vector.shape_cast %get3A_1108 : vector<1x16xf32> to vector<16xf32>
    %add3A_1110 = arith.addf %add3A_1104, %get3A_1109 : vector<16xf32>
    %get3A_1111 = arith.constant 19 : i32
    %get3A_1112 = arith.index_cast %get3A_1111 : i32 to index
    %get3A_1113 = arith.constant 48 : index
    %get3A_1114 = tpu.vector_load %arg6[%get3A_1112, %get3A_1113] {strides = array<i32>} : memref<26x128xf32, #tpu.memory_space<vmem>>, vector<1x16xf32>,
    %get3A_1115 = vector.shape_cast %get3A_1114 : vector<1x16xf32> to vector<16xf32>
    %add3A_1116 = arith.addf %add3A_1110, %get3A_1115 : vector<16xf32>
    %get3A_1117 = arith.constant 20 : i32
    %get3A_1118 = arith.index_cast %get3A_1117 : i32 to index
    %get3A_1119 = arith.constant 48 : index
    %get3A_1120 = tpu.vector_load %arg6[%get3A_1118, %get3A_1119] {strides = array<i32>} : memref<26x128xf32, #tpu.memory_space<vmem>>, vector<1x16xf32>,
    %get3A_1121 = vector.shape_cast %get3A_1120 : vector<1x16xf32> to vector<16xf32>
    %add3A_1122 = arith.addf %add3A_1116, %get3A_1121 : vector<16xf32>
    %get3A_1123 = arith.constant 21 : i32
    %get3A_1124 = arith.index_cast %get3A_1123 : i32 to index
    %get3A_1125 = arith.constant 48 : index
    %get3A_1126 = tpu.vector_load %arg6[%get3A_1124, %get3A_1125] {strides = array<i32>} : memref<26x128xf32, #tpu.memory_space<vmem>>, vector<1x16xf32>,
    %get3A_1127 = vector.shape_cast %get3A_1126 : vector<1x16xf32> to vector<16xf32>
    %add3A_1128 = arith.addf %add3A_1122, %get3A_1127 : vector<16xf32>
    %get3A_1129 = arith.constant 22 : i32
    %get3A_1130 = arith.index_cast %get3A_1129 : i32 to index
    %get3A_1131 = arith.constant 48 : index
    %get3A_1132 = tpu.vector_load %arg6[%get3A_1130, %get3A_1131] {strides = array<i32>} : memref<26x128xf32, #tpu.memory_space<vmem>>, vector<1x16xf32>,
    %get3A_1133 = vector.shape_cast %get3A_1132 : vector<1x16xf32> to vector<16xf32>
    %add3A_1134 = arith.addf %add3A_1128, %get3A_1133 : vector<16xf32>
    %get3A_1135 = arith.constant 23 : i32
    %get3A_1136 = arith.index_cast %get3A_1135 : i32 to index
    %get3A_1137 = arith.constant 48 : index
    %get3A_1138 = tpu.vector_load %arg6[%get3A_1136, %get3A_1137] {strides = array<i32>} : memref<26x128xf32, #tpu.memory_space<vmem>>, vector<1x16xf32>,
    %get3A_1139 = vector.shape_cast %get3A_1138 : vector<1x16xf32> to vector<16xf32>
    %add3A_1140 = arith.addf %add3A_1134, %get3A_1139 : vector<16xf32>
    %get3A_1141 = arith.constant 24 : i32
    %get3A_1142 = arith.index_cast %get3A_1141 : i32 to index
    %get3A_1143 = arith.constant 48 : index
    %get3A_1144 = tpu.vector_load %arg6[%get3A_1142, %get3A_1143] {strides = array<i32>} : memref<26x128xf32, #tpu.memory_space<vmem>>, vector<1x16xf32>,
    %get3A_1145 = vector.shape_cast %get3A_1144 : vector<1x16xf32> to vector<16xf32>
    %add3A_1146 = arith.addf %add3A_1140, %get3A_1145 : vector<16xf32>
    %get3A_1147 = arith.constant 25 : i32
    %get3A_1148 = arith.index_cast %get3A_1147 : i32 to index
    %get3A_1149 = arith.constant 48 : index
    %get3A_1150 = tpu.vector_load %arg6[%get3A_1148, %get3A_1149] {strides = array<i32>} : memref<26x128xf32, #tpu.memory_space<vmem>>, vector<1x16xf32>,
    %get3A_1151 = vector.shape_cast %get3A_1150 : vector<1x16xf32> to vector<16xf32>
    %add3A_1152 = arith.addf %add3A_1146, %get3A_1151 : vector<16xf32>
    %swap3A_1153 = arith.constant 48 : index
    %swap3A_1154 = tpu.vector_load %arg7[%swap3A_1153] {strides = array<i32>} : memref<128xf32, #tpu.memory_space<vmem>>, vector<16xf32>,
    %swap3A_1155 = vector.shape_cast %swap3A_1154 : vector<16xf32> to vector<16xf32>
    %swap3A_1156 = vector.shape_cast %add3A_1152 : vector<16xf32> to vector<16xf32>
    tpu.vector_store %arg7[%swap3A_1153], %swap3A_1156 {strides = array<i32>} : memref<128xf32, #tpu.memory_space<vmem>>, vector<16xf32>,
    %get3A_1157 = arith.constant 0 : i32
    %get3A_1158 = arith.index_cast %get3A_1157 : i32 to index
    %get3A_1159 = arith.constant 64 : index
    %get3A_1160 = tpu.vector_load %arg6[%get3A_1158, %get3A_1159] {strides = array<i32>} : memref<26x128xf32, #tpu.memory_space<vmem>>, vector<1x16xf32>,
    %get3A_1161 = vector.shape_cast %get3A_1160 : vector<1x16xf32> to vector<16xf32>
    %get3A_1162 = arith.constant 1 : i32
    %get3A_1163 = arith.index_cast %get3A_1162 : i32 to index
    %get3A_1164 = arith.constant 64 : index
    %get3A_1165 = tpu.vector_load %arg6[%get3A_1163, %get3A_1164] {strides = array<i32>} : memref<26x128xf32, #tpu.memory_space<vmem>>, vector<1x16xf32>,
    %get3A_1166 = vector.shape_cast %get3A_1165 : vector<1x16xf32> to vector<16xf32>
    %add3A_1167 = arith.addf %get3A_1161, %get3A_1166 : vector<16xf32>
    %get3A_1168 = arith.constant 2 : i32
    %get3A_1169 = arith.index_cast %get3A_1168 : i32 to index
    %get3A_1170 = arith.constant 64 : index
    %get3A_1171 = tpu.vector_load %arg6[%get3A_1169, %get3A_1170] {strides = array<i32>} : memref<26x128xf32, #tpu.memory_space<vmem>>, vector<1x16xf32>,
    %get3A_1172 = vector.shape_cast %get3A_1171 : vector<1x16xf32> to vector<16xf32>
    %add3A_1173 = arith.addf %add3A_1167, %get3A_1172 : vector<16xf32>
    %get3A_1174 = arith.constant 3 : i32
    %get3A_1175 = arith.index_cast %get3A_1174 : i32 to index
    %get3A_1176 = arith.constant 64 : index
    %get3A_1177 = tpu.vector_load %arg6[%get3A_1175, %get3A_1176] {strides = array<i32>} : memref<26x128xf32, #tpu.memory_space<vmem>>, vector<1x16xf32>,
    %get3A_1178 = vector.shape_cast %get3A_1177 : vector<1x16xf32> to vector<16xf32>
    %add3A_1179 = arith.addf %add3A_1173, %get3A_1178 : vector<16xf32>
    %get3A_1180 = arith.constant 4 : i32
    %get3A_1181 = arith.index_cast %get3A_1180 : i32 to index
    %get3A_1182 = arith.constant 64 : index
    %get3A_1183 = tpu.vector_load %arg6[%get3A_1181, %get3A_1182] {strides = array<i32>} : memref<26x128xf32, #tpu.memory_space<vmem>>, vector<1x16xf32>,
    %get3A_1184 = vector.shape_cast %get3A_1183 : vector<1x16xf32> to vector<16xf32>
    %add3A_1185 = arith.addf %add3A_1179, %get3A_1184 : vector<16xf32>
    %get3A_1186 = arith.constant 5 : i32
    %get3A_1187 = arith.index_cast %get3A_1186 : i32 to index
    %get3A_1188 = arith.constant 64 : index
    %get3A_1189 = tpu.vector_load %arg6[%get3A_1187, %get3A_1188] {strides = array<i32>} : memref<26x128xf32, #tpu.memory_space<vmem>>, vector<1x16xf32>,
    %get3A_1190 = vector.shape_cast %get3A_1189 : vector<1x16xf32> to vector<16xf32>
    %add3A_1191 = arith.addf %add3A_1185, %get3A_1190 : vector<16xf32>
    %get3A_1192 = arith.constant 6 : i32
    %get3A_1193 = arith.index_cast %get3A_1192 : i32 to index
    %get3A_1194 = arith.constant 64 : index
    %get3A_1195 = tpu.vector_load %arg6[%get3A_1193, %get3A_1194] {strides = array<i32>} : memref<26x128xf32, #tpu.memory_space<vmem>>, vector<1x16xf32>,
    %get3A_1196 = vector.shape_cast %get3A_1195 : vector<1x16xf32> to vector<16xf32>
    %add3A_1197 = arith.addf %add3A_1191, %get3A_1196 : vector<16xf32>
    %get3A_1198 = arith.constant 7 : i32
    %get3A_1199 = arith.index_cast %get3A_1198 : i32 to index
    %get3A_1200 = arith.constant 64 : index
    %get3A_1201 = tpu.vector_load %arg6[%get3A_1199, %get3A_1200] {strides = array<i32>} : memref<26x128xf32, #tpu.memory_space<vmem>>, vector<1x16xf32>,
    %get3A_1202 = vector.shape_cast %get3A_1201 : vector<1x16xf32> to vector<16xf32>
    %add3A_1203 = arith.addf %add3A_1197, %get3A_1202 : vector<16xf32>
    %get3A_1204 = arith.constant 8 : i32
    %get3A_1205 = arith.index_cast %get3A_1204 : i32 to index
    %get3A_1206 = arith.constant 64 : index
    %get3A_1207 = tpu.vector_load %arg6[%get3A_1205, %get3A_1206] {strides = array<i32>} : memref<26x128xf32, #tpu.memory_space<vmem>>, vector<1x16xf32>,
    %get3A_1208 = vector.shape_cast %get3A_1207 : vector<1x16xf32> to vector<16xf32>
    %add3A_1209 = arith.addf %add3A_1203, %get3A_1208 : vector<16xf32>
    %get3A_1210 = arith.constant 9 : i32
    %get3A_1211 = arith.index_cast %get3A_1210 : i32 to index
    %get3A_1212 = arith.constant 64 : index
    %get3A_1213 = tpu.vector_load %arg6[%get3A_1211, %get3A_1212] {strides = array<i32>} : memref<26x128xf32, #tpu.memory_space<vmem>>, vector<1x16xf32>,
    %get3A_1214 = vector.shape_cast %get3A_1213 : vector<1x16xf32> to vector<16xf32>
    %add3A_1215 = arith.addf %add3A_1209, %get3A_1214 : vector<16xf32>
    %get3A_1216 = arith.constant 10 : i32
    %get3A_1217 = arith.index_cast %get3A_1216 : i32 to index
    %get3A_1218 = arith.constant 64 : index
    %get3A_1219 = tpu.vector_load %arg6[%get3A_1217, %get3A_1218] {strides = array<i32>} : memref<26x128xf32, #tpu.memory_space<vmem>>, vector<1x16xf32>,
    %get3A_1220 = vector.shape_cast %get3A_1219 : vector<1x16xf32> to vector<16xf32>
    %add3A_1221 = arith.addf %add3A_1215, %get3A_1220 : vector<16xf32>
    %get3A_1222 = arith.constant 11 : i32
    %get3A_1223 = arith.index_cast %get3A_1222 : i32 to index
    %get3A_1224 = arith.constant 64 : index
    %get3A_1225 = tpu.vector_load %arg6[%get3A_1223, %get3A_1224] {strides = array<i32>} : memref<26x128xf32, #tpu.memory_space<vmem>>, vector<1x16xf32>,
    %get3A_1226 = vector.shape_cast %get3A_1225 : vector<1x16xf32> to vector<16xf32>
    %add3A_1227 = arith.addf %add3A_1221, %get3A_1226 : vector<16xf32>
    %get3A_1228 = arith.constant 12 : i32
    %get3A_1229 = arith.index_cast %get3A_1228 : i32 to index
    %get3A_1230 = arith.constant 64 : index
    %get3A_1231 = tpu.vector_load %arg6[%get3A_1229, %get3A_1230] {strides = array<i32>} : memref<26x128xf32, #tpu.memory_space<vmem>>, vector<1x16xf32>,
    %get3A_1232 = vector.shape_cast %get3A_1231 : vector<1x16xf32> to vector<16xf32>
    %add3A_1233 = arith.addf %add3A_1227, %get3A_1232 : vector<16xf32>
    %get3A_1234 = arith.constant 13 : i32
    %get3A_1235 = arith.index_cast %get3A_1234 : i32 to index
    %get3A_1236 = arith.constant 64 : index
    %get3A_1237 = tpu.vector_load %arg6[%get3A_1235, %get3A_1236] {strides = array<i32>} : memref<26x128xf32, #tpu.memory_space<vmem>>, vector<1x16xf32>,
    %get3A_1238 = vector.shape_cast %get3A_1237 : vector<1x16xf32> to vector<16xf32>
    %add3A_1239 = arith.addf %add3A_1233, %get3A_1238 : vector<16xf32>
    %get3A_1240 = arith.constant 14 : i32
    %get3A_1241 = arith.index_cast %get3A_1240 : i32 to index
    %get3A_1242 = arith.constant 64 : index
    %get3A_1243 = tpu.vector_load %arg6[%get3A_1241, %get3A_1242] {strides = array<i32>} : memref<26x128xf32, #tpu.memory_space<vmem>>, vector<1x16xf32>,
    %get3A_1244 = vector.shape_cast %get3A_1243 : vector<1x16xf32> to vector<16xf32>
    %add3A_1245 = arith.addf %add3A_1239, %get3A_1244 : vector<16xf32>
    %get3A_1246 = arith.constant 15 : i32
    %get3A_1247 = arith.index_cast %get3A_1246 : i32 to index
    %get3A_1248 = arith.constant 64 : index
    %get3A_1249 = tpu.vector_load %arg6[%get3A_1247, %get3A_1248] {strides = array<i32>} : memref<26x128xf32, #tpu.memory_space<vmem>>, vector<1x16xf32>,
    %get3A_1250 = vector.shape_cast %get3A_1249 : vector<1x16xf32> to vector<16xf32>
    %add3A_1251 = arith.addf %add3A_1245, %get3A_1250 : vector<16xf32>
    %get3A_1252 = arith.constant 16 : i32
    %get3A_1253 = arith.index_cast %get3A_1252 : i32 to index
    %get3A_1254 = arith.constant 64 : index
    %get3A_1255 = tpu.vector_load %arg6[%get3A_1253, %get3A_1254] {strides = array<i32>} : memref<26x128xf32, #tpu.memory_space<vmem>>, vector<1x16xf32>,
    %get3A_1256 = vector.shape_cast %get3A_1255 : vector<1x16xf32> to vector<16xf32>
    %add3A_1257 = arith.addf %add3A_1251, %get3A_1256 : vector<16xf32>
    %get3A_1258 = arith.constant 17 : i32
    %get3A_1259 = arith.index_cast %get3A_1258 : i32 to index
    %get3A_1260 = arith.constant 64 : index
    %get3A_1261 = tpu.vector_load %arg6[%get3A_1259, %get3A_1260] {strides = array<i32>} : memref<26x128xf32, #tpu.memory_space<vmem>>, vector<1x16xf32>,
    %get3A_1262 = vector.shape_cast %get3A_1261 : vector<1x16xf32> to vector<16xf32>
    %add3A_1263 = arith.addf %add3A_1257, %get3A_1262 : vector<16xf32>
    %get3A_1264 = arith.constant 18 : i32
    %get3A_1265 = arith.index_cast %get3A_1264 : i32 to index
    %get3A_1266 = arith.constant 64 : index
    %get3A_1267 = tpu.vector_load %arg6[%get3A_1265, %get3A_1266] {strides = array<i32>} : memref<26x128xf32, #tpu.memory_space<vmem>>, vector<1x16xf32>,
    %get3A_1268 = vector.shape_cast %get3A_1267 : vector<1x16xf32> to vector<16xf32>
    %add3A_1269 = arith.addf %add3A_1263, %get3A_1268 : vector<16xf32>
    %get3A_1270 = arith.constant 19 : i32
    %get3A_1271 = arith.index_cast %get3A_1270 : i32 to index
    %get3A_1272 = arith.constant 64 : index
    %get3A_1273 = tpu.vector_load %arg6[%get3A_1271, %get3A_1272] {strides = array<i32>} : memref<26x128xf32, #tpu.memory_space<vmem>>, vector<1x16xf32>,
    %get3A_1274 = vector.shape_cast %get3A_1273 : vector<1x16xf32> to vector<16xf32>
    %add3A_1275 = arith.addf %add3A_1269, %get3A_1274 : vector<16xf32>
    %get3A_1276 = arith.constant 20 : i32
    %get3A_1277 = arith.index_cast %get3A_1276 : i32 to index
    %get3A_1278 = arith.constant 64 : index
    %get3A_1279 = tpu.vector_load %arg6[%get3A_1277, %get3A_1278] {strides = array<i32>} : memref<26x128xf32, #tpu.memory_space<vmem>>, vector<1x16xf32>,
    %get3A_1280 = vector.shape_cast %get3A_1279 : vector<1x16xf32> to vector<16xf32>
    %add3A_1281 = arith.addf %add3A_1275, %get3A_1280 : vector<16xf32>
    %get3A_1282 = arith.constant 21 : i32
    %get3A_1283 = arith.index_cast %get3A_1282 : i32 to index
    %get3A_1284 = arith.constant 64 : index
    %get3A_1285 = tpu.vector_load %arg6[%get3A_1283, %get3A_1284] {strides = array<i32>} : memref<26x128xf32, #tpu.memory_space<vmem>>, vector<1x16xf32>,
    %get3A_1286 = vector.shape_cast %get3A_1285 : vector<1x16xf32> to vector<16xf32>
    %add3A_1287 = arith.addf %add3A_1281, %get3A_1286 : vector<16xf32>
    %get3A_1288 = arith.constant 22 : i32
    %get3A_1289 = arith.index_cast %get3A_1288 : i32 to index
    %get3A_1290 = arith.constant 64 : index
    %get3A_1291 = tpu.vector_load %arg6[%get3A_1289, %get3A_1290] {strides = array<i32>} : memref<26x128xf32, #tpu.memory_space<vmem>>, vector<1x16xf32>,
    %get3A_1292 = vector.shape_cast %get3A_1291 : vector<1x16xf32> to vector<16xf32>
    %add3A_1293 = arith.addf %add3A_1287, %get3A_1292 : vector<16xf32>
    %get3A_1294 = arith.constant 23 : i32
    %get3A_1295 = arith.index_cast %get3A_1294 : i32 to index
    %get3A_1296 = arith.constant 64 : index
    %get3A_1297 = tpu.vector_load %arg6[%get3A_1295, %get3A_1296] {strides = array<i32>} : memref<26x128xf32, #tpu.memory_space<vmem>>, vector<1x16xf32>,
    %get3A_1298 = vector.shape_cast %get3A_1297 : vector<1x16xf32> to vector<16xf32>
    %add3A_1299 = arith.addf %add3A_1293, %get3A_1298 : vector<16xf32>
    %get3A_1300 = arith.constant 24 : i32
    %get3A_1301 = arith.index_cast %get3A_1300 : i32 to index
    %get3A_1302 = arith.constant 64 : index
    %get3A_1303 = tpu.vector_load %arg6[%get3A_1301, %get3A_1302] {strides = array<i32>} : memref<26x128xf32, #tpu.memory_space<vmem>>, vector<1x16xf32>,
    %get3A_1304 = vector.shape_cast %get3A_1303 : vector<1x16xf32> to vector<16xf32>
    %add3A_1305 = arith.addf %add3A_1299, %get3A_1304 : vector<16xf32>
    %get3A_1306 = arith.constant 25 : i32
    %get3A_1307 = arith.index_cast %get3A_1306 : i32 to index
    %get3A_1308 = arith.constant 64 : index
    %get3A_1309 = tpu.vector_load %arg6[%get3A_1307, %get3A_1308] {strides = array<i32>} : memref<26x128xf32, #tpu.memory_space<vmem>>, vector<1x16xf32>,
    %get3A_1310 = vector.shape_cast %get3A_1309 : vector<1x16xf32> to vector<16xf32>
    %add3A_1311 = arith.addf %add3A_1305, %get3A_1310 : vector<16xf32>
    %swap3A_1312 = arith.constant 64 : index
    %swap3A_1313 = tpu.vector_load %arg7[%swap3A_1312] {strides = array<i32>} : memref<128xf32, #tpu.memory_space<vmem>>, vector<16xf32>,
    %swap3A_1314 = vector.shape_cast %swap3A_1313 : vector<16xf32> to vector<16xf32>
    %swap3A_1315 = vector.shape_cast %add3A_1311 : vector<16xf32> to vector<16xf32>
    tpu.vector_store %arg7[%swap3A_1312], %swap3A_1315 {strides = array<i32>} : memref<128xf32, #tpu.memory_space<vmem>>, vector<16xf32>,
    %get3A_1316 = arith.constant 0 : i32
    %get3A_1317 = arith.index_cast %get3A_1316 : i32 to index
    %get3A_1318 = arith.constant 80 : index
    %get3A_1319 = tpu.vector_load %arg6[%get3A_1317, %get3A_1318] {strides = array<i32>} : memref<26x128xf32, #tpu.memory_space<vmem>>, vector<1x16xf32>,
    %get3A_1320 = vector.shape_cast %get3A_1319 : vector<1x16xf32> to vector<16xf32>
    %get3A_1321 = arith.constant 1 : i32
    %get3A_1322 = arith.index_cast %get3A_1321 : i32 to index
    %get3A_1323 = arith.constant 80 : index
    %get3A_1324 = tpu.vector_load %arg6[%get3A_1322, %get3A_1323] {strides = array<i32>} : memref<26x128xf32, #tpu.memory_space<vmem>>, vector<1x16xf32>,
    %get3A_1325 = vector.shape_cast %get3A_1324 : vector<1x16xf32> to vector<16xf32>
    %add3A_1326 = arith.addf %get3A_1320, %get3A_1325 : vector<16xf32>
    %get3A_1327 = arith.constant 2 : i32
    %get3A_1328 = arith.index_cast %get3A_1327 : i32 to index
    %get3A_1329 = arith.constant 80 : index
    %get3A_1330 = tpu.vector_load %arg6[%get3A_1328, %get3A_1329] {strides = array<i32>} : memref<26x128xf32, #tpu.memory_space<vmem>>, vector<1x16xf32>,
    %get3A_1331 = vector.shape_cast %get3A_1330 : vector<1x16xf32> to vector<16xf32>
    %add3A_1332 = arith.addf %add3A_1326, %get3A_1331 : vector<16xf32>
    %get3A_1333 = arith.constant 3 : i32
    %get3A_1334 = arith.index_cast %get3A_1333 : i32 to index
    %get3A_1335 = arith.constant 80 : index
    %get3A_1336 = tpu.vector_load %arg6[%get3A_1334, %get3A_1335] {strides = array<i32>} : memref<26x128xf32, #tpu.memory_space<vmem>>, vector<1x16xf32>,
    %get3A_1337 = vector.shape_cast %get3A_1336 : vector<1x16xf32> to vector<16xf32>
    %add3A_1338 = arith.addf %add3A_1332, %get3A_1337 : vector<16xf32>
    %get3A_1339 = arith.constant 4 : i32
    %get3A_1340 = arith.index_cast %get3A_1339 : i32 to index
    %get3A_1341 = arith.constant 80 : index
    %get3A_1342 = tpu.vector_load %arg6[%get3A_1340, %get3A_1341] {strides = array<i32>} : memref<26x128xf32, #tpu.memory_space<vmem>>, vector<1x16xf32>,
    %get3A_1343 = vector.shape_cast %get3A_1342 : vector<1x16xf32> to vector<16xf32>
    %add3A_1344 = arith.addf %add3A_1338, %get3A_1343 : vector<16xf32>
    %get3A_1345 = arith.constant 5 : i32
    %get3A_1346 = arith.index_cast %get3A_1345 : i32 to index
    %get3A_1347 = arith.constant 80 : index
    %get3A_1348 = tpu.vector_load %arg6[%get3A_1346, %get3A_1347] {strides = array<i32>} : memref<26x128xf32, #tpu.memory_space<vmem>>, vector<1x16xf32>,
    %get3A_1349 = vector.shape_cast %get3A_1348 : vector<1x16xf32> to vector<16xf32>
    %add3A_1350 = arith.addf %add3A_1344, %get3A_1349 : vector<16xf32>
    %get3A_1351 = arith.constant 6 : i32
    %get3A_1352 = arith.index_cast %get3A_1351 : i32 to index
    %get3A_1353 = arith.constant 80 : index
    %get3A_1354 = tpu.vector_load %arg6[%get3A_1352, %get3A_1353] {strides = array<i32>} : memref<26x128xf32, #tpu.memory_space<vmem>>, vector<1x16xf32>,
    %get3A_1355 = vector.shape_cast %get3A_1354 : vector<1x16xf32> to vector<16xf32>
    %add3A_1356 = arith.addf %add3A_1350, %get3A_1355 : vector<16xf32>
    %get3A_1357 = arith.constant 7 : i32
    %get3A_1358 = arith.index_cast %get3A_1357 : i32 to index
    %get3A_1359 = arith.constant 80 : index
    %get3A_1360 = tpu.vector_load %arg6[%get3A_1358, %get3A_1359] {strides = array<i32>} : memref<26x128xf32, #tpu.memory_space<vmem>>, vector<1x16xf32>,
    %get3A_1361 = vector.shape_cast %get3A_1360 : vector<1x16xf32> to vector<16xf32>
    %add3A_1362 = arith.addf %add3A_1356, %get3A_1361 : vector<16xf32>
    %get3A_1363 = arith.constant 8 : i32
    %get3A_1364 = arith.index_cast %get3A_1363 : i32 to index
    %get3A_1365 = arith.constant 80 : index
    %get3A_1366 = tpu.vector_load %arg6[%get3A_1364, %get3A_1365] {strides = array<i32>} : memref<26x128xf32, #tpu.memory_space<vmem>>, vector<1x16xf32>,
    %get3A_1367 = vector.shape_cast %get3A_1366 : vector<1x16xf32> to vector<16xf32>
    %add3A_1368 = arith.addf %add3A_1362, %get3A_1367 : vector<16xf32>
    %get3A_1369 = arith.constant 9 : i32
    %get3A_1370 = arith.index_cast %get3A_1369 : i32 to index
    %get3A_1371 = arith.constant 80 : index
    %get3A_1372 = tpu.vector_load %arg6[%get3A_1370, %get3A_1371] {strides = array<i32>} : memref<26x128xf32, #tpu.memory_space<vmem>>, vector<1x16xf32>,
    %get3A_1373 = vector.shape_cast %get3A_1372 : vector<1x16xf32> to vector<16xf32>
    %add3A_1374 = arith.addf %add3A_1368, %get3A_1373 : vector<16xf32>
    %get3A_1375 = arith.constant 10 : i32
    %get3A_1376 = arith.index_cast %get3A_1375 : i32 to index
    %get3A_1377 = arith.constant 80 : index
    %get3A_1378 = tpu.vector_load %arg6[%get3A_1376, %get3A_1377] {strides = array<i32>} : memref<26x128xf32, #tpu.memory_space<vmem>>, vector<1x16xf32>,
    %get3A_1379 = vector.shape_cast %get3A_1378 : vector<1x16xf32> to vector<16xf32>
    %add3A_1380 = arith.addf %add3A_1374, %get3A_1379 : vector<16xf32>
    %get3A_1381 = arith.constant 11 : i32
    %get3A_1382 = arith.index_cast %get3A_1381 : i32 to index
    %get3A_1383 = arith.constant 80 : index
    %get3A_1384 = tpu.vector_load %arg6[%get3A_1382, %get3A_1383] {strides = array<i32>} : memref<26x128xf32, #tpu.memory_space<vmem>>, vector<1x16xf32>,
    %get3A_1385 = vector.shape_cast %get3A_1384 : vector<1x16xf32> to vector<16xf32>
    %add3A_1386 = arith.addf %add3A_1380, %get3A_1385 : vector<16xf32>
    %get3A_1387 = arith.constant 12 : i32
    %get3A_1388 = arith.index_cast %get3A_1387 : i32 to index
    %get3A_1389 = arith.constant 80 : index
    %get3A_1390 = tpu.vector_load %arg6[%get3A_1388, %get3A_1389] {strides = array<i32>} : memref<26x128xf32, #tpu.memory_space<vmem>>, vector<1x16xf32>,
    %get3A_1391 = vector.shape_cast %get3A_1390 : vector<1x16xf32> to vector<16xf32>
    %add3A_1392 = arith.addf %add3A_1386, %get3A_1391 : vector<16xf32>
    %get3A_1393 = arith.constant 13 : i32
    %get3A_1394 = arith.index_cast %get3A_1393 : i32 to index
    %get3A_1395 = arith.constant 80 : index
    %get3A_1396 = tpu.vector_load %arg6[%get3A_1394, %get3A_1395] {strides = array<i32>} : memref<26x128xf32, #tpu.memory_space<vmem>>, vector<1x16xf32>,
    %get3A_1397 = vector.shape_cast %get3A_1396 : vector<1x16xf32> to vector<16xf32>
    %add3A_1398 = arith.addf %add3A_1392, %get3A_1397 : vector<16xf32>
    %get3A_1399 = arith.constant 14 : i32
    %get3A_1400 = arith.index_cast %get3A_1399 : i32 to index
    %get3A_1401 = arith.constant 80 : index
    %get3A_1402 = tpu.vector_load %arg6[%get3A_1400, %get3A_1401] {strides = array<i32>} : memref<26x128xf32, #tpu.memory_space<vmem>>, vector<1x16xf32>,
    %get3A_1403 = vector.shape_cast %get3A_1402 : vector<1x16xf32> to vector<16xf32>
    %add3A_1404 = arith.addf %add3A_1398, %get3A_1403 : vector<16xf32>
    %get3A_1405 = arith.constant 15 : i32
    %get3A_1406 = arith.index_cast %get3A_1405 : i32 to index
    %get3A_1407 = arith.constant 80 : index
    %get3A_1408 = tpu.vector_load %arg6[%get3A_1406, %get3A_1407] {strides = array<i32>} : memref<26x128xf32, #tpu.memory_space<vmem>>, vector<1x16xf32>,
    %get3A_1409 = vector.shape_cast %get3A_1408 : vector<1x16xf32> to vector<16xf32>
    %add3A_1410 = arith.addf %add3A_1404, %get3A_1409 : vector<16xf32>
    %get3A_1411 = arith.constant 16 : i32
    %get3A_1412 = arith.index_cast %get3A_1411 : i32 to index
    %get3A_1413 = arith.constant 80 : index
    %get3A_1414 = tpu.vector_load %arg6[%get3A_1412, %get3A_1413] {strides = array<i32>} : memref<26x128xf32, #tpu.memory_space<vmem>>, vector<1x16xf32>,
    %get3A_1415 = vector.shape_cast %get3A_1414 : vector<1x16xf32> to vector<16xf32>
    %add3A_1416 = arith.addf %add3A_1410, %get3A_1415 : vector<16xf32>
    %get3A_1417 = arith.constant 17 : i32
    %get3A_1418 = arith.index_cast %get3A_1417 : i32 to index
    %get3A_1419 = arith.constant 80 : index
    %get3A_1420 = tpu.vector_load %arg6[%get3A_1418, %get3A_1419] {strides = array<i32>} : memref<26x128xf32, #tpu.memory_space<vmem>>, vector<1x16xf32>,
    %get3A_1421 = vector.shape_cast %get3A_1420 : vector<1x16xf32> to vector<16xf32>
    %add3A_1422 = arith.addf %add3A_1416, %get3A_1421 : vector<16xf32>
    %get3A_1423 = arith.constant 18 : i32
    %get3A_1424 = arith.index_cast %get3A_1423 : i32 to index
    %get3A_1425 = arith.constant 80 : index
    %get3A_1426 = tpu.vector_load %arg6[%get3A_1424, %get3A_1425] {strides = array<i32>} : memref<26x128xf32, #tpu.memory_space<vmem>>, vector<1x16xf32>,
    %get3A_1427 = vector.shape_cast %get3A_1426 : vector<1x16xf32> to vector<16xf32>
    %add3A_1428 = arith.addf %add3A_1422, %get3A_1427 : vector<16xf32>
    %get3A_1429 = arith.constant 19 : i32
    %get3A_1430 = arith.index_cast %get3A_1429 : i32 to index
    %get3A_1431 = arith.constant 80 : index
    %get3A_1432 = tpu.vector_load %arg6[%get3A_1430, %get3A_1431] {strides = array<i32>} : memref<26x128xf32, #tpu.memory_space<vmem>>, vector<1x16xf32>,
    %get3A_1433 = vector.shape_cast %get3A_1432 : vector<1x16xf32> to vector<16xf32>
    %add3A_1434 = arith.addf %add3A_1428, %get3A_1433 : vector<16xf32>
    %get3A_1435 = arith.constant 20 : i32
    %get3A_1436 = arith.index_cast %get3A_1435 : i32 to index
    %get3A_1437 = arith.constant 80 : index
    %get3A_1438 = tpu.vector_load %arg6[%get3A_1436, %get3A_1437] {strides = array<i32>} : memref<26x128xf32, #tpu.memory_space<vmem>>, vector<1x16xf32>,
    %get3A_1439 = vector.shape_cast %get3A_1438 : vector<1x16xf32> to vector<16xf32>
    %add3A_1440 = arith.addf %add3A_1434, %get3A_1439 : vector<16xf32>
    %get3A_1441 = arith.constant 21 : i32
    %get3A_1442 = arith.index_cast %get3A_1441 : i32 to index
    %get3A_1443 = arith.constant 80 : index
    %get3A_1444 = tpu.vector_load %arg6[%get3A_1442, %get3A_1443] {strides = array<i32>} : memref<26x128xf32, #tpu.memory_space<vmem>>, vector<1x16xf32>,
    %get3A_1445 = vector.shape_cast %get3A_1444 : vector<1x16xf32> to vector<16xf32>
    %add3A_1446 = arith.addf %add3A_1440, %get3A_1445 : vector<16xf32>
    %get3A_1447 = arith.constant 22 : i32
    %get3A_1448 = arith.index_cast %get3A_1447 : i32 to index
    %get3A_1449 = arith.constant 80 : index
    %get3A_1450 = tpu.vector_load %arg6[%get3A_1448, %get3A_1449] {strides = array<i32>} : memref<26x128xf32, #tpu.memory_space<vmem>>, vector<1x16xf32>,
    %get3A_1451 = vector.shape_cast %get3A_1450 : vector<1x16xf32> to vector<16xf32>
    %add3A_1452 = arith.addf %add3A_1446, %get3A_1451 : vector<16xf32>
    %get3A_1453 = arith.constant 23 : i32
    %get3A_1454 = arith.index_cast %get3A_1453 : i32 to index
    %get3A_1455 = arith.constant 80 : index
    %get3A_1456 = tpu.vector_load %arg6[%get3A_1454, %get3A_1455] {strides = array<i32>} : memref<26x128xf32, #tpu.memory_space<vmem>>, vector<1x16xf32>,
    %get3A_1457 = vector.shape_cast %get3A_1456 : vector<1x16xf32> to vector<16xf32>
    %add3A_1458 = arith.addf %add3A_1452, %get3A_1457 : vector<16xf32>
    %get3A_1459 = arith.constant 24 : i32
    %get3A_1460 = arith.index_cast %get3A_1459 : i32 to index
    %get3A_1461 = arith.constant 80 : index
    %get3A_1462 = tpu.vector_load %arg6[%get3A_1460, %get3A_1461] {strides = array<i32>} : memref<26x128xf32, #tpu.memory_space<vmem>>, vector<1x16xf32>,
    %get3A_1463 = vector.shape_cast %get3A_1462 : vector<1x16xf32> to vector<16xf32>
    %add3A_1464 = arith.addf %add3A_1458, %get3A_1463 : vector<16xf32>
    %get3A_1465 = arith.constant 25 : i32
    %get3A_1466 = arith.index_cast %get3A_1465 : i32 to index
    %get3A_1467 = arith.constant 80 : index
    %get3A_1468 = tpu.vector_load %arg6[%get3A_1466, %get3A_1467] {strides = array<i32>} : memref<26x128xf32, #tpu.memory_space<vmem>>, vector<1x16xf32>,
    %get3A_1469 = vector.shape_cast %get3A_1468 : vector<1x16xf32> to vector<16xf32>
    %add3A_1470 = arith.addf %add3A_1464, %get3A_1469 : vector<16xf32>
    %swap3A_1471 = arith.constant 80 : index
    %swap3A_1472 = tpu.vector_load %arg7[%swap3A_1471] {strides = array<i32>} : memref<128xf32, #tpu.memory_space<vmem>>, vector<16xf32>,
    %swap3A_1473 = vector.shape_cast %swap3A_1472 : vector<16xf32> to vector<16xf32>
    %swap3A_1474 = vector.shape_cast %add3A_1470 : vector<16xf32> to vector<16xf32>
    tpu.vector_store %arg7[%swap3A_1471], %swap3A_1474 {strides = array<i32>} : memref<128xf32, #tpu.memory_space<vmem>>, vector<16xf32>,
    %get3A_1475 = arith.constant 0 : i32
    %get3A_1476 = arith.index_cast %get3A_1475 : i32 to index
    %get3A_1477 = arith.constant 96 : index
    %get3A_1478 = tpu.vector_load %arg6[%get3A_1476, %get3A_1477] {strides = array<i32>} : memref<26x128xf32, #tpu.memory_space<vmem>>, vector<1x16xf32>,
    %get3A_1479 = vector.shape_cast %get3A_1478 : vector<1x16xf32> to vector<16xf32>
    %get3A_1480 = arith.constant 1 : i32
    %get3A_1481 = arith.index_cast %get3A_1480 : i32 to index
    %get3A_1482 = arith.constant 96 : index
    %get3A_1483 = tpu.vector_load %arg6[%get3A_1481, %get3A_1482] {strides = array<i32>} : memref<26x128xf32, #tpu.memory_space<vmem>>, vector<1x16xf32>,
    %get3A_1484 = vector.shape_cast %get3A_1483 : vector<1x16xf32> to vector<16xf32>
    %add3A_1485 = arith.addf %get3A_1479, %get3A_1484 : vector<16xf32>
    %get3A_1486 = arith.constant 2 : i32
    %get3A_1487 = arith.index_cast %get3A_1486 : i32 to index
    %get3A_1488 = arith.constant 96 : index
    %get3A_1489 = tpu.vector_load %arg6[%get3A_1487, %get3A_1488] {strides = array<i32>} : memref<26x128xf32, #tpu.memory_space<vmem>>, vector<1x16xf32>,
    %get3A_1490 = vector.shape_cast %get3A_1489 : vector<1x16xf32> to vector<16xf32>
    %add3A_1491 = arith.addf %add3A_1485, %get3A_1490 : vector<16xf32>
    %get3A_1492 = arith.constant 3 : i32
    %get3A_1493 = arith.index_cast %get3A_1492 : i32 to index
    %get3A_1494 = arith.constant 96 : index
    %get3A_1495 = tpu.vector_load %arg6[%get3A_1493, %get3A_1494] {strides = array<i32>} : memref<26x128xf32, #tpu.memory_space<vmem>>, vector<1x16xf32>,
    %get3A_1496 = vector.shape_cast %get3A_1495 : vector<1x16xf32> to vector<16xf32>
    %add3A_1497 = arith.addf %add3A_1491, %get3A_1496 : vector<16xf32>
    %get3A_1498 = arith.constant 4 : i32
    %get3A_1499 = arith.index_cast %get3A_1498 : i32 to index
    %get3A_1500 = arith.constant 96 : index
    %get3A_1501 = tpu.vector_load %arg6[%get3A_1499, %get3A_1500] {strides = array<i32>} : memref<26x128xf32, #tpu.memory_space<vmem>>, vector<1x16xf32>,
    %get3A_1502 = vector.shape_cast %get3A_1501 : vector<1x16xf32> to vector<16xf32>
    %add3A_1503 = arith.addf %add3A_1497, %get3A_1502 : vector<16xf32>
    %get3A_1504 = arith.constant 5 : i32
    %get3A_1505 = arith.index_cast %get3A_1504 : i32 to index
    %get3A_1506 = arith.constant 96 : index
    %get3A_1507 = tpu.vector_load %arg6[%get3A_1505, %get3A_1506] {strides = array<i32>} : memref<26x128xf32, #tpu.memory_space<vmem>>, vector<1x16xf32>,
    %get3A_1508 = vector.shape_cast %get3A_1507 : vector<1x16xf32> to vector<16xf32>
    %add3A_1509 = arith.addf %add3A_1503, %get3A_1508 : vector<16xf32>
    %get3A_1510 = arith.constant 6 : i32
    %get3A_1511 = arith.index_cast %get3A_1510 : i32 to index
    %get3A_1512 = arith.constant 96 : index
    %get3A_1513 = tpu.vector_load %arg6[%get3A_1511, %get3A_1512] {strides = array<i32>} : memref<26x128xf32, #tpu.memory_space<vmem>>, vector<1x16xf32>,
    %get3A_1514 = vector.shape_cast %get3A_1513 : vector<1x16xf32> to vector<16xf32>
    %add3A_1515 = arith.addf %add3A_1509, %get3A_1514 : vector<16xf32>
    %get3A_1516 = arith.constant 7 : i32
    %get3A_1517 = arith.index_cast %get3A_1516 : i32 to index
    %get3A_1518 = arith.constant 96 : index
    %get3A_1519 = tpu.vector_load %arg6[%get3A_1517, %get3A_1518] {strides = array<i32>} : memref<26x128xf32, #tpu.memory_space<vmem>>, vector<1x16xf32>,
    %get3A_1520 = vector.shape_cast %get3A_1519 : vector<1x16xf32> to vector<16xf32>
    %add3A_1521 = arith.addf %add3A_1515, %get3A_1520 : vector<16xf32>
    %get3A_1522 = arith.constant 8 : i32
    %get3A_1523 = arith.index_cast %get3A_1522 : i32 to index
    %get3A_1524 = arith.constant 96 : index
    %get3A_1525 = tpu.vector_load %arg6[%get3A_1523, %get3A_1524] {strides = array<i32>} : memref<26x128xf32, #tpu.memory_space<vmem>>, vector<1x16xf32>,
    %get3A_1526 = vector.shape_cast %get3A_1525 : vector<1x16xf32> to vector<16xf32>
    %add3A_1527 = arith.addf %add3A_1521, %get3A_1526 : vector<16xf32>
    %get3A_1528 = arith.constant 9 : i32
    %get3A_1529 = arith.index_cast %get3A_1528 : i32 to index
    %get3A_1530 = arith.constant 96 : index
    %get3A_1531 = tpu.vector_load %arg6[%get3A_1529, %get3A_1530] {strides = array<i32>} : memref<26x128xf32, #tpu.memory_space<vmem>>, vector<1x16xf32>,
    %get3A_1532 = vector.shape_cast %get3A_1531 : vector<1x16xf32> to vector<16xf32>
    %add3A_1533 = arith.addf %add3A_1527, %get3A_1532 : vector<16xf32>
    %get3A_1534 = arith.constant 10 : i32
    %get3A_1535 = arith.index_cast %get3A_1534 : i32 to index
    %get3A_1536 = arith.constant 96 : index
    %get3A_1537 = tpu.vector_load %arg6[%get3A_1535, %get3A_1536] {strides = array<i32>} : memref<26x128xf32, #tpu.memory_space<vmem>>, vector<1x16xf32>,
    %get3A_1538 = vector.shape_cast %get3A_1537 : vector<1x16xf32> to vector<16xf32>
    %add3A_1539 = arith.addf %add3A_1533, %get3A_1538 : vector<16xf32>
    %get3A_1540 = arith.constant 11 : i32
    %get3A_1541 = arith.index_cast %get3A_1540 : i32 to index
    %get3A_1542 = arith.constant 96 : index
    %get3A_1543 = tpu.vector_load %arg6[%get3A_1541, %get3A_1542] {strides = array<i32>} : memref<26x128xf32, #tpu.memory_space<vmem>>, vector<1x16xf32>,
    %get3A_1544 = vector.shape_cast %get3A_1543 : vector<1x16xf32> to vector<16xf32>
    %add3A_1545 = arith.addf %add3A_1539, %get3A_1544 : vector<16xf32>
    %get3A_1546 = arith.constant 12 : i32
    %get3A_1547 = arith.index_cast %get3A_1546 : i32 to index
    %get3A_1548 = arith.constant 96 : index
    %get3A_1549 = tpu.vector_load %arg6[%get3A_1547, %get3A_1548] {strides = array<i32>} : memref<26x128xf32, #tpu.memory_space<vmem>>, vector<1x16xf32>,
    %get3A_1550 = vector.shape_cast %get3A_1549 : vector<1x16xf32> to vector<16xf32>
    %add3A_1551 = arith.addf %add3A_1545, %get3A_1550 : vector<16xf32>
    %get3A_1552 = arith.constant 13 : i32
    %get3A_1553 = arith.index_cast %get3A_1552 : i32 to index
    %get3A_1554 = arith.constant 96 : index
    %get3A_1555 = tpu.vector_load %arg6[%get3A_1553, %get3A_1554] {strides = array<i32>} : memref<26x128xf32, #tpu.memory_space<vmem>>, vector<1x16xf32>,
    %get3A_1556 = vector.shape_cast %get3A_1555 : vector<1x16xf32> to vector<16xf32>
    %add3A_1557 = arith.addf %add3A_1551, %get3A_1556 : vector<16xf32>
    %get3A_1558 = arith.constant 14 : i32
    %get3A_1559 = arith.index_cast %get3A_1558 : i32 to index
    %get3A_1560 = arith.constant 96 : index
    %get3A_1561 = tpu.vector_load %arg6[%get3A_1559, %get3A_1560] {strides = array<i32>} : memref<26x128xf32, #tpu.memory_space<vmem>>, vector<1x16xf32>,
    %get3A_1562 = vector.shape_cast %get3A_1561 : vector<1x16xf32> to vector<16xf32>
    %add3A_1563 = arith.addf %add3A_1557, %get3A_1562 : vector<16xf32>
    %get3A_1564 = arith.constant 15 : i32
    %get3A_1565 = arith.index_cast %get3A_1564 : i32 to index
    %get3A_1566 = arith.constant 96 : index
    %get3A_1567 = tpu.vector_load %arg6[%get3A_1565, %get3A_1566] {strides = array<i32>} : memref<26x128xf32, #tpu.memory_space<vmem>>, vector<1x16xf32>,
    %get3A_1568 = vector.shape_cast %get3A_1567 : vector<1x16xf32> to vector<16xf32>
    %add3A_1569 = arith.addf %add3A_1563, %get3A_1568 : vector<16xf32>
    %get3A_1570 = arith.constant 16 : i32
    %get3A_1571 = arith.index_cast %get3A_1570 : i32 to index
    %get3A_1572 = arith.constant 96 : index
    %get3A_1573 = tpu.vector_load %arg6[%get3A_1571, %get3A_1572] {strides = array<i32>} : memref<26x128xf32, #tpu.memory_space<vmem>>, vector<1x16xf32>,
    %get3A_1574 = vector.shape_cast %get3A_1573 : vector<1x16xf32> to vector<16xf32>
    %add3A_1575 = arith.addf %add3A_1569, %get3A_1574 : vector<16xf32>
    %get3A_1576 = arith.constant 17 : i32
    %get3A_1577 = arith.index_cast %get3A_1576 : i32 to index
    %get3A_1578 = arith.constant 96 : index
    %get3A_1579 = tpu.vector_load %arg6[%get3A_1577, %get3A_1578] {strides = array<i32>} : memref<26x128xf32, #tpu.memory_space<vmem>>, vector<1x16xf32>,
    %get3A_1580 = vector.shape_cast %get3A_1579 : vector<1x16xf32> to vector<16xf32>
    %add3A_1581 = arith.addf %add3A_1575, %get3A_1580 : vector<16xf32>
    %get3A_1582 = arith.constant 18 : i32
    %get3A_1583 = arith.index_cast %get3A_1582 : i32 to index
    %get3A_1584 = arith.constant 96 : index
    %get3A_1585 = tpu.vector_load %arg6[%get3A_1583, %get3A_1584] {strides = array<i32>} : memref<26x128xf32, #tpu.memory_space<vmem>>, vector<1x16xf32>,
    %get3A_1586 = vector.shape_cast %get3A_1585 : vector<1x16xf32> to vector<16xf32>
    %add3A_1587 = arith.addf %add3A_1581, %get3A_1586 : vector<16xf32>
    %get3A_1588 = arith.constant 19 : i32
    %get3A_1589 = arith.index_cast %get3A_1588 : i32 to index
    %get3A_1590 = arith.constant 96 : index
    %get3A_1591 = tpu.vector_load %arg6[%get3A_1589, %get3A_1590] {strides = array<i32>} : memref<26x128xf32, #tpu.memory_space<vmem>>, vector<1x16xf32>,
    %get3A_1592 = vector.shape_cast %get3A_1591 : vector<1x16xf32> to vector<16xf32>
    %add3A_1593 = arith.addf %add3A_1587, %get3A_1592 : vector<16xf32>
    %get3A_1594 = arith.constant 20 : i32
    %get3A_1595 = arith.index_cast %get3A_1594 : i32 to index
    %get3A_1596 = arith.constant 96 : index
    %get3A_1597 = tpu.vector_load %arg6[%get3A_1595, %get3A_1596] {strides = array<i32>} : memref<26x128xf32, #tpu.memory_space<vmem>>, vector<1x16xf32>,
    %get3A_1598 = vector.shape_cast %get3A_1597 : vector<1x16xf32> to vector<16xf32>
    %add3A_1599 = arith.addf %add3A_1593, %get3A_1598 : vector<16xf32>
    %get3A_1600 = arith.constant 21 : i32
    %get3A_1601 = arith.index_cast %get3A_1600 : i32 to index
    %get3A_1602 = arith.constant 96 : index
    %get3A_1603 = tpu.vector_load %arg6[%get3A_1601, %get3A_1602] {strides = array<i32>} : memref<26x128xf32, #tpu.memory_space<vmem>>, vector<1x16xf32>,
    %get3A_1604 = vector.shape_cast %get3A_1603 : vector<1x16xf32> to vector<16xf32>
    %add3A_1605 = arith.addf %add3A_1599, %get3A_1604 : vector<16xf32>
    %get3A_1606 = arith.constant 22 : i32
    %get3A_1607 = arith.index_cast %get3A_1606 : i32 to index
    %get3A_1608 = arith.constant 96 : index
    %get3A_1609 = tpu.vector_load %arg6[%get3A_1607, %get3A_1608] {strides = array<i32>} : memref<26x128xf32, #tpu.memory_space<vmem>>, vector<1x16xf32>,
    %get3A_1610 = vector.shape_cast %get3A_1609 : vector<1x16xf32> to vector<16xf32>
    %add3A_1611 = arith.addf %add3A_1605, %get3A_1610 : vector<16xf32>
    %get3A_1612 = arith.constant 23 : i32
    %get3A_1613 = arith.index_cast %get3A_1612 : i32 to index
    %get3A_1614 = arith.constant 96 : index
    %get3A_1615 = tpu.vector_load %arg6[%get3A_1613, %get3A_1614] {strides = array<i32>} : memref<26x128xf32, #tpu.memory_space<vmem>>, vector<1x16xf32>,
    %get3A_1616 = vector.shape_cast %get3A_1615 : vector<1x16xf32> to vector<16xf32>
    %add3A_1617 = arith.addf %add3A_1611, %get3A_1616 : vector<16xf32>
    %get3A_1618 = arith.constant 24 : i32
    %get3A_1619 = arith.index_cast %get3A_1618 : i32 to index
    %get3A_1620 = arith.constant 96 : index
    %get3A_1621 = tpu.vector_load %arg6[%get3A_1619, %get3A_1620] {strides = array<i32>} : memref<26x128xf32, #tpu.memory_space<vmem>>, vector<1x16xf32>,
    %get3A_1622 = vector.shape_cast %get3A_1621 : vector<1x16xf32> to vector<16xf32>
    %add3A_1623 = arith.addf %add3A_1617, %get3A_1622 : vector<16xf32>
    %get3A_1624 = arith.constant 25 : i32
    %get3A_1625 = arith.index_cast %get3A_1624 : i32 to index
    %get3A_1626 = arith.constant 96 : index
    %get3A_1627 = tpu.vector_load %arg6[%get3A_1625, %get3A_1626] {strides = array<i32>} : memref<26x128xf32, #tpu.memory_space<vmem>>, vector<1x16xf32>,
    %get3A_1628 = vector.shape_cast %get3A_1627 : vector<1x16xf32> to vector<16xf32>
    %add3A_1629 = arith.addf %add3A_1623, %get3A_1628 : vector<16xf32>
    %swap3A_1630 = arith.constant 96 : index
    %swap3A_1631 = tpu.vector_load %arg7[%swap3A_1630] {strides = array<i32>} : memref<128xf32, #tpu.memory_space<vmem>>, vector<16xf32>,
    %swap3A_1632 = vector.shape_cast %swap3A_1631 : vector<16xf32> to vector<16xf32>
    %swap3A_1633 = vector.shape_cast %add3A_1629 : vector<16xf32> to vector<16xf32>
    tpu.vector_store %arg7[%swap3A_1630], %swap3A_1633 {strides = array<i32>} : memref<128xf32, #tpu.memory_space<vmem>>, vector<16xf32>,
    %get3A_1634 = arith.constant 0 : i32
    %get3A_1635 = arith.index_cast %get3A_1634 : i32 to index
    %get3A_1636 = arith.constant 112 : index
    %get3A_1637 = tpu.vector_load %arg6[%get3A_1635, %get3A_1636] {strides = array<i32>} : memref<26x128xf32, #tpu.memory_space<vmem>>, vector<1x16xf32>,
    %get3A_1638 = vector.shape_cast %get3A_1637 : vector<1x16xf32> to vector<16xf32>
    %get3A_1639 = arith.constant 1 : i32
    %get3A_1640 = arith.index_cast %get3A_1639 : i32 to index
    %get3A_1641 = arith.constant 112 : index
    %get3A_1642 = tpu.vector_load %arg6[%get3A_1640, %get3A_1641] {strides = array<i32>} : memref<26x128xf32, #tpu.memory_space<vmem>>, vector<1x16xf32>,
    %get3A_1643 = vector.shape_cast %get3A_1642 : vector<1x16xf32> to vector<16xf32>
    %add3A_1644 = arith.addf %get3A_1638, %get3A_1643 : vector<16xf32>
    %get3A_1645 = arith.constant 2 : i32
    %get3A_1646 = arith.index_cast %get3A_1645 : i32 to index
    %get3A_1647 = arith.constant 112 : index
    %get3A_1648 = tpu.vector_load %arg6[%get3A_1646, %get3A_1647] {strides = array<i32>} : memref<26x128xf32, #tpu.memory_space<vmem>>, vector<1x16xf32>,
    %get3A_1649 = vector.shape_cast %get3A_1648 : vector<1x16xf32> to vector<16xf32>
    %add3A_1650 = arith.addf %add3A_1644, %get3A_1649 : vector<16xf32>
    %get3A_1651 = arith.constant 3 : i32
    %get3A_1652 = arith.index_cast %get3A_1651 : i32 to index
    %get3A_1653 = arith.constant 112 : index
    %get3A_1654 = tpu.vector_load %arg6[%get3A_1652, %get3A_1653] {strides = array<i32>} : memref<26x128xf32, #tpu.memory_space<vmem>>, vector<1x16xf32>,
    %get3A_1655 = vector.shape_cast %get3A_1654 : vector<1x16xf32> to vector<16xf32>
    %add3A_1656 = arith.addf %add3A_1650, %get3A_1655 : vector<16xf32>
    %get3A_1657 = arith.constant 4 : i32
    %get3A_1658 = arith.index_cast %get3A_1657 : i32 to index
    %get3A_1659 = arith.constant 112 : index
    %get3A_1660 = tpu.vector_load %arg6[%get3A_1658, %get3A_1659] {strides = array<i32>} : memref<26x128xf32, #tpu.memory_space<vmem>>, vector<1x16xf32>,
    %get3A_1661 = vector.shape_cast %get3A_1660 : vector<1x16xf32> to vector<16xf32>
    %add3A_1662 = arith.addf %add3A_1656, %get3A_1661 : vector<16xf32>
    %get3A_1663 = arith.constant 5 : i32
    %get3A_1664 = arith.index_cast %get3A_1663 : i32 to index
    %get3A_1665 = arith.constant 112 : index
    %get3A_1666 = tpu.vector_load %arg6[%get3A_1664, %get3A_1665] {strides = array<i32>} : memref<26x128xf32, #tpu.memory_space<vmem>>, vector<1x16xf32>,
    %get3A_1667 = vector.shape_cast %get3A_1666 : vector<1x16xf32> to vector<16xf32>
    %add3A_1668 = arith.addf %add3A_1662, %get3A_1667 : vector<16xf32>
    %get3A_1669 = arith.constant 6 : i32
    %get3A_1670 = arith.index_cast %get3A_1669 : i32 to index
    %get3A_1671 = arith.constant 112 : index
    %get3A_1672 = tpu.vector_load %arg6[%get3A_1670, %get3A_1671] {strides = array<i32>} : memref<26x128xf32, #tpu.memory_space<vmem>>, vector<1x16xf32>,
    %get3A_1673 = vector.shape_cast %get3A_1672 : vector<1x16xf32> to vector<16xf32>
    %add3A_1674 = arith.addf %add3A_1668, %get3A_1673 : vector<16xf32>
    %get3A_1675 = arith.constant 7 : i32
    %get3A_1676 = arith.index_cast %get3A_1675 : i32 to index
    %get3A_1677 = arith.constant 112 : index
    %get3A_1678 = tpu.vector_load %arg6[%get3A_1676, %get3A_1677] {strides = array<i32>} : memref<26x128xf32, #tpu.memory_space<vmem>>, vector<1x16xf32>,
    %get3A_1679 = vector.shape_cast %get3A_1678 : vector<1x16xf32> to vector<16xf32>
    %add3A_1680 = arith.addf %add3A_1674, %get3A_1679 : vector<16xf32>
    %get3A_1681 = arith.constant 8 : i32
    %get3A_1682 = arith.index_cast %get3A_1681 : i32 to index
    %get3A_1683 = arith.constant 112 : index
    %get3A_1684 = tpu.vector_load %arg6[%get3A_1682, %get3A_1683] {strides = array<i32>} : memref<26x128xf32, #tpu.memory_space<vmem>>, vector<1x16xf32>,
    %get3A_1685 = vector.shape_cast %get3A_1684 : vector<1x16xf32> to vector<16xf32>
    %add3A_1686 = arith.addf %add3A_1680, %get3A_1685 : vector<16xf32>
    %get3A_1687 = arith.constant 9 : i32
    %get3A_1688 = arith.index_cast %get3A_1687 : i32 to index
    %get3A_1689 = arith.constant 112 : index
    %get3A_1690 = tpu.vector_load %arg6[%get3A_1688, %get3A_1689] {strides = array<i32>} : memref<26x128xf32, #tpu.memory_space<vmem>>, vector<1x16xf32>,
    %get3A_1691 = vector.shape_cast %get3A_1690 : vector<1x16xf32> to vector<16xf32>
    %add3A_1692 = arith.addf %add3A_1686, %get3A_1691 : vector<16xf32>
    %get3A_1693 = arith.constant 10 : i32
    %get3A_1694 = arith.index_cast %get3A_1693 : i32 to index
    %get3A_1695 = arith.constant 112 : index
    %get3A_1696 = tpu.vector_load %arg6[%get3A_1694, %get3A_1695] {strides = array<i32>} : memref<26x128xf32, #tpu.memory_space<vmem>>, vector<1x16xf32>,
    %get3A_1697 = vector.shape_cast %get3A_1696 : vector<1x16xf32> to vector<16xf32>
    %add3A_1698 = arith.addf %add3A_1692, %get3A_1697 : vector<16xf32>
    %get3A_1699 = arith.constant 11 : i32
    %get3A_1700 = arith.index_cast %get3A_1699 : i32 to index
    %get3A_1701 = arith.constant 112 : index
    %get3A_1702 = tpu.vector_load %arg6[%get3A_1700, %get3A_1701] {strides = array<i32>} : memref<26x128xf32, #tpu.memory_space<vmem>>, vector<1x16xf32>,
    %get3A_1703 = vector.shape_cast %get3A_1702 : vector<1x16xf32> to vector<16xf32>
    %add3A_1704 = arith.addf %add3A_1698, %get3A_1703 : vector<16xf32>
    %get3A_1705 = arith.constant 12 : i32
    %get3A_1706 = arith.index_cast %get3A_1705 : i32 to index
    %get3A_1707 = arith.constant 112 : index
    %get3A_1708 = tpu.vector_load %arg6[%get3A_1706, %get3A_1707] {strides = array<i32>} : memref<26x128xf32, #tpu.memory_space<vmem>>, vector<1x16xf32>,
    %get3A_1709 = vector.shape_cast %get3A_1708 : vector<1x16xf32> to vector<16xf32>
    %add3A_1710 = arith.addf %add3A_1704, %get3A_1709 : vector<16xf32>
    %get3A_1711 = arith.constant 13 : i32
    %get3A_1712 = arith.index_cast %get3A_1711 : i32 to index
    %get3A_1713 = arith.constant 112 : index
    %get3A_1714 = tpu.vector_load %arg6[%get3A_1712, %get3A_1713] {strides = array<i32>} : memref<26x128xf32, #tpu.memory_space<vmem>>, vector<1x16xf32>,
    %get3A_1715 = vector.shape_cast %get3A_1714 : vector<1x16xf32> to vector<16xf32>
    %add3A_1716 = arith.addf %add3A_1710, %get3A_1715 : vector<16xf32>
    %get3A_1717 = arith.constant 14 : i32
    %get3A_1718 = arith.index_cast %get3A_1717 : i32 to index
    %get3A_1719 = arith.constant 112 : index
    %get3A_1720 = tpu.vector_load %arg6[%get3A_1718, %get3A_1719] {strides = array<i32>} : memref<26x128xf32, #tpu.memory_space<vmem>>, vector<1x16xf32>,
    %get3A_1721 = vector.shape_cast %get3A_1720 : vector<1x16xf32> to vector<16xf32>
    %add3A_1722 = arith.addf %add3A_1716, %get3A_1721 : vector<16xf32>
    %get3A_1723 = arith.constant 15 : i32
    %get3A_1724 = arith.index_cast %get3A_1723 : i32 to index
    %get3A_1725 = arith.constant 112 : index
    %get3A_1726 = tpu.vector_load %arg6[%get3A_1724, %get3A_1725] {strides = array<i32>} : memref<26x128xf32, #tpu.memory_space<vmem>>, vector<1x16xf32>,
    %get3A_1727 = vector.shape_cast %get3A_1726 : vector<1x16xf32> to vector<16xf32>
    %add3A_1728 = arith.addf %add3A_1722, %get3A_1727 : vector<16xf32>
    %get3A_1729 = arith.constant 16 : i32
    %get3A_1730 = arith.index_cast %get3A_1729 : i32 to index
    %get3A_1731 = arith.constant 112 : index
    %get3A_1732 = tpu.vector_load %arg6[%get3A_1730, %get3A_1731] {strides = array<i32>} : memref<26x128xf32, #tpu.memory_space<vmem>>, vector<1x16xf32>,
    %get3A_1733 = vector.shape_cast %get3A_1732 : vector<1x16xf32> to vector<16xf32>
    %add3A_1734 = arith.addf %add3A_1728, %get3A_1733 : vector<16xf32>
    %get3A_1735 = arith.constant 17 : i32
    %get3A_1736 = arith.index_cast %get3A_1735 : i32 to index
    %get3A_1737 = arith.constant 112 : index
    %get3A_1738 = tpu.vector_load %arg6[%get3A_1736, %get3A_1737] {strides = array<i32>} : memref<26x128xf32, #tpu.memory_space<vmem>>, vector<1x16xf32>,
    %get3A_1739 = vector.shape_cast %get3A_1738 : vector<1x16xf32> to vector<16xf32>
    %add3A_1740 = arith.addf %add3A_1734, %get3A_1739 : vector<16xf32>
    %get3A_1741 = arith.constant 18 : i32
    %get3A_1742 = arith.index_cast %get3A_1741 : i32 to index
    %get3A_1743 = arith.constant 112 : index
    %get3A_1744 = tpu.vector_load %arg6[%get3A_1742, %get3A_1743] {strides = array<i32>} : memref<26x128xf32, #tpu.memory_space<vmem>>, vector<1x16xf32>,
    %get3A_1745 = vector.shape_cast %get3A_1744 : vector<1x16xf32> to vector<16xf32>
    %add3A_1746 = arith.addf %add3A_1740, %get3A_1745 : vector<16xf32>
    %get3A_1747 = arith.constant 19 : i32
    %get3A_1748 = arith.index_cast %get3A_1747 : i32 to index
    %get3A_1749 = arith.constant 112 : index
    %get3A_1750 = tpu.vector_load %arg6[%get3A_1748, %get3A_1749] {strides = array<i32>} : memref<26x128xf32, #tpu.memory_space<vmem>>, vector<1x16xf32>,
    %get3A_1751 = vector.shape_cast %get3A_1750 : vector<1x16xf32> to vector<16xf32>
    %add3A_1752 = arith.addf %add3A_1746, %get3A_1751 : vector<16xf32>
    %get3A_1753 = arith.constant 20 : i32
    %get3A_1754 = arith.index_cast %get3A_1753 : i32 to index
    %get3A_1755 = arith.constant 112 : index
    %get3A_1756 = tpu.vector_load %arg6[%get3A_1754, %get3A_1755] {strides = array<i32>} : memref<26x128xf32, #tpu.memory_space<vmem>>, vector<1x16xf32>,
    %get3A_1757 = vector.shape_cast %get3A_1756 : vector<1x16xf32> to vector<16xf32>
    %add3A_1758 = arith.addf %add3A_1752, %get3A_1757 : vector<16xf32>
    %get3A_1759 = arith.constant 21 : i32
    %get3A_1760 = arith.index_cast %get3A_1759 : i32 to index
    %get3A_1761 = arith.constant 112 : index
    %get3A_1762 = tpu.vector_load %arg6[%get3A_1760, %get3A_1761] {strides = array<i32>} : memref<26x128xf32, #tpu.memory_space<vmem>>, vector<1x16xf32>,
    %get3A_1763 = vector.shape_cast %get3A_1762 : vector<1x16xf32> to vector<16xf32>
    %add3A_1764 = arith.addf %add3A_1758, %get3A_1763 : vector<16xf32>
    %get3A_1765 = arith.constant 22 : i32
    %get3A_1766 = arith.index_cast %get3A_1765 : i32 to index
    %get3A_1767 = arith.constant 112 : index
    %get3A_1768 = tpu.vector_load %arg6[%get3A_1766, %get3A_1767] {strides = array<i32>} : memref<26x128xf32, #tpu.memory_space<vmem>>, vector<1x16xf32>,
    %get3A_1769 = vector.shape_cast %get3A_1768 : vector<1x16xf32> to vector<16xf32>
    %add3A_1770 = arith.addf %add3A_1764, %get3A_1769 : vector<16xf32>
    %get3A_1771 = arith.constant 23 : i32
    %get3A_1772 = arith.index_cast %get3A_1771 : i32 to index
    %get3A_1773 = arith.constant 112 : index
    %get3A_1774 = tpu.vector_load %arg6[%get3A_1772, %get3A_1773] {strides = array<i32>} : memref<26x128xf32, #tpu.memory_space<vmem>>, vector<1x16xf32>,
    %get3A_1775 = vector.shape_cast %get3A_1774 : vector<1x16xf32> to vector<16xf32>
    %add3A_1776 = arith.addf %add3A_1770, %get3A_1775 : vector<16xf32>
    %get3A_1777 = arith.constant 24 : i32
    %get3A_1778 = arith.index_cast %get3A_1777 : i32 to index
    %get3A_1779 = arith.constant 112 : index
    %get3A_1780 = tpu.vector_load %arg6[%get3A_1778, %get3A_1779] {strides = array<i32>} : memref<26x128xf32, #tpu.memory_space<vmem>>, vector<1x16xf32>,
    %get3A_1781 = vector.shape_cast %get3A_1780 : vector<1x16xf32> to vector<16xf32>
    %add3A_1782 = arith.addf %add3A_1776, %get3A_1781 : vector<16xf32>
    %get3A_1783 = arith.constant 25 : i32
    %get3A_1784 = arith.index_cast %get3A_1783 : i32 to index
    %get3A_1785 = arith.constant 112 : index
    %get3A_1786 = tpu.vector_load %arg6[%get3A_1784, %get3A_1785] {strides = array<i32>} : memref<26x128xf32, #tpu.memory_space<vmem>>, vector<1x16xf32>,
    %get3A_1787 = vector.shape_cast %get3A_1786 : vector<1x16xf32> to vector<16xf32>
    %add3A_1788 = arith.addf %add3A_1782, %get3A_1787 : vector<16xf32>
    %swap3A_1789 = arith.constant 112 : index
    %swap3A_1790 = tpu.vector_load %arg7[%swap3A_1789] {strides = array<i32>} : memref<128xf32, #tpu.memory_space<vmem>>, vector<16xf32>,
    %swap3A_1791 = vector.shape_cast %swap3A_1790 : vector<16xf32> to vector<16xf32>
    %swap3A_1792 = vector.shape_cast %add3A_1788 : vector<16xf32> to vector<16xf32>
    tpu.vector_store %arg7[%swap3A_1789], %swap3A_1792 {strides = array<i32>} : memref<128xf32, #tpu.memory_space<vmem>>, vector<16xf32>,
    %mul3A_1793 = arith.constant 128 : i32
    %mul3A_1794 = arith.muli %add3A, %mul3A_1793 : i32
    "tpu.region"() ({
      %run_scoped3A = tpu.sem_alloc : memref<!tpu.dma_semaphore, #tpu.memory_space<semaphore_mem>>
      %dma_start3A_1795 = tpu.memref_slice %arg4[%mul3A_1794] : memref<4096xf32, #tpu.memory_space<hbm>> -> memref<128xf32, #tpu.memory_space<hbm>>
      %dma_start3A_1796 = tpu.memref_slice %arg4[%mul3A_1794] : memref<4096xf32, #tpu.memory_space<hbm>> -> memref<128xf32, #tpu.memory_space<hbm>>
      tpu.enqueue_dma source(%arg7 : memref<128xf32, #tpu.memory_space<vmem>>) target(%dma_start3A_1796 : memref<128xf32, #tpu.memory_space<hbm>>) target_semaphore(%run_scoped3A : memref<!tpu.dma_semaphore, #tpu.memory_space<semaphore_mem>>)
      %dma_wait3A_1797 = tpu.memref_slice %arg4[%mul3A_1794] : memref<4096xf32, #tpu.memory_space<hbm>> -> memref<128xf32, #tpu.memory_space<hbm>>
      %dma_wait3A_1798 = tpu.memref_slice %arg4[%mul3A_1794] : memref<4096xf32, #tpu.memory_space<hbm>> -> memref<128xf32, #tpu.memory_space<hbm>>
      tpu.wait_dma2 semaphore(%run_scoped3A : memref<!tpu.dma_semaphore, #tpu.memory_space<semaphore_mem>>) src(%arg7 : memref<128xf32, #tpu.memory_space<vmem>>) dst(%dma_wait3A_1798 : memref<128xf32, #tpu.memory_space<hbm>>)
      tpu.yield
    }) : () -> ()
    return
  }
}

module attributes {stable_mosaic.version = 14 : i64} {
  func.func @_second_order_body(%arg0: memref<26x64x4096xf32, #tpu.memory_space<any>>, %arg1: memref<4096xf32, #tpu.memory_space<vmem>>, %arg2: memref<8x1x64x4096xf32, #tpu.memory_space<vmem>>, %arg3: memref<8x!tpu.dma_semaphore, #tpu.memory_space<semaphore_mem>>) attributes {dimension_semantics = [], scalar_prefetch = 0 : i64, scratch_operands = 2 : i64, tpu.core_type = #tpu.core_type<tc>} {
    %dma_start3A = arith.constant 0 : i32
    %dma_start3A_0 = arith.constant 0 : i32
    %dma_start3A_1 = tpu.memref_slice %arg3[%dma_start3A_0] : memref<8x!tpu.dma_semaphore, #tpu.memory_space<semaphore_mem>> -> memref<1x!tpu.dma_semaphore, #tpu.memory_space<semaphore_mem>>
    %dma_start3A_2 = tpu.memref_squeeze %dma_start3A_1 : memref<1x!tpu.dma_semaphore, #tpu.memory_space<semaphore_mem>> -> memref<!tpu.dma_semaphore, #tpu.memory_space<semaphore_mem>>
    %dma_start3A_3 = arith.constant 0 : i32
    %dma_start3A_4 = arith.constant 0 : i32
    %dma_start3A_5 = arith.constant 0 : i32
    %dma_start3A_6 = tpu.memref_slice %arg2[%dma_start3A, %dma_start3A_3, %dma_start3A_4, %dma_start3A_5] : memref<8x1x64x4096xf32, #tpu.memory_space<vmem>> -> memref<1x1x64x4096xf32, #tpu.memory_space<vmem>>
    %dma_start3A_7 = tpu.memref_squeeze %dma_start3A_6 : memref<1x1x64x4096xf32, #tpu.memory_space<vmem>> -> memref<1x64x4096xf32, #tpu.memory_space<vmem>>
    %dma_start3A_8 = arith.constant 0 : i32
    %dma_start3A_9 = arith.constant 0 : i32
    %dma_start3A_10 = arith.constant 0 : i32
    %dma_start3A_11 = tpu.memref_slice %arg0[%dma_start3A_8, %dma_start3A_9, %dma_start3A_10] : memref<26x64x4096xf32, #tpu.memory_space<any>> -> memref<1x64x4096xf32, #tpu.memory_space<any>>
    tpu.enqueue_dma source(%dma_start3A_11 : memref<1x64x4096xf32, #tpu.memory_space<any>>) target(%dma_start3A_7 : memref<1x64x4096xf32, #tpu.memory_space<vmem>>) target_semaphore(%dma_start3A_2 : memref<!tpu.dma_semaphore, #tpu.memory_space<semaphore_mem>>)
    %dma_start3A_12 = arith.constant 1 : i32
    %dma_start3A_13 = arith.constant 1 : i32
    %dma_start3A_14 = tpu.memref_slice %arg3[%dma_start3A_13] : memref<8x!tpu.dma_semaphore, #tpu.memory_space<semaphore_mem>> -> memref<1x!tpu.dma_semaphore, #tpu.memory_space<semaphore_mem>>
    %dma_start3A_15 = tpu.memref_squeeze %dma_start3A_14 : memref<1x!tpu.dma_semaphore, #tpu.memory_space<semaphore_mem>> -> memref<!tpu.dma_semaphore, #tpu.memory_space<semaphore_mem>>
    %dma_start3A_16 = arith.constant 0 : i32
    %dma_start3A_17 = arith.constant 0 : i32
    %dma_start3A_18 = arith.constant 0 : i32
    %dma_start3A_19 = tpu.memref_slice %arg2[%dma_start3A_12, %dma_start3A_16, %dma_start3A_17, %dma_start3A_18] : memref<8x1x64x4096xf32, #tpu.memory_space<vmem>> -> memref<1x1x64x4096xf32, #tpu.memory_space<vmem>>
    %dma_start3A_20 = tpu.memref_squeeze %dma_start3A_19 : memref<1x1x64x4096xf32, #tpu.memory_space<vmem>> -> memref<1x64x4096xf32, #tpu.memory_space<vmem>>
    %dma_start3A_21 = arith.constant 1 : i32
    %dma_start3A_22 = arith.constant 0 : i32
    %dma_start3A_23 = arith.constant 0 : i32
    %dma_start3A_24 = tpu.memref_slice %arg0[%dma_start3A_21, %dma_start3A_22, %dma_start3A_23] : memref<26x64x4096xf32, #tpu.memory_space<any>> -> memref<1x64x4096xf32, #tpu.memory_space<any>>
    tpu.enqueue_dma source(%dma_start3A_24 : memref<1x64x4096xf32, #tpu.memory_space<any>>) target(%dma_start3A_20 : memref<1x64x4096xf32, #tpu.memory_space<vmem>>) target_semaphore(%dma_start3A_15 : memref<!tpu.dma_semaphore, #tpu.memory_space<semaphore_mem>>)
    %dma_start3A_25 = arith.constant 2 : i32
    %dma_start3A_26 = arith.constant 2 : i32
    %dma_start3A_27 = tpu.memref_slice %arg3[%dma_start3A_26] : memref<8x!tpu.dma_semaphore, #tpu.memory_space<semaphore_mem>> -> memref<1x!tpu.dma_semaphore, #tpu.memory_space<semaphore_mem>>
    %dma_start3A_28 = tpu.memref_squeeze %dma_start3A_27 : memref<1x!tpu.dma_semaphore, #tpu.memory_space<semaphore_mem>> -> memref<!tpu.dma_semaphore, #tpu.memory_space<semaphore_mem>>
    %dma_start3A_29 = arith.constant 0 : i32
    %dma_start3A_30 = arith.constant 0 : i32
    %dma_start3A_31 = arith.constant 0 : i32
    %dma_start3A_32 = tpu.memref_slice %arg2[%dma_start3A_25, %dma_start3A_29, %dma_start3A_30, %dma_start3A_31] : memref<8x1x64x4096xf32, #tpu.memory_space<vmem>> -> memref<1x1x64x4096xf32, #tpu.memory_space<vmem>>
    %dma_start3A_33 = tpu.memref_squeeze %dma_start3A_32 : memref<1x1x64x4096xf32, #tpu.memory_space<vmem>> -> memref<1x64x4096xf32, #tpu.memory_space<vmem>>
    %dma_start3A_34 = arith.constant 2 : i32
    %dma_start3A_35 = arith.constant 0 : i32
    %dma_start3A_36 = arith.constant 0 : i32
    %dma_start3A_37 = tpu.memref_slice %arg0[%dma_start3A_34, %dma_start3A_35, %dma_start3A_36] : memref<26x64x4096xf32, #tpu.memory_space<any>> -> memref<1x64x4096xf32, #tpu.memory_space<any>>
    tpu.enqueue_dma source(%dma_start3A_37 : memref<1x64x4096xf32, #tpu.memory_space<any>>) target(%dma_start3A_33 : memref<1x64x4096xf32, #tpu.memory_space<vmem>>) target_semaphore(%dma_start3A_28 : memref<!tpu.dma_semaphore, #tpu.memory_space<semaphore_mem>>)
    %dma_start3A_38 = arith.constant 3 : i32
    %dma_start3A_39 = arith.constant 3 : i32
    %dma_start3A_40 = tpu.memref_slice %arg3[%dma_start3A_39] : memref<8x!tpu.dma_semaphore, #tpu.memory_space<semaphore_mem>> -> memref<1x!tpu.dma_semaphore, #tpu.memory_space<semaphore_mem>>
    %dma_start3A_41 = tpu.memref_squeeze %dma_start3A_40 : memref<1x!tpu.dma_semaphore, #tpu.memory_space<semaphore_mem>> -> memref<!tpu.dma_semaphore, #tpu.memory_space<semaphore_mem>>
    %dma_start3A_42 = arith.constant 0 : i32
    %dma_start3A_43 = arith.constant 0 : i32
    %dma_start3A_44 = arith.constant 0 : i32
    %dma_start3A_45 = tpu.memref_slice %arg2[%dma_start3A_38, %dma_start3A_42, %dma_start3A_43, %dma_start3A_44] : memref<8x1x64x4096xf32, #tpu.memory_space<vmem>> -> memref<1x1x64x4096xf32, #tpu.memory_space<vmem>>
    %dma_start3A_46 = tpu.memref_squeeze %dma_start3A_45 : memref<1x1x64x4096xf32, #tpu.memory_space<vmem>> -> memref<1x64x4096xf32, #tpu.memory_space<vmem>>
    %dma_start3A_47 = arith.constant 3 : i32
    %dma_start3A_48 = arith.constant 0 : i32
    %dma_start3A_49 = arith.constant 0 : i32
    %dma_start3A_50 = tpu.memref_slice %arg0[%dma_start3A_47, %dma_start3A_48, %dma_start3A_49] : memref<26x64x4096xf32, #tpu.memory_space<any>> -> memref<1x64x4096xf32, #tpu.memory_space<any>>
    tpu.enqueue_dma source(%dma_start3A_50 : memref<1x64x4096xf32, #tpu.memory_space<any>>) target(%dma_start3A_46 : memref<1x64x4096xf32, #tpu.memory_space<vmem>>) target_semaphore(%dma_start3A_41 : memref<!tpu.dma_semaphore, #tpu.memory_space<semaphore_mem>>)
    %dma_start3A_51 = arith.constant 4 : i32
    %dma_start3A_52 = arith.constant 4 : i32
    %dma_start3A_53 = tpu.memref_slice %arg3[%dma_start3A_52] : memref<8x!tpu.dma_semaphore, #tpu.memory_space<semaphore_mem>> -> memref<1x!tpu.dma_semaphore, #tpu.memory_space<semaphore_mem>>
    %dma_start3A_54 = tpu.memref_squeeze %dma_start3A_53 : memref<1x!tpu.dma_semaphore, #tpu.memory_space<semaphore_mem>> -> memref<!tpu.dma_semaphore, #tpu.memory_space<semaphore_mem>>
    %dma_start3A_55 = arith.constant 0 : i32
    %dma_start3A_56 = arith.constant 0 : i32
    %dma_start3A_57 = arith.constant 0 : i32
    %dma_start3A_58 = tpu.memref_slice %arg2[%dma_start3A_51, %dma_start3A_55, %dma_start3A_56, %dma_start3A_57] : memref<8x1x64x4096xf32, #tpu.memory_space<vmem>> -> memref<1x1x64x4096xf32, #tpu.memory_space<vmem>>
    %dma_start3A_59 = tpu.memref_squeeze %dma_start3A_58 : memref<1x1x64x4096xf32, #tpu.memory_space<vmem>> -> memref<1x64x4096xf32, #tpu.memory_space<vmem>>
    %dma_start3A_60 = arith.constant 4 : i32
    %dma_start3A_61 = arith.constant 0 : i32
    %dma_start3A_62 = arith.constant 0 : i32
    %dma_start3A_63 = tpu.memref_slice %arg0[%dma_start3A_60, %dma_start3A_61, %dma_start3A_62] : memref<26x64x4096xf32, #tpu.memory_space<any>> -> memref<1x64x4096xf32, #tpu.memory_space<any>>
    tpu.enqueue_dma source(%dma_start3A_63 : memref<1x64x4096xf32, #tpu.memory_space<any>>) target(%dma_start3A_59 : memref<1x64x4096xf32, #tpu.memory_space<vmem>>) target_semaphore(%dma_start3A_54 : memref<!tpu.dma_semaphore, #tpu.memory_space<semaphore_mem>>)
    %dma_start3A_64 = arith.constant 5 : i32
    %dma_start3A_65 = arith.constant 5 : i32
    %dma_start3A_66 = tpu.memref_slice %arg3[%dma_start3A_65] : memref<8x!tpu.dma_semaphore, #tpu.memory_space<semaphore_mem>> -> memref<1x!tpu.dma_semaphore, #tpu.memory_space<semaphore_mem>>
    %dma_start3A_67 = tpu.memref_squeeze %dma_start3A_66 : memref<1x!tpu.dma_semaphore, #tpu.memory_space<semaphore_mem>> -> memref<!tpu.dma_semaphore, #tpu.memory_space<semaphore_mem>>
    %dma_start3A_68 = arith.constant 0 : i32
    %dma_start3A_69 = arith.constant 0 : i32
    %dma_start3A_70 = arith.constant 0 : i32
    %dma_start3A_71 = tpu.memref_slice %arg2[%dma_start3A_64, %dma_start3A_68, %dma_start3A_69, %dma_start3A_70] : memref<8x1x64x4096xf32, #tpu.memory_space<vmem>> -> memref<1x1x64x4096xf32, #tpu.memory_space<vmem>>
    %dma_start3A_72 = tpu.memref_squeeze %dma_start3A_71 : memref<1x1x64x4096xf32, #tpu.memory_space<vmem>> -> memref<1x64x4096xf32, #tpu.memory_space<vmem>>
    %dma_start3A_73 = arith.constant 5 : i32
    %dma_start3A_74 = arith.constant 0 : i32
    %dma_start3A_75 = arith.constant 0 : i32
    %dma_start3A_76 = tpu.memref_slice %arg0[%dma_start3A_73, %dma_start3A_74, %dma_start3A_75] : memref<26x64x4096xf32, #tpu.memory_space<any>> -> memref<1x64x4096xf32, #tpu.memory_space<any>>
    tpu.enqueue_dma source(%dma_start3A_76 : memref<1x64x4096xf32, #tpu.memory_space<any>>) target(%dma_start3A_72 : memref<1x64x4096xf32, #tpu.memory_space<vmem>>) target_semaphore(%dma_start3A_67 : memref<!tpu.dma_semaphore, #tpu.memory_space<semaphore_mem>>)
    %dma_start3A_77 = arith.constant 6 : i32
    %dma_start3A_78 = arith.constant 6 : i32
    %dma_start3A_79 = tpu.memref_slice %arg3[%dma_start3A_78] : memref<8x!tpu.dma_semaphore, #tpu.memory_space<semaphore_mem>> -> memref<1x!tpu.dma_semaphore, #tpu.memory_space<semaphore_mem>>
    %dma_start3A_80 = tpu.memref_squeeze %dma_start3A_79 : memref<1x!tpu.dma_semaphore, #tpu.memory_space<semaphore_mem>> -> memref<!tpu.dma_semaphore, #tpu.memory_space<semaphore_mem>>
    %dma_start3A_81 = arith.constant 0 : i32
    %dma_start3A_82 = arith.constant 0 : i32
    %dma_start3A_83 = arith.constant 0 : i32
    %dma_start3A_84 = tpu.memref_slice %arg2[%dma_start3A_77, %dma_start3A_81, %dma_start3A_82, %dma_start3A_83] : memref<8x1x64x4096xf32, #tpu.memory_space<vmem>> -> memref<1x1x64x4096xf32, #tpu.memory_space<vmem>>
    %dma_start3A_85 = tpu.memref_squeeze %dma_start3A_84 : memref<1x1x64x4096xf32, #tpu.memory_space<vmem>> -> memref<1x64x4096xf32, #tpu.memory_space<vmem>>
    %dma_start3A_86 = arith.constant 6 : i32
    %dma_start3A_87 = arith.constant 0 : i32
    %dma_start3A_88 = arith.constant 0 : i32
    %dma_start3A_89 = tpu.memref_slice %arg0[%dma_start3A_86, %dma_start3A_87, %dma_start3A_88] : memref<26x64x4096xf32, #tpu.memory_space<any>> -> memref<1x64x4096xf32, #tpu.memory_space<any>>
    tpu.enqueue_dma source(%dma_start3A_89 : memref<1x64x4096xf32, #tpu.memory_space<any>>) target(%dma_start3A_85 : memref<1x64x4096xf32, #tpu.memory_space<vmem>>) target_semaphore(%dma_start3A_80 : memref<!tpu.dma_semaphore, #tpu.memory_space<semaphore_mem>>)
    %dma_start3A_90 = arith.constant 7 : i32
    %dma_start3A_91 = arith.constant 7 : i32
    %dma_start3A_92 = tpu.memref_slice %arg3[%dma_start3A_91] : memref<8x!tpu.dma_semaphore, #tpu.memory_space<semaphore_mem>> -> memref<1x!tpu.dma_semaphore, #tpu.memory_space<semaphore_mem>>
    %dma_start3A_93 = tpu.memref_squeeze %dma_start3A_92 : memref<1x!tpu.dma_semaphore, #tpu.memory_space<semaphore_mem>> -> memref<!tpu.dma_semaphore, #tpu.memory_space<semaphore_mem>>
    %dma_start3A_94 = arith.constant 0 : i32
    %dma_start3A_95 = arith.constant 0 : i32
    %dma_start3A_96 = arith.constant 0 : i32
    %dma_start3A_97 = tpu.memref_slice %arg2[%dma_start3A_90, %dma_start3A_94, %dma_start3A_95, %dma_start3A_96] : memref<8x1x64x4096xf32, #tpu.memory_space<vmem>> -> memref<1x1x64x4096xf32, #tpu.memory_space<vmem>>
    %dma_start3A_98 = tpu.memref_squeeze %dma_start3A_97 : memref<1x1x64x4096xf32, #tpu.memory_space<vmem>> -> memref<1x64x4096xf32, #tpu.memory_space<vmem>>
    %dma_start3A_99 = arith.constant 7 : i32
    %dma_start3A_100 = arith.constant 0 : i32
    %dma_start3A_101 = arith.constant 0 : i32
    %dma_start3A_102 = tpu.memref_slice %arg0[%dma_start3A_99, %dma_start3A_100, %dma_start3A_101] : memref<26x64x4096xf32, #tpu.memory_space<any>> -> memref<1x64x4096xf32, #tpu.memory_space<any>>
    tpu.enqueue_dma source(%dma_start3A_102 : memref<1x64x4096xf32, #tpu.memory_space<any>>) target(%dma_start3A_98 : memref<1x64x4096xf32, #tpu.memory_space<vmem>>) target_semaphore(%dma_start3A_93 : memref<!tpu.dma_semaphore, #tpu.memory_space<semaphore_mem>>)
    %dma_wait3A = arith.constant 0 : i32
    %dma_wait3A_103 = arith.constant 0 : i32
    %dma_wait3A_104 = tpu.memref_slice %arg3[%dma_wait3A_103] : memref<8x!tpu.dma_semaphore, #tpu.memory_space<semaphore_mem>> -> memref<1x!tpu.dma_semaphore, #tpu.memory_space<semaphore_mem>>
    %dma_wait3A_105 = tpu.memref_squeeze %dma_wait3A_104 : memref<1x!tpu.dma_semaphore, #tpu.memory_space<semaphore_mem>> -> memref<!tpu.dma_semaphore, #tpu.memory_space<semaphore_mem>>
    %dma_wait3A_106 = arith.constant 0 : i32
    %dma_wait3A_107 = arith.constant 0 : i32
    %dma_wait3A_108 = arith.constant 0 : i32
    %dma_wait3A_109 = tpu.memref_slice %arg2[%dma_wait3A, %dma_wait3A_106, %dma_wait3A_107, %dma_wait3A_108] : memref<8x1x64x4096xf32, #tpu.memory_space<vmem>> -> memref<1x1x64x4096xf32, #tpu.memory_space<vmem>>
    %dma_wait3A_110 = tpu.memref_squeeze %dma_wait3A_109 : memref<1x1x64x4096xf32, #tpu.memory_space<vmem>> -> memref<1x64x4096xf32, #tpu.memory_space<vmem>>
    %dma_wait3A_111 = arith.constant 0 : i32
    %dma_wait3A_112 = arith.constant 0 : i32
    %dma_wait3A_113 = arith.constant 0 : i32
    %dma_wait3A_114 = tpu.memref_slice %arg0[%dma_wait3A_111, %dma_wait3A_112, %dma_wait3A_113] : memref<26x64x4096xf32, #tpu.memory_space<any>> -> memref<1x64x4096xf32, #tpu.memory_space<any>>
    tpu.wait_dma2 semaphore(%dma_wait3A_105 : memref<!tpu.dma_semaphore, #tpu.memory_space<semaphore_mem>>) src(%dma_wait3A_114 : memref<1x64x4096xf32, #tpu.memory_space<any>>) dst(%dma_wait3A_110 : memref<1x64x4096xf32, #tpu.memory_space<vmem>>)
    %get3A = arith.constant 0 : index
    %get3A_115 = arith.constant 0 : index
    %get3A_116 = arith.constant 0 : index
    %get3A_117 = arith.constant 0 : index
    %get3A_118 = vector.load %arg2[%get3A, %get3A_115, %get3A_116, %get3A_117] : memref<8x1x64x4096xf32, #tpu.memory_space<vmem>>, vector<1x1x64x4096xf32>
    %get3A_119 = vector.shape_cast %get3A_118 : vector<1x1x64x4096xf32> to vector<1x64x4096xf32>
    %squeeze3A = vector.shape_cast %get3A_119 : vector<1x64x4096xf32> to vector<64x4096xf32>
    %squeeze3A_120 = vector.shape_cast %get3A_119 : vector<1x64x4096xf32> to vector<64x4096xf32>
    %squeeze3A_121 = vector.shape_cast %get3A_119 : vector<1x64x4096xf32> to vector<64x4096xf32>
    %mul3A = arith.mulf %squeeze3A_120, %squeeze3A_121 : vector<64x4096xf32>
    %reduce_sum3A = arith.constant dense<0.000000e+00> : vector<4096xf32>
    %reduce_sum3A_122 = vector.multi_reduction <add>, %mul3A, %reduce_sum3A [0] : vector<64x4096xf32> to vector<4096xf32>
    %dma_start3A_123 = arith.constant 0 : i32
    %dma_start3A_124 = arith.constant 0 : i32
    %dma_start3A_125 = tpu.memref_slice %arg3[%dma_start3A_124] : memref<8x!tpu.dma_semaphore, #tpu.memory_space<semaphore_mem>> -> memref<1x!tpu.dma_semaphore, #tpu.memory_space<semaphore_mem>>
    %dma_start3A_126 = tpu.memref_squeeze %dma_start3A_125 : memref<1x!tpu.dma_semaphore, #tpu.memory_space<semaphore_mem>> -> memref<!tpu.dma_semaphore, #tpu.memory_space<semaphore_mem>>
    %dma_start3A_127 = arith.constant 0 : i32
    %dma_start3A_128 = arith.constant 0 : i32
    %dma_start3A_129 = arith.constant 0 : i32
    %dma_start3A_130 = tpu.memref_slice %arg2[%dma_start3A_123, %dma_start3A_127, %dma_start3A_128, %dma_start3A_129] : memref<8x1x64x4096xf32, #tpu.memory_space<vmem>> -> memref<1x1x64x4096xf32, #tpu.memory_space<vmem>>
    %dma_start3A_131 = tpu.memref_squeeze %dma_start3A_130 : memref<1x1x64x4096xf32, #tpu.memory_space<vmem>> -> memref<1x64x4096xf32, #tpu.memory_space<vmem>>
    %dma_start3A_132 = arith.constant 8 : i32
    %dma_start3A_133 = arith.constant 0 : i32
    %dma_start3A_134 = arith.constant 0 : i32
    %dma_start3A_135 = tpu.memref_slice %arg0[%dma_start3A_132, %dma_start3A_133, %dma_start3A_134] : memref<26x64x4096xf32, #tpu.memory_space<any>> -> memref<1x64x4096xf32, #tpu.memory_space<any>>
    tpu.enqueue_dma source(%dma_start3A_135 : memref<1x64x4096xf32, #tpu.memory_space<any>>) target(%dma_start3A_131 : memref<1x64x4096xf32, #tpu.memory_space<vmem>>) target_semaphore(%dma_start3A_126 : memref<!tpu.dma_semaphore, #tpu.memory_space<semaphore_mem>>)
    %dma_wait3A_136 = arith.constant 1 : i32
    %dma_wait3A_137 = arith.constant 1 : i32
    %dma_wait3A_138 = tpu.memref_slice %arg3[%dma_wait3A_137] : memref<8x!tpu.dma_semaphore, #tpu.memory_space<semaphore_mem>> -> memref<1x!tpu.dma_semaphore, #tpu.memory_space<semaphore_mem>>
    %dma_wait3A_139 = tpu.memref_squeeze %dma_wait3A_138 : memref<1x!tpu.dma_semaphore, #tpu.memory_space<semaphore_mem>> -> memref<!tpu.dma_semaphore, #tpu.memory_space<semaphore_mem>>
    %dma_wait3A_140 = arith.constant 0 : i32
    %dma_wait3A_141 = arith.constant 0 : i32
    %dma_wait3A_142 = arith.constant 0 : i32
    %dma_wait3A_143 = tpu.memref_slice %arg2[%dma_wait3A_136, %dma_wait3A_140, %dma_wait3A_141, %dma_wait3A_142] : memref<8x1x64x4096xf32, #tpu.memory_space<vmem>> -> memref<1x1x64x4096xf32, #tpu.memory_space<vmem>>
    %dma_wait3A_144 = tpu.memref_squeeze %dma_wait3A_143 : memref<1x1x64x4096xf32, #tpu.memory_space<vmem>> -> memref<1x64x4096xf32, #tpu.memory_space<vmem>>
    %dma_wait3A_145 = arith.constant 1 : i32
    %dma_wait3A_146 = arith.constant 0 : i32
    %dma_wait3A_147 = arith.constant 0 : i32
    %dma_wait3A_148 = tpu.memref_slice %arg0[%dma_wait3A_145, %dma_wait3A_146, %dma_wait3A_147] : memref<26x64x4096xf32, #tpu.memory_space<any>> -> memref<1x64x4096xf32, #tpu.memory_space<any>>
    tpu.wait_dma2 semaphore(%dma_wait3A_139 : memref<!tpu.dma_semaphore, #tpu.memory_space<semaphore_mem>>) src(%dma_wait3A_148 : memref<1x64x4096xf32, #tpu.memory_space<any>>) dst(%dma_wait3A_144 : memref<1x64x4096xf32, #tpu.memory_space<vmem>>)
    %get3A_149 = arith.constant 1 : index
    %get3A_150 = arith.constant 0 : index
    %get3A_151 = arith.constant 0 : index
    %get3A_152 = arith.constant 0 : index
    %get3A_153 = vector.load %arg2[%get3A_149, %get3A_150, %get3A_151, %get3A_152] : memref<8x1x64x4096xf32, #tpu.memory_space<vmem>>, vector<1x1x64x4096xf32>
    %get3A_154 = vector.shape_cast %get3A_153 : vector<1x1x64x4096xf32> to vector<1x64x4096xf32>
    %squeeze3A_155 = vector.shape_cast %get3A_154 : vector<1x64x4096xf32> to vector<64x4096xf32>
    %squeeze3A_156 = vector.shape_cast %get3A_154 : vector<1x64x4096xf32> to vector<64x4096xf32>
    %squeeze3A_157 = vector.shape_cast %get3A_154 : vector<1x64x4096xf32> to vector<64x4096xf32>
    %mul3A_158 = arith.mulf %squeeze3A_156, %squeeze3A_157 : vector<64x4096xf32>
    %reduce_sum3A_159 = arith.constant dense<0.000000e+00> : vector<4096xf32>
    %reduce_sum3A_160 = vector.multi_reduction <add>, %mul3A_158, %reduce_sum3A_159 [0] : vector<64x4096xf32> to vector<4096xf32>
    %add3A = arith.addf %squeeze3A, %squeeze3A_155 : vector<64x4096xf32>
    %add3A_161 = arith.addf %reduce_sum3A_122, %reduce_sum3A_160 : vector<4096xf32>
    %dma_start3A_162 = arith.constant 1 : i32
    %dma_start3A_163 = arith.constant 1 : i32
    %dma_start3A_164 = tpu.memref_slice %arg3[%dma_start3A_163] : memref<8x!tpu.dma_semaphore, #tpu.memory_space<semaphore_mem>> -> memref<1x!tpu.dma_semaphore, #tpu.memory_space<semaphore_mem>>
    %dma_start3A_165 = tpu.memref_squeeze %dma_start3A_164 : memref<1x!tpu.dma_semaphore, #tpu.memory_space<semaphore_mem>> -> memref<!tpu.dma_semaphore, #tpu.memory_space<semaphore_mem>>
    %dma_start3A_166 = arith.constant 0 : i32
    %dma_start3A_167 = arith.constant 0 : i32
    %dma_start3A_168 = arith.constant 0 : i32
    %dma_start3A_169 = tpu.memref_slice %arg2[%dma_start3A_162, %dma_start3A_166, %dma_start3A_167, %dma_start3A_168] : memref<8x1x64x4096xf32, #tpu.memory_space<vmem>> -> memref<1x1x64x4096xf32, #tpu.memory_space<vmem>>
    %dma_start3A_170 = tpu.memref_squeeze %dma_start3A_169 : memref<1x1x64x4096xf32, #tpu.memory_space<vmem>> -> memref<1x64x4096xf32, #tpu.memory_space<vmem>>
    %dma_start3A_171 = arith.constant 9 : i32
    %dma_start3A_172 = arith.constant 0 : i32
    %dma_start3A_173 = arith.constant 0 : i32
    %dma_start3A_174 = tpu.memref_slice %arg0[%dma_start3A_171, %dma_start3A_172, %dma_start3A_173] : memref<26x64x4096xf32, #tpu.memory_space<any>> -> memref<1x64x4096xf32, #tpu.memory_space<any>>
    tpu.enqueue_dma source(%dma_start3A_174 : memref<1x64x4096xf32, #tpu.memory_space<any>>) target(%dma_start3A_170 : memref<1x64x4096xf32, #tpu.memory_space<vmem>>) target_semaphore(%dma_start3A_165 : memref<!tpu.dma_semaphore, #tpu.memory_space<semaphore_mem>>)
    %dma_wait3A_175 = arith.constant 2 : i32
    %dma_wait3A_176 = arith.constant 2 : i32
    %dma_wait3A_177 = tpu.memref_slice %arg3[%dma_wait3A_176] : memref<8x!tpu.dma_semaphore, #tpu.memory_space<semaphore_mem>> -> memref<1x!tpu.dma_semaphore, #tpu.memory_space<semaphore_mem>>
    %dma_wait3A_178 = tpu.memref_squeeze %dma_wait3A_177 : memref<1x!tpu.dma_semaphore, #tpu.memory_space<semaphore_mem>> -> memref<!tpu.dma_semaphore, #tpu.memory_space<semaphore_mem>>
    %dma_wait3A_179 = arith.constant 0 : i32
    %dma_wait3A_180 = arith.constant 0 : i32
    %dma_wait3A_181 = arith.constant 0 : i32
    %dma_wait3A_182 = tpu.memref_slice %arg2[%dma_wait3A_175, %dma_wait3A_179, %dma_wait3A_180, %dma_wait3A_181] : memref<8x1x64x4096xf32, #tpu.memory_space<vmem>> -> memref<1x1x64x4096xf32, #tpu.memory_space<vmem>>
    %dma_wait3A_183 = tpu.memref_squeeze %dma_wait3A_182 : memref<1x1x64x4096xf32, #tpu.memory_space<vmem>> -> memref<1x64x4096xf32, #tpu.memory_space<vmem>>
    %dma_wait3A_184 = arith.constant 2 : i32
    %dma_wait3A_185 = arith.constant 0 : i32
    %dma_wait3A_186 = arith.constant 0 : i32
    %dma_wait3A_187 = tpu.memref_slice %arg0[%dma_wait3A_184, %dma_wait3A_185, %dma_wait3A_186] : memref<26x64x4096xf32, #tpu.memory_space<any>> -> memref<1x64x4096xf32, #tpu.memory_space<any>>
    tpu.wait_dma2 semaphore(%dma_wait3A_178 : memref<!tpu.dma_semaphore, #tpu.memory_space<semaphore_mem>>) src(%dma_wait3A_187 : memref<1x64x4096xf32, #tpu.memory_space<any>>) dst(%dma_wait3A_183 : memref<1x64x4096xf32, #tpu.memory_space<vmem>>)
    %get3A_188 = arith.constant 2 : index
    %get3A_189 = arith.constant 0 : index
    %get3A_190 = arith.constant 0 : index
    %get3A_191 = arith.constant 0 : index
    %get3A_192 = vector.load %arg2[%get3A_188, %get3A_189, %get3A_190, %get3A_191] : memref<8x1x64x4096xf32, #tpu.memory_space<vmem>>, vector<1x1x64x4096xf32>
    %get3A_193 = vector.shape_cast %get3A_192 : vector<1x1x64x4096xf32> to vector<1x64x4096xf32>
    %squeeze3A_194 = vector.shape_cast %get3A_193 : vector<1x64x4096xf32> to vector<64x4096xf32>
    %squeeze3A_195 = vector.shape_cast %get3A_193 : vector<1x64x4096xf32> to vector<64x4096xf32>
    %squeeze3A_196 = vector.shape_cast %get3A_193 : vector<1x64x4096xf32> to vector<64x4096xf32>
    %mul3A_197 = arith.mulf %squeeze3A_195, %squeeze3A_196 : vector<64x4096xf32>
    %reduce_sum3A_198 = arith.constant dense<0.000000e+00> : vector<4096xf32>
    %reduce_sum3A_199 = vector.multi_reduction <add>, %mul3A_197, %reduce_sum3A_198 [0] : vector<64x4096xf32> to vector<4096xf32>
    %add3A_200 = arith.addf %add3A, %squeeze3A_194 : vector<64x4096xf32>
    %add3A_201 = arith.addf %add3A_161, %reduce_sum3A_199 : vector<4096xf32>
    %dma_start3A_202 = arith.constant 2 : i32
    %dma_start3A_203 = arith.constant 2 : i32
    %dma_start3A_204 = tpu.memref_slice %arg3[%dma_start3A_203] : memref<8x!tpu.dma_semaphore, #tpu.memory_space<semaphore_mem>> -> memref<1x!tpu.dma_semaphore, #tpu.memory_space<semaphore_mem>>
    %dma_start3A_205 = tpu.memref_squeeze %dma_start3A_204 : memref<1x!tpu.dma_semaphore, #tpu.memory_space<semaphore_mem>> -> memref<!tpu.dma_semaphore, #tpu.memory_space<semaphore_mem>>
    %dma_start3A_206 = arith.constant 0 : i32
    %dma_start3A_207 = arith.constant 0 : i32
    %dma_start3A_208 = arith.constant 0 : i32
    %dma_start3A_209 = tpu.memref_slice %arg2[%dma_start3A_202, %dma_start3A_206, %dma_start3A_207, %dma_start3A_208] : memref<8x1x64x4096xf32, #tpu.memory_space<vmem>> -> memref<1x1x64x4096xf32, #tpu.memory_space<vmem>>
    %dma_start3A_210 = tpu.memref_squeeze %dma_start3A_209 : memref<1x1x64x4096xf32, #tpu.memory_space<vmem>> -> memref<1x64x4096xf32, #tpu.memory_space<vmem>>
    %dma_start3A_211 = arith.constant 10 : i32
    %dma_start3A_212 = arith.constant 0 : i32
    %dma_start3A_213 = arith.constant 0 : i32
    %dma_start3A_214 = tpu.memref_slice %arg0[%dma_start3A_211, %dma_start3A_212, %dma_start3A_213] : memref<26x64x4096xf32, #tpu.memory_space<any>> -> memref<1x64x4096xf32, #tpu.memory_space<any>>
    tpu.enqueue_dma source(%dma_start3A_214 : memref<1x64x4096xf32, #tpu.memory_space<any>>) target(%dma_start3A_210 : memref<1x64x4096xf32, #tpu.memory_space<vmem>>) target_semaphore(%dma_start3A_205 : memref<!tpu.dma_semaphore, #tpu.memory_space<semaphore_mem>>)
    %dma_wait3A_215 = arith.constant 3 : i32
    %dma_wait3A_216 = arith.constant 3 : i32
    %dma_wait3A_217 = tpu.memref_slice %arg3[%dma_wait3A_216] : memref<8x!tpu.dma_semaphore, #tpu.memory_space<semaphore_mem>> -> memref<1x!tpu.dma_semaphore, #tpu.memory_space<semaphore_mem>>
    %dma_wait3A_218 = tpu.memref_squeeze %dma_wait3A_217 : memref<1x!tpu.dma_semaphore, #tpu.memory_space<semaphore_mem>> -> memref<!tpu.dma_semaphore, #tpu.memory_space<semaphore_mem>>
    %dma_wait3A_219 = arith.constant 0 : i32
    %dma_wait3A_220 = arith.constant 0 : i32
    %dma_wait3A_221 = arith.constant 0 : i32
    %dma_wait3A_222 = tpu.memref_slice %arg2[%dma_wait3A_215, %dma_wait3A_219, %dma_wait3A_220, %dma_wait3A_221] : memref<8x1x64x4096xf32, #tpu.memory_space<vmem>> -> memref<1x1x64x4096xf32, #tpu.memory_space<vmem>>
    %dma_wait3A_223 = tpu.memref_squeeze %dma_wait3A_222 : memref<1x1x64x4096xf32, #tpu.memory_space<vmem>> -> memref<1x64x4096xf32, #tpu.memory_space<vmem>>
    %dma_wait3A_224 = arith.constant 3 : i32
    %dma_wait3A_225 = arith.constant 0 : i32
    %dma_wait3A_226 = arith.constant 0 : i32
    %dma_wait3A_227 = tpu.memref_slice %arg0[%dma_wait3A_224, %dma_wait3A_225, %dma_wait3A_226] : memref<26x64x4096xf32, #tpu.memory_space<any>> -> memref<1x64x4096xf32, #tpu.memory_space<any>>
    tpu.wait_dma2 semaphore(%dma_wait3A_218 : memref<!tpu.dma_semaphore, #tpu.memory_space<semaphore_mem>>) src(%dma_wait3A_227 : memref<1x64x4096xf32, #tpu.memory_space<any>>) dst(%dma_wait3A_223 : memref<1x64x4096xf32, #tpu.memory_space<vmem>>)
    %get3A_228 = arith.constant 3 : index
    %get3A_229 = arith.constant 0 : index
    %get3A_230 = arith.constant 0 : index
    %get3A_231 = arith.constant 0 : index
    %get3A_232 = vector.load %arg2[%get3A_228, %get3A_229, %get3A_230, %get3A_231] : memref<8x1x64x4096xf32, #tpu.memory_space<vmem>>, vector<1x1x64x4096xf32>
    %get3A_233 = vector.shape_cast %get3A_232 : vector<1x1x64x4096xf32> to vector<1x64x4096xf32>
    %squeeze3A_234 = vector.shape_cast %get3A_233 : vector<1x64x4096xf32> to vector<64x4096xf32>
    %squeeze3A_235 = vector.shape_cast %get3A_233 : vector<1x64x4096xf32> to vector<64x4096xf32>
    %squeeze3A_236 = vector.shape_cast %get3A_233 : vector<1x64x4096xf32> to vector<64x4096xf32>
    %mul3A_237 = arith.mulf %squeeze3A_235, %squeeze3A_236 : vector<64x4096xf32>
    %reduce_sum3A_238 = arith.constant dense<0.000000e+00> : vector<4096xf32>
    %reduce_sum3A_239 = vector.multi_reduction <add>, %mul3A_237, %reduce_sum3A_238 [0] : vector<64x4096xf32> to vector<4096xf32>
    %add3A_240 = arith.addf %add3A_200, %squeeze3A_234 : vector<64x4096xf32>
    %add3A_241 = arith.addf %add3A_201, %reduce_sum3A_239 : vector<4096xf32>
    %dma_start3A_242 = arith.constant 3 : i32
    %dma_start3A_243 = arith.constant 3 : i32
    %dma_start3A_244 = tpu.memref_slice %arg3[%dma_start3A_243] : memref<8x!tpu.dma_semaphore, #tpu.memory_space<semaphore_mem>> -> memref<1x!tpu.dma_semaphore, #tpu.memory_space<semaphore_mem>>
    %dma_start3A_245 = tpu.memref_squeeze %dma_start3A_244 : memref<1x!tpu.dma_semaphore, #tpu.memory_space<semaphore_mem>> -> memref<!tpu.dma_semaphore, #tpu.memory_space<semaphore_mem>>
    %dma_start3A_246 = arith.constant 0 : i32
    %dma_start3A_247 = arith.constant 0 : i32
    %dma_start3A_248 = arith.constant 0 : i32
    %dma_start3A_249 = tpu.memref_slice %arg2[%dma_start3A_242, %dma_start3A_246, %dma_start3A_247, %dma_start3A_248] : memref<8x1x64x4096xf32, #tpu.memory_space<vmem>> -> memref<1x1x64x4096xf32, #tpu.memory_space<vmem>>
    %dma_start3A_250 = tpu.memref_squeeze %dma_start3A_249 : memref<1x1x64x4096xf32, #tpu.memory_space<vmem>> -> memref<1x64x4096xf32, #tpu.memory_space<vmem>>
    %dma_start3A_251 = arith.constant 11 : i32
    %dma_start3A_252 = arith.constant 0 : i32
    %dma_start3A_253 = arith.constant 0 : i32
    %dma_start3A_254 = tpu.memref_slice %arg0[%dma_start3A_251, %dma_start3A_252, %dma_start3A_253] : memref<26x64x4096xf32, #tpu.memory_space<any>> -> memref<1x64x4096xf32, #tpu.memory_space<any>>
    tpu.enqueue_dma source(%dma_start3A_254 : memref<1x64x4096xf32, #tpu.memory_space<any>>) target(%dma_start3A_250 : memref<1x64x4096xf32, #tpu.memory_space<vmem>>) target_semaphore(%dma_start3A_245 : memref<!tpu.dma_semaphore, #tpu.memory_space<semaphore_mem>>)
    %dma_wait3A_255 = arith.constant 4 : i32
    %dma_wait3A_256 = arith.constant 4 : i32
    %dma_wait3A_257 = tpu.memref_slice %arg3[%dma_wait3A_256] : memref<8x!tpu.dma_semaphore, #tpu.memory_space<semaphore_mem>> -> memref<1x!tpu.dma_semaphore, #tpu.memory_space<semaphore_mem>>
    %dma_wait3A_258 = tpu.memref_squeeze %dma_wait3A_257 : memref<1x!tpu.dma_semaphore, #tpu.memory_space<semaphore_mem>> -> memref<!tpu.dma_semaphore, #tpu.memory_space<semaphore_mem>>
    %dma_wait3A_259 = arith.constant 0 : i32
    %dma_wait3A_260 = arith.constant 0 : i32
    %dma_wait3A_261 = arith.constant 0 : i32
    %dma_wait3A_262 = tpu.memref_slice %arg2[%dma_wait3A_255, %dma_wait3A_259, %dma_wait3A_260, %dma_wait3A_261] : memref<8x1x64x4096xf32, #tpu.memory_space<vmem>> -> memref<1x1x64x4096xf32, #tpu.memory_space<vmem>>
    %dma_wait3A_263 = tpu.memref_squeeze %dma_wait3A_262 : memref<1x1x64x4096xf32, #tpu.memory_space<vmem>> -> memref<1x64x4096xf32, #tpu.memory_space<vmem>>
    %dma_wait3A_264 = arith.constant 4 : i32
    %dma_wait3A_265 = arith.constant 0 : i32
    %dma_wait3A_266 = arith.constant 0 : i32
    %dma_wait3A_267 = tpu.memref_slice %arg0[%dma_wait3A_264, %dma_wait3A_265, %dma_wait3A_266] : memref<26x64x4096xf32, #tpu.memory_space<any>> -> memref<1x64x4096xf32, #tpu.memory_space<any>>
    tpu.wait_dma2 semaphore(%dma_wait3A_258 : memref<!tpu.dma_semaphore, #tpu.memory_space<semaphore_mem>>) src(%dma_wait3A_267 : memref<1x64x4096xf32, #tpu.memory_space<any>>) dst(%dma_wait3A_263 : memref<1x64x4096xf32, #tpu.memory_space<vmem>>)
    %get3A_268 = arith.constant 4 : index
    %get3A_269 = arith.constant 0 : index
    %get3A_270 = arith.constant 0 : index
    %get3A_271 = arith.constant 0 : index
    %get3A_272 = vector.load %arg2[%get3A_268, %get3A_269, %get3A_270, %get3A_271] : memref<8x1x64x4096xf32, #tpu.memory_space<vmem>>, vector<1x1x64x4096xf32>
    %get3A_273 = vector.shape_cast %get3A_272 : vector<1x1x64x4096xf32> to vector<1x64x4096xf32>
    %squeeze3A_274 = vector.shape_cast %get3A_273 : vector<1x64x4096xf32> to vector<64x4096xf32>
    %squeeze3A_275 = vector.shape_cast %get3A_273 : vector<1x64x4096xf32> to vector<64x4096xf32>
    %squeeze3A_276 = vector.shape_cast %get3A_273 : vector<1x64x4096xf32> to vector<64x4096xf32>
    %mul3A_277 = arith.mulf %squeeze3A_275, %squeeze3A_276 : vector<64x4096xf32>
    %reduce_sum3A_278 = arith.constant dense<0.000000e+00> : vector<4096xf32>
    %reduce_sum3A_279 = vector.multi_reduction <add>, %mul3A_277, %reduce_sum3A_278 [0] : vector<64x4096xf32> to vector<4096xf32>
    %add3A_280 = arith.addf %add3A_240, %squeeze3A_274 : vector<64x4096xf32>
    %add3A_281 = arith.addf %add3A_241, %reduce_sum3A_279 : vector<4096xf32>
    %dma_start3A_282 = arith.constant 4 : i32
    %dma_start3A_283 = arith.constant 4 : i32
    %dma_start3A_284 = tpu.memref_slice %arg3[%dma_start3A_283] : memref<8x!tpu.dma_semaphore, #tpu.memory_space<semaphore_mem>> -> memref<1x!tpu.dma_semaphore, #tpu.memory_space<semaphore_mem>>
    %dma_start3A_285 = tpu.memref_squeeze %dma_start3A_284 : memref<1x!tpu.dma_semaphore, #tpu.memory_space<semaphore_mem>> -> memref<!tpu.dma_semaphore, #tpu.memory_space<semaphore_mem>>
    %dma_start3A_286 = arith.constant 0 : i32
    %dma_start3A_287 = arith.constant 0 : i32
    %dma_start3A_288 = arith.constant 0 : i32
    %dma_start3A_289 = tpu.memref_slice %arg2[%dma_start3A_282, %dma_start3A_286, %dma_start3A_287, %dma_start3A_288] : memref<8x1x64x4096xf32, #tpu.memory_space<vmem>> -> memref<1x1x64x4096xf32, #tpu.memory_space<vmem>>
    %dma_start3A_290 = tpu.memref_squeeze %dma_start3A_289 : memref<1x1x64x4096xf32, #tpu.memory_space<vmem>> -> memref<1x64x4096xf32, #tpu.memory_space<vmem>>
    %dma_start3A_291 = arith.constant 12 : i32
    %dma_start3A_292 = arith.constant 0 : i32
    %dma_start3A_293 = arith.constant 0 : i32
    %dma_start3A_294 = tpu.memref_slice %arg0[%dma_start3A_291, %dma_start3A_292, %dma_start3A_293] : memref<26x64x4096xf32, #tpu.memory_space<any>> -> memref<1x64x4096xf32, #tpu.memory_space<any>>
    tpu.enqueue_dma source(%dma_start3A_294 : memref<1x64x4096xf32, #tpu.memory_space<any>>) target(%dma_start3A_290 : memref<1x64x4096xf32, #tpu.memory_space<vmem>>) target_semaphore(%dma_start3A_285 : memref<!tpu.dma_semaphore, #tpu.memory_space<semaphore_mem>>)
    %dma_wait3A_295 = arith.constant 5 : i32
    %dma_wait3A_296 = arith.constant 5 : i32
    %dma_wait3A_297 = tpu.memref_slice %arg3[%dma_wait3A_296] : memref<8x!tpu.dma_semaphore, #tpu.memory_space<semaphore_mem>> -> memref<1x!tpu.dma_semaphore, #tpu.memory_space<semaphore_mem>>
    %dma_wait3A_298 = tpu.memref_squeeze %dma_wait3A_297 : memref<1x!tpu.dma_semaphore, #tpu.memory_space<semaphore_mem>> -> memref<!tpu.dma_semaphore, #tpu.memory_space<semaphore_mem>>
    %dma_wait3A_299 = arith.constant 0 : i32
    %dma_wait3A_300 = arith.constant 0 : i32
    %dma_wait3A_301 = arith.constant 0 : i32
    %dma_wait3A_302 = tpu.memref_slice %arg2[%dma_wait3A_295, %dma_wait3A_299, %dma_wait3A_300, %dma_wait3A_301] : memref<8x1x64x4096xf32, #tpu.memory_space<vmem>> -> memref<1x1x64x4096xf32, #tpu.memory_space<vmem>>
    %dma_wait3A_303 = tpu.memref_squeeze %dma_wait3A_302 : memref<1x1x64x4096xf32, #tpu.memory_space<vmem>> -> memref<1x64x4096xf32, #tpu.memory_space<vmem>>
    %dma_wait3A_304 = arith.constant 5 : i32
    %dma_wait3A_305 = arith.constant 0 : i32
    %dma_wait3A_306 = arith.constant 0 : i32
    %dma_wait3A_307 = tpu.memref_slice %arg0[%dma_wait3A_304, %dma_wait3A_305, %dma_wait3A_306] : memref<26x64x4096xf32, #tpu.memory_space<any>> -> memref<1x64x4096xf32, #tpu.memory_space<any>>
    tpu.wait_dma2 semaphore(%dma_wait3A_298 : memref<!tpu.dma_semaphore, #tpu.memory_space<semaphore_mem>>) src(%dma_wait3A_307 : memref<1x64x4096xf32, #tpu.memory_space<any>>) dst(%dma_wait3A_303 : memref<1x64x4096xf32, #tpu.memory_space<vmem>>)
    %get3A_308 = arith.constant 5 : index
    %get3A_309 = arith.constant 0 : index
    %get3A_310 = arith.constant 0 : index
    %get3A_311 = arith.constant 0 : index
    %get3A_312 = vector.load %arg2[%get3A_308, %get3A_309, %get3A_310, %get3A_311] : memref<8x1x64x4096xf32, #tpu.memory_space<vmem>>, vector<1x1x64x4096xf32>
    %get3A_313 = vector.shape_cast %get3A_312 : vector<1x1x64x4096xf32> to vector<1x64x4096xf32>
    %squeeze3A_314 = vector.shape_cast %get3A_313 : vector<1x64x4096xf32> to vector<64x4096xf32>
    %squeeze3A_315 = vector.shape_cast %get3A_313 : vector<1x64x4096xf32> to vector<64x4096xf32>
    %squeeze3A_316 = vector.shape_cast %get3A_313 : vector<1x64x4096xf32> to vector<64x4096xf32>
    %mul3A_317 = arith.mulf %squeeze3A_315, %squeeze3A_316 : vector<64x4096xf32>
    %reduce_sum3A_318 = arith.constant dense<0.000000e+00> : vector<4096xf32>
    %reduce_sum3A_319 = vector.multi_reduction <add>, %mul3A_317, %reduce_sum3A_318 [0] : vector<64x4096xf32> to vector<4096xf32>
    %add3A_320 = arith.addf %add3A_280, %squeeze3A_314 : vector<64x4096xf32>
    %add3A_321 = arith.addf %add3A_281, %reduce_sum3A_319 : vector<4096xf32>
    %dma_start3A_322 = arith.constant 5 : i32
    %dma_start3A_323 = arith.constant 5 : i32
    %dma_start3A_324 = tpu.memref_slice %arg3[%dma_start3A_323] : memref<8x!tpu.dma_semaphore, #tpu.memory_space<semaphore_mem>> -> memref<1x!tpu.dma_semaphore, #tpu.memory_space<semaphore_mem>>
    %dma_start3A_325 = tpu.memref_squeeze %dma_start3A_324 : memref<1x!tpu.dma_semaphore, #tpu.memory_space<semaphore_mem>> -> memref<!tpu.dma_semaphore, #tpu.memory_space<semaphore_mem>>
    %dma_start3A_326 = arith.constant 0 : i32
    %dma_start3A_327 = arith.constant 0 : i32
    %dma_start3A_328 = arith.constant 0 : i32
    %dma_start3A_329 = tpu.memref_slice %arg2[%dma_start3A_322, %dma_start3A_326, %dma_start3A_327, %dma_start3A_328] : memref<8x1x64x4096xf32, #tpu.memory_space<vmem>> -> memref<1x1x64x4096xf32, #tpu.memory_space<vmem>>
    %dma_start3A_330 = tpu.memref_squeeze %dma_start3A_329 : memref<1x1x64x4096xf32, #tpu.memory_space<vmem>> -> memref<1x64x4096xf32, #tpu.memory_space<vmem>>
    %dma_start3A_331 = arith.constant 13 : i32
    %dma_start3A_332 = arith.constant 0 : i32
    %dma_start3A_333 = arith.constant 0 : i32
    %dma_start3A_334 = tpu.memref_slice %arg0[%dma_start3A_331, %dma_start3A_332, %dma_start3A_333] : memref<26x64x4096xf32, #tpu.memory_space<any>> -> memref<1x64x4096xf32, #tpu.memory_space<any>>
    tpu.enqueue_dma source(%dma_start3A_334 : memref<1x64x4096xf32, #tpu.memory_space<any>>) target(%dma_start3A_330 : memref<1x64x4096xf32, #tpu.memory_space<vmem>>) target_semaphore(%dma_start3A_325 : memref<!tpu.dma_semaphore, #tpu.memory_space<semaphore_mem>>)
    %dma_wait3A_335 = arith.constant 6 : i32
    %dma_wait3A_336 = arith.constant 6 : i32
    %dma_wait3A_337 = tpu.memref_slice %arg3[%dma_wait3A_336] : memref<8x!tpu.dma_semaphore, #tpu.memory_space<semaphore_mem>> -> memref<1x!tpu.dma_semaphore, #tpu.memory_space<semaphore_mem>>
    %dma_wait3A_338 = tpu.memref_squeeze %dma_wait3A_337 : memref<1x!tpu.dma_semaphore, #tpu.memory_space<semaphore_mem>> -> memref<!tpu.dma_semaphore, #tpu.memory_space<semaphore_mem>>
    %dma_wait3A_339 = arith.constant 0 : i32
    %dma_wait3A_340 = arith.constant 0 : i32
    %dma_wait3A_341 = arith.constant 0 : i32
    %dma_wait3A_342 = tpu.memref_slice %arg2[%dma_wait3A_335, %dma_wait3A_339, %dma_wait3A_340, %dma_wait3A_341] : memref<8x1x64x4096xf32, #tpu.memory_space<vmem>> -> memref<1x1x64x4096xf32, #tpu.memory_space<vmem>>
    %dma_wait3A_343 = tpu.memref_squeeze %dma_wait3A_342 : memref<1x1x64x4096xf32, #tpu.memory_space<vmem>> -> memref<1x64x4096xf32, #tpu.memory_space<vmem>>
    %dma_wait3A_344 = arith.constant 6 : i32
    %dma_wait3A_345 = arith.constant 0 : i32
    %dma_wait3A_346 = arith.constant 0 : i32
    %dma_wait3A_347 = tpu.memref_slice %arg0[%dma_wait3A_344, %dma_wait3A_345, %dma_wait3A_346] : memref<26x64x4096xf32, #tpu.memory_space<any>> -> memref<1x64x4096xf32, #tpu.memory_space<any>>
    tpu.wait_dma2 semaphore(%dma_wait3A_338 : memref<!tpu.dma_semaphore, #tpu.memory_space<semaphore_mem>>) src(%dma_wait3A_347 : memref<1x64x4096xf32, #tpu.memory_space<any>>) dst(%dma_wait3A_343 : memref<1x64x4096xf32, #tpu.memory_space<vmem>>)
    %get3A_348 = arith.constant 6 : index
    %get3A_349 = arith.constant 0 : index
    %get3A_350 = arith.constant 0 : index
    %get3A_351 = arith.constant 0 : index
    %get3A_352 = vector.load %arg2[%get3A_348, %get3A_349, %get3A_350, %get3A_351] : memref<8x1x64x4096xf32, #tpu.memory_space<vmem>>, vector<1x1x64x4096xf32>
    %get3A_353 = vector.shape_cast %get3A_352 : vector<1x1x64x4096xf32> to vector<1x64x4096xf32>
    %squeeze3A_354 = vector.shape_cast %get3A_353 : vector<1x64x4096xf32> to vector<64x4096xf32>
    %squeeze3A_355 = vector.shape_cast %get3A_353 : vector<1x64x4096xf32> to vector<64x4096xf32>
    %squeeze3A_356 = vector.shape_cast %get3A_353 : vector<1x64x4096xf32> to vector<64x4096xf32>
    %mul3A_357 = arith.mulf %squeeze3A_355, %squeeze3A_356 : vector<64x4096xf32>
    %reduce_sum3A_358 = arith.constant dense<0.000000e+00> : vector<4096xf32>
    %reduce_sum3A_359 = vector.multi_reduction <add>, %mul3A_357, %reduce_sum3A_358 [0] : vector<64x4096xf32> to vector<4096xf32>
    %add3A_360 = arith.addf %add3A_320, %squeeze3A_354 : vector<64x4096xf32>
    %add3A_361 = arith.addf %add3A_321, %reduce_sum3A_359 : vector<4096xf32>
    %dma_start3A_362 = arith.constant 6 : i32
    %dma_start3A_363 = arith.constant 6 : i32
    %dma_start3A_364 = tpu.memref_slice %arg3[%dma_start3A_363] : memref<8x!tpu.dma_semaphore, #tpu.memory_space<semaphore_mem>> -> memref<1x!tpu.dma_semaphore, #tpu.memory_space<semaphore_mem>>
    %dma_start3A_365 = tpu.memref_squeeze %dma_start3A_364 : memref<1x!tpu.dma_semaphore, #tpu.memory_space<semaphore_mem>> -> memref<!tpu.dma_semaphore, #tpu.memory_space<semaphore_mem>>
    %dma_start3A_366 = arith.constant 0 : i32
    %dma_start3A_367 = arith.constant 0 : i32
    %dma_start3A_368 = arith.constant 0 : i32
    %dma_start3A_369 = tpu.memref_slice %arg2[%dma_start3A_362, %dma_start3A_366, %dma_start3A_367, %dma_start3A_368] : memref<8x1x64x4096xf32, #tpu.memory_space<vmem>> -> memref<1x1x64x4096xf32, #tpu.memory_space<vmem>>
    %dma_start3A_370 = tpu.memref_squeeze %dma_start3A_369 : memref<1x1x64x4096xf32, #tpu.memory_space<vmem>> -> memref<1x64x4096xf32, #tpu.memory_space<vmem>>
    %dma_start3A_371 = arith.constant 14 : i32
    %dma_start3A_372 = arith.constant 0 : i32
    %dma_start3A_373 = arith.constant 0 : i32
    %dma_start3A_374 = tpu.memref_slice %arg0[%dma_start3A_371, %dma_start3A_372, %dma_start3A_373] : memref<26x64x4096xf32, #tpu.memory_space<any>> -> memref<1x64x4096xf32, #tpu.memory_space<any>>
    tpu.enqueue_dma source(%dma_start3A_374 : memref<1x64x4096xf32, #tpu.memory_space<any>>) target(%dma_start3A_370 : memref<1x64x4096xf32, #tpu.memory_space<vmem>>) target_semaphore(%dma_start3A_365 : memref<!tpu.dma_semaphore, #tpu.memory_space<semaphore_mem>>)
    %dma_wait3A_375 = arith.constant 7 : i32
    %dma_wait3A_376 = arith.constant 7 : i32
    %dma_wait3A_377 = tpu.memref_slice %arg3[%dma_wait3A_376] : memref<8x!tpu.dma_semaphore, #tpu.memory_space<semaphore_mem>> -> memref<1x!tpu.dma_semaphore, #tpu.memory_space<semaphore_mem>>
    %dma_wait3A_378 = tpu.memref_squeeze %dma_wait3A_377 : memref<1x!tpu.dma_semaphore, #tpu.memory_space<semaphore_mem>> -> memref<!tpu.dma_semaphore, #tpu.memory_space<semaphore_mem>>
    %dma_wait3A_379 = arith.constant 0 : i32
    %dma_wait3A_380 = arith.constant 0 : i32
    %dma_wait3A_381 = arith.constant 0 : i32
    %dma_wait3A_382 = tpu.memref_slice %arg2[%dma_wait3A_375, %dma_wait3A_379, %dma_wait3A_380, %dma_wait3A_381] : memref<8x1x64x4096xf32, #tpu.memory_space<vmem>> -> memref<1x1x64x4096xf32, #tpu.memory_space<vmem>>
    %dma_wait3A_383 = tpu.memref_squeeze %dma_wait3A_382 : memref<1x1x64x4096xf32, #tpu.memory_space<vmem>> -> memref<1x64x4096xf32, #tpu.memory_space<vmem>>
    %dma_wait3A_384 = arith.constant 7 : i32
    %dma_wait3A_385 = arith.constant 0 : i32
    %dma_wait3A_386 = arith.constant 0 : i32
    %dma_wait3A_387 = tpu.memref_slice %arg0[%dma_wait3A_384, %dma_wait3A_385, %dma_wait3A_386] : memref<26x64x4096xf32, #tpu.memory_space<any>> -> memref<1x64x4096xf32, #tpu.memory_space<any>>
    tpu.wait_dma2 semaphore(%dma_wait3A_378 : memref<!tpu.dma_semaphore, #tpu.memory_space<semaphore_mem>>) src(%dma_wait3A_387 : memref<1x64x4096xf32, #tpu.memory_space<any>>) dst(%dma_wait3A_383 : memref<1x64x4096xf32, #tpu.memory_space<vmem>>)
    %get3A_388 = arith.constant 7 : index
    %get3A_389 = arith.constant 0 : index
    %get3A_390 = arith.constant 0 : index
    %get3A_391 = arith.constant 0 : index
    %get3A_392 = vector.load %arg2[%get3A_388, %get3A_389, %get3A_390, %get3A_391] : memref<8x1x64x4096xf32, #tpu.memory_space<vmem>>, vector<1x1x64x4096xf32>
    %get3A_393 = vector.shape_cast %get3A_392 : vector<1x1x64x4096xf32> to vector<1x64x4096xf32>
    %squeeze3A_394 = vector.shape_cast %get3A_393 : vector<1x64x4096xf32> to vector<64x4096xf32>
    %squeeze3A_395 = vector.shape_cast %get3A_393 : vector<1x64x4096xf32> to vector<64x4096xf32>
    %squeeze3A_396 = vector.shape_cast %get3A_393 : vector<1x64x4096xf32> to vector<64x4096xf32>
    %mul3A_397 = arith.mulf %squeeze3A_395, %squeeze3A_396 : vector<64x4096xf32>
    %reduce_sum3A_398 = arith.constant dense<0.000000e+00> : vector<4096xf32>
    %reduce_sum3A_399 = vector.multi_reduction <add>, %mul3A_397, %reduce_sum3A_398 [0] : vector<64x4096xf32> to vector<4096xf32>
    %add3A_400 = arith.addf %add3A_360, %squeeze3A_394 : vector<64x4096xf32>
    %add3A_401 = arith.addf %add3A_361, %reduce_sum3A_399 : vector<4096xf32>
    %dma_start3A_402 = arith.constant 7 : i32
    %dma_start3A_403 = arith.constant 7 : i32
    %dma_start3A_404 = tpu.memref_slice %arg3[%dma_start3A_403] : memref<8x!tpu.dma_semaphore, #tpu.memory_space<semaphore_mem>> -> memref<1x!tpu.dma_semaphore, #tpu.memory_space<semaphore_mem>>
    %dma_start3A_405 = tpu.memref_squeeze %dma_start3A_404 : memref<1x!tpu.dma_semaphore, #tpu.memory_space<semaphore_mem>> -> memref<!tpu.dma_semaphore, #tpu.memory_space<semaphore_mem>>
    %dma_start3A_406 = arith.constant 0 : i32
    %dma_start3A_407 = arith.constant 0 : i32
    %dma_start3A_408 = arith.constant 0 : i32
    %dma_start3A_409 = tpu.memref_slice %arg2[%dma_start3A_402, %dma_start3A_406, %dma_start3A_407, %dma_start3A_408] : memref<8x1x64x4096xf32, #tpu.memory_space<vmem>> -> memref<1x1x64x4096xf32, #tpu.memory_space<vmem>>
    %dma_start3A_410 = tpu.memref_squeeze %dma_start3A_409 : memref<1x1x64x4096xf32, #tpu.memory_space<vmem>> -> memref<1x64x4096xf32, #tpu.memory_space<vmem>>
    %dma_start3A_411 = arith.constant 15 : i32
    %dma_start3A_412 = arith.constant 0 : i32
    %dma_start3A_413 = arith.constant 0 : i32
    %dma_start3A_414 = tpu.memref_slice %arg0[%dma_start3A_411, %dma_start3A_412, %dma_start3A_413] : memref<26x64x4096xf32, #tpu.memory_space<any>> -> memref<1x64x4096xf32, #tpu.memory_space<any>>
    tpu.enqueue_dma source(%dma_start3A_414 : memref<1x64x4096xf32, #tpu.memory_space<any>>) target(%dma_start3A_410 : memref<1x64x4096xf32, #tpu.memory_space<vmem>>) target_semaphore(%dma_start3A_405 : memref<!tpu.dma_semaphore, #tpu.memory_space<semaphore_mem>>)
    %dma_wait3A_415 = arith.constant 0 : i32
    %dma_wait3A_416 = arith.constant 0 : i32
    %dma_wait3A_417 = tpu.memref_slice %arg3[%dma_wait3A_416] : memref<8x!tpu.dma_semaphore, #tpu.memory_space<semaphore_mem>> -> memref<1x!tpu.dma_semaphore, #tpu.memory_space<semaphore_mem>>
    %dma_wait3A_418 = tpu.memref_squeeze %dma_wait3A_417 : memref<1x!tpu.dma_semaphore, #tpu.memory_space<semaphore_mem>> -> memref<!tpu.dma_semaphore, #tpu.memory_space<semaphore_mem>>
    %dma_wait3A_419 = arith.constant 0 : i32
    %dma_wait3A_420 = arith.constant 0 : i32
    %dma_wait3A_421 = arith.constant 0 : i32
    %dma_wait3A_422 = tpu.memref_slice %arg2[%dma_wait3A_415, %dma_wait3A_419, %dma_wait3A_420, %dma_wait3A_421] : memref<8x1x64x4096xf32, #tpu.memory_space<vmem>> -> memref<1x1x64x4096xf32, #tpu.memory_space<vmem>>
    %dma_wait3A_423 = tpu.memref_squeeze %dma_wait3A_422 : memref<1x1x64x4096xf32, #tpu.memory_space<vmem>> -> memref<1x64x4096xf32, #tpu.memory_space<vmem>>
    %dma_wait3A_424 = arith.constant 8 : i32
    %dma_wait3A_425 = arith.constant 0 : i32
    %dma_wait3A_426 = arith.constant 0 : i32
    %dma_wait3A_427 = tpu.memref_slice %arg0[%dma_wait3A_424, %dma_wait3A_425, %dma_wait3A_426] : memref<26x64x4096xf32, #tpu.memory_space<any>> -> memref<1x64x4096xf32, #tpu.memory_space<any>>
    tpu.wait_dma2 semaphore(%dma_wait3A_418 : memref<!tpu.dma_semaphore, #tpu.memory_space<semaphore_mem>>) src(%dma_wait3A_427 : memref<1x64x4096xf32, #tpu.memory_space<any>>) dst(%dma_wait3A_423 : memref<1x64x4096xf32, #tpu.memory_space<vmem>>)
    %get3A_428 = arith.constant 0 : index
    %get3A_429 = arith.constant 0 : index
    %get3A_430 = arith.constant 0 : index
    %get3A_431 = arith.constant 0 : index
    %get3A_432 = vector.load %arg2[%get3A_428, %get3A_429, %get3A_430, %get3A_431] : memref<8x1x64x4096xf32, #tpu.memory_space<vmem>>, vector<1x1x64x4096xf32>
    %get3A_433 = vector.shape_cast %get3A_432 : vector<1x1x64x4096xf32> to vector<1x64x4096xf32>
    %squeeze3A_434 = vector.shape_cast %get3A_433 : vector<1x64x4096xf32> to vector<64x4096xf32>
    %squeeze3A_435 = vector.shape_cast %get3A_433 : vector<1x64x4096xf32> to vector<64x4096xf32>
    %squeeze3A_436 = vector.shape_cast %get3A_433 : vector<1x64x4096xf32> to vector<64x4096xf32>
    %mul3A_437 = arith.mulf %squeeze3A_435, %squeeze3A_436 : vector<64x4096xf32>
    %reduce_sum3A_438 = arith.constant dense<0.000000e+00> : vector<4096xf32>
    %reduce_sum3A_439 = vector.multi_reduction <add>, %mul3A_437, %reduce_sum3A_438 [0] : vector<64x4096xf32> to vector<4096xf32>
    %add3A_440 = arith.addf %add3A_400, %squeeze3A_434 : vector<64x4096xf32>
    %add3A_441 = arith.addf %add3A_401, %reduce_sum3A_439 : vector<4096xf32>
    %dma_start3A_442 = arith.constant 0 : i32
    %dma_start3A_443 = arith.constant 0 : i32
    %dma_start3A_444 = tpu.memref_slice %arg3[%dma_start3A_443] : memref<8x!tpu.dma_semaphore, #tpu.memory_space<semaphore_mem>> -> memref<1x!tpu.dma_semaphore, #tpu.memory_space<semaphore_mem>>
    %dma_start3A_445 = tpu.memref_squeeze %dma_start3A_444 : memref<1x!tpu.dma_semaphore, #tpu.memory_space<semaphore_mem>> -> memref<!tpu.dma_semaphore, #tpu.memory_space<semaphore_mem>>
    %dma_start3A_446 = arith.constant 0 : i32
    %dma_start3A_447 = arith.constant 0 : i32
    %dma_start3A_448 = arith.constant 0 : i32
    %dma_start3A_449 = tpu.memref_slice %arg2[%dma_start3A_442, %dma_start3A_446, %dma_start3A_447, %dma_start3A_448] : memref<8x1x64x4096xf32, #tpu.memory_space<vmem>> -> memref<1x1x64x4096xf32, #tpu.memory_space<vmem>>
    %dma_start3A_450 = tpu.memref_squeeze %dma_start3A_449 : memref<1x1x64x4096xf32, #tpu.memory_space<vmem>> -> memref<1x64x4096xf32, #tpu.memory_space<vmem>>
    %dma_start3A_451 = arith.constant 16 : i32
    %dma_start3A_452 = arith.constant 0 : i32
    %dma_start3A_453 = arith.constant 0 : i32
    %dma_start3A_454 = tpu.memref_slice %arg0[%dma_start3A_451, %dma_start3A_452, %dma_start3A_453] : memref<26x64x4096xf32, #tpu.memory_space<any>> -> memref<1x64x4096xf32, #tpu.memory_space<any>>
    tpu.enqueue_dma source(%dma_start3A_454 : memref<1x64x4096xf32, #tpu.memory_space<any>>) target(%dma_start3A_450 : memref<1x64x4096xf32, #tpu.memory_space<vmem>>) target_semaphore(%dma_start3A_445 : memref<!tpu.dma_semaphore, #tpu.memory_space<semaphore_mem>>)
    %dma_wait3A_455 = arith.constant 1 : i32
    %dma_wait3A_456 = arith.constant 1 : i32
    %dma_wait3A_457 = tpu.memref_slice %arg3[%dma_wait3A_456] : memref<8x!tpu.dma_semaphore, #tpu.memory_space<semaphore_mem>> -> memref<1x!tpu.dma_semaphore, #tpu.memory_space<semaphore_mem>>
    %dma_wait3A_458 = tpu.memref_squeeze %dma_wait3A_457 : memref<1x!tpu.dma_semaphore, #tpu.memory_space<semaphore_mem>> -> memref<!tpu.dma_semaphore, #tpu.memory_space<semaphore_mem>>
    %dma_wait3A_459 = arith.constant 0 : i32
    %dma_wait3A_460 = arith.constant 0 : i32
    %dma_wait3A_461 = arith.constant 0 : i32
    %dma_wait3A_462 = tpu.memref_slice %arg2[%dma_wait3A_455, %dma_wait3A_459, %dma_wait3A_460, %dma_wait3A_461] : memref<8x1x64x4096xf32, #tpu.memory_space<vmem>> -> memref<1x1x64x4096xf32, #tpu.memory_space<vmem>>
    %dma_wait3A_463 = tpu.memref_squeeze %dma_wait3A_462 : memref<1x1x64x4096xf32, #tpu.memory_space<vmem>> -> memref<1x64x4096xf32, #tpu.memory_space<vmem>>
    %dma_wait3A_464 = arith.constant 9 : i32
    %dma_wait3A_465 = arith.constant 0 : i32
    %dma_wait3A_466 = arith.constant 0 : i32
    %dma_wait3A_467 = tpu.memref_slice %arg0[%dma_wait3A_464, %dma_wait3A_465, %dma_wait3A_466] : memref<26x64x4096xf32, #tpu.memory_space<any>> -> memref<1x64x4096xf32, #tpu.memory_space<any>>
    tpu.wait_dma2 semaphore(%dma_wait3A_458 : memref<!tpu.dma_semaphore, #tpu.memory_space<semaphore_mem>>) src(%dma_wait3A_467 : memref<1x64x4096xf32, #tpu.memory_space<any>>) dst(%dma_wait3A_463 : memref<1x64x4096xf32, #tpu.memory_space<vmem>>)
    %get3A_468 = arith.constant 1 : index
    %get3A_469 = arith.constant 0 : index
    %get3A_470 = arith.constant 0 : index
    %get3A_471 = arith.constant 0 : index
    %get3A_472 = vector.load %arg2[%get3A_468, %get3A_469, %get3A_470, %get3A_471] : memref<8x1x64x4096xf32, #tpu.memory_space<vmem>>, vector<1x1x64x4096xf32>
    %get3A_473 = vector.shape_cast %get3A_472 : vector<1x1x64x4096xf32> to vector<1x64x4096xf32>
    %squeeze3A_474 = vector.shape_cast %get3A_473 : vector<1x64x4096xf32> to vector<64x4096xf32>
    %squeeze3A_475 = vector.shape_cast %get3A_473 : vector<1x64x4096xf32> to vector<64x4096xf32>
    %squeeze3A_476 = vector.shape_cast %get3A_473 : vector<1x64x4096xf32> to vector<64x4096xf32>
    %mul3A_477 = arith.mulf %squeeze3A_475, %squeeze3A_476 : vector<64x4096xf32>
    %reduce_sum3A_478 = arith.constant dense<0.000000e+00> : vector<4096xf32>
    %reduce_sum3A_479 = vector.multi_reduction <add>, %mul3A_477, %reduce_sum3A_478 [0] : vector<64x4096xf32> to vector<4096xf32>
    %add3A_480 = arith.addf %add3A_440, %squeeze3A_474 : vector<64x4096xf32>
    %add3A_481 = arith.addf %add3A_441, %reduce_sum3A_479 : vector<4096xf32>
    %dma_start3A_482 = arith.constant 1 : i32
    %dma_start3A_483 = arith.constant 1 : i32
    %dma_start3A_484 = tpu.memref_slice %arg3[%dma_start3A_483] : memref<8x!tpu.dma_semaphore, #tpu.memory_space<semaphore_mem>> -> memref<1x!tpu.dma_semaphore, #tpu.memory_space<semaphore_mem>>
    %dma_start3A_485 = tpu.memref_squeeze %dma_start3A_484 : memref<1x!tpu.dma_semaphore, #tpu.memory_space<semaphore_mem>> -> memref<!tpu.dma_semaphore, #tpu.memory_space<semaphore_mem>>
    %dma_start3A_486 = arith.constant 0 : i32
    %dma_start3A_487 = arith.constant 0 : i32
    %dma_start3A_488 = arith.constant 0 : i32
    %dma_start3A_489 = tpu.memref_slice %arg2[%dma_start3A_482, %dma_start3A_486, %dma_start3A_487, %dma_start3A_488] : memref<8x1x64x4096xf32, #tpu.memory_space<vmem>> -> memref<1x1x64x4096xf32, #tpu.memory_space<vmem>>
    %dma_start3A_490 = tpu.memref_squeeze %dma_start3A_489 : memref<1x1x64x4096xf32, #tpu.memory_space<vmem>> -> memref<1x64x4096xf32, #tpu.memory_space<vmem>>
    %dma_start3A_491 = arith.constant 17 : i32
    %dma_start3A_492 = arith.constant 0 : i32
    %dma_start3A_493 = arith.constant 0 : i32
    %dma_start3A_494 = tpu.memref_slice %arg0[%dma_start3A_491, %dma_start3A_492, %dma_start3A_493] : memref<26x64x4096xf32, #tpu.memory_space<any>> -> memref<1x64x4096xf32, #tpu.memory_space<any>>
    tpu.enqueue_dma source(%dma_start3A_494 : memref<1x64x4096xf32, #tpu.memory_space<any>>) target(%dma_start3A_490 : memref<1x64x4096xf32, #tpu.memory_space<vmem>>) target_semaphore(%dma_start3A_485 : memref<!tpu.dma_semaphore, #tpu.memory_space<semaphore_mem>>)
    %dma_wait3A_495 = arith.constant 2 : i32
    %dma_wait3A_496 = arith.constant 2 : i32
    %dma_wait3A_497 = tpu.memref_slice %arg3[%dma_wait3A_496] : memref<8x!tpu.dma_semaphore, #tpu.memory_space<semaphore_mem>> -> memref<1x!tpu.dma_semaphore, #tpu.memory_space<semaphore_mem>>
    %dma_wait3A_498 = tpu.memref_squeeze %dma_wait3A_497 : memref<1x!tpu.dma_semaphore, #tpu.memory_space<semaphore_mem>> -> memref<!tpu.dma_semaphore, #tpu.memory_space<semaphore_mem>>
    %dma_wait3A_499 = arith.constant 0 : i32
    %dma_wait3A_500 = arith.constant 0 : i32
    %dma_wait3A_501 = arith.constant 0 : i32
    %dma_wait3A_502 = tpu.memref_slice %arg2[%dma_wait3A_495, %dma_wait3A_499, %dma_wait3A_500, %dma_wait3A_501] : memref<8x1x64x4096xf32, #tpu.memory_space<vmem>> -> memref<1x1x64x4096xf32, #tpu.memory_space<vmem>>
    %dma_wait3A_503 = tpu.memref_squeeze %dma_wait3A_502 : memref<1x1x64x4096xf32, #tpu.memory_space<vmem>> -> memref<1x64x4096xf32, #tpu.memory_space<vmem>>
    %dma_wait3A_504 = arith.constant 10 : i32
    %dma_wait3A_505 = arith.constant 0 : i32
    %dma_wait3A_506 = arith.constant 0 : i32
    %dma_wait3A_507 = tpu.memref_slice %arg0[%dma_wait3A_504, %dma_wait3A_505, %dma_wait3A_506] : memref<26x64x4096xf32, #tpu.memory_space<any>> -> memref<1x64x4096xf32, #tpu.memory_space<any>>
    tpu.wait_dma2 semaphore(%dma_wait3A_498 : memref<!tpu.dma_semaphore, #tpu.memory_space<semaphore_mem>>) src(%dma_wait3A_507 : memref<1x64x4096xf32, #tpu.memory_space<any>>) dst(%dma_wait3A_503 : memref<1x64x4096xf32, #tpu.memory_space<vmem>>)
    %get3A_508 = arith.constant 2 : index
    %get3A_509 = arith.constant 0 : index
    %get3A_510 = arith.constant 0 : index
    %get3A_511 = arith.constant 0 : index
    %get3A_512 = vector.load %arg2[%get3A_508, %get3A_509, %get3A_510, %get3A_511] : memref<8x1x64x4096xf32, #tpu.memory_space<vmem>>, vector<1x1x64x4096xf32>
    %get3A_513 = vector.shape_cast %get3A_512 : vector<1x1x64x4096xf32> to vector<1x64x4096xf32>
    %squeeze3A_514 = vector.shape_cast %get3A_513 : vector<1x64x4096xf32> to vector<64x4096xf32>
    %squeeze3A_515 = vector.shape_cast %get3A_513 : vector<1x64x4096xf32> to vector<64x4096xf32>
    %squeeze3A_516 = vector.shape_cast %get3A_513 : vector<1x64x4096xf32> to vector<64x4096xf32>
    %mul3A_517 = arith.mulf %squeeze3A_515, %squeeze3A_516 : vector<64x4096xf32>
    %reduce_sum3A_518 = arith.constant dense<0.000000e+00> : vector<4096xf32>
    %reduce_sum3A_519 = vector.multi_reduction <add>, %mul3A_517, %reduce_sum3A_518 [0] : vector<64x4096xf32> to vector<4096xf32>
    %add3A_520 = arith.addf %add3A_480, %squeeze3A_514 : vector<64x4096xf32>
    %add3A_521 = arith.addf %add3A_481, %reduce_sum3A_519 : vector<4096xf32>
    %dma_start3A_522 = arith.constant 2 : i32
    %dma_start3A_523 = arith.constant 2 : i32
    %dma_start3A_524 = tpu.memref_slice %arg3[%dma_start3A_523] : memref<8x!tpu.dma_semaphore, #tpu.memory_space<semaphore_mem>> -> memref<1x!tpu.dma_semaphore, #tpu.memory_space<semaphore_mem>>
    %dma_start3A_525 = tpu.memref_squeeze %dma_start3A_524 : memref<1x!tpu.dma_semaphore, #tpu.memory_space<semaphore_mem>> -> memref<!tpu.dma_semaphore, #tpu.memory_space<semaphore_mem>>
    %dma_start3A_526 = arith.constant 0 : i32
    %dma_start3A_527 = arith.constant 0 : i32
    %dma_start3A_528 = arith.constant 0 : i32
    %dma_start3A_529 = tpu.memref_slice %arg2[%dma_start3A_522, %dma_start3A_526, %dma_start3A_527, %dma_start3A_528] : memref<8x1x64x4096xf32, #tpu.memory_space<vmem>> -> memref<1x1x64x4096xf32, #tpu.memory_space<vmem>>
    %dma_start3A_530 = tpu.memref_squeeze %dma_start3A_529 : memref<1x1x64x4096xf32, #tpu.memory_space<vmem>> -> memref<1x64x4096xf32, #tpu.memory_space<vmem>>
    %dma_start3A_531 = arith.constant 18 : i32
    %dma_start3A_532 = arith.constant 0 : i32
    %dma_start3A_533 = arith.constant 0 : i32
    %dma_start3A_534 = tpu.memref_slice %arg0[%dma_start3A_531, %dma_start3A_532, %dma_start3A_533] : memref<26x64x4096xf32, #tpu.memory_space<any>> -> memref<1x64x4096xf32, #tpu.memory_space<any>>
    tpu.enqueue_dma source(%dma_start3A_534 : memref<1x64x4096xf32, #tpu.memory_space<any>>) target(%dma_start3A_530 : memref<1x64x4096xf32, #tpu.memory_space<vmem>>) target_semaphore(%dma_start3A_525 : memref<!tpu.dma_semaphore, #tpu.memory_space<semaphore_mem>>)
    %dma_wait3A_535 = arith.constant 3 : i32
    %dma_wait3A_536 = arith.constant 3 : i32
    %dma_wait3A_537 = tpu.memref_slice %arg3[%dma_wait3A_536] : memref<8x!tpu.dma_semaphore, #tpu.memory_space<semaphore_mem>> -> memref<1x!tpu.dma_semaphore, #tpu.memory_space<semaphore_mem>>
    %dma_wait3A_538 = tpu.memref_squeeze %dma_wait3A_537 : memref<1x!tpu.dma_semaphore, #tpu.memory_space<semaphore_mem>> -> memref<!tpu.dma_semaphore, #tpu.memory_space<semaphore_mem>>
    %dma_wait3A_539 = arith.constant 0 : i32
    %dma_wait3A_540 = arith.constant 0 : i32
    %dma_wait3A_541 = arith.constant 0 : i32
    %dma_wait3A_542 = tpu.memref_slice %arg2[%dma_wait3A_535, %dma_wait3A_539, %dma_wait3A_540, %dma_wait3A_541] : memref<8x1x64x4096xf32, #tpu.memory_space<vmem>> -> memref<1x1x64x4096xf32, #tpu.memory_space<vmem>>
    %dma_wait3A_543 = tpu.memref_squeeze %dma_wait3A_542 : memref<1x1x64x4096xf32, #tpu.memory_space<vmem>> -> memref<1x64x4096xf32, #tpu.memory_space<vmem>>
    %dma_wait3A_544 = arith.constant 11 : i32
    %dma_wait3A_545 = arith.constant 0 : i32
    %dma_wait3A_546 = arith.constant 0 : i32
    %dma_wait3A_547 = tpu.memref_slice %arg0[%dma_wait3A_544, %dma_wait3A_545, %dma_wait3A_546] : memref<26x64x4096xf32, #tpu.memory_space<any>> -> memref<1x64x4096xf32, #tpu.memory_space<any>>
    tpu.wait_dma2 semaphore(%dma_wait3A_538 : memref<!tpu.dma_semaphore, #tpu.memory_space<semaphore_mem>>) src(%dma_wait3A_547 : memref<1x64x4096xf32, #tpu.memory_space<any>>) dst(%dma_wait3A_543 : memref<1x64x4096xf32, #tpu.memory_space<vmem>>)
    %get3A_548 = arith.constant 3 : index
    %get3A_549 = arith.constant 0 : index
    %get3A_550 = arith.constant 0 : index
    %get3A_551 = arith.constant 0 : index
    %get3A_552 = vector.load %arg2[%get3A_548, %get3A_549, %get3A_550, %get3A_551] : memref<8x1x64x4096xf32, #tpu.memory_space<vmem>>, vector<1x1x64x4096xf32>
    %get3A_553 = vector.shape_cast %get3A_552 : vector<1x1x64x4096xf32> to vector<1x64x4096xf32>
    %squeeze3A_554 = vector.shape_cast %get3A_553 : vector<1x64x4096xf32> to vector<64x4096xf32>
    %squeeze3A_555 = vector.shape_cast %get3A_553 : vector<1x64x4096xf32> to vector<64x4096xf32>
    %squeeze3A_556 = vector.shape_cast %get3A_553 : vector<1x64x4096xf32> to vector<64x4096xf32>
    %mul3A_557 = arith.mulf %squeeze3A_555, %squeeze3A_556 : vector<64x4096xf32>
    %reduce_sum3A_558 = arith.constant dense<0.000000e+00> : vector<4096xf32>
    %reduce_sum3A_559 = vector.multi_reduction <add>, %mul3A_557, %reduce_sum3A_558 [0] : vector<64x4096xf32> to vector<4096xf32>
    %add3A_560 = arith.addf %add3A_520, %squeeze3A_554 : vector<64x4096xf32>
    %add3A_561 = arith.addf %add3A_521, %reduce_sum3A_559 : vector<4096xf32>
    %dma_start3A_562 = arith.constant 3 : i32
    %dma_start3A_563 = arith.constant 3 : i32
    %dma_start3A_564 = tpu.memref_slice %arg3[%dma_start3A_563] : memref<8x!tpu.dma_semaphore, #tpu.memory_space<semaphore_mem>> -> memref<1x!tpu.dma_semaphore, #tpu.memory_space<semaphore_mem>>
    %dma_start3A_565 = tpu.memref_squeeze %dma_start3A_564 : memref<1x!tpu.dma_semaphore, #tpu.memory_space<semaphore_mem>> -> memref<!tpu.dma_semaphore, #tpu.memory_space<semaphore_mem>>
    %dma_start3A_566 = arith.constant 0 : i32
    %dma_start3A_567 = arith.constant 0 : i32
    %dma_start3A_568 = arith.constant 0 : i32
    %dma_start3A_569 = tpu.memref_slice %arg2[%dma_start3A_562, %dma_start3A_566, %dma_start3A_567, %dma_start3A_568] : memref<8x1x64x4096xf32, #tpu.memory_space<vmem>> -> memref<1x1x64x4096xf32, #tpu.memory_space<vmem>>
    %dma_start3A_570 = tpu.memref_squeeze %dma_start3A_569 : memref<1x1x64x4096xf32, #tpu.memory_space<vmem>> -> memref<1x64x4096xf32, #tpu.memory_space<vmem>>
    %dma_start3A_571 = arith.constant 19 : i32
    %dma_start3A_572 = arith.constant 0 : i32
    %dma_start3A_573 = arith.constant 0 : i32
    %dma_start3A_574 = tpu.memref_slice %arg0[%dma_start3A_571, %dma_start3A_572, %dma_start3A_573] : memref<26x64x4096xf32, #tpu.memory_space<any>> -> memref<1x64x4096xf32, #tpu.memory_space<any>>
    tpu.enqueue_dma source(%dma_start3A_574 : memref<1x64x4096xf32, #tpu.memory_space<any>>) target(%dma_start3A_570 : memref<1x64x4096xf32, #tpu.memory_space<vmem>>) target_semaphore(%dma_start3A_565 : memref<!tpu.dma_semaphore, #tpu.memory_space<semaphore_mem>>)
    %dma_wait3A_575 = arith.constant 4 : i32
    %dma_wait3A_576 = arith.constant 4 : i32
    %dma_wait3A_577 = tpu.memref_slice %arg3[%dma_wait3A_576] : memref<8x!tpu.dma_semaphore, #tpu.memory_space<semaphore_mem>> -> memref<1x!tpu.dma_semaphore, #tpu.memory_space<semaphore_mem>>
    %dma_wait3A_578 = tpu.memref_squeeze %dma_wait3A_577 : memref<1x!tpu.dma_semaphore, #tpu.memory_space<semaphore_mem>> -> memref<!tpu.dma_semaphore, #tpu.memory_space<semaphore_mem>>
    %dma_wait3A_579 = arith.constant 0 : i32
    %dma_wait3A_580 = arith.constant 0 : i32
    %dma_wait3A_581 = arith.constant 0 : i32
    %dma_wait3A_582 = tpu.memref_slice %arg2[%dma_wait3A_575, %dma_wait3A_579, %dma_wait3A_580, %dma_wait3A_581] : memref<8x1x64x4096xf32, #tpu.memory_space<vmem>> -> memref<1x1x64x4096xf32, #tpu.memory_space<vmem>>
    %dma_wait3A_583 = tpu.memref_squeeze %dma_wait3A_582 : memref<1x1x64x4096xf32, #tpu.memory_space<vmem>> -> memref<1x64x4096xf32, #tpu.memory_space<vmem>>
    %dma_wait3A_584 = arith.constant 12 : i32
    %dma_wait3A_585 = arith.constant 0 : i32
    %dma_wait3A_586 = arith.constant 0 : i32
    %dma_wait3A_587 = tpu.memref_slice %arg0[%dma_wait3A_584, %dma_wait3A_585, %dma_wait3A_586] : memref<26x64x4096xf32, #tpu.memory_space<any>> -> memref<1x64x4096xf32, #tpu.memory_space<any>>
    tpu.wait_dma2 semaphore(%dma_wait3A_578 : memref<!tpu.dma_semaphore, #tpu.memory_space<semaphore_mem>>) src(%dma_wait3A_587 : memref<1x64x4096xf32, #tpu.memory_space<any>>) dst(%dma_wait3A_583 : memref<1x64x4096xf32, #tpu.memory_space<vmem>>)
    %get3A_588 = arith.constant 4 : index
    %get3A_589 = arith.constant 0 : index
    %get3A_590 = arith.constant 0 : index
    %get3A_591 = arith.constant 0 : index
    %get3A_592 = vector.load %arg2[%get3A_588, %get3A_589, %get3A_590, %get3A_591] : memref<8x1x64x4096xf32, #tpu.memory_space<vmem>>, vector<1x1x64x4096xf32>
    %get3A_593 = vector.shape_cast %get3A_592 : vector<1x1x64x4096xf32> to vector<1x64x4096xf32>
    %squeeze3A_594 = vector.shape_cast %get3A_593 : vector<1x64x4096xf32> to vector<64x4096xf32>
    %squeeze3A_595 = vector.shape_cast %get3A_593 : vector<1x64x4096xf32> to vector<64x4096xf32>
    %squeeze3A_596 = vector.shape_cast %get3A_593 : vector<1x64x4096xf32> to vector<64x4096xf32>
    %mul3A_597 = arith.mulf %squeeze3A_595, %squeeze3A_596 : vector<64x4096xf32>
    %reduce_sum3A_598 = arith.constant dense<0.000000e+00> : vector<4096xf32>
    %reduce_sum3A_599 = vector.multi_reduction <add>, %mul3A_597, %reduce_sum3A_598 [0] : vector<64x4096xf32> to vector<4096xf32>
    %add3A_600 = arith.addf %add3A_560, %squeeze3A_594 : vector<64x4096xf32>
    %add3A_601 = arith.addf %add3A_561, %reduce_sum3A_599 : vector<4096xf32>
    %dma_start3A_602 = arith.constant 4 : i32
    %dma_start3A_603 = arith.constant 4 : i32
    %dma_start3A_604 = tpu.memref_slice %arg3[%dma_start3A_603] : memref<8x!tpu.dma_semaphore, #tpu.memory_space<semaphore_mem>> -> memref<1x!tpu.dma_semaphore, #tpu.memory_space<semaphore_mem>>
    %dma_start3A_605 = tpu.memref_squeeze %dma_start3A_604 : memref<1x!tpu.dma_semaphore, #tpu.memory_space<semaphore_mem>> -> memref<!tpu.dma_semaphore, #tpu.memory_space<semaphore_mem>>
    %dma_start3A_606 = arith.constant 0 : i32
    %dma_start3A_607 = arith.constant 0 : i32
    %dma_start3A_608 = arith.constant 0 : i32
    %dma_start3A_609 = tpu.memref_slice %arg2[%dma_start3A_602, %dma_start3A_606, %dma_start3A_607, %dma_start3A_608] : memref<8x1x64x4096xf32, #tpu.memory_space<vmem>> -> memref<1x1x64x4096xf32, #tpu.memory_space<vmem>>
    %dma_start3A_610 = tpu.memref_squeeze %dma_start3A_609 : memref<1x1x64x4096xf32, #tpu.memory_space<vmem>> -> memref<1x64x4096xf32, #tpu.memory_space<vmem>>
    %dma_start3A_611 = arith.constant 20 : i32
    %dma_start3A_612 = arith.constant 0 : i32
    %dma_start3A_613 = arith.constant 0 : i32
    %dma_start3A_614 = tpu.memref_slice %arg0[%dma_start3A_611, %dma_start3A_612, %dma_start3A_613] : memref<26x64x4096xf32, #tpu.memory_space<any>> -> memref<1x64x4096xf32, #tpu.memory_space<any>>
    tpu.enqueue_dma source(%dma_start3A_614 : memref<1x64x4096xf32, #tpu.memory_space<any>>) target(%dma_start3A_610 : memref<1x64x4096xf32, #tpu.memory_space<vmem>>) target_semaphore(%dma_start3A_605 : memref<!tpu.dma_semaphore, #tpu.memory_space<semaphore_mem>>)
    %dma_wait3A_615 = arith.constant 5 : i32
    %dma_wait3A_616 = arith.constant 5 : i32
    %dma_wait3A_617 = tpu.memref_slice %arg3[%dma_wait3A_616] : memref<8x!tpu.dma_semaphore, #tpu.memory_space<semaphore_mem>> -> memref<1x!tpu.dma_semaphore, #tpu.memory_space<semaphore_mem>>
    %dma_wait3A_618 = tpu.memref_squeeze %dma_wait3A_617 : memref<1x!tpu.dma_semaphore, #tpu.memory_space<semaphore_mem>> -> memref<!tpu.dma_semaphore, #tpu.memory_space<semaphore_mem>>
    %dma_wait3A_619 = arith.constant 0 : i32
    %dma_wait3A_620 = arith.constant 0 : i32
    %dma_wait3A_621 = arith.constant 0 : i32
    %dma_wait3A_622 = tpu.memref_slice %arg2[%dma_wait3A_615, %dma_wait3A_619, %dma_wait3A_620, %dma_wait3A_621] : memref<8x1x64x4096xf32, #tpu.memory_space<vmem>> -> memref<1x1x64x4096xf32, #tpu.memory_space<vmem>>
    %dma_wait3A_623 = tpu.memref_squeeze %dma_wait3A_622 : memref<1x1x64x4096xf32, #tpu.memory_space<vmem>> -> memref<1x64x4096xf32, #tpu.memory_space<vmem>>
    %dma_wait3A_624 = arith.constant 13 : i32
    %dma_wait3A_625 = arith.constant 0 : i32
    %dma_wait3A_626 = arith.constant 0 : i32
    %dma_wait3A_627 = tpu.memref_slice %arg0[%dma_wait3A_624, %dma_wait3A_625, %dma_wait3A_626] : memref<26x64x4096xf32, #tpu.memory_space<any>> -> memref<1x64x4096xf32, #tpu.memory_space<any>>
    tpu.wait_dma2 semaphore(%dma_wait3A_618 : memref<!tpu.dma_semaphore, #tpu.memory_space<semaphore_mem>>) src(%dma_wait3A_627 : memref<1x64x4096xf32, #tpu.memory_space<any>>) dst(%dma_wait3A_623 : memref<1x64x4096xf32, #tpu.memory_space<vmem>>)
    %get3A_628 = arith.constant 5 : index
    %get3A_629 = arith.constant 0 : index
    %get3A_630 = arith.constant 0 : index
    %get3A_631 = arith.constant 0 : index
    %get3A_632 = vector.load %arg2[%get3A_628, %get3A_629, %get3A_630, %get3A_631] : memref<8x1x64x4096xf32, #tpu.memory_space<vmem>>, vector<1x1x64x4096xf32>
    %get3A_633 = vector.shape_cast %get3A_632 : vector<1x1x64x4096xf32> to vector<1x64x4096xf32>
    %squeeze3A_634 = vector.shape_cast %get3A_633 : vector<1x64x4096xf32> to vector<64x4096xf32>
    %squeeze3A_635 = vector.shape_cast %get3A_633 : vector<1x64x4096xf32> to vector<64x4096xf32>
    %squeeze3A_636 = vector.shape_cast %get3A_633 : vector<1x64x4096xf32> to vector<64x4096xf32>
    %mul3A_637 = arith.mulf %squeeze3A_635, %squeeze3A_636 : vector<64x4096xf32>
    %reduce_sum3A_638 = arith.constant dense<0.000000e+00> : vector<4096xf32>
    %reduce_sum3A_639 = vector.multi_reduction <add>, %mul3A_637, %reduce_sum3A_638 [0] : vector<64x4096xf32> to vector<4096xf32>
    %add3A_640 = arith.addf %add3A_600, %squeeze3A_634 : vector<64x4096xf32>
    %add3A_641 = arith.addf %add3A_601, %reduce_sum3A_639 : vector<4096xf32>
    %dma_start3A_642 = arith.constant 5 : i32
    %dma_start3A_643 = arith.constant 5 : i32
    %dma_start3A_644 = tpu.memref_slice %arg3[%dma_start3A_643] : memref<8x!tpu.dma_semaphore, #tpu.memory_space<semaphore_mem>> -> memref<1x!tpu.dma_semaphore, #tpu.memory_space<semaphore_mem>>
    %dma_start3A_645 = tpu.memref_squeeze %dma_start3A_644 : memref<1x!tpu.dma_semaphore, #tpu.memory_space<semaphore_mem>> -> memref<!tpu.dma_semaphore, #tpu.memory_space<semaphore_mem>>
    %dma_start3A_646 = arith.constant 0 : i32
    %dma_start3A_647 = arith.constant 0 : i32
    %dma_start3A_648 = arith.constant 0 : i32
    %dma_start3A_649 = tpu.memref_slice %arg2[%dma_start3A_642, %dma_start3A_646, %dma_start3A_647, %dma_start3A_648] : memref<8x1x64x4096xf32, #tpu.memory_space<vmem>> -> memref<1x1x64x4096xf32, #tpu.memory_space<vmem>>
    %dma_start3A_650 = tpu.memref_squeeze %dma_start3A_649 : memref<1x1x64x4096xf32, #tpu.memory_space<vmem>> -> memref<1x64x4096xf32, #tpu.memory_space<vmem>>
    %dma_start3A_651 = arith.constant 21 : i32
    %dma_start3A_652 = arith.constant 0 : i32
    %dma_start3A_653 = arith.constant 0 : i32
    %dma_start3A_654 = tpu.memref_slice %arg0[%dma_start3A_651, %dma_start3A_652, %dma_start3A_653] : memref<26x64x4096xf32, #tpu.memory_space<any>> -> memref<1x64x4096xf32, #tpu.memory_space<any>>
    tpu.enqueue_dma source(%dma_start3A_654 : memref<1x64x4096xf32, #tpu.memory_space<any>>) target(%dma_start3A_650 : memref<1x64x4096xf32, #tpu.memory_space<vmem>>) target_semaphore(%dma_start3A_645 : memref<!tpu.dma_semaphore, #tpu.memory_space<semaphore_mem>>)
    %dma_wait3A_655 = arith.constant 6 : i32
    %dma_wait3A_656 = arith.constant 6 : i32
    %dma_wait3A_657 = tpu.memref_slice %arg3[%dma_wait3A_656] : memref<8x!tpu.dma_semaphore, #tpu.memory_space<semaphore_mem>> -> memref<1x!tpu.dma_semaphore, #tpu.memory_space<semaphore_mem>>
    %dma_wait3A_658 = tpu.memref_squeeze %dma_wait3A_657 : memref<1x!tpu.dma_semaphore, #tpu.memory_space<semaphore_mem>> -> memref<!tpu.dma_semaphore, #tpu.memory_space<semaphore_mem>>
    %dma_wait3A_659 = arith.constant 0 : i32
    %dma_wait3A_660 = arith.constant 0 : i32
    %dma_wait3A_661 = arith.constant 0 : i32
    %dma_wait3A_662 = tpu.memref_slice %arg2[%dma_wait3A_655, %dma_wait3A_659, %dma_wait3A_660, %dma_wait3A_661] : memref<8x1x64x4096xf32, #tpu.memory_space<vmem>> -> memref<1x1x64x4096xf32, #tpu.memory_space<vmem>>
    %dma_wait3A_663 = tpu.memref_squeeze %dma_wait3A_662 : memref<1x1x64x4096xf32, #tpu.memory_space<vmem>> -> memref<1x64x4096xf32, #tpu.memory_space<vmem>>
    %dma_wait3A_664 = arith.constant 14 : i32
    %dma_wait3A_665 = arith.constant 0 : i32
    %dma_wait3A_666 = arith.constant 0 : i32
    %dma_wait3A_667 = tpu.memref_slice %arg0[%dma_wait3A_664, %dma_wait3A_665, %dma_wait3A_666] : memref<26x64x4096xf32, #tpu.memory_space<any>> -> memref<1x64x4096xf32, #tpu.memory_space<any>>
    tpu.wait_dma2 semaphore(%dma_wait3A_658 : memref<!tpu.dma_semaphore, #tpu.memory_space<semaphore_mem>>) src(%dma_wait3A_667 : memref<1x64x4096xf32, #tpu.memory_space<any>>) dst(%dma_wait3A_663 : memref<1x64x4096xf32, #tpu.memory_space<vmem>>)
    %get3A_668 = arith.constant 6 : index
    %get3A_669 = arith.constant 0 : index
    %get3A_670 = arith.constant 0 : index
    %get3A_671 = arith.constant 0 : index
    %get3A_672 = vector.load %arg2[%get3A_668, %get3A_669, %get3A_670, %get3A_671] : memref<8x1x64x4096xf32, #tpu.memory_space<vmem>>, vector<1x1x64x4096xf32>
    %get3A_673 = vector.shape_cast %get3A_672 : vector<1x1x64x4096xf32> to vector<1x64x4096xf32>
    %squeeze3A_674 = vector.shape_cast %get3A_673 : vector<1x64x4096xf32> to vector<64x4096xf32>
    %squeeze3A_675 = vector.shape_cast %get3A_673 : vector<1x64x4096xf32> to vector<64x4096xf32>
    %squeeze3A_676 = vector.shape_cast %get3A_673 : vector<1x64x4096xf32> to vector<64x4096xf32>
    %mul3A_677 = arith.mulf %squeeze3A_675, %squeeze3A_676 : vector<64x4096xf32>
    %reduce_sum3A_678 = arith.constant dense<0.000000e+00> : vector<4096xf32>
    %reduce_sum3A_679 = vector.multi_reduction <add>, %mul3A_677, %reduce_sum3A_678 [0] : vector<64x4096xf32> to vector<4096xf32>
    %add3A_680 = arith.addf %add3A_640, %squeeze3A_674 : vector<64x4096xf32>
    %add3A_681 = arith.addf %add3A_641, %reduce_sum3A_679 : vector<4096xf32>
    %dma_start3A_682 = arith.constant 6 : i32
    %dma_start3A_683 = arith.constant 6 : i32
    %dma_start3A_684 = tpu.memref_slice %arg3[%dma_start3A_683] : memref<8x!tpu.dma_semaphore, #tpu.memory_space<semaphore_mem>> -> memref<1x!tpu.dma_semaphore, #tpu.memory_space<semaphore_mem>>
    %dma_start3A_685 = tpu.memref_squeeze %dma_start3A_684 : memref<1x!tpu.dma_semaphore, #tpu.memory_space<semaphore_mem>> -> memref<!tpu.dma_semaphore, #tpu.memory_space<semaphore_mem>>
    %dma_start3A_686 = arith.constant 0 : i32
    %dma_start3A_687 = arith.constant 0 : i32
    %dma_start3A_688 = arith.constant 0 : i32
    %dma_start3A_689 = tpu.memref_slice %arg2[%dma_start3A_682, %dma_start3A_686, %dma_start3A_687, %dma_start3A_688] : memref<8x1x64x4096xf32, #tpu.memory_space<vmem>> -> memref<1x1x64x4096xf32, #tpu.memory_space<vmem>>
    %dma_start3A_690 = tpu.memref_squeeze %dma_start3A_689 : memref<1x1x64x4096xf32, #tpu.memory_space<vmem>> -> memref<1x64x4096xf32, #tpu.memory_space<vmem>>
    %dma_start3A_691 = arith.constant 22 : i32
    %dma_start3A_692 = arith.constant 0 : i32
    %dma_start3A_693 = arith.constant 0 : i32
    %dma_start3A_694 = tpu.memref_slice %arg0[%dma_start3A_691, %dma_start3A_692, %dma_start3A_693] : memref<26x64x4096xf32, #tpu.memory_space<any>> -> memref<1x64x4096xf32, #tpu.memory_space<any>>
    tpu.enqueue_dma source(%dma_start3A_694 : memref<1x64x4096xf32, #tpu.memory_space<any>>) target(%dma_start3A_690 : memref<1x64x4096xf32, #tpu.memory_space<vmem>>) target_semaphore(%dma_start3A_685 : memref<!tpu.dma_semaphore, #tpu.memory_space<semaphore_mem>>)
    %dma_wait3A_695 = arith.constant 7 : i32
    %dma_wait3A_696 = arith.constant 7 : i32
    %dma_wait3A_697 = tpu.memref_slice %arg3[%dma_wait3A_696] : memref<8x!tpu.dma_semaphore, #tpu.memory_space<semaphore_mem>> -> memref<1x!tpu.dma_semaphore, #tpu.memory_space<semaphore_mem>>
    %dma_wait3A_698 = tpu.memref_squeeze %dma_wait3A_697 : memref<1x!tpu.dma_semaphore, #tpu.memory_space<semaphore_mem>> -> memref<!tpu.dma_semaphore, #tpu.memory_space<semaphore_mem>>
    %dma_wait3A_699 = arith.constant 0 : i32
    %dma_wait3A_700 = arith.constant 0 : i32
    %dma_wait3A_701 = arith.constant 0 : i32
    %dma_wait3A_702 = tpu.memref_slice %arg2[%dma_wait3A_695, %dma_wait3A_699, %dma_wait3A_700, %dma_wait3A_701] : memref<8x1x64x4096xf32, #tpu.memory_space<vmem>> -> memref<1x1x64x4096xf32, #tpu.memory_space<vmem>>
    %dma_wait3A_703 = tpu.memref_squeeze %dma_wait3A_702 : memref<1x1x64x4096xf32, #tpu.memory_space<vmem>> -> memref<1x64x4096xf32, #tpu.memory_space<vmem>>
    %dma_wait3A_704 = arith.constant 15 : i32
    %dma_wait3A_705 = arith.constant 0 : i32
    %dma_wait3A_706 = arith.constant 0 : i32
    %dma_wait3A_707 = tpu.memref_slice %arg0[%dma_wait3A_704, %dma_wait3A_705, %dma_wait3A_706] : memref<26x64x4096xf32, #tpu.memory_space<any>> -> memref<1x64x4096xf32, #tpu.memory_space<any>>
    tpu.wait_dma2 semaphore(%dma_wait3A_698 : memref<!tpu.dma_semaphore, #tpu.memory_space<semaphore_mem>>) src(%dma_wait3A_707 : memref<1x64x4096xf32, #tpu.memory_space<any>>) dst(%dma_wait3A_703 : memref<1x64x4096xf32, #tpu.memory_space<vmem>>)
    %get3A_708 = arith.constant 7 : index
    %get3A_709 = arith.constant 0 : index
    %get3A_710 = arith.constant 0 : index
    %get3A_711 = arith.constant 0 : index
    %get3A_712 = vector.load %arg2[%get3A_708, %get3A_709, %get3A_710, %get3A_711] : memref<8x1x64x4096xf32, #tpu.memory_space<vmem>>, vector<1x1x64x4096xf32>
    %get3A_713 = vector.shape_cast %get3A_712 : vector<1x1x64x4096xf32> to vector<1x64x4096xf32>
    %squeeze3A_714 = vector.shape_cast %get3A_713 : vector<1x64x4096xf32> to vector<64x4096xf32>
    %squeeze3A_715 = vector.shape_cast %get3A_713 : vector<1x64x4096xf32> to vector<64x4096xf32>
    %squeeze3A_716 = vector.shape_cast %get3A_713 : vector<1x64x4096xf32> to vector<64x4096xf32>
    %mul3A_717 = arith.mulf %squeeze3A_715, %squeeze3A_716 : vector<64x4096xf32>
    %reduce_sum3A_718 = arith.constant dense<0.000000e+00> : vector<4096xf32>
    %reduce_sum3A_719 = vector.multi_reduction <add>, %mul3A_717, %reduce_sum3A_718 [0] : vector<64x4096xf32> to vector<4096xf32>
    %add3A_720 = arith.addf %add3A_680, %squeeze3A_714 : vector<64x4096xf32>
    %add3A_721 = arith.addf %add3A_681, %reduce_sum3A_719 : vector<4096xf32>
    %dma_start3A_722 = arith.constant 7 : i32
    %dma_start3A_723 = arith.constant 7 : i32
    %dma_start3A_724 = tpu.memref_slice %arg3[%dma_start3A_723] : memref<8x!tpu.dma_semaphore, #tpu.memory_space<semaphore_mem>> -> memref<1x!tpu.dma_semaphore, #tpu.memory_space<semaphore_mem>>
    %dma_start3A_725 = tpu.memref_squeeze %dma_start3A_724 : memref<1x!tpu.dma_semaphore, #tpu.memory_space<semaphore_mem>> -> memref<!tpu.dma_semaphore, #tpu.memory_space<semaphore_mem>>
    %dma_start3A_726 = arith.constant 0 : i32
    %dma_start3A_727 = arith.constant 0 : i32
    %dma_start3A_728 = arith.constant 0 : i32
    %dma_start3A_729 = tpu.memref_slice %arg2[%dma_start3A_722, %dma_start3A_726, %dma_start3A_727, %dma_start3A_728] : memref<8x1x64x4096xf32, #tpu.memory_space<vmem>> -> memref<1x1x64x4096xf32, #tpu.memory_space<vmem>>
    %dma_start3A_730 = tpu.memref_squeeze %dma_start3A_729 : memref<1x1x64x4096xf32, #tpu.memory_space<vmem>> -> memref<1x64x4096xf32, #tpu.memory_space<vmem>>
    %dma_start3A_731 = arith.constant 23 : i32
    %dma_start3A_732 = arith.constant 0 : i32
    %dma_start3A_733 = arith.constant 0 : i32
    %dma_start3A_734 = tpu.memref_slice %arg0[%dma_start3A_731, %dma_start3A_732, %dma_start3A_733] : memref<26x64x4096xf32, #tpu.memory_space<any>> -> memref<1x64x4096xf32, #tpu.memory_space<any>>
    tpu.enqueue_dma source(%dma_start3A_734 : memref<1x64x4096xf32, #tpu.memory_space<any>>) target(%dma_start3A_730 : memref<1x64x4096xf32, #tpu.memory_space<vmem>>) target_semaphore(%dma_start3A_725 : memref<!tpu.dma_semaphore, #tpu.memory_space<semaphore_mem>>)
    %dma_wait3A_735 = arith.constant 0 : i32
    %dma_wait3A_736 = arith.constant 0 : i32
    %dma_wait3A_737 = tpu.memref_slice %arg3[%dma_wait3A_736] : memref<8x!tpu.dma_semaphore, #tpu.memory_space<semaphore_mem>> -> memref<1x!tpu.dma_semaphore, #tpu.memory_space<semaphore_mem>>
    %dma_wait3A_738 = tpu.memref_squeeze %dma_wait3A_737 : memref<1x!tpu.dma_semaphore, #tpu.memory_space<semaphore_mem>> -> memref<!tpu.dma_semaphore, #tpu.memory_space<semaphore_mem>>
    %dma_wait3A_739 = arith.constant 0 : i32
    %dma_wait3A_740 = arith.constant 0 : i32
    %dma_wait3A_741 = arith.constant 0 : i32
    %dma_wait3A_742 = tpu.memref_slice %arg2[%dma_wait3A_735, %dma_wait3A_739, %dma_wait3A_740, %dma_wait3A_741] : memref<8x1x64x4096xf32, #tpu.memory_space<vmem>> -> memref<1x1x64x4096xf32, #tpu.memory_space<vmem>>
    %dma_wait3A_743 = tpu.memref_squeeze %dma_wait3A_742 : memref<1x1x64x4096xf32, #tpu.memory_space<vmem>> -> memref<1x64x4096xf32, #tpu.memory_space<vmem>>
    %dma_wait3A_744 = arith.constant 16 : i32
    %dma_wait3A_745 = arith.constant 0 : i32
    %dma_wait3A_746 = arith.constant 0 : i32
    %dma_wait3A_747 = tpu.memref_slice %arg0[%dma_wait3A_744, %dma_wait3A_745, %dma_wait3A_746] : memref<26x64x4096xf32, #tpu.memory_space<any>> -> memref<1x64x4096xf32, #tpu.memory_space<any>>
    tpu.wait_dma2 semaphore(%dma_wait3A_738 : memref<!tpu.dma_semaphore, #tpu.memory_space<semaphore_mem>>) src(%dma_wait3A_747 : memref<1x64x4096xf32, #tpu.memory_space<any>>) dst(%dma_wait3A_743 : memref<1x64x4096xf32, #tpu.memory_space<vmem>>)
    %get3A_748 = arith.constant 0 : index
    %get3A_749 = arith.constant 0 : index
    %get3A_750 = arith.constant 0 : index
    %get3A_751 = arith.constant 0 : index
    %get3A_752 = vector.load %arg2[%get3A_748, %get3A_749, %get3A_750, %get3A_751] : memref<8x1x64x4096xf32, #tpu.memory_space<vmem>>, vector<1x1x64x4096xf32>
    %get3A_753 = vector.shape_cast %get3A_752 : vector<1x1x64x4096xf32> to vector<1x64x4096xf32>
    %squeeze3A_754 = vector.shape_cast %get3A_753 : vector<1x64x4096xf32> to vector<64x4096xf32>
    %squeeze3A_755 = vector.shape_cast %get3A_753 : vector<1x64x4096xf32> to vector<64x4096xf32>
    %squeeze3A_756 = vector.shape_cast %get3A_753 : vector<1x64x4096xf32> to vector<64x4096xf32>
    %mul3A_757 = arith.mulf %squeeze3A_755, %squeeze3A_756 : vector<64x4096xf32>
    %reduce_sum3A_758 = arith.constant dense<0.000000e+00> : vector<4096xf32>
    %reduce_sum3A_759 = vector.multi_reduction <add>, %mul3A_757, %reduce_sum3A_758 [0] : vector<64x4096xf32> to vector<4096xf32>
    %add3A_760 = arith.addf %add3A_720, %squeeze3A_754 : vector<64x4096xf32>
    %add3A_761 = arith.addf %add3A_721, %reduce_sum3A_759 : vector<4096xf32>
    %dma_start3A_762 = arith.constant 0 : i32
    %dma_start3A_763 = arith.constant 0 : i32
    %dma_start3A_764 = tpu.memref_slice %arg3[%dma_start3A_763] : memref<8x!tpu.dma_semaphore, #tpu.memory_space<semaphore_mem>> -> memref<1x!tpu.dma_semaphore, #tpu.memory_space<semaphore_mem>>
    %dma_start3A_765 = tpu.memref_squeeze %dma_start3A_764 : memref<1x!tpu.dma_semaphore, #tpu.memory_space<semaphore_mem>> -> memref<!tpu.dma_semaphore, #tpu.memory_space<semaphore_mem>>
    %dma_start3A_766 = arith.constant 0 : i32
    %dma_start3A_767 = arith.constant 0 : i32
    %dma_start3A_768 = arith.constant 0 : i32
    %dma_start3A_769 = tpu.memref_slice %arg2[%dma_start3A_762, %dma_start3A_766, %dma_start3A_767, %dma_start3A_768] : memref<8x1x64x4096xf32, #tpu.memory_space<vmem>> -> memref<1x1x64x4096xf32, #tpu.memory_space<vmem>>
    %dma_start3A_770 = tpu.memref_squeeze %dma_start3A_769 : memref<1x1x64x4096xf32, #tpu.memory_space<vmem>> -> memref<1x64x4096xf32, #tpu.memory_space<vmem>>
    %dma_start3A_771 = arith.constant 24 : i32
    %dma_start3A_772 = arith.constant 0 : i32
    %dma_start3A_773 = arith.constant 0 : i32
    %dma_start3A_774 = tpu.memref_slice %arg0[%dma_start3A_771, %dma_start3A_772, %dma_start3A_773] : memref<26x64x4096xf32, #tpu.memory_space<any>> -> memref<1x64x4096xf32, #tpu.memory_space<any>>
    tpu.enqueue_dma source(%dma_start3A_774 : memref<1x64x4096xf32, #tpu.memory_space<any>>) target(%dma_start3A_770 : memref<1x64x4096xf32, #tpu.memory_space<vmem>>) target_semaphore(%dma_start3A_765 : memref<!tpu.dma_semaphore, #tpu.memory_space<semaphore_mem>>)
    %dma_wait3A_775 = arith.constant 1 : i32
    %dma_wait3A_776 = arith.constant 1 : i32
    %dma_wait3A_777 = tpu.memref_slice %arg3[%dma_wait3A_776] : memref<8x!tpu.dma_semaphore, #tpu.memory_space<semaphore_mem>> -> memref<1x!tpu.dma_semaphore, #tpu.memory_space<semaphore_mem>>
    %dma_wait3A_778 = tpu.memref_squeeze %dma_wait3A_777 : memref<1x!tpu.dma_semaphore, #tpu.memory_space<semaphore_mem>> -> memref<!tpu.dma_semaphore, #tpu.memory_space<semaphore_mem>>
    %dma_wait3A_779 = arith.constant 0 : i32
    %dma_wait3A_780 = arith.constant 0 : i32
    %dma_wait3A_781 = arith.constant 0 : i32
    %dma_wait3A_782 = tpu.memref_slice %arg2[%dma_wait3A_775, %dma_wait3A_779, %dma_wait3A_780, %dma_wait3A_781] : memref<8x1x64x4096xf32, #tpu.memory_space<vmem>> -> memref<1x1x64x4096xf32, #tpu.memory_space<vmem>>
    %dma_wait3A_783 = tpu.memref_squeeze %dma_wait3A_782 : memref<1x1x64x4096xf32, #tpu.memory_space<vmem>> -> memref<1x64x4096xf32, #tpu.memory_space<vmem>>
    %dma_wait3A_784 = arith.constant 17 : i32
    %dma_wait3A_785 = arith.constant 0 : i32
    %dma_wait3A_786 = arith.constant 0 : i32
    %dma_wait3A_787 = tpu.memref_slice %arg0[%dma_wait3A_784, %dma_wait3A_785, %dma_wait3A_786] : memref<26x64x4096xf32, #tpu.memory_space<any>> -> memref<1x64x4096xf32, #tpu.memory_space<any>>
    tpu.wait_dma2 semaphore(%dma_wait3A_778 : memref<!tpu.dma_semaphore, #tpu.memory_space<semaphore_mem>>) src(%dma_wait3A_787 : memref<1x64x4096xf32, #tpu.memory_space<any>>) dst(%dma_wait3A_783 : memref<1x64x4096xf32, #tpu.memory_space<vmem>>)
    %get3A_788 = arith.constant 1 : index
    %get3A_789 = arith.constant 0 : index
    %get3A_790 = arith.constant 0 : index
    %get3A_791 = arith.constant 0 : index
    %get3A_792 = vector.load %arg2[%get3A_788, %get3A_789, %get3A_790, %get3A_791] : memref<8x1x64x4096xf32, #tpu.memory_space<vmem>>, vector<1x1x64x4096xf32>
    %get3A_793 = vector.shape_cast %get3A_792 : vector<1x1x64x4096xf32> to vector<1x64x4096xf32>
    %squeeze3A_794 = vector.shape_cast %get3A_793 : vector<1x64x4096xf32> to vector<64x4096xf32>
    %squeeze3A_795 = vector.shape_cast %get3A_793 : vector<1x64x4096xf32> to vector<64x4096xf32>
    %squeeze3A_796 = vector.shape_cast %get3A_793 : vector<1x64x4096xf32> to vector<64x4096xf32>
    %mul3A_797 = arith.mulf %squeeze3A_795, %squeeze3A_796 : vector<64x4096xf32>
    %reduce_sum3A_798 = arith.constant dense<0.000000e+00> : vector<4096xf32>
    %reduce_sum3A_799 = vector.multi_reduction <add>, %mul3A_797, %reduce_sum3A_798 [0] : vector<64x4096xf32> to vector<4096xf32>
    %add3A_800 = arith.addf %add3A_760, %squeeze3A_794 : vector<64x4096xf32>
    %add3A_801 = arith.addf %add3A_761, %reduce_sum3A_799 : vector<4096xf32>
    %dma_start3A_802 = arith.constant 1 : i32
    %dma_start3A_803 = arith.constant 1 : i32
    %dma_start3A_804 = tpu.memref_slice %arg3[%dma_start3A_803] : memref<8x!tpu.dma_semaphore, #tpu.memory_space<semaphore_mem>> -> memref<1x!tpu.dma_semaphore, #tpu.memory_space<semaphore_mem>>
    %dma_start3A_805 = tpu.memref_squeeze %dma_start3A_804 : memref<1x!tpu.dma_semaphore, #tpu.memory_space<semaphore_mem>> -> memref<!tpu.dma_semaphore, #tpu.memory_space<semaphore_mem>>
    %dma_start3A_806 = arith.constant 0 : i32
    %dma_start3A_807 = arith.constant 0 : i32
    %dma_start3A_808 = arith.constant 0 : i32
    %dma_start3A_809 = tpu.memref_slice %arg2[%dma_start3A_802, %dma_start3A_806, %dma_start3A_807, %dma_start3A_808] : memref<8x1x64x4096xf32, #tpu.memory_space<vmem>> -> memref<1x1x64x4096xf32, #tpu.memory_space<vmem>>
    %dma_start3A_810 = tpu.memref_squeeze %dma_start3A_809 : memref<1x1x64x4096xf32, #tpu.memory_space<vmem>> -> memref<1x64x4096xf32, #tpu.memory_space<vmem>>
    %dma_start3A_811 = arith.constant 25 : i32
    %dma_start3A_812 = arith.constant 0 : i32
    %dma_start3A_813 = arith.constant 0 : i32
    %dma_start3A_814 = tpu.memref_slice %arg0[%dma_start3A_811, %dma_start3A_812, %dma_start3A_813] : memref<26x64x4096xf32, #tpu.memory_space<any>> -> memref<1x64x4096xf32, #tpu.memory_space<any>>
    tpu.enqueue_dma source(%dma_start3A_814 : memref<1x64x4096xf32, #tpu.memory_space<any>>) target(%dma_start3A_810 : memref<1x64x4096xf32, #tpu.memory_space<vmem>>) target_semaphore(%dma_start3A_805 : memref<!tpu.dma_semaphore, #tpu.memory_space<semaphore_mem>>)
    %dma_wait3A_815 = arith.constant 2 : i32
    %dma_wait3A_816 = arith.constant 2 : i32
    %dma_wait3A_817 = tpu.memref_slice %arg3[%dma_wait3A_816] : memref<8x!tpu.dma_semaphore, #tpu.memory_space<semaphore_mem>> -> memref<1x!tpu.dma_semaphore, #tpu.memory_space<semaphore_mem>>
    %dma_wait3A_818 = tpu.memref_squeeze %dma_wait3A_817 : memref<1x!tpu.dma_semaphore, #tpu.memory_space<semaphore_mem>> -> memref<!tpu.dma_semaphore, #tpu.memory_space<semaphore_mem>>
    %dma_wait3A_819 = arith.constant 0 : i32
    %dma_wait3A_820 = arith.constant 0 : i32
    %dma_wait3A_821 = arith.constant 0 : i32
    %dma_wait3A_822 = tpu.memref_slice %arg2[%dma_wait3A_815, %dma_wait3A_819, %dma_wait3A_820, %dma_wait3A_821] : memref<8x1x64x4096xf32, #tpu.memory_space<vmem>> -> memref<1x1x64x4096xf32, #tpu.memory_space<vmem>>
    %dma_wait3A_823 = tpu.memref_squeeze %dma_wait3A_822 : memref<1x1x64x4096xf32, #tpu.memory_space<vmem>> -> memref<1x64x4096xf32, #tpu.memory_space<vmem>>
    %dma_wait3A_824 = arith.constant 18 : i32
    %dma_wait3A_825 = arith.constant 0 : i32
    %dma_wait3A_826 = arith.constant 0 : i32
    %dma_wait3A_827 = tpu.memref_slice %arg0[%dma_wait3A_824, %dma_wait3A_825, %dma_wait3A_826] : memref<26x64x4096xf32, #tpu.memory_space<any>> -> memref<1x64x4096xf32, #tpu.memory_space<any>>
    tpu.wait_dma2 semaphore(%dma_wait3A_818 : memref<!tpu.dma_semaphore, #tpu.memory_space<semaphore_mem>>) src(%dma_wait3A_827 : memref<1x64x4096xf32, #tpu.memory_space<any>>) dst(%dma_wait3A_823 : memref<1x64x4096xf32, #tpu.memory_space<vmem>>)
    %get3A_828 = arith.constant 2 : index
    %get3A_829 = arith.constant 0 : index
    %get3A_830 = arith.constant 0 : index
    %get3A_831 = arith.constant 0 : index
    %get3A_832 = vector.load %arg2[%get3A_828, %get3A_829, %get3A_830, %get3A_831] : memref<8x1x64x4096xf32, #tpu.memory_space<vmem>>, vector<1x1x64x4096xf32>
    %get3A_833 = vector.shape_cast %get3A_832 : vector<1x1x64x4096xf32> to vector<1x64x4096xf32>
    %squeeze3A_834 = vector.shape_cast %get3A_833 : vector<1x64x4096xf32> to vector<64x4096xf32>
    %squeeze3A_835 = vector.shape_cast %get3A_833 : vector<1x64x4096xf32> to vector<64x4096xf32>
    %squeeze3A_836 = vector.shape_cast %get3A_833 : vector<1x64x4096xf32> to vector<64x4096xf32>
    %mul3A_837 = arith.mulf %squeeze3A_835, %squeeze3A_836 : vector<64x4096xf32>
    %reduce_sum3A_838 = arith.constant dense<0.000000e+00> : vector<4096xf32>
    %reduce_sum3A_839 = vector.multi_reduction <add>, %mul3A_837, %reduce_sum3A_838 [0] : vector<64x4096xf32> to vector<4096xf32>
    %add3A_840 = arith.addf %add3A_800, %squeeze3A_834 : vector<64x4096xf32>
    %add3A_841 = arith.addf %add3A_801, %reduce_sum3A_839 : vector<4096xf32>
    %dma_wait3A_842 = arith.constant 3 : i32
    %dma_wait3A_843 = arith.constant 3 : i32
    %dma_wait3A_844 = tpu.memref_slice %arg3[%dma_wait3A_843] : memref<8x!tpu.dma_semaphore, #tpu.memory_space<semaphore_mem>> -> memref<1x!tpu.dma_semaphore, #tpu.memory_space<semaphore_mem>>
    %dma_wait3A_845 = tpu.memref_squeeze %dma_wait3A_844 : memref<1x!tpu.dma_semaphore, #tpu.memory_space<semaphore_mem>> -> memref<!tpu.dma_semaphore, #tpu.memory_space<semaphore_mem>>
    %dma_wait3A_846 = arith.constant 0 : i32
    %dma_wait3A_847 = arith.constant 0 : i32
    %dma_wait3A_848 = arith.constant 0 : i32
    %dma_wait3A_849 = tpu.memref_slice %arg2[%dma_wait3A_842, %dma_wait3A_846, %dma_wait3A_847, %dma_wait3A_848] : memref<8x1x64x4096xf32, #tpu.memory_space<vmem>> -> memref<1x1x64x4096xf32, #tpu.memory_space<vmem>>
    %dma_wait3A_850 = tpu.memref_squeeze %dma_wait3A_849 : memref<1x1x64x4096xf32, #tpu.memory_space<vmem>> -> memref<1x64x4096xf32, #tpu.memory_space<vmem>>
    %dma_wait3A_851 = arith.constant 19 : i32
    %dma_wait3A_852 = arith.constant 0 : i32
    %dma_wait3A_853 = arith.constant 0 : i32
    %dma_wait3A_854 = tpu.memref_slice %arg0[%dma_wait3A_851, %dma_wait3A_852, %dma_wait3A_853] : memref<26x64x4096xf32, #tpu.memory_space<any>> -> memref<1x64x4096xf32, #tpu.memory_space<any>>
    tpu.wait_dma2 semaphore(%dma_wait3A_845 : memref<!tpu.dma_semaphore, #tpu.memory_space<semaphore_mem>>) src(%dma_wait3A_854 : memref<1x64x4096xf32, #tpu.memory_space<any>>) dst(%dma_wait3A_850 : memref<1x64x4096xf32, #tpu.memory_space<vmem>>)
    %get3A_855 = arith.constant 3 : index
    %get3A_856 = arith.constant 0 : index
    %get3A_857 = arith.constant 0 : index
    %get3A_858 = arith.constant 0 : index
    %get3A_859 = vector.load %arg2[%get3A_855, %get3A_856, %get3A_857, %get3A_858] : memref<8x1x64x4096xf32, #tpu.memory_space<vmem>>, vector<1x1x64x4096xf32>
    %get3A_860 = vector.shape_cast %get3A_859 : vector<1x1x64x4096xf32> to vector<1x64x4096xf32>
    %squeeze3A_861 = vector.shape_cast %get3A_860 : vector<1x64x4096xf32> to vector<64x4096xf32>
    %squeeze3A_862 = vector.shape_cast %get3A_860 : vector<1x64x4096xf32> to vector<64x4096xf32>
    %squeeze3A_863 = vector.shape_cast %get3A_860 : vector<1x64x4096xf32> to vector<64x4096xf32>
    %mul3A_864 = arith.mulf %squeeze3A_862, %squeeze3A_863 : vector<64x4096xf32>
    %reduce_sum3A_865 = arith.constant dense<0.000000e+00> : vector<4096xf32>
    %reduce_sum3A_866 = vector.multi_reduction <add>, %mul3A_864, %reduce_sum3A_865 [0] : vector<64x4096xf32> to vector<4096xf32>
    %add3A_867 = arith.addf %add3A_840, %squeeze3A_861 : vector<64x4096xf32>
    %add3A_868 = arith.addf %add3A_841, %reduce_sum3A_866 : vector<4096xf32>
    %dma_wait3A_869 = arith.constant 4 : i32
    %dma_wait3A_870 = arith.constant 4 : i32
    %dma_wait3A_871 = tpu.memref_slice %arg3[%dma_wait3A_870] : memref<8x!tpu.dma_semaphore, #tpu.memory_space<semaphore_mem>> -> memref<1x!tpu.dma_semaphore, #tpu.memory_space<semaphore_mem>>
    %dma_wait3A_872 = tpu.memref_squeeze %dma_wait3A_871 : memref<1x!tpu.dma_semaphore, #tpu.memory_space<semaphore_mem>> -> memref<!tpu.dma_semaphore, #tpu.memory_space<semaphore_mem>>
    %dma_wait3A_873 = arith.constant 0 : i32
    %dma_wait3A_874 = arith.constant 0 : i32
    %dma_wait3A_875 = arith.constant 0 : i32
    %dma_wait3A_876 = tpu.memref_slice %arg2[%dma_wait3A_869, %dma_wait3A_873, %dma_wait3A_874, %dma_wait3A_875] : memref<8x1x64x4096xf32, #tpu.memory_space<vmem>> -> memref<1x1x64x4096xf32, #tpu.memory_space<vmem>>
    %dma_wait3A_877 = tpu.memref_squeeze %dma_wait3A_876 : memref<1x1x64x4096xf32, #tpu.memory_space<vmem>> -> memref<1x64x4096xf32, #tpu.memory_space<vmem>>
    %dma_wait3A_878 = arith.constant 20 : i32
    %dma_wait3A_879 = arith.constant 0 : i32
    %dma_wait3A_880 = arith.constant 0 : i32
    %dma_wait3A_881 = tpu.memref_slice %arg0[%dma_wait3A_878, %dma_wait3A_879, %dma_wait3A_880] : memref<26x64x4096xf32, #tpu.memory_space<any>> -> memref<1x64x4096xf32, #tpu.memory_space<any>>
    tpu.wait_dma2 semaphore(%dma_wait3A_872 : memref<!tpu.dma_semaphore, #tpu.memory_space<semaphore_mem>>) src(%dma_wait3A_881 : memref<1x64x4096xf32, #tpu.memory_space<any>>) dst(%dma_wait3A_877 : memref<1x64x4096xf32, #tpu.memory_space<vmem>>)
    %get3A_882 = arith.constant 4 : index
    %get3A_883 = arith.constant 0 : index
    %get3A_884 = arith.constant 0 : index
    %get3A_885 = arith.constant 0 : index
    %get3A_886 = vector.load %arg2[%get3A_882, %get3A_883, %get3A_884, %get3A_885] : memref<8x1x64x4096xf32, #tpu.memory_space<vmem>>, vector<1x1x64x4096xf32>
    %get3A_887 = vector.shape_cast %get3A_886 : vector<1x1x64x4096xf32> to vector<1x64x4096xf32>
    %squeeze3A_888 = vector.shape_cast %get3A_887 : vector<1x64x4096xf32> to vector<64x4096xf32>
    %squeeze3A_889 = vector.shape_cast %get3A_887 : vector<1x64x4096xf32> to vector<64x4096xf32>
    %squeeze3A_890 = vector.shape_cast %get3A_887 : vector<1x64x4096xf32> to vector<64x4096xf32>
    %mul3A_891 = arith.mulf %squeeze3A_889, %squeeze3A_890 : vector<64x4096xf32>
    %reduce_sum3A_892 = arith.constant dense<0.000000e+00> : vector<4096xf32>
    %reduce_sum3A_893 = vector.multi_reduction <add>, %mul3A_891, %reduce_sum3A_892 [0] : vector<64x4096xf32> to vector<4096xf32>
    %add3A_894 = arith.addf %add3A_867, %squeeze3A_888 : vector<64x4096xf32>
    %add3A_895 = arith.addf %add3A_868, %reduce_sum3A_893 : vector<4096xf32>
    %dma_wait3A_896 = arith.constant 5 : i32
    %dma_wait3A_897 = arith.constant 5 : i32
    %dma_wait3A_898 = tpu.memref_slice %arg3[%dma_wait3A_897] : memref<8x!tpu.dma_semaphore, #tpu.memory_space<semaphore_mem>> -> memref<1x!tpu.dma_semaphore, #tpu.memory_space<semaphore_mem>>
    %dma_wait3A_899 = tpu.memref_squeeze %dma_wait3A_898 : memref<1x!tpu.dma_semaphore, #tpu.memory_space<semaphore_mem>> -> memref<!tpu.dma_semaphore, #tpu.memory_space<semaphore_mem>>
    %dma_wait3A_900 = arith.constant 0 : i32
    %dma_wait3A_901 = arith.constant 0 : i32
    %dma_wait3A_902 = arith.constant 0 : i32
    %dma_wait3A_903 = tpu.memref_slice %arg2[%dma_wait3A_896, %dma_wait3A_900, %dma_wait3A_901, %dma_wait3A_902] : memref<8x1x64x4096xf32, #tpu.memory_space<vmem>> -> memref<1x1x64x4096xf32, #tpu.memory_space<vmem>>
    %dma_wait3A_904 = tpu.memref_squeeze %dma_wait3A_903 : memref<1x1x64x4096xf32, #tpu.memory_space<vmem>> -> memref<1x64x4096xf32, #tpu.memory_space<vmem>>
    %dma_wait3A_905 = arith.constant 21 : i32
    %dma_wait3A_906 = arith.constant 0 : i32
    %dma_wait3A_907 = arith.constant 0 : i32
    %dma_wait3A_908 = tpu.memref_slice %arg0[%dma_wait3A_905, %dma_wait3A_906, %dma_wait3A_907] : memref<26x64x4096xf32, #tpu.memory_space<any>> -> memref<1x64x4096xf32, #tpu.memory_space<any>>
    tpu.wait_dma2 semaphore(%dma_wait3A_899 : memref<!tpu.dma_semaphore, #tpu.memory_space<semaphore_mem>>) src(%dma_wait3A_908 : memref<1x64x4096xf32, #tpu.memory_space<any>>) dst(%dma_wait3A_904 : memref<1x64x4096xf32, #tpu.memory_space<vmem>>)
    %get3A_909 = arith.constant 5 : index
    %get3A_910 = arith.constant 0 : index
    %get3A_911 = arith.constant 0 : index
    %get3A_912 = arith.constant 0 : index
    %get3A_913 = vector.load %arg2[%get3A_909, %get3A_910, %get3A_911, %get3A_912] : memref<8x1x64x4096xf32, #tpu.memory_space<vmem>>, vector<1x1x64x4096xf32>
    %get3A_914 = vector.shape_cast %get3A_913 : vector<1x1x64x4096xf32> to vector<1x64x4096xf32>
    %squeeze3A_915 = vector.shape_cast %get3A_914 : vector<1x64x4096xf32> to vector<64x4096xf32>
    %squeeze3A_916 = vector.shape_cast %get3A_914 : vector<1x64x4096xf32> to vector<64x4096xf32>
    %squeeze3A_917 = vector.shape_cast %get3A_914 : vector<1x64x4096xf32> to vector<64x4096xf32>
    %mul3A_918 = arith.mulf %squeeze3A_916, %squeeze3A_917 : vector<64x4096xf32>
    %reduce_sum3A_919 = arith.constant dense<0.000000e+00> : vector<4096xf32>
    %reduce_sum3A_920 = vector.multi_reduction <add>, %mul3A_918, %reduce_sum3A_919 [0] : vector<64x4096xf32> to vector<4096xf32>
    %add3A_921 = arith.addf %add3A_894, %squeeze3A_915 : vector<64x4096xf32>
    %add3A_922 = arith.addf %add3A_895, %reduce_sum3A_920 : vector<4096xf32>
    %dma_wait3A_923 = arith.constant 6 : i32
    %dma_wait3A_924 = arith.constant 6 : i32
    %dma_wait3A_925 = tpu.memref_slice %arg3[%dma_wait3A_924] : memref<8x!tpu.dma_semaphore, #tpu.memory_space<semaphore_mem>> -> memref<1x!tpu.dma_semaphore, #tpu.memory_space<semaphore_mem>>
    %dma_wait3A_926 = tpu.memref_squeeze %dma_wait3A_925 : memref<1x!tpu.dma_semaphore, #tpu.memory_space<semaphore_mem>> -> memref<!tpu.dma_semaphore, #tpu.memory_space<semaphore_mem>>
    %dma_wait3A_927 = arith.constant 0 : i32
    %dma_wait3A_928 = arith.constant 0 : i32
    %dma_wait3A_929 = arith.constant 0 : i32
    %dma_wait3A_930 = tpu.memref_slice %arg2[%dma_wait3A_923, %dma_wait3A_927, %dma_wait3A_928, %dma_wait3A_929] : memref<8x1x64x4096xf32, #tpu.memory_space<vmem>> -> memref<1x1x64x4096xf32, #tpu.memory_space<vmem>>
    %dma_wait3A_931 = tpu.memref_squeeze %dma_wait3A_930 : memref<1x1x64x4096xf32, #tpu.memory_space<vmem>> -> memref<1x64x4096xf32, #tpu.memory_space<vmem>>
    %dma_wait3A_932 = arith.constant 22 : i32
    %dma_wait3A_933 = arith.constant 0 : i32
    %dma_wait3A_934 = arith.constant 0 : i32
    %dma_wait3A_935 = tpu.memref_slice %arg0[%dma_wait3A_932, %dma_wait3A_933, %dma_wait3A_934] : memref<26x64x4096xf32, #tpu.memory_space<any>> -> memref<1x64x4096xf32, #tpu.memory_space<any>>
    tpu.wait_dma2 semaphore(%dma_wait3A_926 : memref<!tpu.dma_semaphore, #tpu.memory_space<semaphore_mem>>) src(%dma_wait3A_935 : memref<1x64x4096xf32, #tpu.memory_space<any>>) dst(%dma_wait3A_931 : memref<1x64x4096xf32, #tpu.memory_space<vmem>>)
    %get3A_936 = arith.constant 6 : index
    %get3A_937 = arith.constant 0 : index
    %get3A_938 = arith.constant 0 : index
    %get3A_939 = arith.constant 0 : index
    %get3A_940 = vector.load %arg2[%get3A_936, %get3A_937, %get3A_938, %get3A_939] : memref<8x1x64x4096xf32, #tpu.memory_space<vmem>>, vector<1x1x64x4096xf32>
    %get3A_941 = vector.shape_cast %get3A_940 : vector<1x1x64x4096xf32> to vector<1x64x4096xf32>
    %squeeze3A_942 = vector.shape_cast %get3A_941 : vector<1x64x4096xf32> to vector<64x4096xf32>
    %squeeze3A_943 = vector.shape_cast %get3A_941 : vector<1x64x4096xf32> to vector<64x4096xf32>
    %squeeze3A_944 = vector.shape_cast %get3A_941 : vector<1x64x4096xf32> to vector<64x4096xf32>
    %mul3A_945 = arith.mulf %squeeze3A_943, %squeeze3A_944 : vector<64x4096xf32>
    %reduce_sum3A_946 = arith.constant dense<0.000000e+00> : vector<4096xf32>
    %reduce_sum3A_947 = vector.multi_reduction <add>, %mul3A_945, %reduce_sum3A_946 [0] : vector<64x4096xf32> to vector<4096xf32>
    %add3A_948 = arith.addf %add3A_921, %squeeze3A_942 : vector<64x4096xf32>
    %add3A_949 = arith.addf %add3A_922, %reduce_sum3A_947 : vector<4096xf32>
    %dma_wait3A_950 = arith.constant 7 : i32
    %dma_wait3A_951 = arith.constant 7 : i32
    %dma_wait3A_952 = tpu.memref_slice %arg3[%dma_wait3A_951] : memref<8x!tpu.dma_semaphore, #tpu.memory_space<semaphore_mem>> -> memref<1x!tpu.dma_semaphore, #tpu.memory_space<semaphore_mem>>
    %dma_wait3A_953 = tpu.memref_squeeze %dma_wait3A_952 : memref<1x!tpu.dma_semaphore, #tpu.memory_space<semaphore_mem>> -> memref<!tpu.dma_semaphore, #tpu.memory_space<semaphore_mem>>
    %dma_wait3A_954 = arith.constant 0 : i32
    %dma_wait3A_955 = arith.constant 0 : i32
    %dma_wait3A_956 = arith.constant 0 : i32
    %dma_wait3A_957 = tpu.memref_slice %arg2[%dma_wait3A_950, %dma_wait3A_954, %dma_wait3A_955, %dma_wait3A_956] : memref<8x1x64x4096xf32, #tpu.memory_space<vmem>> -> memref<1x1x64x4096xf32, #tpu.memory_space<vmem>>
    %dma_wait3A_958 = tpu.memref_squeeze %dma_wait3A_957 : memref<1x1x64x4096xf32, #tpu.memory_space<vmem>> -> memref<1x64x4096xf32, #tpu.memory_space<vmem>>
    %dma_wait3A_959 = arith.constant 23 : i32
    %dma_wait3A_960 = arith.constant 0 : i32
    %dma_wait3A_961 = arith.constant 0 : i32
    %dma_wait3A_962 = tpu.memref_slice %arg0[%dma_wait3A_959, %dma_wait3A_960, %dma_wait3A_961] : memref<26x64x4096xf32, #tpu.memory_space<any>> -> memref<1x64x4096xf32, #tpu.memory_space<any>>
    tpu.wait_dma2 semaphore(%dma_wait3A_953 : memref<!tpu.dma_semaphore, #tpu.memory_space<semaphore_mem>>) src(%dma_wait3A_962 : memref<1x64x4096xf32, #tpu.memory_space<any>>) dst(%dma_wait3A_958 : memref<1x64x4096xf32, #tpu.memory_space<vmem>>)
    %get3A_963 = arith.constant 7 : index
    %get3A_964 = arith.constant 0 : index
    %get3A_965 = arith.constant 0 : index
    %get3A_966 = arith.constant 0 : index
    %get3A_967 = vector.load %arg2[%get3A_963, %get3A_964, %get3A_965, %get3A_966] : memref<8x1x64x4096xf32, #tpu.memory_space<vmem>>, vector<1x1x64x4096xf32>
    %get3A_968 = vector.shape_cast %get3A_967 : vector<1x1x64x4096xf32> to vector<1x64x4096xf32>
    %squeeze3A_969 = vector.shape_cast %get3A_968 : vector<1x64x4096xf32> to vector<64x4096xf32>
    %squeeze3A_970 = vector.shape_cast %get3A_968 : vector<1x64x4096xf32> to vector<64x4096xf32>
    %squeeze3A_971 = vector.shape_cast %get3A_968 : vector<1x64x4096xf32> to vector<64x4096xf32>
    %mul3A_972 = arith.mulf %squeeze3A_970, %squeeze3A_971 : vector<64x4096xf32>
    %reduce_sum3A_973 = arith.constant dense<0.000000e+00> : vector<4096xf32>
    %reduce_sum3A_974 = vector.multi_reduction <add>, %mul3A_972, %reduce_sum3A_973 [0] : vector<64x4096xf32> to vector<4096xf32>
    %add3A_975 = arith.addf %add3A_948, %squeeze3A_969 : vector<64x4096xf32>
    %add3A_976 = arith.addf %add3A_949, %reduce_sum3A_974 : vector<4096xf32>
    %dma_wait3A_977 = arith.constant 0 : i32
    %dma_wait3A_978 = arith.constant 0 : i32
    %dma_wait3A_979 = tpu.memref_slice %arg3[%dma_wait3A_978] : memref<8x!tpu.dma_semaphore, #tpu.memory_space<semaphore_mem>> -> memref<1x!tpu.dma_semaphore, #tpu.memory_space<semaphore_mem>>
    %dma_wait3A_980 = tpu.memref_squeeze %dma_wait3A_979 : memref<1x!tpu.dma_semaphore, #tpu.memory_space<semaphore_mem>> -> memref<!tpu.dma_semaphore, #tpu.memory_space<semaphore_mem>>
    %dma_wait3A_981 = arith.constant 0 : i32
    %dma_wait3A_982 = arith.constant 0 : i32
    %dma_wait3A_983 = arith.constant 0 : i32
    %dma_wait3A_984 = tpu.memref_slice %arg2[%dma_wait3A_977, %dma_wait3A_981, %dma_wait3A_982, %dma_wait3A_983] : memref<8x1x64x4096xf32, #tpu.memory_space<vmem>> -> memref<1x1x64x4096xf32, #tpu.memory_space<vmem>>
    %dma_wait3A_985 = tpu.memref_squeeze %dma_wait3A_984 : memref<1x1x64x4096xf32, #tpu.memory_space<vmem>> -> memref<1x64x4096xf32, #tpu.memory_space<vmem>>
    %dma_wait3A_986 = arith.constant 24 : i32
    %dma_wait3A_987 = arith.constant 0 : i32
    %dma_wait3A_988 = arith.constant 0 : i32
    %dma_wait3A_989 = tpu.memref_slice %arg0[%dma_wait3A_986, %dma_wait3A_987, %dma_wait3A_988] : memref<26x64x4096xf32, #tpu.memory_space<any>> -> memref<1x64x4096xf32, #tpu.memory_space<any>>
    tpu.wait_dma2 semaphore(%dma_wait3A_980 : memref<!tpu.dma_semaphore, #tpu.memory_space<semaphore_mem>>) src(%dma_wait3A_989 : memref<1x64x4096xf32, #tpu.memory_space<any>>) dst(%dma_wait3A_985 : memref<1x64x4096xf32, #tpu.memory_space<vmem>>)
    %get3A_990 = arith.constant 0 : index
    %get3A_991 = arith.constant 0 : index
    %get3A_992 = arith.constant 0 : index
    %get3A_993 = arith.constant 0 : index
    %get3A_994 = vector.load %arg2[%get3A_990, %get3A_991, %get3A_992, %get3A_993] : memref<8x1x64x4096xf32, #tpu.memory_space<vmem>>, vector<1x1x64x4096xf32>
    %get3A_995 = vector.shape_cast %get3A_994 : vector<1x1x64x4096xf32> to vector<1x64x4096xf32>
    %squeeze3A_996 = vector.shape_cast %get3A_995 : vector<1x64x4096xf32> to vector<64x4096xf32>
    %squeeze3A_997 = vector.shape_cast %get3A_995 : vector<1x64x4096xf32> to vector<64x4096xf32>
    %squeeze3A_998 = vector.shape_cast %get3A_995 : vector<1x64x4096xf32> to vector<64x4096xf32>
    %mul3A_999 = arith.mulf %squeeze3A_997, %squeeze3A_998 : vector<64x4096xf32>
    %reduce_sum3A_1000 = arith.constant dense<0.000000e+00> : vector<4096xf32>
    %reduce_sum3A_1001 = vector.multi_reduction <add>, %mul3A_999, %reduce_sum3A_1000 [0] : vector<64x4096xf32> to vector<4096xf32>
    %add3A_1002 = arith.addf %add3A_975, %squeeze3A_996 : vector<64x4096xf32>
    %add3A_1003 = arith.addf %add3A_976, %reduce_sum3A_1001 : vector<4096xf32>
    %dma_wait3A_1004 = arith.constant 1 : i32
    %dma_wait3A_1005 = arith.constant 1 : i32
    %dma_wait3A_1006 = tpu.memref_slice %arg3[%dma_wait3A_1005] : memref<8x!tpu.dma_semaphore, #tpu.memory_space<semaphore_mem>> -> memref<1x!tpu.dma_semaphore, #tpu.memory_space<semaphore_mem>>
    %dma_wait3A_1007 = tpu.memref_squeeze %dma_wait3A_1006 : memref<1x!tpu.dma_semaphore, #tpu.memory_space<semaphore_mem>> -> memref<!tpu.dma_semaphore, #tpu.memory_space<semaphore_mem>>
    %dma_wait3A_1008 = arith.constant 0 : i32
    %dma_wait3A_1009 = arith.constant 0 : i32
    %dma_wait3A_1010 = arith.constant 0 : i32
    %dma_wait3A_1011 = tpu.memref_slice %arg2[%dma_wait3A_1004, %dma_wait3A_1008, %dma_wait3A_1009, %dma_wait3A_1010] : memref<8x1x64x4096xf32, #tpu.memory_space<vmem>> -> memref<1x1x64x4096xf32, #tpu.memory_space<vmem>>
    %dma_wait3A_1012 = tpu.memref_squeeze %dma_wait3A_1011 : memref<1x1x64x4096xf32, #tpu.memory_space<vmem>> -> memref<1x64x4096xf32, #tpu.memory_space<vmem>>
    %dma_wait3A_1013 = arith.constant 25 : i32
    %dma_wait3A_1014 = arith.constant 0 : i32
    %dma_wait3A_1015 = arith.constant 0 : i32
    %dma_wait3A_1016 = tpu.memref_slice %arg0[%dma_wait3A_1013, %dma_wait3A_1014, %dma_wait3A_1015] : memref<26x64x4096xf32, #tpu.memory_space<any>> -> memref<1x64x4096xf32, #tpu.memory_space<any>>
    tpu.wait_dma2 semaphore(%dma_wait3A_1007 : memref<!tpu.dma_semaphore, #tpu.memory_space<semaphore_mem>>) src(%dma_wait3A_1016 : memref<1x64x4096xf32, #tpu.memory_space<any>>) dst(%dma_wait3A_1012 : memref<1x64x4096xf32, #tpu.memory_space<vmem>>)
    %get3A_1017 = arith.constant 1 : index
    %get3A_1018 = arith.constant 0 : index
    %get3A_1019 = arith.constant 0 : index
    %get3A_1020 = arith.constant 0 : index
    %get3A_1021 = vector.load %arg2[%get3A_1017, %get3A_1018, %get3A_1019, %get3A_1020] : memref<8x1x64x4096xf32, #tpu.memory_space<vmem>>, vector<1x1x64x4096xf32>
    %get3A_1022 = vector.shape_cast %get3A_1021 : vector<1x1x64x4096xf32> to vector<1x64x4096xf32>
    %squeeze3A_1023 = vector.shape_cast %get3A_1022 : vector<1x64x4096xf32> to vector<64x4096xf32>
    %squeeze3A_1024 = vector.shape_cast %get3A_1022 : vector<1x64x4096xf32> to vector<64x4096xf32>
    %squeeze3A_1025 = vector.shape_cast %get3A_1022 : vector<1x64x4096xf32> to vector<64x4096xf32>
    %mul3A_1026 = arith.mulf %squeeze3A_1024, %squeeze3A_1025 : vector<64x4096xf32>
    %reduce_sum3A_1027 = arith.constant dense<0.000000e+00> : vector<4096xf32>
    %reduce_sum3A_1028 = vector.multi_reduction <add>, %mul3A_1026, %reduce_sum3A_1027 [0] : vector<64x4096xf32> to vector<4096xf32>
    %add3A_1029 = arith.addf %add3A_1002, %squeeze3A_1023 : vector<64x4096xf32>
    %add3A_1030 = arith.addf %add3A_1003, %reduce_sum3A_1028 : vector<4096xf32>
    %mul3A_1031 = arith.mulf %add3A_1029, %add3A_1029 : vector<64x4096xf32>
    %reduce_sum3A_1032 = arith.constant dense<0.000000e+00> : vector<4096xf32>
    %reduce_sum3A_1033 = vector.multi_reduction <add>, %mul3A_1031, %reduce_sum3A_1032 [0] : vector<64x4096xf32> to vector<4096xf32>
    %sub3A = arith.subf %reduce_sum3A_1033, %add3A_1030 : vector<4096xf32>
    %mul3A_1034 = arith.constant 5.000000e-01 : f32
    %mul3A_1035 = vector.broadcast %mul3A_1034 : f32 to vector<4096xf32>
    %mul3A_1036 = arith.mulf %mul3A_1035, %sub3A : vector<4096xf32>
    %swap3A = arith.constant 0 : index
    %swap3A_1037 = vector.load %arg1[%swap3A] : memref<4096xf32, #tpu.memory_space<vmem>>, vector<4096xf32>
    tpu.vector_store %arg1[%swap3A], %mul3A_1036 {strides = array<i32>} : memref<4096xf32, #tpu.memory_space<vmem>>, vector<4096xf32>,
    return
  }
}

</mosaic_0001>

<sc_bundles>
// kernel: kernel.4.cloned.1.call-start
scs
__scs_entry_jumppad:
0x0: {  	(pc) =	sbr.rel $0x88, $3  }
0x1: {  	(tag) =	ssettag $0x0;
	lr =	simm.s32 $0x1  }
0x2: {  	[smem:$0x3F9E] =	sst lr;
	_ =	strace $0xD0000000  }
0x3: {  	_ = 	snop  }
0x4: {  	_ = 	snop  }
0x5: {  	_ = 	snop  }
0x6: {  	_ = 	snop  }
0x7: {  	_ = 	snop  }
__scs_overlays_trampoline_lowered:
0x8: {  	[smem:$0x3FAD] =	sst s0  }
0x9: {  	[smem:$0x3FAE] =	sst s1  }
0xa: {  	[smem:$0x3FAF] =	sst s2  }
0xb: {  	[smem:$0x3FB0] =	sst s3  }
0xc: {  	[smem:$0x3FB1] =	sst s4  }
0xd: {  	[smem:$0x3FB2] =	sst s5  }
0xe: {  	[smem:$0x3FB3] =	sst s6  }
0xf: {  	[smem:$0x3FB4] =	sst s7  }
0x10: {  	[smem:$0x3FB5] =	sst s8  }
0x11: {  	[smem:$0x3FB6] =	sst s9;
	s0 =	simm.s32 @!p0 $0x0  }
0x12: {  	s1 =	sld [smem:$0x3F9C];
	s0 =	simm.s32 @p0 $0x1  }
0x13: {  	[smem:$0x3FB7] =	sst s0;
	s0 =	simm.s32 @!p1 $0x0  }
0x14: {  	s2 =	sld [smem:$0x3F9B];
	s0 =	simm.s32 @p1 $0x1  }
0x15: {  	[smem:$0x3FB8] =	sst s0;
	s0 =	simm.s32 @!p2 $0x0  }
0x16: {  	s3 =	sld [smem:$0x3FDB];
	s0 =	simm.s32 @p2 $0x1  }
0x17: {  	s4 =	simm.s32 $0x1BF5;
	[smem:$0x3FBA] =	sst s0  }
0x18: {  	s0 =	sld [smem:$0x3F9D];
	_ =	swait.ge [sflag:s4], $0x0  }
0x19: {  	s7 =	sld [smem:$0x3F9E]  }
0x1a: {  	s8 =	sadd.s32 $0xFFFFE003, lr  }
0x1b: {  	s9 =	sadd.s32 $0xFFFFFEF7, lr;
	s5 =	simm.s32 $0xFFFFFFFF;
	p2 =	slt.u32 s8, $0xFFFFF086  }
0x1c: {  	p1 =	slt.u32 s9, $0xF7A;
	s5 =	simm.s32 @!p2 $0x0  }
0x1d: {  	s5 =	simm.s32 @p1 $0x1;
	p0 =	seq.s32 s7, s2  }
0x1e: {  	s7 =	smul.u32 @!p0 $0xF7A, s2;
	p2 =	seq.s32 @!p0 s5, $0x0  }
0x1f: {  	s9 =	smul.u32 $0xF7A, s1;
	s8 =	simm.s32 @!p0 $0x1BF5;
	p2 =	por !p2, p0  }
0x20: {  	[sflag:s8] =	ssyncset.s32 @!p0 $0xFFFFF086;
	s6 =	sadd.s32 @!p0 s3, s7;
	s7 =	simm.s32 @!p0 $0x108  }
0x21: {  	s3 =	sadd.s32 s3, s9;
	s6 =	sadd.s32 @!p0 $0x88, s6;
	s7 =	simm.s32 @p2 $0x1082  }
0x22: {  	[simem:s7], [sflag:s8] =	dma.local @!p0 [hbm:s6], $0xF7A  }
0x23: {  	s9 =	sor.u32 $0xD0000000, s2;
	s6 =	simm.s32 $0x108;
	_ =	swait.ge @!p0 [sflag:s8], $0x0  }
0x24: {  	s3 =	sadd.s32 $0x88, s3;
	s6 =	simm.s32 @!p1 $0x1082;
	[sflag:s4] =	ssyncset.s32 $0xFFFFF086  }
0x25: {  	[simem:s6], [sflag:s4] =	dma.local [hbm:s3], $0xF7A  }
0x26: {  	[smem:$0x3F9E] =	sst s1;
	(tag) =	ssettag s2;
	_ =	strace s9  }
0x27: {  	s1 =	sld [smem:$0x3FAE]  }
0x28: {  	s2 =	sld [smem:$0x3FAF]  }
0x29: {  	s4 =	sld [smem:$0x3FB1]  }
0x2a: {  	p0 =	seq.s32 s5, $0x0;
	s5 =	sld [smem:$0x3FB2]  }
0x2b: {  	s6 =	sld [smem:$0x3FB3]  }
0x2c: {  	s7 =	sld [smem:$0x3FB4]  }
0x2d: {  	s3 =	simm.s32 $0x108;
	s8 =	sld [smem:$0x3FB5]  }
0x2e: {  	s3 =	simm.s32 @!p0 $0x1082;
	s9 =	sld [smem:$0x3FB6]  }
0x2f: {  	lr =	sadd.s32 s0, s3;
	s0 =	sld [smem:$0x3FAD]  }
0x30: {  	s3 =	sld [smem:$0x3FB0]  }
0x31: {  	[smem:$0x3FB9] =	sst s10  }
0x32: {  	s10 =	sld [smem:$0x3FB7];
	_ =	sdelay $0x3  }
0x33: {  	p0 =	seq.s32 s10, $0x1;
	s10 =	sld [smem:$0x3FB9];
	_ =	sdelay $0x3  }
0x34: {  	[smem:$0x3FB9] =	sst s10  }
0x35: {  	s10 =	sld [smem:$0x3FB8];
	_ =	sdelay $0x3  }
0x36: {  	p1 =	seq.s32 s10, $0x1;
	s10 =	sld [smem:$0x3FB9];
	_ =	sdelay $0x3  }
0x37: {  	[smem:$0x3FB9] =	sst s10  }
0x38: {  	s10 =	sld [smem:$0x3FBA]  }
0x39: {  	_ = 	snop;
	(pc) =	sbr.ind lr, $3  }
0x3a: {  	_ = 	snop  }
0x3b: {  	_ = 	snop  }
0x3c: {  	p2 =	seq.s32 s10, $0x1;
	s10 =	sld [smem:$0x3FB9]  }
0x3d: {  	_ =	shalt  }
0x3e: {  	_ =	shalt  }
0x3f: {  	_ =	shalt  }
0x40: {  	_ =	shalt  }
0x41: {  	_ =	shalt  }
0x42: {  	_ =	shalt  }
0x43: {  	_ =	shalt  }
0x44: {  	_ =	shalt  }
0x45: {  	_ =	shalt  }
0x46: {  	_ =	shalt  }
0x47: {  	_ =	shalt  }
0x48: {  	_ =	shalt  }
0x49: {  	_ =	shalt  }
0x4a: {  	_ =	shalt  }
0x4b: {  	_ =	shalt  }
0x4c: {  	_ =	shalt  }
0x4d: {  	_ =	shalt  }
0x4e: {  	_ =	shalt  }
0x4f: {  	_ =	shalt  }
0x50: {  	_ =	shalt  }
0x51: {  	_ =	shalt  }
0x52: {  	_ =	shalt  }
0x53: {  	_ =	shalt  }
0x54: {  	_ =	shalt  }
0x55: {  	_ =	shalt  }
0x56: {  	_ =	shalt  }
0x57: {  	_ =	shalt  }
0x58: {  	_ =	shalt  }
0x59: {  	_ =	shalt  }
0x5a: {  	_ =	shalt  }
0x5b: {  	_ =	shalt  }
0x5c: {  	_ =	shalt  }
0x5d: {  	_ =	shalt  }
0x5e: {  	_ =	shalt  }
0x5f: {  	_ =	shalt  }
0x60: {  	_ =	shalt  }
0x61: {  	_ =	shalt  }
0x62: {  	_ =	shalt  }
0x63: {  	_ =	shalt  }
0x64: {  	_ =	shalt  }
0x65: {  	_ =	shalt  }
0x66: {  	_ =	shalt  }
0x67: {  	_ =	shalt  }
0x68: {  	_ =	shalt  }
0x69: {  	_ =	shalt  }
0x6a: {  	_ =	shalt  }
0x6b: {  	_ =	shalt  }
0x6c: {  	_ =	shalt  }
0x6d: {  	_ =	shalt  }
0x6e: {  	_ =	shalt  }
0x6f: {  	_ =	shalt  }
0x70: {  	_ =	shalt  }
0x71: {  	_ =	shalt  }
0x72: {  	_ =	shalt  }
0x73: {  	_ =	shalt  }
0x74: {  	_ =	shalt  }
0x75: {  	_ =	shalt  }
0x76: {  	_ =	shalt  }
0x77: {  	_ =	shalt  }
0x78: {  	_ =	shalt  }
0x79: {  	_ =	shalt  }
0x7a: {  	_ =	shalt  }
0x7b: {  	_ =	shalt  }
0x7c: {  	_ =	shalt  }
0x7d: {  	_ =	shalt  }
0x7e: {  	_ =	shalt  }
0x7f: {  	_ =	shalt  }
0x80: {  	_ =	shalt  }
0x81: {  	_ =	shalt  }
0x82: {  	_ =	shalt  }
0x83: {  	_ =	shalt  }
0x84: {  	_ =	shalt  }
0x85: {  	_ =	shalt  }
0x86: {  	_ =	shalt  }
0x87: {  	_ =	shalt  }
.Lfunc_end0:
.L_simem_size_0:
called_computation_lowered:
.L_overlay_start_0:
0x88: {  	s2 =	sld [smem:$0x3FD9]  }
0x89: {  	s3 =	sld [smem:$0x3FFE];
	_ =	sdelay $0x1  }
0x8a: {  	s1 =	srdreg.scid  }
0x8b: {  	s0 =	sand.u32 $0x1, s1  }
0x8c: {  	s17 =	sshll.u32 s0, $0xA;
	s2 =	sadd.s32 s3, s2  }
0x8d: {  	s2 =	sadd.s32 s2, s17  }
0x8e: {  	[smem:$0x3FC5] =	sst s2  }
0x8f: {  	_ = 	snop  }
0x90: {  	s2 =	sld [smem:$0x3FC9]  }
0x91: {  	s18 =	sld [smem:$0x3FD0];
	(tm) =	ssettm $0x1  }
0x92: {  	s4 =	sld [smem:$0x3FFB];
	_ =	sdelay $0x3  }
0x93: {  	_ =	strace s4  }
0x94: {  	s4 =	sld [smem:$0x3FFC];
	_ =	sdelay $0x3  }
0x95: {  	_ =	strace s4  }
0x96: {  	s4 =	sld [smem:$0x3FFD];
	_ =	sdelay $0x3  }
0x97: {  	_ =	strace s4  }
0x98: {  	_ =	strace $0x8FFFFFFF  }
0x99: {  	s19 =	sld [smem:$0x3FDB];
	_ =	sdelay $0x1  }
0x9a: {  	s5 =	simm.s32 $_scs_section_size  }
0x9b: {  	s6 =	simm.s32 $_size__tile_overlayer_lowered;
	s7 =	simm.s32 $_tile_overlayer_lowered  }
0x9c: {  	s22 =	simm.s32 $0x1BFF;
	s21 =	sshll.u32 s7, $0x1;
	s4 =	sadd.s32 s5, s19  }
0x9d: {  	s8 =	simm.s32 $0x0;
	s20 =	sshll.u32 s6, $0x1;
	s6 =	sadd.s32 s21, s4  }
0x9e: {  	[timem:s8], [sflag:s22] =	dma.local [hbm:s6], s20  }
0x9f: {  	_ =	swait.ge [sflag:s22], s20  }
0xa0: {  	s5 =	ssub.s32 $0x0, s20;
	[sflag:s22] =	ssyncset.done $0x0  }
0xa1: {  	[sflag:s22] =	ssyncadd.s32 s5;
	_ =	sdelay $0x1  }
0xa2: {  	s23 =	simm.s32 $0x1B8B  }
0xa3: {  	_ =	swait.ge [sflag:s23], $0x1  }
0xa4: {  	[sflag:s23] =	ssyncset.done $0x0  }
0xa5: {  	s25 =	simm.s32 $0x1B8E;
	s24 =	sld [smem:$0x3FFE];
	[sflag:s23] =	ssyncadd.s32 $0xFFFFFFFF  }
0xa6: {  	s26 =	simm.s32 $execute0_lowered;
	[smem:$0x3FD2] =	sst s25  }
0xa7: {  	s6 =	sshll.u32 s26, $0x1;
	_ =	strace $0x80000046;
	[dreg:$0x1] =	wrdreg $0xFFFFFFFF  }
0xa8: {  	s28 =	simm.s32 $_size_execute0_lowered;
	s4 =	sadd.s32 s4, s6;
	[dreg:$0x0] =	wrdreg $0x0  }
0xa9: {  	s6 =	sshll.u32 s28, $0x1;
	[dreg:$0x2] =	wrdreg s4  }
0xaa: {  	[dreg:$0x3] =	wrdreg s6  }
0xab: {  	[dreg:$0x4] =	wrdreg $0xC0  }
0xac: {  	_ =	task [dreg:s8], $0x5FFFF  }
0xad: {  	[dreg:$0x1] =	wrdreg $0xFFFFFFFF  }
0xae: {  	[dreg:$0x0] =	wrdreg $0x60  }
0xaf: {  	[dreg:$0x2] =	wrdreg s2  }
0xb0: {  	[dreg:$0x3] =	wrdreg s24  }
0xb1: {  	[dreg:$0x4] =	wrdreg s18  }
0xb2: {  	[dreg:$0x5] =	wrdreg $0x20800  }
0xb3: {  	[dreg:$0x6] =	wrdreg $0x9  }
0xb4: {  	_ =	task.clear_ibuf [dreg:s8], $0x7FFFF;
	_ =	strace $0x90000046  }
0xb5: {  	s29 =	simm.s32 $0x9;
	_ =	strace $0x80000048  }
0xb6: {  	_ =	swait.ge [sflag:s29], $0x1  }
0xb7: {  	[sflag:s29] =	ssyncadd.s32 $0xFFFFFFFF  }
0xb8: {  	_ =	strace $0x90000048  }
0xb9: {  	_ =	sfence  }
0xba: {  	s30 =	sld [smem:$0x0];
	_ =	sdelay $0x2  }
0xbb: {  	s31 =	sshll.u32 s1, $0xD;
	s1 =	sshrl.u32 s1, $0x2  }
0xbc: {  	s3 =	sand.u32 $0x4000, s31;
	s1 =	sadd.s32 s1, s30  }
0xbd: {  	s0 =	sor.u32 s3, s0;
	s1 =	sshll.u32 s1, $0x11  }
0xbe: {  	s0 =	sor.u32 s1, s0  }
0xbf: {  	s0 =	sadd.s32 $0x8F2B, s0  }
0xc0: {  	[sflag:s0] =	ssyncadd.remote.s32 $0x1  }
0xc1: {  	_ =	sfence.sel $0xFFFF  }
0xc2: {  	[dreg:$0x0] =	wrdreg $0xFFFFFFFF;
	(pc) =	sbr.abs _section_cstart, $3  }
0xc3: {  	[dreg:$0x1] =	wrdreg $0xFFFFFFFF  }
0xc4: {  	_ =	task.clear_ibuf [dreg:s8], $0x2FFFF;
	_ =	strace $0x9FFFFFFF  }
0xc5: {  	(tm) =	ssettm $0x7FFFFFFF  }
tec
execute0_lowered:
.L_overlay_start_1:
0x0: {  	(tag) =	ssettag $0x1  }
0x1: {  	s3 =	rddreg [dreg:$0x0]  }
0x2: {  	s0 =	rddreg [dreg:$0x1]  }
0x3: {  	s4 =	rddreg [dreg:$0x2]  }
0x4: {  	s1 =	rddreg [dreg:$0x3]  }
0x5: {  	s2 =	simm.s32 $0x0;
	[dreg:$0x5] =	wrdreg s0  }
0x6: {  	s21 =	simm.s32 $0x8000;
	[smem:$0x7FF] =	sst s2  }
0x7: {  	s23 =	simm.s32 $0x1000;
	_ =	strace $0x80000047;
	[dreg:$0x8] =	wrdreg s21  }
0x8: {  	s24 =	simm.s32 $0x1080;
	[dreg:$0xa] =	wrdreg s23  }
0x9: {  	s25 =	simm.s32 $0x100;
	[dreg:$0xb] =	wrdreg s24  }
0xa: {  	s26 =	simm.s32 $0x1100;
	[dreg:$0xc] =	wrdreg s25  }
0xb: {  	s30 =	simm.s32 $0x180;
	[dreg:$0xd] =	wrdreg s26  }
0xc: {  	s5 =	stileid.u32;
	s31 =	simm.s32 $0x1180;
	[dreg:$0xe] =	wrdreg s30  }
0xd: {  	s7 =	sshll.u32 s5, $0x1;
	s0 =	simm.s32 $0x200;
	[dreg:$0xf] =	wrdreg s31  }
0xe: {  	p0 =	sne.s32 s5, $0x0;
	s5 =	simm.s32 $0x1200;
	[dreg:$0x10] =	wrdreg s0  }
0xf: {  	s9 =	simm.s32 $0x300;
	[dreg:$0x11] =	wrdreg s5  }
0x10: {  	s10 =	simm.s32 $0x1300;
	[dreg:$0x14] =	wrdreg s9  }
0x11: {  	s11 =	simm.s32 $0x380;
	[dreg:$0x15] =	wrdreg s10  }
0x12: {  	s12 =	simm.s32 $0x1380;
	[dreg:$0x16] =	wrdreg s11  }
0x13: {  	s13 =	simm.s32 $0x1400;
	[dreg:$0x17] =	wrdreg s12  }
0x14: {  	s14 =	simm.s32 $0x480;
	[dreg:$0x18] =	wrdreg s13  }
0x15: {  	s19 =	srdreg.scid;
	s15 =	simm.s32 $0x1480;
	[dreg:$0x19] =	wrdreg s14  }
0x16: {  	s16 =	simm.s32 $0x500;
	s17 =	simm.s32 $0x1500;
	[dreg:$0x1a] =	wrdreg s15  }
0x17: {  	s18 =	simm.s32 $0x580;
	s28 =	simm.s32 $0x1;
	[dreg:$0x1b] =	wrdreg s16  }
0x18: {  	s29 =	simm.s32 $0x2000;
	s6 =	sand.u32 $0x1, s19;
	[dreg:$0x1c] =	wrdreg s17  }
0x19: {  	s19 =	simm.s32 $0x1580;
	s7 =	sor.u32 s6, s7;
	[dreg:$0x1d] =	wrdreg s18  }
0x1a: {  	[dreg:$0x1e] =	wrdreg s19;
	s21 =	ssub.s32 $0x2, s6;
	s23 =	simm.s32 $0x680  }
0x1b: {  	s24 =	simm.s32 $0x1680;
	s25 =	simm.s32 $0x700;
	s26 =	simm.s32 $0x1700  }
0x1c: {  	s30 =	simm.s32 $0x780;
	s9 =	simm.s32 $0x1780;
	s31 =	simm.s32 $0x800  }
0x1d: {  	s10 =	simm.s32 $0x880;
	s11 =	simm.s32 $0x1880;
	[smem:$0x7F7] =	sst s23  }
0x1e: {  	s12 =	simm.s32 $0x900;
	s13 =	simm.s32 $0x1900;
	[smem:$0x7F8] =	sst s24  }
0x1f: {  	s14 =	simm.s32 $0x980;
	s15 =	simm.s32 $0x1980;
	[smem:$0x7F9] =	sst s25  }
0x20: {  	s16 =	simm.s32 $0xA00;
	s17 =	simm.s32 $0x1A00;
	[smem:$0x7FA] =	sst s26  }
0x21: {  	s18 =	simm.s32 $0xA80;
	s19 =	simm.s32 $0x1A80;
	[smem:$0x7FB] =	sst s30  }
0x22: {  	s8 =	sshll.u32 s7, $0x4;
	s20 =	sshll.u32 s7, $0x7;
	[smem:$0x7FC] =	sst s9  }
0x23: {  	s7 =	simm.s32 $0x280;
	s6 =	sshrl.u32 s21, $0x1;
	[smem:$0x7FD] =	sst s31  }
0x24: {  	s23 =	simm.s32 $0x1B80;
	s24 =	simm.s32 $0x1C00;
	s25 =	simm.s32 $0xC80  }
0x25: {  	s26 =	simm.s32 $0x1C80;
	s4 =	sadd.s32 s4, s8;
	s3 =	sadd.s32 s3, s20  }
0x26: {  	[dreg:$0x12] =	wrdreg s7;
	s8 =	simm.s32 $0x1280;
	s20 =	simm.s32 $0x600  }
0x27: {  	s5 =	ssub.s32 s21, s6;
	s6 =	simm.s32 $0xC00;
	[dreg:$0x6] =	wrdreg s4  }
0x28: {  	s7 =	simm.s32 $0x2;
	s21 =	simm.s32 $0x1B00;
	[dreg:$0x13] =	wrdreg s8  }
0x29: {  	s4 =	sshrl.u32 @!p0 s1, $0x3;
	s22 =	sadd.s32 $0x3000, s3;
	[dreg:$0x1f] =	wrdreg s20  }
0x2a: {  	s8 =	simm.s32 $0x80;
	s20 =	simm.s32 $0xB00;
	[dreg:$0x7] =	wrdreg s4  }
0x2b: {  	[dreg:$0x9] =	wrdreg s22;
	s22 =	simm.s32 $0x1600;
	s4 =	smax.u32 s5, $0x1  }
0x2c: {  	s5 =	simm.s32 $0x400;
	[smem:$0x7F6] =	sst s22;
	s22 =	simm.s32 $0xB80  }
.LBB2_1:
0x2d: {  	s30 =	rddreg [dreg:$0x5]  }
0x2e: {  	s31 =	rddreg [dreg:$0x7];
	s0 =	simm.s32 @!p0 $0x1C02  }
0x2f: {  	[spmem:s31], [sflag:s0] =	dma.local @!p0 [hbm:s30], $0x30E0  }
0x30: {  	s0 =	simm.s32 @!p0 $0x2  }
0x31: {  	_ =	swait.ge @!p0 [sflag:s0], $0x30E0  }
0x32: {  	[sflag:s0] =	ssyncset.done @!p0 $0x0  }
0x33: {  	s31 =	rddreg [dreg:$0x8];
	[sflag:s0] =	ssyncadd.s32 @!p0 $0xFFFFCF20  }
0x34: {  	[tilespmem:s2], [sflag:$0x2] =	stream.strided.gather [hbm4b:s3+s5], $0xC00, s31, s5, $0x38;
	[tilespmem:$0x38F0] =	vst v63  }
0x35: {  	s9 =	rddreg [dreg:$0x9]  }
0x36: {  	[tilespmem:s6], [sflag:$0x2] =	stream.linear.gather [hbm4b:s9+s2], $0x100, $0x38;
	[tilespmem:$0x38F0] =	vst v63  }
0x37: {  	_ =	swait.ge [sflag:s7], $0xD00  }
0x38: {  	[sflag:s7] =	ssyncset.done $0x0  }
0x39: {  	[sflag:s7] =	ssyncadd.s32 $0xFFFFF300  }
0x3a: {  	[bflag:$0x0] =	sbarrier.arrive $0xFFFF  }
0x3b: {  	s31 =	rddreg [dreg:$0xa]  }
0x3c: {  	s9 =	rddreg [dreg:$0xb]  }
0x3d: {  	s0 =	rddreg [dreg:$0xc]  }
0x3e: {  	s30 =	rddreg [dreg:$0xd]  }
0x3f: {  	[tilespmem:s31], [sflag:$0x1] =	stream.indirect.gather [spmem:s1], $0x1, s2, s8, $0xb8;
	[tilespmem:$0x38F0] =	vst v63  }
0x40: {  	s31 =	rddreg [dreg:$0xe]  }
0x41: {  	[tilespmem:s9], [sflag:$0x1] =	stream.indirect.gather [spmem:s1], $0x1, s8, s8, $0xb8;
	[tilespmem:$0x38F0] =	vst v63  }
0x42: {  	s9 =	rddreg [dreg:$0xf]  }
0x43: {  	[tilespmem:s30], [sflag:$0x1] =	stream.indirect.gather [spmem:s1], $0x1, s0, s8, $0xb8;
	[tilespmem:$0x38F0] =	vst v63  }
0x44: {  	s0 =	rddreg [dreg:$0x10]  }
0x45: {  	s30 =	rddreg [dreg:$0x12]  }
0x46: {  	[tilespmem:s9], [sflag:$0x1] =	stream.indirect.gather [spmem:s1], $0x1, s31, s8, $0xb8;
	[tilespmem:$0x38F0] =	vst v63  }
0x47: {  	s9 =	rddreg [dreg:$0x11]  }
0x48: {  	s31 =	rddreg [dreg:$0x13]  }
0x49: {  	[tilespmem:s9], [sflag:$0x1] =	stream.indirect.gather [spmem:s1], $0x1, s0, s8, $0xb8;
	[tilespmem:$0x38F0] =	vst v63  }
0x4a: {  	s0 =	rddreg [dreg:$0x14]  }
0x4b: {  	s9 =	rddreg [dreg:$0x15]  }
0x4c: {  	[tilespmem:s31], [sflag:$0x1] =	stream.indirect.gather [spmem:s1], $0x1, s30, s8, $0xb8;
	[tilespmem:$0x38F0] =	vst v63  }
0x4d: {  	s30 =	rddreg [dreg:$0x16]  }
0x4e: {  	s31 =	rddreg [dreg:$0x17]  }
0x4f: {  	[tilespmem:s9], [sflag:$0x1] =	stream.indirect.gather [spmem:s1], $0x1, s0, s8, $0xb8;
	[tilespmem:$0x38F0] =	vst v63  }
0x50: {  	s0 =	rddreg [dreg:$0x18]  }
0x51: {  	s9 =	rddreg [dreg:$0x19]  }
0x52: {  	[tilespmem:s31], [sflag:$0x1] =	stream.indirect.gather [spmem:s1], $0x1, s30, s8, $0xb8;
	[tilespmem:$0x38F0] =	vst v63  }
0x53: {  	s31 =	rddreg [dreg:$0x1a]  }
0x54: {  	s30 =	rddreg [dreg:$0x1d]  }
0x55: {  	[tilespmem:s0], [sflag:$0x1] =	stream.indirect.gather [spmem:s1], $0x1, s5, s8, $0xb8;
	[tilespmem:$0x38F0] =	vst v63  }
0x56: {  	s0 =	rddreg [dreg:$0x1b]  }
0x57: {  	[tilespmem:s31], [sflag:$0x1] =	stream.indirect.gather [spmem:s1], $0x1, s9, s8, $0xb8;
	[tilespmem:$0x38F0] =	vst v63  }
0x58: {  	s9 =	rddreg [dreg:$0x1c]  }
0x59: {  	s31 =	rddreg [dreg:$0x1e]  }
0x5a: {  	[tilespmem:s9], [sflag:$0x1] =	stream.indirect.gather [spmem:s1], $0x1, s0, s8, $0xb8;
	[tilespmem:$0x38F0] =	vst v63  }
0x5b: {  	s0 =	rddreg [dreg:$0x1f]  }
0x5c: {  	s9 =	sld [smem:$0x7F6]  }
0x5d: {  	[tilespmem:s31], [sflag:$0x1] =	stream.indirect.gather [spmem:s1], $0x1, s30, s8, $0xb8;
	[tilespmem:$0x38F0] =	vst v63  }
0x5e: {  	s30 =	sld [smem:$0x7F7]  }
0x5f: {  	s31 =	sld [smem:$0x7F8]  }
0x60: {  	[tilespmem:s9], [sflag:$0x1] =	stream.indirect.gather [spmem:s1], $0x1, s0, s8, $0xb8;
	[tilespmem:$0x38F0] =	vst v63  }
0x61: {  	s0 =	sld [smem:$0x7F9]  }
0x62: {  	s9 =	sld [smem:$0x7FA]  }
0x63: {  	[tilespmem:s31], [sflag:$0x1] =	stream.indirect.gather [spmem:s1], $0x1, s30, s8, $0xb8;
	[tilespmem:$0x38F0] =	vst v63  }
0x64: {  	s30 =	sld [smem:$0x7FB]  }
0x65: {  	s31 =	sld [smem:$0x7FC]  }
0x66: {  	[tilespmem:s9], [sflag:$0x1] =	stream.indirect.gather [spmem:s1], $0x1, s0, s8, $0xb8;
	[tilespmem:$0x38F0] =	vst v63  }
0x67: {  	s9 =	sld [smem:$0x7FD]  }
0x68: {  	[tilespmem:s31], [sflag:$0x1] =	stream.indirect.gather [spmem:s1], $0x1, s30, s8, $0xb8;
	[tilespmem:$0x38F0] =	vst v63  }
0x69: {  	s30 =	simm.s32 $0x1800  }
0x6a: {  	[tilespmem:s30], [sflag:$0x1] =	stream.indirect.gather [spmem:s1], $0x1, s9, s8, $0xb8;
	[tilespmem:$0x38F0] =	vst v63  }
0x6b: {  	_ = 	snop  }
0x6c: {  	[tilespmem:s11], [sflag:$0x1] =	stream.indirect.gather [spmem:s1], $0x1, s10, s8, $0xb8;
	[tilespmem:$0x38F0] =	vst v63  }
0x6d: {  	_ = 	snop  }
0x6e: {  	[tilespmem:s13], [sflag:$0x1] =	stream.indirect.gather [spmem:s1], $0x1, s12, s8, $0xb8;
	[tilespmem:$0x38F0] =	vst v63  }
0x6f: {  	_ = 	snop  }
0x70: {  	[tilespmem:s15], [sflag:$0x1] =	stream.indirect.gather [spmem:s1], $0x1, s14, s8, $0xb8;
	[tilespmem:$0x38F0] =	vst v63  }
0x71: {  	_ = 	snop  }
0x72: {  	[tilespmem:s17], [sflag:$0x1] =	stream.indirect.gather [spmem:s1], $0x1, s16, s8, $0xb8;
	[tilespmem:$0x38F0] =	vst v63  }
0x73: {  	_ = 	snop  }
0x74: {  	[tilespmem:s19], [sflag:$0x1] =	stream.indirect.gather [spmem:s1], $0x1, s18, s8, $0xb8;
	[tilespmem:$0x38F0] =	vst v63  }
0x75: {  	_ = 	snop  }
0x76: {  	[tilespmem:s21], [sflag:$0x1] =	stream.indirect.gather [spmem:s1], $0x1, s20, s8, $0xb8;
	[tilespmem:$0x38F0] =	vst v63  }
0x77: {  	_ = 	snop  }
0x78: {  	[tilespmem:s23], [sflag:$0x1] =	stream.indirect.gather [spmem:s1], $0x1, s22, s8, $0xb8;
	[tilespmem:$0x38F0] =	vst v63  }
0x79: {  	_ = 	snop  }
0x7a: {  	[tilespmem:s24], [sflag:$0x1] =	stream.indirect.gather [spmem:s1], $0x1, s6, s8, $0xb8;
	[tilespmem:$0x38F0] =	vst v63  }
0x7b: {  	_ = 	snop  }
0x7c: {  	[tilespmem:s26], [sflag:$0x1] =	stream.indirect.gather [spmem:s1], $0x1, s25, s8, $0xb8;
	[tilespmem:$0x38F0] =	vst v63  }
0x7d: {  	_ =	swait.ge [sflag:s28], $0x80  }
0x7e: {  	[sflag:s28] =	ssyncset.done $0x0  }
0x7f: {  	[sflag:s28] =	ssyncadd.s32 $0xFFFFFF80  }
0x80: {  	_ =	swait.ge [sflag:s28], $0x80  }
0x81: {  	[sflag:s28] =	ssyncset.done $0x0  }
0x82: {  	[sflag:s28] =	ssyncadd.s32 $0xFFFFFF80  }
0x83: {  	_ =	swait.ge [sflag:s28], $0x80  }
0x84: {  	[sflag:s28] =	ssyncset.done $0x0  }
0x85: {  	[sflag:s28] =	ssyncadd.s32 $0xFFFFFF80  }
0x86: {  	_ =	swait.ge [sflag:s28], $0x80  }
0x87: {  	[sflag:s28] =	ssyncset.done $0x0  }
0x88: {  	[sflag:s28] =	ssyncadd.s32 $0xFFFFFF80  }
0x89: {  	_ =	swait.ge [sflag:s28], $0x80  }
0x8a: {  	[sflag:s28] =	ssyncset.done $0x0  }
0x8b: {  	[sflag:s28] =	ssyncadd.s32 $0xFFFFFF80  }
0x8c: {  	_ =	swait.ge [sflag:s28], $0x80  }
0x8d: {  	[sflag:s28] =	ssyncset.done $0x0  }
0x8e: {  	[sflag:s28] =	ssyncadd.s32 $0xFFFFFF80  }
0x8f: {  	_ =	swait.ge [sflag:s28], $0x80  }
0x90: {  	[sflag:s28] =	ssyncset.done $0x0  }
0x91: {  	[sflag:s28] =	ssyncadd.s32 $0xFFFFFF80  }
0x92: {  	_ =	swait.ge [sflag:s28], $0x80  }
0x93: {  	[sflag:s28] =	ssyncset.done $0x0  }
0x94: {  	[sflag:s28] =	ssyncadd.s32 $0xFFFFFF80  }
0x95: {  	_ =	swait.ge [sflag:s28], $0x80  }
0x96: {  	[sflag:s28] =	ssyncset.done $0x0  }
0x97: {  	[sflag:s28] =	ssyncadd.s32 $0xFFFFFF80  }
0x98: {  	_ =	swait.ge [sflag:s28], $0x80  }
0x99: {  	[sflag:s28] =	ssyncset.done $0x0  }
0x9a: {  	[sflag:s28] =	ssyncadd.s32 $0xFFFFFF80  }
0x9b: {  	_ =	swait.ge [sflag:s28], $0x80  }
0x9c: {  	[sflag:s28] =	ssyncset.done $0x0  }
0x9d: {  	[sflag:s28] =	ssyncadd.s32 $0xFFFFFF80  }
0x9e: {  	_ =	swait.ge [sflag:s28], $0x80  }
0x9f: {  	[sflag:s28] =	ssyncset.done $0x0  }
0xa0: {  	[sflag:s28] =	ssyncadd.s32 $0xFFFFFF80  }
0xa1: {  	_ =	swait.ge [sflag:s28], $0x80  }
0xa2: {  	[sflag:s28] =	ssyncset.done $0x0  }
0xa3: {  	[sflag:s28] =	ssyncadd.s32 $0xFFFFFF80  }
0xa4: {  	_ =	swait.ge [sflag:s28], $0x80  }
0xa5: {  	[sflag:s28] =	ssyncset.done $0x0  }
0xa6: {  	[sflag:s28] =	ssyncadd.s32 $0xFFFFFF80  }
0xa7: {  	_ =	swait.ge [sflag:s28], $0x80  }
0xa8: {  	[sflag:s28] =	ssyncset.done $0x0  }
0xa9: {  	[sflag:s28] =	ssyncadd.s32 $0xFFFFFF80  }
0xaa: {  	_ =	swait.ge [sflag:s28], $0x80  }
0xab: {  	[sflag:s28] =	ssyncset.done $0x0  }
0xac: {  	[sflag:s28] =	ssyncadd.s32 $0xFFFFFF80  }
0xad: {  	_ =	swait.ge [sflag:s28], $0x80  }
0xae: {  	[sflag:s28] =	ssyncset.done $0x0  }
0xaf: {  	[sflag:s28] =	ssyncadd.s32 $0xFFFFFF80  }
0xb0: {  	_ =	swait.ge [sflag:s28], $0x80  }
0xb1: {  	[sflag:s28] =	ssyncset.done $0x0  }
0xb2: {  	[sflag:s28] =	ssyncadd.s32 $0xFFFFFF80  }
0xb3: {  	_ =	swait.ge [sflag:s28], $0x80  }
0xb4: {  	[sflag:s28] =	ssyncset.done $0x0  }
0xb5: {  	[sflag:s28] =	ssyncadd.s32 $0xFFFFFF80  }
0xb6: {  	_ =	swait.ge [sflag:s28], $0x80  }
0xb7: {  	[sflag:s28] =	ssyncset.done $0x0  }
0xb8: {  	[sflag:s28] =	ssyncadd.s32 $0xFFFFFF80  }
0xb9: {  	_ =	swait.ge [sflag:s28], $0x80  }
0xba: {  	[sflag:s28] =	ssyncset.done $0x0  }
0xbb: {  	[sflag:s28] =	ssyncadd.s32 $0xFFFFFF80  }
0xbc: {  	_ =	swait.ge [sflag:s28], $0x80  }
0xbd: {  	[sflag:s28] =	ssyncset.done $0x0  }
0xbe: {  	[sflag:s28] =	ssyncadd.s32 $0xFFFFFF80  }
0xbf: {  	_ =	swait.ge [sflag:s28], $0x80  }
0xc0: {  	[sflag:s28] =	ssyncset.done $0x0  }
0xc1: {  	[sflag:s28] =	ssyncadd.s32 $0xFFFFFF80  }
0xc2: {  	_ =	swait.ge [sflag:s28], $0x80  }
0xc3: {  	[sflag:s28] =	ssyncset.done $0x0  }
0xc4: {  	[sflag:s28] =	ssyncadd.s32 $0xFFFFFF80  }
0xc5: {  	_ =	swait.ge [sflag:s28], $0x80  }
0xc6: {  	[sflag:s28] =	ssyncset.done $0x0  }
0xc7: {  	[sflag:s28] =	ssyncadd.s32 $0xFFFFFF80  }
0xc8: {  	_ =	swait.ge [sflag:s28], $0x80  }
0xc9: {  	[sflag:s28] =	ssyncset.done $0x0  }
0xca: {  	[sflag:s28] =	ssyncadd.s32 $0xFFFFFF80  }
0xcb: {  	v35 =	vld [tilespmem:$0x1000]  }
0xcc: {  	v33 =	vld [tilespmem:$0x1080]  }
0xcd: {  	v36 =	vld [tilespmem:$0x1100]  }
0xce: {  	v40 =	vld [tilespmem:$0x1180]  }
0xcf: {  	v45 =	vld [tilespmem:$0x1200]  }
0xd0: {  	v49 =	vld [tilespmem:$0x1280]  }
0xd1: {  	v52 =	vld [tilespmem:$0x1300]  }
0xd2: {  	v56 =	vld [tilespmem:$0x1380]  }
0xd3: {  	v60 =	vld [tilespmem:$0x1400]  }
0xd4: {  	v0 =	vld [tilespmem:$0x1480]  }
0xd5: {  	v32 =	vld [tilespmem:$0x1500]  }
0xd6: {  	v34 =	vld [tilespmem:$0x1580]  }
0xd7: {  	v37 =	vld [tilespmem:$0x1600]  }
0xd8: {  	v38 =	vld [tilespmem:$0x1680]  }
0xd9: {  	v39 =	vld [tilespmem:$0x1700]  }
0xda: {  	v41 =	vld [tilespmem:$0x1780]  }
0xdb: {  	v42 =	vld [tilespmem:$0x1800]  }
0xdc: {  	v43 =	vld [tilespmem:$0x1880]  }
0xdd: {  	v44 =	vld [tilespmem:$0x1900]  }
0xde: {  	v46 =	vld [tilespmem:$0x1980]  }
0xdf: {  	v47 =	vld [tilespmem:$0x1A00]  }
0xe0: {  	v48 =	vld [tilespmem:$0x1A80]  }
0xe1: {  	v50 =	vld [tilespmem:$0x1B00]  }
0xe2: {  	v51 =	vld [tilespmem:$0x1B80]  }
0xe3: {  	v53 =	vld [tilespmem:$0x1C00]  }
0xe4: {  	v54 =	vld [tilespmem:$0x1C80]  }
0xe5: {  	v26 =	vld [tilespmem:$0x1010]  }
0xe6: {  	v28 =	vld [tilespmem:$0x1090]  }
0xe7: {  	v17 =	vld [tilespmem:$0x1110]  }
0xe8: {  	v21 =	vld [tilespmem:$0x1190]  }
0xe9: {  	v24 =	vld [tilespmem:$0x1210]  }
0xea: {  	v29 =	vld [tilespmem:$0x1290]  }
0xeb: {  	v58 =	vld [tilespmem:$0x1610]  }
0xec: {  	v63 =	vld [tilespmem:$0x1690]  }
0xed: {  	v55 =	vld [tilespmem:$0x1710]  }
0xee: {  	v57 =	vld [tilespmem:$0x1790]  }
0xef: {  	v59 =	vld [tilespmem:$0x1810]  }
0xf0: {  	v61 =	vld [tilespmem:$0x1890]  }
0xf1: {  	v62 =	vld [tilespmem:$0x1910]  }
0xf2: {  	v4 =	vld [tilespmem:$0x1990]  }
0xf3: {  	v5 =	vld [tilespmem:$0x1A10]  }
0xf4: {  	v6 =	vld [tilespmem:$0x1A90]  }
0xf5: {  	v7 =	vld [tilespmem:$0x1B10]  }
0xf6: {  	v8 =	vld [tilespmem:$0x1B90]  }
0xf7: {  	v9 =	vld [tilespmem:$0x1C10]  }
0xf8: {  	v10 =	vld [tilespmem:$0x1C90]  }
0xf9: {  	v19 =	vld [tilespmem:$0x1020]  }
0xfa: {  	v12 =	vld [tilespmem:$0x1220]  }
0xfb: {  	v14 =	vld [tilespmem:$0x12A0]  }
0xfc: {  	v16 =	vld [tilespmem:$0x1320]  }
0xfd: {  	v20 =	vld [tilespmem:$0x13A0]  }
0xfe: {  	v23 =	vld [tilespmem:$0x1420]  }
0xff: {  	v27 =	vld [tilespmem:$0x14A0]  }
0x100: {  	v31 =	vld [tilespmem:$0x1520]  }
0x101: {  	v11 =	vld [tilespmem:$0x1920]  }
0x102: {  	v13 =	vld [tilespmem:$0x19A0]  }
0x103: {  	v15 =	vld [tilespmem:$0x1A20]  }
0x104: {  	v18 =	vld [tilespmem:$0x1AA0]  }
0x105: {  	v22 =	vld [tilespmem:$0x1B20]  }
0x106: {  	v25 =	vld [tilespmem:$0x1BA0]  }
0x107: {  	v30 =	vld [tilespmem:$0x1C20]  }
0x108: {  	v1 =	vld [tilespmem:$0x1030]  }
0x109: {  	v2 =	vld [tilespmem:$0x1130]  }
0x10a: {  	v3 =	vld [tilespmem:$0x11B0]  }
0x10b: {  	[tilespmem:$0x1FC80] =	vst v32;
	v32 =	vld [tilespmem:$0x1310]  }
0x10c: {  	[tilespmem:$0x1FCB0] =	vst v38;
	v38 =	vld [tilespmem:$0x1390]  }
0x10d: {  	[tilespmem:$0x1FD00] =	vst v42;
	v42 =	vld [tilespmem:$0x1410]  }
0x10e: {  	[tilespmem:$0x1FD60] =	vst v46;
	v46 =	vld [tilespmem:$0x1490]  }
0x10f: {  	[tilespmem:$0x1FDF0] =	vst v50;
	v50 =	vld [tilespmem:$0x1510]  }
0x110: {  	[tilespmem:$0x1FEA0] =	vst v54;
	v54 =	vld [tilespmem:$0x1590]  }
0x111: {  	[tilespmem:$0x1FDE0] =	vst v6;
	v6 =	vld [tilespmem:$0x10A0]  }
0x112: {  	[tilespmem:$0x1FE40] =	vst v8;
	v8 =	vld [tilespmem:$0x1120]  }
0x113: {  	[tilespmem:$0x1FEC0] =	vst v10;
	v10 =	vld [tilespmem:$0x11A0]  }
0x114: {  	[tilespmem:$0x1FCA0] =	vst v37;
	v37 =	vld [tilespmem:$0x15A0]  }
0x115: {  	[tilespmem:$0x1FCE0] =	vst v41;
	v41 =	vld [tilespmem:$0x1620]  }
0x116: {  	[tilespmem:$0x1FD40] =	vst v44;
	v44 =	vld [tilespmem:$0x16A0]  }
0x117: {  	[tilespmem:$0x1FDC0] =	vst v48;
	v48 =	vld [tilespmem:$0x1720]  }
0x118: {  	[tilespmem:$0x1FE60] =	vst v53;
	v53 =	vld [tilespmem:$0x17A0]  }
0x119: {  	[tilespmem:$0x1FCF0] =	vst v57;
	v57 =	vld [tilespmem:$0x1820]  }
0x11a: {  	[tilespmem:$0x1FD30] =	vst v61;
	v61 =	vld [tilespmem:$0x18A0]  }
0x11b: {  	[tilespmem:$0x1FC90] =	vst v34;
	v34 =	vld [tilespmem:$0x1CA0]  }
0x11c: {  	[tilespmem:$0x1FC70] =	vst v0;
	v0 =	vld [tilespmem:$0x10B0]  }
0x11d: {  	[tilespmem:$0x1FD80] =	vst v4;
	v4 =	vld [tilespmem:$0x1230]  }
0x11e: {  	[tilespmem:$0x1FDB0] =	vst v5;
	v5 =	vld [tilespmem:$0x12B0]  }
0x11f: {  	[tilespmem:$0x1FE10] =	vst v7;
	v7 =	vld [tilespmem:$0x1330]  }
0x120: {  	[tilespmem:$0x1FE80] =	vst v9;
	v9 =	vld [tilespmem:$0x13B0]  }
0x121: {  	[tilespmem:$0x1FD70] =	vst v11;
	v11 =	vld [tilespmem:$0x1430]  }
0x122: {  	[tilespmem:$0x1FDA0] =	vst v13;
	v13 =	vld [tilespmem:$0x14B0]  }
0x123: {  	[tilespmem:$0x1FDD0] =	vst v15;
	v15 =	vld [tilespmem:$0x1530]  }
0x124: {  	[tilespmem:$0x1FE00] =	vst v18;
	v18 =	vld [tilespmem:$0x15B0]  }
0x125: {  	[tilespmem:$0x1FE30] =	vst v22;
	v22 =	vld [tilespmem:$0x1630]  }
0x126: {  	[tilespmem:$0x1FE70] =	vst v25;
	v25 =	vld [tilespmem:$0x16B0]  }
0x127: {  	[tilespmem:$0x1FEB0] =	vst v30;
	v30 =	vld [tilespmem:$0x1730]  }
0x128: {  	[tilespmem:$0x1FCC0] =	vst v39;
	v39 =	vld [tilespmem:$0x1830]  }
0x129: {  	[tilespmem:$0x1FD20] =	vst v43;
	v43 =	vld [tilespmem:$0x18B0]  }
0x12a: {  	[tilespmem:$0x1FD90] =	vst v47;
	v47 =	vld [tilespmem:$0x1930]  }
0x12b: {  	[tilespmem:$0x1FE20] =	vst v51;
	v51 =	vld [tilespmem:$0x19B0]  }
0x12c: {  	[tilespmem:$0x1FCD0] =	vst v55;
	v55 =	vld [tilespmem:$0x1A30]  }
0x12d: {  	[tilespmem:$0x1FD10] =	vst v59;
	v59 =	vld [tilespmem:$0x1AB0]  }
0x12e: {  	[tilespmem:$0x1FD50] =	vst v62;
	v62 =	vld [tilespmem:$0x1B30];
	v35 =	vadd.f32 v33, v35  }
0x12f: {  	v33 =	vld [tilespmem:$0x13C0]  }
0x130: {  	v28 =	vadd.f32 v28, v26;
	v26 =	vld [tilespmem:$0x1440];
	v36 =	vadd.f32 v36, v35  }
0x131: {  	v35 =	vld [tilespmem:$0x14C0]  }
0x132: {  	v36 =	vadd.f32 v40, v36;
	v40 =	vld [tilespmem:$0x15C0]  }
0x133: {  	[tilespmem:$0x1FEE0] =	vst v34;
	v34 =	vld [tilespmem:$0x17B0]  }
0x134: {  	[tilespmem:$0x1FE50] =	vst v62;
	v62 =	vld [tilespmem:$0x1BB0]  }
0x135: {  	v6 =	vadd.f32 v6, v19;
	v19 =	vld [tilespmem:$0x1540]  }
0x136: {  	v0 =	vadd.f32 v0, v1;
	v1 =	vadd.f32 v45, v36;
	v36 =	vld [tilespmem:$0x1740]  }
0x137: {  	v6 =	vadd.f32 v8, v6;
	v8 =	vld [tilespmem:$0x1940]  }
0x138: {  	v1 =	vadd.f32 v49, v1;
	v49 =	vld [tilespmem:$0x1840]  }
0x139: {  	[tilespmem:$0x1FF70] =	vst v40;
	v40 =	vld [tilespmem:$0x17C0]  }
0x13a: {  	v10 =	vadd.f32 v10, v6;
	v6 =	vld [tilespmem:$0x18D0]  }
0x13b: {  	[tilespmem:$0x1FE90] =	vst v62;
	v62 =	vld [tilespmem:$0x1C30]  }
0x13c: {  	v1 =	vadd.f32 v52, v1;
	v52 =	vld [tilespmem:$0x1B40]  }
0x13d: {  	v0 =	vadd.f32 v2, v0;
	v2 =	vadd.f32 v12, v10;
	v10 =	vld [tilespmem:$0x19C0]  }
0x13e: {  	v12 =	vld [tilespmem:$0x1A40]  }
0x13f: {  	[tilespmem:$0x1FF90] =	vst v36;
	v36 =	vld [tilespmem:$0x1FD40]  }
0x140: {  	v0 =	vadd.f32 v3, v0;
	v1 =	vadd.f32 v56, v1;
	v56 =	vld [tilespmem:$0x1AC0]  }
0x141: {  	[tilespmem:$0x1FFD0] =	vst v8;
	v8 =	vld [tilespmem:$0x1850]  }
0x142: {  	v0 =	vadd.f32 v4, v0;
	v2 =	vadd.f32 v14, v2;
	v14 =	vld [tilespmem:$0x1FC70]  }
0x143: {  	[tilespmem:$0x1FFB0] =	vst v49;
	v49 =	vld [tilespmem:$0x1BC0]  }
0x144: {  	v0 =	vadd.f32 v5, v0;
	v5 =	vld [tilespmem:$0x1B50]  }
0x145: {  	[tilespmem:$0x1FFA0] =	vst v40;
	v40 =	vld [tilespmem:$0x1FD80]  }
0x146: {  	v1 =	vadd.f32 v60, v1;
	v60 =	vld [tilespmem:$0x1FE70]  }
0x147: {  	[tilespmem:$0x1FED0] =	vst v62;
	v62 =	vld [tilespmem:$0x1CB0]  }
0x148: {  	v2 =	vadd.f32 v16, v2;
	v16 =	vld [tilespmem:$0x1FC80]  }
0x149: {  	v0 =	vadd.f32 v7, v0;
	v7 =	vld [tilespmem:$0x1BD0]  }
0x14a: {  	[tilespmem:$0x1FFE0] =	vst v10;
	v10 =	vld [tilespmem:$0x17D0]  }
0x14b: {  	[tilespmem:$0x1FFF0] =	vst v12;
	v12 =	vld [tilespmem:$0x1C50]  }
0x14c: {  	v2 =	vadd.f32 v20, v2;
	v20 =	vld [tilespmem:$0x1FC90]  }
0x14d: {  	v0 =	vadd.f32 v9, v0;
	v9 =	vld [tilespmem:$0x1A50]  }
0x14e: {  	[tilespmem:$0x1FF10] =	vst v62;
	v62 =	vld [tilespmem:$0x1040]  }
0x14f: {  	v1 =	vadd.f32 v14, v1;
	v14 =	vld [tilespmem:$0x19D0]  }
0x150: {  	v2 =	vadd.f32 v23, v2;
	v23 =	vld [tilespmem:$0x1FCB0]  }
0x151: {  	v0 =	vadd.f32 v11, v0;
	v11 =	vld [tilespmem:$0x1750]  }
0x152: {  	v1 =	vadd.f32 v16, v1;
	v16 =	vld [tilespmem:$0x1050]  }
0x153: {  	[tilespmem:$0x1FEF0] =	vst v62;
	v62 =	vld [tilespmem:$0x10C0]  }
0x154: {  	v2 =	vadd.f32 v27, v2;
	v27 =	vld [tilespmem:$0x1FCD0]  }
0x155: {  	v0 =	vadd.f32 v13, v0;
	v13 =	vld [tilespmem:$0x1AD0]  }
0x156: {  	v1 =	vadd.f32 v20, v1;
	v20 =	vld [tilespmem:$0x10D0]  }
0x157: {  	v0 =	vadd.f32 v15, v0;
	v15 =	vld [tilespmem:$0x1150]  }
0x158: {  	[tilespmem:$0x1FF00] =	vst v62;
	v62 =	vld [tilespmem:$0x1140]  }
0x159: {  	v2 =	vadd.f32 v31, v2;
	v31 =	vld [tilespmem:$0x1FD10]  }
0x15a: {  	v0 =	vadd.f32 v18, v0;
	v18 =	vld [tilespmem:$0x1250]  }
0x15b: {  	v2 =	vadd.f32 v37, v2;
	v37 =	vld [tilespmem:$0x1FD50]  }
0x15c: {  	v0 =	vadd.f32 v22, v0;
	v22 =	vld [tilespmem:$0x1350]  }
0x15d: {  	[tilespmem:$0x1FF20] =	vst v62;
	v62 =	vld [tilespmem:$0x11C0]  }
0x15e: {  	v2 =	vadd.f32 v41, v2;
	v41 =	vld [tilespmem:$0x1FD90]  }
0x15f: {  	v0 =	vadd.f32 v25, v0;
	v25 =	vld [tilespmem:$0x1450]  }
0x160: {  	v2 =	vadd.f32 v44, v2;
	v44 =	vld [tilespmem:$0x1FDC0]  }
0x161: {  	v0 =	vadd.f32 v30, v0;
	v30 =	vld [tilespmem:$0x1FD00]  }
0x162: {  	[tilespmem:$0x1FF30] =	vst v62;
	v62 =	vld [tilespmem:$0x1240]  }
0x163: {  	v2 =	vadd.f32 v48, v2;
	v48 =	vld [tilespmem:$0x1FDE0]  }
0x164: {  	v0 =	vadd.f32 v34, v0;
	v34 =	vld [tilespmem:$0x1FD30]  }
0x165: {  	v2 =	vadd.f32 v53, v2;
	v53 =	vld [tilespmem:$0x1FE10]  }
0x166: {  	v0 =	vadd.f32 v39, v0;
	v39 =	vld [tilespmem:$0x1FD70]  }
0x167: {  	[tilespmem:$0x1FF40] =	vst v62;
	v62 =	vld [tilespmem:$0x12C0]  }
0x168: {  	v2 =	vadd.f32 v57, v2;
	v57 =	vld [tilespmem:$0x1FE40];
	v0 =	vadd.f32 v43, v0  }
0x169: {  	v43 =	vld [tilespmem:$0x1FDB0]  }
0x16a: {  	v2 =	vadd.f32 v61, v2;
	v61 =	vld [tilespmem:$0x1FE80];
	v0 =	vadd.f32 v47, v0  }
0x16b: {  	v47 =	vld [tilespmem:$0x1FDD0]  }
0x16c: {  	v0 =	vadd.f32 v51, v0;
	[tilespmem:$0x1FF50] =	vst v62;
	v62 =	vld [tilespmem:$0x1340]  }
0x16d: {  	v2 =	vadd.f32 v39, v2;
	v39 =	vld [tilespmem:$0x1070]  }
0x16e: {  	v51 =	vld [tilespmem:$0x1FE00];
	v0 =	vadd.f32 v55, v0  }
0x16f: {  	v17 =	vadd.f32 v17, v28;
	v55 =	vld [tilespmem:$0x1FE30]  }
0x170: {  	v0 =	vadd.f32 v59, v0;
	v59 =	vld [tilespmem:$0x1FE60]  }
0x171: {  	[tilespmem:$0x1FF60] =	vst v62;
	v62 =	vadd.f32 v21, v17;
	v21 =	vld [tilespmem:$0x16C0]  }
0x172: {  	v17 =	vld [tilespmem:$0x1640]  }
0x173: {  	v28 =	vadd.f32 v24, v62;
	v62 =	vld [tilespmem:$0x18C0]  }
0x174: {  	v24 =	vld [tilespmem:$0x1FCC0]  }
0x175: {  	v45 =	vadd.f32 v29, v28;
	v28 =	vld [tilespmem:$0x1FCE0]  }
0x176: {  	[tilespmem:$0x1FF80] =	vst v21;
	v21 =	vld [tilespmem:$0x1FCA0]  }
0x177: {  	v29 =	vld [tilespmem:$0x1FCF0];
	v3 =	vadd.f32 v32, v45  }
0x178: {  	v32 =	vld [tilespmem:$0x1FD20]  }
0x179: {  	[tilespmem:$0x1FFC0] =	vst v62;
	v62 =	vld [tilespmem:$0x1FE90];
	v3 =	vadd.f32 v38, v3  }
0x17a: {  	v38 =	vld [tilespmem:$0x1FD60]  }
0x17b: {  	v3 =	vadd.f32 v42, v3;
	v1 =	vadd.f32 v21, v1;
	v21 =	vld [tilespmem:$0x11D0]  }
0x17c: {  	v42 =	vld [tilespmem:$0x1FDA0]  }
0x17d: {  	v3 =	vadd.f32 v46, v3;
	v46 =	vld [tilespmem:$0x1C40];
	v1 =	vadd.f32 v23, v1  }
0x17e: {  	v23 =	vld [tilespmem:$0x12D0]  }
0x17f: {  	v16 =	vadd.f32 v20, v16;
	v1 =	vadd.f32 v24, v1;
	v24 =	vld [tilespmem:$0x13D0]  }
0x180: {  	v3 =	vadd.f32 v50, v3;
	v50 =	vld [tilespmem:$0x1FDF0]  }
0x181: {  	v15 =	vadd.f32 v15, v16;
	v2 =	vadd.f32 v42, v2;
	v42 =	vld [tilespmem:$0x1660]  }
0x182: {  	v1 =	vadd.f32 v28, v1;
	v28 =	vld [tilespmem:$0x1550]  }
0x183: {  	v15 =	vadd.f32 v21, v15;
	v3 =	vadd.f32 v54, v3;
	v54 =	vld [tilespmem:$0x1FE20]  }
0x184: {  	v2 =	vadd.f32 v47, v2;
	v1 =	vadd.f32 v30, v1;
	v30 =	vld [tilespmem:$0x15D0]  }
0x185: {  	v3 =	vadd.f32 v58, v3;
	v58 =	vld [tilespmem:$0x1FE50]  }
0x186: {  	v15 =	vadd.f32 v18, v15;
	v2 =	vadd.f32 v51, v2;
	v51 =	vld [tilespmem:$0x1FED0]  }
0x187: {  	v3 =	vadd.f32 v63, v3;
	v1 =	vadd.f32 v32, v1;
	v32 =	vld [tilespmem:$0x16D0]  }
0x188: {  	v2 =	vadd.f32 v55, v2;
	v55 =	vld [tilespmem:$0x1FEE0]  }
0x189: {  	v15 =	vadd.f32 v23, v15;
	v3 =	vadd.f32 v27, v3;
	v27 =	vld [tilespmem:$0x14D0]  }
0x18a: {  	v1 =	vadd.f32 v36, v1;
	v36 =	vld [tilespmem:$0x10E0]  }
0x18b: {  	v15 =	vadd.f32 v22, v15;
	v0 =	vadd.f32 v58, v0;
	v58 =	vld [tilespmem:$0x1FF00]  }
0x18c: {  	v2 =	vadd.f32 v60, v2;
	v60 =	vld [tilespmem:$0x1FF10]  }
0x18d: {  	v15 =	vadd.f32 v24, v15;
	v24 =	vld [tilespmem:$0x1FFB0]  }
0x18e: {  	v3 =	vadd.f32 v29, v3;
	v29 =	vld [tilespmem:$0x1950]  }
0x18f: {  	v63 =	vadd.f32 v62, v0;
	v62 =	vld [tilespmem:$0x1FF20]  }
0x190: {  	v1 =	vadd.f32 v38, v1;
	v15 =	vadd.f32 v25, v15;
	v25 =	vld [tilespmem:$0x18F0]  }
0x191: {  	v3 =	vadd.f32 v31, v3;
	v31 =	vld [tilespmem:$0x1650]  }
0x192: {  	v1 =	vadd.f32 v41, v1;
	v15 =	vadd.f32 v27, v15;
	v27 =	vld [tilespmem:$0x1960]  }
0x193: {  	v3 =	vadd.f32 v34, v3;
	v34 =	vld [tilespmem:$0x1060]  }
0x194: {  	v1 =	vadd.f32 v44, v1;
	v44 =	vld [tilespmem:$0x1FEB0]  }
0x195: {  	v15 =	vadd.f32 v28, v15;
	v28 =	vld [tilespmem:$0x1FFC0]  }
0x196: {  	v3 =	vadd.f32 v37, v3;
	v1 =	vadd.f32 v50, v1;
	v50 =	vld [tilespmem:$0x1FEC0]  }
0x197: {  	v15 =	vadd.f32 v30, v15;
	v30 =	vld [tilespmem:$0x1970]  }
0x198: {  	v3 =	vadd.f32 v40, v3;
	v1 =	vadd.f32 v54, v1;
	v54 =	vld [tilespmem:$0x1160]  }
0x199: {  	v40 =	vld [tilespmem:$0x15E0]  }
0x19a: {  	v47 =	vadd.f32 v44, v2;
	v3 =	vadd.f32 v43, v3;
	v43 =	vld [tilespmem:$0x1FEA0]  }
0x19b: {  	v1 =	vadd.f32 v59, v1;
	v59 =	vld [tilespmem:$0x1170]  }
0x19c: {  	v15 =	vadd.f32 v31, v15;
	v2 =	vadd.f32 v55, v47;
	v47 =	vld [tilespmem:$0x1260]  }
0x19d: {  	v34 =	vadd.f32 v36, v34;
	v55 =	vld [tilespmem:$0x1360]  }
0x19e: {  	v15 =	vadd.f32 v32, v15;
	v32 =	vld [tilespmem:$0x19E0];
	v3 =	vadd.f32 v48, v3  }
0x19f: {  	v48 =	vld [tilespmem:$0x10F0]  }
0x1a0: {  	v34 =	vadd.f32 v54, v34;
	v54 =	vld [tilespmem:$0x12F0];
	v4 =	vadd.f32 v53, v3  }
0x1a1: {  	v53 =	vadd.f32 v51, v63;
	v63 =	vld [tilespmem:$0x11F0]  }
0x1a2: {  	v4 =	vadd.f32 v57, v4;
	v57 =	vld [tilespmem:$0x1FEF0]  }
0x1a3: {  	v51 =	vld [tilespmem:$0x12E0]  }
0x1a4: {  	v44 =	vadd.f32 v48, v39;
	v48 =	vld [tilespmem:$0x1FF30]  }
0x1a5: {  	v37 =	vadd.f32 v61, v4;
	v61 =	vld [tilespmem:$0x11E0]  }
0x1a6: {  	v39 =	vld [tilespmem:$0x1570];
	v4 =	vadd.f32 v43, v1  }
0x1a7: {  	v1 =	vadd.f32 v60, v53;
	v53 =	vld [tilespmem:$0x1FF40];
	v41 =	vadd.f32 v58, v57  }
0x1a8: {  	v60 =	vld [tilespmem:$0x1FF60]  }
0x1a9: {  	v0 =	vadd.f32 v50, v37;
	v50 =	vld [tilespmem:$0x1270];
	v37 =	vadd.f32 v62, v41  }
0x1aa: {  	v16 =	vadd.f32 v59, v44;
	v57 =	vld [tilespmem:$0x1FF50];
	v20 =	vadd.f32 v61, v34  }
0x1ab: {  	v43 =	vld [tilespmem:$0x1FF70];
	v37 =	vadd.f32 v48, v37  }
0x1ac: {  	v59 =	vld [tilespmem:$0x13E0];
	v16 =	vadd.f32 v63, v16;
	v20 =	vadd.f32 v47, v20  }
0x1ad: {  	v58 =	vld [tilespmem:$0x1370];
	v37 =	vadd.f32 v53, v37  }
0x1ae: {  	v61 =	vld [tilespmem:$0x13F0];
	v16 =	vadd.f32 v50, v16;
	v20 =	vadd.f32 v51, v20  }
0x1af: {  	v62 =	vld [tilespmem:$0x1460];
	v36 =	vadd.f32 v57, v37  }
0x1b0: {  	v63 =	vld [tilespmem:$0x1470];
	v16 =	vadd.f32 v54, v16;
	v18 =	vadd.f32 v55, v20  }
0x1b1: {  	v34 =	vld [tilespmem:$0x14E0];
	v36 =	vadd.f32 v60, v36  }
0x1b2: {  	v16 =	vadd.f32 v58, v16;
	v37 =	vld [tilespmem:$0x1560];
	v18 =	vadd.f32 v59, v18  }
0x1b3: {  	v33 =	vadd.f32 v33, v36;
	v36 =	vld [tilespmem:$0x14F0]  }
0x1b4: {  	v44 =	vld [tilespmem:$0x1670];
	v16 =	vadd.f32 v61, v16;
	v18 =	vadd.f32 v62, v18  }
0x1b5: {  	v41 =	vld [tilespmem:$0x15F0];
	v26 =	vadd.f32 v26, v33  }
0x1b6: {  	v47 =	vld [tilespmem:$0x16E0];
	v16 =	vadd.f32 v63, v16;
	v18 =	vadd.f32 v34, v18  }
0x1b7: {  	v48 =	vld [tilespmem:$0x16F0];
	v38 =	vadd.f32 v35, v26  }
0x1b8: {  	v50 =	vld [tilespmem:$0x1760];
	v18 =	vadd.f32 v37, v18;
	v16 =	vadd.f32 v36, v16  }
0x1b9: {  	v51 =	vld [tilespmem:$0x1FF80];
	v19 =	vadd.f32 v19, v38  }
0x1ba: {  	v53 =	vld [tilespmem:$0x1770];
	v18 =	vadd.f32 v40, v18;
	v16 =	vadd.f32 v39, v16  }
0x1bb: {  	v54 =	vld [tilespmem:$0x17E0];
	v19 =	vadd.f32 v43, v19  }
0x1bc: {  	v55 =	vld [tilespmem:$0x1FF90];
	v18 =	vadd.f32 v42, v18;
	v16 =	vadd.f32 v41, v16  }
0x1bd: {  	v57 =	vld [tilespmem:$0x17F0];
	v17 =	vadd.f32 v17, v19  }
0x1be: {  	v60 =	vld [tilespmem:$0x1FFA0];
	v18 =	vadd.f32 v47, v18;
	v16 =	vadd.f32 v44, v16  }
0x1bf: {  	v11 =	vadd.f32 v11, v15;
	v59 =	vld [tilespmem:$0x1860];
	v17 =	vadd.f32 v51, v17  }
0x1c0: {  	v61 =	vld [tilespmem:$0x1870];
	v18 =	vadd.f32 v50, v18;
	v58 =	vadd.f32 v48, v16  }
0x1c1: {  	v10 =	vadd.f32 v10, v11;
	v63 =	vld [tilespmem:$0x18E0];
	v17 =	vadd.f32 v55, v17  }
0x1c2: {  	v3 =	vld [tilespmem:$0x1CD0];
	v18 =	vadd.f32 v54, v18;
	v62 =	vadd.f32 v53, v58  }
0x1c3: {  	v8 =	vadd.f32 v8, v10;
	v33 =	vld [tilespmem:$0x1FFD0];
	v17 =	vadd.f32 v60, v17  }
0x1c4: {  	v34 =	vld [tilespmem:$0x19F0];
	v16 =	vadd.f32 v59, v18;
	v26 =	vadd.f32 v57, v62  }
0x1c5: {  	v6 =	vadd.f32 v6, v8;
	v35 =	vld [tilespmem:$0x1A60];
	v17 =	vadd.f32 v24, v17  }
0x1c6: {  	v36 =	vld [tilespmem:$0x1FFE0];
	v15 =	vadd.f32 v63, v16;
	v31 =	vadd.f32 v61, v26  }
0x1c7: {  	v6 =	vadd.f32 v29, v6;
	v37 =	vld [tilespmem:$0x1A70];
	v17 =	vadd.f32 v28, v17  }
0x1c8: {  	v39 =	vld [tilespmem:$0x1FFF0];
	v11 =	vadd.f32 v27, v15;
	v8 =	vadd.f32 v25, v31  }
0x1c9: {  	v6 =	vadd.f32 v14, v6;
	v38 =	vld [tilespmem:$0x1AE0];
	v17 =	vadd.f32 v33, v17  }
0x1ca: {  	v40 =	vld [tilespmem:$0x1AF0];
	v10 =	vadd.f32 v32, v11;
	v8 =	vadd.f32 v30, v8  }
0x1cb: {  	v6 =	vadd.f32 v9, v6;
	v41 =	vld [tilespmem:$0x1B60];
	v17 =	vadd.f32 v36, v17  }
0x1cc: {  	v43 =	vld [tilespmem:$0x1B70];
	v10 =	vadd.f32 v35, v10;
	v8 =	vadd.f32 v34, v8  }
0x1cd: {  	v6 =	vadd.f32 v13, v6;
	v44 =	vld [tilespmem:$0x1BE0];
	v17 =	vadd.f32 v39, v17  }
0x1ce: {  	v51 =	vld [tilespmem:$0x1C60];
	v10 =	vadd.f32 v38, v10;
	v8 =	vadd.f32 v37, v8  }
0x1cf: {  	v5 =	vadd.f32 v5, v6;
	v48 =	vld [tilespmem:$0x1BF0];
	v42 =	vadd.f32 v56, v17  }
0x1d0: {  	v54 =	vld [tilespmem:$0x1CE0];
	v9 =	vadd.f32 v41, v10;
	v50 =	vadd.f32 v40, v8  }
0x1d1: {  	v5 =	vadd.f32 v7, v5;
	v53 =	vld [tilespmem:$0x1C70];
	v47 =	vadd.f32 v52, v42  }
0x1d2: {  	v45 =	vld [tilespmem:$0x1CC0];
	v9 =	vadd.f32 v44, v9;
	v6 =	vadd.f32 v43, v50  }
0x1d3: {  	[tilespmem:$0x2020] =	vst v2;
	v57 =	vadd.f32 v12, v5;
	v56 =	vld [tilespmem:$0x1CF0];
	v52 =	vadd.f32 v49, v47  }
0x1d4: {  	[tilespmem:$0x2000] =	vst v4;
	v60 =	vadd.f32 v51, v9;
	v58 =	vadd.f32 v48, v6  }
0x1d5: {  	[tilespmem:$0x2010] =	vst v0;
	v0 =	vadd.f32 v3, v57;
	v55 =	vadd.f32 v46, v52  }
0x1d6: {  	[tilespmem:$0x2030] =	vst v1;
	v62 =	vadd.f32 v54, v60;
	v61 =	vadd.f32 v53, v58  }
0x1d7: {  	[tilespmem:$0x2050] =	vst v0;
	v59 =	vadd.f32 v45, v55  }
0x1d8: {  	s4 =	sadd.s32 $0xFFFFFFFF, s4;
	[tilespmem:$0x2060] =	vst v62;
	v63 =	vadd.f32 v56, v61  }
0x1d9: {  	p1 =	sne.s32 s4, $0x0;
	[tilespmem:$0x2040] =	vst v59  }
.Ltmp0:
0x1da: {  	s31 =	rddreg [dreg:$0x6];
	[tilespmem:$0x2070] =	vst v63;
	(pc) =	sbr.rel @p1 .LBB2_1-.Ltmp0, $4  }
0x1db: {  	[hbm4b:s31+s2] =	stream.linear.scatter [tilespmem:s29], [sflag:$0x2], $0x80, $0x38;
	[tilespmem:$0x38F0] =	vst v63  }
0x1dc: {  	_ =	swait.ge [sflag:s7], $0x80  }
0x1dd: {  	[sflag:s7] =	ssyncset.done $0x0  }
0x1de: {  	[sflag:s7] =	ssyncadd.s32 $0xFFFFFF80  }
0x1df: {  	_ =	sfence.sel $0x180000  }
0x1e0: {  	[bflag:$0x0] =	sbarrier.arrive $0xFFFF  }
0x1e1: {  	_ =	strace $0x90000047  }
0x1e2: {  	[bflag:$0x2] =	sbarrier.arrive $0xFFFF  }
0x1e3: {  	s0 =	rddreg [dreg:$0x4]  }
0x1e4: {  	s0 =	sadd.s32 @!p0 $0x100000, s0  }
0x1e5: {  	[sflag:s0] =	ssyncadd.tile.s32 @!p0 $0x1;
	_ =	shalt  }
.Lfunc_end2:
_tile_overlayer_lowered:
.L_overlay_start_2:
0x1e6: {  	(tag) =	ssettag $0x2  }
0x1e7: {  	s0 =	rddreg [dreg:$0x0];
	s2 =	stileid.u32  }
0x1e8: {  	s1 =	rddreg [dreg:$0x1];
	p0 =	sne.s32 s2, $0x0  }
0x1e9: {  	s3 =	rddreg [dreg:$0x2];
	[bflag:$0x3] =	sbarrier.arrive $0xFFFF;
	s2 =	simm.s32 @!p0 $0x1C02  }
0x1ea: {  	[timem:s3], [sflag:s2] =	dma.local @!p0 [hbm:s0], s1  }
0x1eb: {  	s0 =	simm.s32 @!p0 $0x2  }
0x1ec: {  	_ =	swait.ge @!p0 [sflag:s0], s1  }
0x1ed: {  	s1 =	ssub.s32 @!p0 $0x0, s1;
	[sflag:s0] =	ssyncset.done @!p0 $0x0  }
0x1ee: {  	[sflag:s0] =	ssyncadd.s32 @!p0 s1  }
0x1ef: {  	[bflag:$0x3] =	sbarrier.arrive $0xFFFF  }
0x1f0: {  	_ =	shalt  }

</sc_bundles>
